<compile_context>
chip_gen: v7x
topology: tpu7x:2x2x1
jax: 0.10.2.dev20260603
libtpu: 0.0.44.dev20260713+nightly
codegen_flags: <defaults>
</compile_context>

<pallas_src>
import functools

import jax
import jax.numpy as jnp
from jax import lax
from jax.experimental import pallas as pl
from jax.experimental.pallas import tpu as pltpu
from jax.experimental.pallas import tpu_sc as plsc

N = 12000
E = 192000
G = 2000
NP = 12288

NC, NS = 2, 16

_MESH = plsc.VectorSubcoreMesh(
    core_axis_name="c", subcore_axis_name="s", num_cores=NC, num_subcores=NS
)


ROWS_PER_SUB = NP // NS
EDGES_PER_TILE = E // NS
GCN_CHUNK = 60
GCN_BLK = 25
GCN_NBLK = 8


@functools.partial(
    pl.kernel,
    out_type=jax.ShapeDtypeStruct((2 * NP, 128), jnp.float32),
    mesh=_MESH,
    scratch_types=[
        pltpu.VMEM((GCN_BLK, GCN_CHUNK), jnp.int32),
        pltpu.VMEM((GCN_BLK, GCN_CHUNK), jnp.int32),
        pltpu.VMEM((3, GCN_CHUNK, 128), jnp.float32),
        pltpu.VMEM_SHARED((NP, 128), jnp.float32),
        pltpu.SemaphoreType.DMA((3,)),
        pltpu.SemaphoreType.DMA((3,)),
    ],
)
def _gcn_sc(table, src, dst, out, sidx2, didx2, rows2, acc, sem_g, sem_s):
    core = lax.axis_index("c")
    sub = lax.axis_index("s")
    pltpu.sync_copy(
        table.at[pl.ds(core * NP + sub * ROWS_PER_SUB, ROWS_PER_SUB)],
        acc.at[pl.ds(sub * ROWS_PER_SUB, ROWS_PER_SUB)],
    )
    plsc.subcore_barrier()

    def block(b, carry0):
        pltpu.sync_copy(src.at[core, sub, b], sidx2)
        pltpu.sync_copy(dst.at[sub, b], didx2)
        pltpu.async_copy(table.at[sidx2.at[0]], rows2.at[0], sem_g.at[0])
        pltpu.async_copy(table.at[sidx2.at[1]], rows2.at[1], sem_g.at[1])

        def step(k, carry):
            slot = lax.rem(k, 3)
            pltpu.make_async_copy(
                table.at[sidx2.at[k]], rows2.at[slot], sem_g.at[slot]
            ).wait()
            pltpu.async_copy(
                rows2.at[slot], acc.at[didx2.at[k]], sem_s.at[slot], add=True
            )

            @pl.when(k + 2 < GCN_BLK)
            def _fire_next_gather():
                nslot = lax.rem(k + 2, 3)

                @pl.when(k > 0)
                def _wait_prev_scatter():
                    pltpu.make_async_copy(
                        rows2.at[nslot], acc.at[didx2.at[k - 1]], sem_s.at[nslot]
                    ).wait()

                pltpu.async_copy(
                    table.at[sidx2.at[k + 2]], rows2.at[nslot], sem_g.at[nslot]
                )

            return carry

        lax.fori_loop(0, GCN_BLK, step, 0)
        for t in (GCN_BLK - 3, GCN_BLK - 2, GCN_BLK - 1):
            pltpu.make_async_copy(
                rows2.at[t % 3], acc.at[didx2.at[t]], sem_s.at[t % 3]
            ).wait()
        return carry0

    lax.fori_loop(0, GCN_NBLK, block, 0)
    plsc.subcore_barrier()
    pltpu.sync_copy(
        acc.at[pl.ds(sub * ROWS_PER_SUB, ROWS_PER_SUB)],
        out.at[pl.ds(core * NP + sub * ROWS_PER_SUB, ROWS_PER_SUB)],
    )


DEG_PER_TILE = (E // 2) // NS
DEG_RPS = NP // NS


CNT_BINS = 2048
CNT_PER_TILE = 12288 // 2 // NS
CNT_RPS = CNT_BINS // NS


@functools.partial(
    pl.kernel,
    out_type=(
        jax.ShapeDtypeStruct((2, NP), jnp.float32),
        jax.ShapeDtypeStruct((2, CNT_BINS), jnp.float32),
    ),
    mesh=_MESH,
    compiler_params=pltpu.CompilerParams(needs_layout_passes=False),
    scratch_types=[
        pltpu.VMEM((DEG_PER_TILE,), jnp.int32),
        pltpu.VMEM((CNT_PER_TILE,), jnp.int32),
        pltpu.VMEM((NP,), jnp.float32),
        pltpu.VMEM((CNT_BINS,), jnp.float32),
        pltpu.VMEM((NS, DEG_RPS), jnp.float32),
        pltpu.VMEM((DEG_RPS,), jnp.float32),
        pltpu.VMEM((NS, CNT_RPS), jnp.float32),
        pltpu.VMEM((CNT_RPS,), jnp.float32),
        pltpu.VMEM_SHARED((NS, NP), jnp.float32),
        pltpu.VMEM_SHARED((NS, CNT_BINS), jnp.float32),
    ],
)
def _deg_sc(dst, bat, out, outc, didx1, bidx1, hist, histc, colsum, acc1,
            colsumc, acc1c, shared, sharedc):
    core = lax.axis_index("c")
    sub = lax.axis_index("s")
    pltpu.sync_copy(
        dst.at[pl.ds(core * (E // 2) + sub * DEG_PER_TILE, DEG_PER_TILE)],
        didx1,
    )
    pltpu.sync_copy(
        bat.at[pl.ds(core * (12288 // 2) + sub * CNT_PER_TILE, CNT_PER_TILE)],
        bidx1,
    )
    zeros16 = jnp.zeros((16,), jnp.float32)
    ones16 = jnp.ones((16,), jnp.float32)

    def zstep(i, c):
        hist[pl.ds(i * 16, 16)] = zeros16
        return c

    lax.fori_loop(0, NP // 16, zstep, 0)

    def zstepc(i, c):
        histc[pl.ds(i * 16, 16)] = zeros16
        return c

    lax.fori_loop(0, CNT_BINS // 16, zstepc, 0)

    def hstep(k, c):
        v = didx1[pl.ds(k * 16, 16)]
        plsc.addupdate_scatter(hist, [v], ones16)
        return c

    lax.fori_loop(0, DEG_PER_TILE // 16, hstep, 0)

    def hstepc(k, c):
        v = bidx1[pl.ds(k * 16, 16)]
        plsc.addupdate_scatter(histc, [v], ones16)
        return c

    lax.fori_loop(0, CNT_PER_TILE // 16, hstepc, 0)
    pltpu.sync_copy(hist, shared.at[sub])
    pltpu.sync_copy(histc, sharedc.at[sub])
    plsc.subcore_barrier()
    pltpu.sync_copy(shared.at[:, pl.ds(sub * DEG_RPS, DEG_RPS)], colsum)

    def rstep(j, c):
        s = colsum[0, pl.ds(j * 16, 16)]
        for r in range(1, NS):
            s = s + colsum[r, pl.ds(j * 16, 16)]
        acc1[pl.ds(j * 16, 16)] = s
        return c

    lax.fori_loop(0, DEG_RPS // 16, rstep, 0)
    pltpu.sync_copy(acc1, out.at[core, pl.ds(sub * DEG_RPS, DEG_RPS)])
    pltpu.sync_copy(sharedc.at[:, pl.ds(sub * CNT_RPS, CNT_RPS)], colsumc)

    def rstepc(j, c):
        s = colsumc[0, pl.ds(j * 16, 16)]
        for r in range(1, NS):
            s = s + colsumc[r, pl.ds(j * 16, 16)]
        acc1c[pl.ds(j * 16, 16)] = s
        return c

    lax.fori_loop(0, CNT_RPS // 16, rstepc, 0)
    pltpu.sync_copy(acc1c, outc.at[core, pl.ds(sub * CNT_RPS, CNT_RPS)])


POOL_ROWS = 2048
POOL_ITEMS = 12288
POOL_PER_TILE = POOL_ITEMS // NS
POOL_CHUNK = 96
POOL_NCHUNK = POOL_PER_TILE // POOL_CHUNK
POOL_RPS = POOL_ROWS // NS
POOL_D = 128
POOL_SLABS = 10


@functools.partial(
    pl.kernel,
    out_type=jax.ShapeDtypeStruct((POOL_SLABS, POOL_ROWS, POOL_D), jnp.float32),
    mesh=_MESH,
    scratch_types=[
        pltpu.VMEM((POOL_NCHUNK, POOL_CHUNK), jnp.int32),
        pltpu.VMEM((POOL_NCHUNK, POOL_CHUNK), jnp.int32),
        pltpu.VMEM((2, POOL_CHUNK, POOL_D), jnp.float32),
        pltpu.VMEM_SHARED((POOL_ROWS, POOL_D), jnp.float32),
        pltpu.SemaphoreType.DMA((2,)),
        pltpu.SemaphoreType.DMA((2,)),
    ],
)
def _pool_sc(table, src, dst, zinit, out, sidx2, didx2, rows2, acc, sem_g, sem_s):
    core = lax.axis_index("c")
    sub = lax.axis_index("s")
    pltpu.sync_copy(dst.at[sub], didx2)

    def ppass(p, carry0):
        h = core * (POOL_SLABS // 2) + p
        pltpu.sync_copy(src.at[h, sub], sidx2)
        pltpu.sync_copy(zinit, acc.at[pl.ds(sub * POOL_RPS, POOL_RPS)])
        plsc.subcore_barrier()

        pltpu.async_copy(table.at[sidx2.at[0]], rows2.at[0], sem_g.at[0])

        def step(k, carry):
            slot = lax.rem(k, 2)
            nslot = lax.rem(k + 1, 2)

            @pl.when(k > 0)
            def _wait_prev_scatter():
                pltpu.make_async_copy(
                    rows2.at[nslot], acc.at[didx2.at[k - 1]], sem_s.at[nslot]
                ).wait()

            @pl.when(k + 1 < POOL_NCHUNK)
            def _fire_next_gather():
                pltpu.async_copy(
                    table.at[sidx2.at[k + 1]], rows2.at[nslot], sem_g.at[nslot]
                )

            pltpu.make_async_copy(
                table.at[sidx2.at[k]], rows2.at[slot], sem_g.at[slot]
            ).wait()
            pltpu.async_copy(
                rows2.at[slot], acc.at[didx2.at[k]], sem_s.at[slot], add=True
            )
            return carry

        lax.fori_loop(0, POOL_NCHUNK, step, 0)
        pltpu.make_async_copy(
            rows2.at[(POOL_NCHUNK - 1) % 2],
            acc.at[didx2.at[POOL_NCHUNK - 1]],
            sem_s.at[(POOL_NCHUNK - 1) % 2],
        ).wait()
        plsc.subcore_barrier()
        pltpu.sync_copy(
            acc.at[pl.ds(sub * POOL_RPS, POOL_RPS)],
            out.at[h, pl.ds(sub * POOL_RPS, POOL_RPS)],
        )
        plsc.subcore_barrier()
        return carry0

    lax.fori_loop(0, POOL_SLABS // 2, ppass, 0)



BM = 512
NB = (N + BM - 1) // BM
NBG = 4


def _finalize_deg(degfull):
    def body(d_ref, o_ref):
        s = d_ref[0] + d_ref[1] + 1.0
        o_ref[...] = jnp.broadcast_to(
            lax.rsqrt(s).reshape(NP, 1), (NP, 128)
        )

    return pl.pallas_call(
        body,
        out_shape=jax.ShapeDtypeStruct((NP, 128), jnp.float32),
        grid=(1,),
        in_specs=[pl.BlockSpec((2, NP), lambda i: (0, 0))],
        out_specs=pl.BlockSpec((NP, 128), lambda i: (0, 0)),
    )(degfull)


def _enc_a1(x19, dis, wenc, benc, w1):
    def body(x_ref, dis_ref, we_ref, be_ref, w1_ref, pt_ref, y2_ref):
        n0 = jnp.maximum(
            jnp.dot(x_ref[...], we_ref[...], preferred_element_type=jnp.float32)
            + be_ref[...],
            0.0,
        )
        for j in range(4):
            pt_ref[j] = n0[:, j * 128:(j + 1) * 128]
        d = dis_ref[:, 0:1]
        y = jnp.dot(n0, w1_ref[...], preferred_element_type=jnp.float32) * d
        y2_ref[0] = y[:, :128]
        y2_ref[1] = y[:, 128:]

    return pl.pallas_call(
        body,
        out_shape=(
            jax.ShapeDtypeStruct((POOL_SLABS, N, 128), jnp.float32),
            jax.ShapeDtypeStruct((2, NP, 128), jnp.float32),
        ),
        grid=(NB,),
        in_specs=[
            pl.BlockSpec((BM, 19), lambda i: (i, 0)),
            pl.BlockSpec((BM, 128), lambda i: (i, 0)),
            pl.BlockSpec((19, 512), lambda i: (0, 0)),
            pl.BlockSpec((1, 512), lambda i: (0, 0)),
            pl.BlockSpec((512, 256), lambda i: (0, 0)),
        ],
        out_specs=(
            pl.BlockSpec((4, BM, 128), lambda i: (0, i, 0)),
            pl.BlockSpec((2, BM, 128), lambda i: (0, i, 0)),
        ),
    )(x19, dis, wenc, benc, w1)


def _gcn_post(acc2, dis, b, wn=None, ptab=None, slab=0):

    def body(*refs):
        n_in = 3 + (wn is not None) + (ptab is not None)
        a_ref, dis_ref, b_ref = refs[:3]
        wn_ref = refs[3] if wn is not None else None
        orefs = refs[n_in:]
        d = dis_ref[:, 0:1]
        a = jnp.concatenate([a_ref[0], a_ref[1]], axis=1)
        h = jnp.maximum(a * d + b_ref[...], 0.0)
        i = 0
        if ptab is not None:
            orefs[i][0] = h[:, :128]
            orefs[i][1] = h[:, 128:]
            i += 1
        if wn is not None:
            y = jnp.dot(h, wn_ref[...], preferred_element_type=jnp.float32) * d
            orefs[i][0] = y[:, :128]
            orefs[i][1] = y[:, 128:]

    in_specs = [
        pl.BlockSpec((2, BM, 128), lambda i: (0, i, 0)),
        pl.BlockSpec((BM, 128), lambda i: (i, 0)),
        pl.BlockSpec((1, 256), lambda i: (0, 0)),
    ]
    args = [acc2, dis, b]
    if wn is not None:
        in_specs.append(pl.BlockSpec((256, 256), lambda i: (0, 0)))
        args.append(wn)
    aliases = {}
    out_shape, out_specs = [], []
    if ptab is not None:
        aliases[len(args)] = 0
        in_specs.append(pl.BlockSpec(memory_space=pl.ANY))
        args.append(ptab)
        out_shape.append(
            jax.ShapeDtypeStruct((POOL_SLABS, N, 128), jnp.float32)
        )
        sb = slab // 2
        out_specs.append(pl.BlockSpec((2, BM, 128), lambda i: (sb, i, 0)))
    if wn is not None:
        out_shape.append(jax.ShapeDtypeStruct((2, NP, 128), jnp.float32))
        out_specs.append(pl.BlockSpec((2, BM, 128), lambda i: (0, i, 0)))
    return pl.pallas_call(
        body,
        out_shape=tuple(out_shape),
        grid=(NB,),
        in_specs=in_specs,
        out_specs=tuple(out_specs),
        input_output_aliases=aliases,
    )(*args)


def _latent(pooled, cnt2, eps, aggw, aggb, muw, mub, varw, varb, dftw, dftb):
    def body(p_ref, c_ref, e_ref, aw, ab, mw, mb, vw, vb, dw, db,
             mu_ref, lv_ref, dft_ref):
        cnt = (c_ref[0] + c_ref[1]).reshape(c_ref.shape[1], 1)
        g = jnp.concatenate(
            [p_ref[h] for h in range(10)], axis=1
        ) / jnp.maximum(cnt, 1.0)
        latent = jnp.dot(g, aw[...], preferred_element_type=jnp.float32) + ab[...]
        mu = jnp.dot(latent, mw[...], preferred_element_type=jnp.float32) + mb[...]
        lv = jnp.dot(latent, vw[...], preferred_element_type=jnp.float32) + vb[...]
        mu_ref[...] = mu
        lv_ref[...] = lv
        z = e_ref[...] * jnp.exp(0.5 * lv) + mu
        dft_ref[...] = jnp.dot(z, dw[...], preferred_element_type=jnp.float32) + db[...]

    return pl.pallas_call(
        body,
        out_shape=(
            jax.ShapeDtypeStruct((G, 256), jnp.float32),
            jax.ShapeDtypeStruct((G, 256), jnp.float32),
            jax.ShapeDtypeStruct((G, 1536), jnp.float32),
        ),
        grid=(NBG,),
        in_specs=[
            pl.BlockSpec((POOL_SLABS, BM, POOL_D), lambda i: (0, i, 0)),
            pl.BlockSpec((2, BM), lambda i: (0, i)),
            pl.BlockSpec((BM, 256), lambda i: (i, 0)),
            pl.BlockSpec((1280, 256), lambda i: (0, 0)),
            pl.BlockSpec((1, 256), lambda i: (0, 0)),
            pl.BlockSpec((256, 256), lambda i: (0, 0)),
            pl.BlockSpec((1, 256), lambda i: (0, 0)),
            pl.BlockSpec((256, 256), lambda i: (0, 0)),
            pl.BlockSpec((1, 256), lambda i: (0, 0)),
            pl.BlockSpec((256, 1536), lambda i: (0, 0)),
            pl.BlockSpec((1, 1536), lambda i: (0, 0)),
        ],
        out_specs=(
            pl.BlockSpec((BM, 256), lambda i: (i, 0)),
            pl.BlockSpec((BM, 256), lambda i: (i, 0)),
            pl.BlockSpec((BM, 1536), lambda i: (i, 0)),
        ),
    )(pooled, cnt2, eps, aggw, aggb, muw, mub, varw, varb, dftw, dftb)


def _dec_a(z6, dis, w):
    def body(z_ref, dis_ref, w_ref, y2_ref):
        d = dis_ref[:, 0:1]
        h = jnp.maximum(z_ref[...], 0.0)
        y = jnp.dot(h, w_ref[...], preferred_element_type=jnp.float32) * d
        y2_ref[0] = y[:, :128]
        y2_ref[1] = y[:, 128:]

    return pl.pallas_call(
        body,
        out_shape=jax.ShapeDtypeStruct((2, NP, 128), jnp.float32),
        grid=(NB,),
        in_specs=[
            pl.BlockSpec((BM, 256), lambda i: (i, 0)),
            pl.BlockSpec((BM, 128), lambda i: (i, 0)),
            pl.BlockSpec((256, 256), lambda i: (0, 0)),
        ],
        out_specs=pl.BlockSpec((2, BM, 128), lambda i: (0, i, 0)),
    )(z6, dis, w)


def _heads(acc2, dis, b3, w0cat, b0cat, bdp, b1p):
    def body(a_ref, dis_ref, b3_ref, w0_ref, b0_ref, bd_ref, b1_ref, o_ref):
        d = dis_ref[:, 0:1]
        a = jnp.concatenate([a_ref[0], a_ref[1]], axis=1)
        h3 = jnp.maximum(a * d + b3_ref[...], 0.0)
        hh = jnp.maximum(
            jnp.dot(h3, w0_ref[...], preferred_element_type=jnp.float32)
            + b0_ref[...],
            0.0,
        )
        o_ref[...] = (
            jnp.dot(hh, bd_ref[...], preferred_element_type=jnp.float32)
            + b1_ref[...]
        )

    return pl.pallas_call(
        body,
        out_shape=jax.ShapeDtypeStruct((N, 128), jnp.float32),
        grid=(NB,),
        in_specs=[
            pl.BlockSpec((2, BM, 128), lambda i: (0, i, 0)),
            pl.BlockSpec((BM, 128), lambda i: (i, 0)),
            pl.BlockSpec((1, 256), lambda i: (0, 0)),
            pl.BlockSpec((256, 1280), lambda i: (0, 0)),
            pl.BlockSpec((1, 1280), lambda i: (0, 0)),
            pl.BlockSpec((1280, 128), lambda i: (0, 0)),
            pl.BlockSpec((1, 128), lambda i: (0, 0)),
        ],
        out_specs=pl.BlockSpec((BM, 128), lambda i: (i, 0)),
    )(acc2, dis, b3, w0cat, b0cat, bdp, b1p)




def _gcn_layer(y2, srcg, dstg, dis, b, wn=None, ptab=None, slab=0):
    acc = _gcn_sc(y2.reshape(2 * NP, 128), srcg, dstg)
    return _gcn_post(acc.reshape(2, NP, 128), dis, b, wn=wn, ptab=ptab,
                     slab=slab)


def kernel(pos, actor_type, lane_index, direction, params, edge_index, batch):
    p = params
    f32 = jnp.float32
    row, col = edge_index[0], edge_index[1]
    srcg = jnp.concatenate([row, row + NP]).reshape(
        2, NS, GCN_NBLK, GCN_BLK, GCN_CHUNK
    )
    dstg = col.reshape(NS, GCN_NBLK, GCN_BLK, GCN_CHUNK)

    wenc = jnp.zeros((19, 512), f32)
    wenc = wenc.at[0:2, 0:128].set(p["pos_W"])
    wenc = wenc.at[2:8, 128:256].set(p["type_W"])
    wenc = wenc.at[8:18, 256:384].set(p["lane_W"])
    wenc = wenc.at[18:19, 384:512].set(p["dir_W"])
    benc = jnp.concatenate(
        [p["pos_b"], p["type_b"], p["lane_b"], p["dir_b"]]
    ).reshape(1, 512)
    x19 = jnp.concatenate([pos, actor_type, lane_index, direction], axis=1)

    w0cat = jnp.concatenate(
        [p["px0_W"], p["py0_W"], p["at0_W"], p["dr0_W"], p["li0_W"]], axis=1
    )
    b0cat = jnp.concatenate(
        [p["px0_b"], p["py0_b"], p["at0_b"], p["dr0_b"], p["li0_b"]]
    ).reshape(1, 1280)
    bdp = jnp.zeros((1280, 128), f32)
    bdp = bdp.at[0:256, 0:1].set(p["px1_W"])
    bdp = bdp.at[256:512, 1:2].set(p["py1_W"])
    bdp = bdp.at[512:768, 2:8].set(p["at1_W"])
    bdp = bdp.at[768:1024, 8:9].set(p["dr1_W"])
    bdp = bdp.at[1024:1280, 9:19].set(p["li1_W"])
    b1p = jnp.zeros((128,), f32)
    b1p = b1p.at[0:1].set(p["px1_b"])
    b1p = b1p.at[1:2].set(p["py1_b"])
    b1p = b1p.at[2:8].set(p["at1_b"])
    b1p = b1p.at[8:9].set(p["dr1_b"])
    b1p = b1p.at[9:19].set(p["li1_b"])
    b1p = b1p.reshape(1, 128)

    eps = jax.random.normal(jax.random.key(42), (G, 256), dtype=f32)

    batch_pad = jnp.concatenate(
        [batch, jnp.full((POOL_ITEMS - N,), 2047, jnp.int32)]
    )

    degfull, cnt2 = _deg_sc(col, batch_pad)
    dis = _finalize_deg(degfull)

    ptab, y2 = _enc_a1(x19, dis, wenc, benc, p["e1_W"])
    (ptab, y2) = _gcn_layer(y2, srcg, dstg, dis, p["e1_b"].reshape(1, 256),
                            wn=p["e2_W"], ptab=ptab, slab=4)
    (ptab, y2) = _gcn_layer(y2, srcg, dstg, dis, p["e2_b"].reshape(1, 256),
                            wn=p["e3_W"], ptab=ptab, slab=6)
    (ptab,) = _gcn_layer(y2, srcg, dstg, dis, p["e3_b"].reshape(1, 256),
                         wn=None, ptab=ptab, slab=8)

    ar = jnp.arange(N, dtype=jnp.int32)
    pad_src = jnp.zeros((POOL_ITEMS - N,), jnp.int32)
    srcp_half = jnp.concatenate([ar, pad_src])
    srcp = jnp.concatenate(
        [srcp_half + h * N for h in range(POOL_SLABS)]
    ).reshape(POOL_SLABS, NS, POOL_NCHUNK, POOL_CHUNK)
    dstp = batch_pad.reshape(NS, POOL_NCHUNK, POOL_CHUNK)
    pooled = _pool_sc(
        ptab.reshape(POOL_SLABS * N, 128), srcp, dstp,
        jnp.zeros((POOL_RPS, POOL_D), f32),
    )

    mu, lv, dft = _latent(
        pooled, cnt2, eps,
        p["agg_W"], p["agg_b"].reshape(1, 256),
        p["mu_W"], p["mu_b"].reshape(1, 256),
        p["var_W"], p["var_b"].reshape(1, 256),
        p["dft_W"], p["dft_b"].reshape(1, 1536),
    )

    y2 = _dec_a(dft.reshape(N, 256), dis, p["d1_W"])
    (y2,) = _gcn_layer(y2, srcg, dstg, dis, p["d1_b"].reshape(1, 256),
                       wn=p["d2_W"])
    (y2,) = _gcn_layer(y2, srcg, dstg, dis, p["d2_b"].reshape(1, 256),
                       wn=p["d3_W"])
    accd3 = _gcn_sc(y2.reshape(2 * NP, 128), srcg, dstg).reshape(2, NP, 128)
    out = _heads(accd3, dis, p["d3_b"].reshape(1, 256), w0cat, b0cat, bdp, b1p)

    pos_out = out[:, 0:2]
    acttype = out[:, 2:8]
    direc = out[:, 8:9]
    laneidx = out[:, 9:19]
    return (pos_out, acttype, direc, laneidx, lv, mu)

# --- scband reference (transcript-rebuilt; emitter-appended) ---
"""Pipeline reference for scband-block-generator-10118942950039 (READ-ONLY COPY).

The authoritative reference and input builder live on the scoring server;
editing this copy changes nothing except your own understanding.
"""

import jax, jax.numpy as jnp
import numpy as np

N = 12000
E = 192000
G = 2000
CH = 256
LD = 256

SHAPES = {
    'pos_W': (2, 128), 'pos_b': (128,),
    'type_W': (6, 128), 'type_b': (128,),
    'lane_W': (10, 128), 'lane_b': (128,),
    'dir_W': (1, 128), 'dir_b': (128,),
    'e1_W': (512, 256), 'e1_b': (256,),
    'e2_W': (256, 256), 'e2_b': (256,),
    'e3_W': (256, 256), 'e3_b': (256,),
    'agg_W': (1280, 256), 'agg_b': (256,),
    'mu_W': (256, 256), 'mu_b': (256,),
    'var_W': (256, 256), 'var_b': (256,),
    'dft_W': (256, 1536), 'dft_b': (1536,),
    'd1_W': (256, 256), 'd1_b': (256,),
    'd2_W': (256, 256), 'd2_b': (256,),
    'd3_W': (256, 256), 'd3_b': (256,),
    'px0_W': (256, 256), 'px0_b': (256,), 'px1_W': (256, 1), 'px1_b': (1,),
    'py0_W': (256, 256), 'py0_b': (256,), 'py1_W': (256, 1), 'py1_b': (1,),
    'at0_W': (256, 256), 'at0_b': (256,), 'at1_W': (256, 6), 'at1_b': (6,),
    'dr0_W': (256, 256), 'dr0_b': (256,), 'dr1_W': (256, 1), 'dr1_b': (1,),
    'li0_W': (256, 256), 'li0_b': (256,), 'li1_W': (256, 10), 'li1_b': (10,),
}

def _init_params(key):
    params = {}
    for i, (name, shp) in enumerate(sorted(SHAPES.items())):
        params[name] = jax.random.normal(jax.random.fold_in(key, i), shp, dtype=jnp.float32) * 0.05
    return params

def _gcn(x, row, col, W, b, n):
    # PyG GCNConv: add self-loops, symmetric normalization, scatter-add at dst (col)
    loop = jnp.arange(n, dtype=row.dtype)
    r = jnp.concatenate([row, loop])
    c = jnp.concatenate([col, loop])
    deg = jnp.zeros((n,), x.dtype).at[c].add(jnp.ones((r.shape[0],), x.dtype))
    dis = jnp.where(deg > 0, jax.lax.rsqrt(jnp.maximum(deg, 1e-12)), 0.0)
    norm = dis[r] * dis[c]
    xl = x @ W
    out = jnp.zeros((n, xl.shape[1]), x.dtype).at[c].add(xl[r] * norm[:, None])
    return out + b

def _pool(x, batch):
    s = jax.ops.segment_sum(x, batch, num_segments=G)
    cnt = jax.ops.segment_sum(jnp.ones((x.shape[0],), x.dtype), batch, num_segments=G)
    return s / jnp.clip(cnt, 1.0, None)[:, None]

def _forward(pos, actor_type, lane_index, direction, params, edge_index, batch):
    p = params
    relu = jax.nn.relu
    row, col = edge_index[0], edge_index[1]
    f_pos = relu(pos @ p['pos_W'] + p['pos_b'])
    f_typ = relu(actor_type @ p['type_W'] + p['type_b'])
    f_lan = relu(lane_index @ p['lane_W'] + p['lane_b'])
    f_dir = relu(direction @ p['dir_W'] + p['dir_b'])
    n0 = jnp.concatenate([f_pos, f_typ, f_lan, f_dir], axis=1)
    n1 = relu(_gcn(n0, row, col, p['e1_W'], p['e1_b'], N))
    n2 = relu(_gcn(n1, row, col, p['e2_W'], p['e2_b'], N))
    n3 = relu(_gcn(n2, row, col, p['e3_W'], p['e3_b'], N))
    g = jnp.concatenate([_pool(n0, batch), _pool(n1, batch), _pool(n2, batch), _pool(n3, batch)], axis=1)
    latent = g @ p['agg_W'] + p['agg_b']
    mu = latent @ p['mu_W'] + p['mu_b']
    log_var = latent @ p['var_W'] + p['var_b']
    std = jnp.exp(0.5 * log_var)
    eps = jax.random.normal(jax.random.key(42), std.shape, dtype=std.dtype)
    z = eps * std + mu
    z = (z @ p['dft_W'] + p['dft_b']).reshape(G * 6, CH)
    d0 = relu(z)
    d1 = relu(_gcn(d0, row, col, p['d1_W'], p['d1_b'], N))
    d2 = relu(_gcn(d1, row, col, p['d2_W'], p['d2_b'], N))
    d3 = relu(_gcn(d2, row, col, p['d3_W'], p['d3_b'], N))
    posx = relu(d3 @ p['px0_W'] + p['px0_b']) @ p['px1_W'] + p['px1_b']
    posy = relu(d3 @ p['py0_W'] + p['py0_b']) @ p['py1_W'] + p['py1_b']
    acttype = relu(d3 @ p['at0_W'] + p['at0_b']) @ p['at1_W'] + p['at1_b']
    direc = relu(d3 @ p['dr0_W'] + p['dr0_b']) @ p['dr1_W'] + p['dr1_b']
    laneidx = relu(d3 @ p['li0_W'] + p['li0_b']) @ p['li1_W'] + p['li1_b']
    pos_out = jnp.concatenate([posx, posy], axis=1)
    return (pos_out, acttype, direc, laneidx, log_var, mu)

def setup_inputs(seed: int = 0):
    key = jax.random.key(seed)
    ks = jax.random.split(key, 8)
    return {
        'pos': jax.random.normal(ks[0], (N, 2), dtype=jnp.float32),
        'actor_type': jax.random.normal(ks[1], (N, 6), dtype=jnp.float32),
        'lane_index': jax.random.normal(ks[2], (N, 10), dtype=jnp.float32),
        'direction': jax.random.normal(ks[3], (N, 1), dtype=jnp.float32),
        'params': _init_params(ks[4]),
        'edge_index': jax.random.randint(ks[5], (2, E), 0, N, dtype=jnp.int32),
        'batch': jnp.sort(jax.random.randint(ks[6], (N,), 0, G, dtype=jnp.int32)),
    }

def reference(pos, actor_type, lane_index, direction, params, edge_index, batch):
    return _forward(pos, actor_type, lane_index, direction, params, edge_index, batch)

if __name__ == "__main__":
    import jax
    _d = setup_inputs()
    print(jax.jit(kernel)(*tuple(_d.values())))

</pallas_src>

<mosaic_0001>
#map = affine_map<(d0, d1) -> (0, 0)>
#map1 = affine_map<(d0, d1) -> (0, 0, 0, 0, 0)>
#map2 = affine_map<(d0, d1) -> (0, 0, 0, 0)>
module attributes {stable_mosaic.version = 14 : i64} {
  func.func @_gcn_sc(%arg0: i32, %arg1: i32, %arg2: memref<24576x128xf32, #tpu.memory_space<hbm>>, %arg3: memref<2x16x8x25x60xi32, #tpu.memory_space<hbm>>, %arg4: memref<16x8x25x60xi32, #tpu.memory_space<hbm>>, %arg5: memref<24576x128xf32, #tpu.memory_space<hbm>>, %arg6: memref<25x60xi32, #tpu.memory_space<vmem>>, %arg7: memref<25x60xi32, #tpu.memory_space<vmem>>, %arg8: memref<3x60x128xf32, #tpu.memory_space<vmem>>, %arg9: memref<12288x128xf32, #tpu.memory_space<vmem_shared>>, %arg10: memref<3x!tpu.dma_semaphore, #tpu.memory_space<semaphore_mem>>, %arg11: memref<3x!tpu.dma_semaphore, #tpu.memory_space<semaphore_mem>>) attributes {dimension_semantics = [#tpu.dimension_semantics<core_parallel>, #tpu.dimension_semantics<subcore_parallel>], iteration_bounds = array<i64: 2, 16>, scalar_prefetch = 0 : i64, scratch_operands = 6 : i64, tpu.core_type = #tpu.core_type<sc_vector_subcore>, window_params = [{transform_indices = #map}, {transform_indices = #map1}, {transform_indices = #map2}, {transform_indices = #map}]} {
    %mul3A = arith.constant 12288 : i32
    %mul3A_0 = arith.muli %arg0, %mul3A : i32
    %mul3A_1 = arith.constant 768 : i32
    %mul3A_2 = arith.muli %arg1, %mul3A_1 : i32
    %add3A = arith.addi %mul3A_0, %mul3A_2 : i32
    %mul3A_3 = arith.constant 768 : i32
    %mul3A_4 = arith.muli %arg1, %mul3A_3 : i32
    "tpu.region"() ({
      %run_scoped3A = tpu.sem_alloc : memref<!tpu.dma_semaphore, #tpu.memory_space<semaphore_mem>>
      %dma_start3A = arith.constant 0 : i32
      %dma_start3A_18 = tpu.memref_slice %arg9[%mul3A_4, %dma_start3A] : memref<12288x128xf32, #tpu.memory_space<vmem_shared>> -> memref<768x128xf32, #tpu.memory_space<vmem_shared>>
      %dma_start3A_19 = arith.constant 0 : i32
      %dma_start3A_20 = tpu.memref_slice %arg2[%add3A, %dma_start3A_19] : memref<24576x128xf32, #tpu.memory_space<hbm>> -> memref<768x128xf32, #tpu.memory_space<hbm>>
      tpu.enqueue_dma source(%dma_start3A_20 : memref<768x128xf32, #tpu.memory_space<hbm>>) target(%dma_start3A_18 : memref<768x128xf32, #tpu.memory_space<vmem_shared>>) target_semaphore(%run_scoped3A : memref<!tpu.dma_semaphore, #tpu.memory_space<semaphore_mem>>)
      %dma_wait3A = arith.constant 0 : i32
      %dma_wait3A_21 = tpu.memref_slice %arg9[%mul3A_4, %dma_wait3A] : memref<12288x128xf32, #tpu.memory_space<vmem_shared>> -> memref<768x128xf32, #tpu.memory_space<vmem_shared>>
      %dma_wait3A_22 = arith.constant 0 : i32
      %dma_wait3A_23 = tpu.memref_slice %arg2[%add3A, %dma_wait3A_22] : memref<24576x128xf32, #tpu.memory_space<hbm>> -> memref<768x128xf32, #tpu.memory_space<hbm>>
      tpu.wait_dma2 semaphore(%run_scoped3A : memref<!tpu.dma_semaphore, #tpu.memory_space<semaphore_mem>>) src(%dma_wait3A_23 : memref<768x128xf32, #tpu.memory_space<hbm>>) dst(%dma_wait3A_21 : memref<768x128xf32, #tpu.memory_space<vmem_shared>>)
      tpu.yield
    }) : () -> ()
    %barrier3A = arith.constant 0 : index
    tpu.barrier barrier_id(%barrier3A)
    %scan3A = arith.constant 0 : i32
    %scan3A_5 = arith.constant 0 : i32
    %scan3A_6 = arith.constant 8 : i32
    %scan3A_7 = arith.addi %scan3A_5, %scan3A_6 : i32
    %scan3A_8 = arith.constant 1 : i32
    scf.for %scan3A_18 = %scan3A_5 to %scan3A_7 step %scan3A_8  : i32 {
      "tpu.region"() ({
        %run_scoped3A = tpu.sem_alloc : memref<!tpu.dma_semaphore, #tpu.memory_space<semaphore_mem>>
        %dma_start3A_98 = arith.constant 0 : i32
        %dma_start3A_99 = arith.constant 0 : i32
        %dma_start3A_100 = tpu.memref_slice %arg3[%arg0, %arg1, %scan3A_18, %dma_start3A_98, %dma_start3A_99] : memref<2x16x8x25x60xi32, #tpu.memory_space<hbm>> -> memref<1x1x1x25x60xi32, #tpu.memory_space<hbm>>
        %dma_start3A_101 = tpu.memref_squeeze %dma_start3A_100 : memref<1x1x1x25x60xi32, #tpu.memory_space<hbm>> -> memref<25x60xi32, #tpu.memory_space<hbm>>
        %dma_start3A_102 = arith.constant 0 : i32
        %dma_start3A_103 = arith.constant 0 : i32
        %dma_start3A_104 = tpu.memref_slice %arg3[%arg0, %arg1, %scan3A_18, %dma_start3A_102, %dma_start3A_103] : memref<2x16x8x25x60xi32, #tpu.memory_space<hbm>> -> memref<1x1x1x25x60xi32, #tpu.memory_space<hbm>>
        %dma_start3A_105 = tpu.memref_squeeze %dma_start3A_104 : memref<1x1x1x25x60xi32, #tpu.memory_space<hbm>> -> memref<25x60xi32, #tpu.memory_space<hbm>>
        tpu.enqueue_dma source(%dma_start3A_105 : memref<25x60xi32, #tpu.memory_space<hbm>>) target(%arg6 : memref<25x60xi32, #tpu.memory_space<vmem>>) target_semaphore(%run_scoped3A : memref<!tpu.dma_semaphore, #tpu.memory_space<semaphore_mem>>)
        %dma_wait3A_106 = arith.constant 0 : i32
        %dma_wait3A_107 = arith.constant 0 : i32
        %dma_wait3A_108 = tpu.memref_slice %arg3[%arg0, %arg1, %scan3A_18, %dma_wait3A_106, %dma_wait3A_107] : memref<2x16x8x25x60xi32, #tpu.memory_space<hbm>> -> memref<1x1x1x25x60xi32, #tpu.memory_space<hbm>>
        %dma_wait3A_109 = tpu.memref_squeeze %dma_wait3A_108 : memref<1x1x1x25x60xi32, #tpu.memory_space<hbm>> -> memref<25x60xi32, #tpu.memory_space<hbm>>
        %dma_wait3A_110 = arith.constant 0 : i32
        %dma_wait3A_111 = arith.constant 0 : i32
        %dma_wait3A_112 = tpu.memref_slice %arg3[%arg0, %arg1, %scan3A_18, %dma_wait3A_110, %dma_wait3A_111] : memref<2x16x8x25x60xi32, #tpu.memory_space<hbm>> -> memref<1x1x1x25x60xi32, #tpu.memory_space<hbm>>
        %dma_wait3A_113 = tpu.memref_squeeze %dma_wait3A_112 : memref<1x1x1x25x60xi32, #tpu.memory_space<hbm>> -> memref<25x60xi32, #tpu.memory_space<hbm>>
        tpu.wait_dma2 semaphore(%run_scoped3A : memref<!tpu.dma_semaphore, #tpu.memory_space<semaphore_mem>>) src(%dma_wait3A_113 : memref<25x60xi32, #tpu.memory_space<hbm>>) dst(%arg6 : memref<25x60xi32, #tpu.memory_space<vmem>>)
        tpu.yield
      }) : () -> ()
      "tpu.region"() ({
        %run_scoped3A = tpu.sem_alloc : memref<!tpu.dma_semaphore, #tpu.memory_space<semaphore_mem>>
        %dma_start3A_98 = arith.constant 0 : i32
        %dma_start3A_99 = arith.constant 0 : i32
        %dma_start3A_100 = tpu.memref_slice %arg4[%arg1, %scan3A_18, %dma_start3A_98, %dma_start3A_99] : memref<16x8x25x60xi32, #tpu.memory_space<hbm>> -> memref<1x1x25x60xi32, #tpu.memory_space<hbm>>
        %dma_start3A_101 = tpu.memref_squeeze %dma_start3A_100 : memref<1x1x25x60xi32, #tpu.memory_space<hbm>> -> memref<25x60xi32, #tpu.memory_space<hbm>>
        %dma_start3A_102 = arith.constant 0 : i32
        %dma_start3A_103 = arith.constant 0 : i32
        %dma_start3A_104 = tpu.memref_slice %arg4[%arg1, %scan3A_18, %dma_start3A_102, %dma_start3A_103] : memref<16x8x25x60xi32, #tpu.memory_space<hbm>> -> memref<1x1x25x60xi32, #tpu.memory_space<hbm>>
        %dma_start3A_105 = tpu.memref_squeeze %dma_start3A_104 : memref<1x1x25x60xi32, #tpu.memory_space<hbm>> -> memref<25x60xi32, #tpu.memory_space<hbm>>
        tpu.enqueue_dma source(%dma_start3A_105 : memref<25x60xi32, #tpu.memory_space<hbm>>) target(%arg7 : memref<25x60xi32, #tpu.memory_space<vmem>>) target_semaphore(%run_scoped3A : memref<!tpu.dma_semaphore, #tpu.memory_space<semaphore_mem>>)
        %dma_wait3A_106 = arith.constant 0 : i32
        %dma_wait3A_107 = arith.constant 0 : i32
        %dma_wait3A_108 = tpu.memref_slice %arg4[%arg1, %scan3A_18, %dma_wait3A_106, %dma_wait3A_107] : memref<16x8x25x60xi32, #tpu.memory_space<hbm>> -> memref<1x1x25x60xi32, #tpu.memory_space<hbm>>
        %dma_wait3A_109 = tpu.memref_squeeze %dma_wait3A_108 : memref<1x1x25x60xi32, #tpu.memory_space<hbm>> -> memref<25x60xi32, #tpu.memory_space<hbm>>
        %dma_wait3A_110 = arith.constant 0 : i32
        %dma_wait3A_111 = arith.constant 0 : i32
        %dma_wait3A_112 = tpu.memref_slice %arg4[%arg1, %scan3A_18, %dma_wait3A_110, %dma_wait3A_111] : memref<16x8x25x60xi32, #tpu.memory_space<hbm>> -> memref<1x1x25x60xi32, #tpu.memory_space<hbm>>
        %dma_wait3A_113 = tpu.memref_squeeze %dma_wait3A_112 : memref<1x1x25x60xi32, #tpu.memory_space<hbm>> -> memref<25x60xi32, #tpu.memory_space<hbm>>
        tpu.wait_dma2 semaphore(%run_scoped3A : memref<!tpu.dma_semaphore, #tpu.memory_space<semaphore_mem>>) src(%dma_wait3A_113 : memref<25x60xi32, #tpu.memory_space<hbm>>) dst(%arg7 : memref<25x60xi32, #tpu.memory_space<vmem>>)
        tpu.yield
      }) : () -> ()
      %dma_start3A = arith.constant 0 : i32
      %dma_start3A_19 = arith.constant 0 : i32
      %dma_start3A_20 = arith.constant 0 : i32
      %dma_start3A_21 = arith.constant 0 : i32
      %dma_start3A_22 = arith.constant 0 : i32
      %dma_start3A_23 = tpu.memref_slice %arg8[%dma_start3A_19, %dma_start3A_21, %dma_start3A_22] : memref<3x60x128xf32, #tpu.memory_space<vmem>> -> memref<1x60x128xf32, #tpu.memory_space<vmem>>
      %dma_start3A_24 = tpu.memref_squeeze %dma_start3A_23 : memref<1x60x128xf32, #tpu.memory_space<vmem>> -> memref<60x128xf32, #tpu.memory_space<vmem>>
      %dma_start3A_25 = arith.constant 0 : i32
      %dma_start3A_26 = tpu.memref_slice %arg6[%dma_start3A, %dma_start3A_25] : memref<25x60xi32, #tpu.memory_space<vmem>> -> memref<1x60xi32, #tpu.memory_space<vmem>>
      %dma_start3A_27 = tpu.memref_squeeze %dma_start3A_26 : memref<1x60xi32, #tpu.memory_space<vmem>> -> memref<60xi32, #tpu.memory_space<vmem>>
      %dma_start3A_28 = arith.constant 0 : i32
      %dma_start3A_29 = arith.constant 0 : i32
      %dma_start3A_30 = tpu.memref_slice %arg2[%dma_start3A_28, %dma_start3A_29] : memref<24576x128xf32, #tpu.memory_space<hbm>> -> memref<24576x128xf32, #tpu.memory_space<hbm>>
      %dma_start3A_31 = tpu.memref_slice %arg10[%dma_start3A_20] : memref<3x!tpu.dma_semaphore, #tpu.memory_space<semaphore_mem>> -> memref<1x!tpu.dma_semaphore, #tpu.memory_space<semaphore_mem>>
      %dma_start3A_32 = tpu.memref_squeeze %dma_start3A_31 : memref<1x!tpu.dma_semaphore, #tpu.memory_space<semaphore_mem>> -> memref<!tpu.dma_semaphore, #tpu.memory_space<semaphore_mem>>
      tpu.enqueue_indirect_dma source(%dma_start3A_30 : memref<24576x128xf32, #tpu.memory_space<hbm>>) target(%dma_start3A_24 : memref<60x128xf32, #tpu.memory_space<vmem>>) offsets(%dma_start3A_27 : memref<60xi32, #tpu.memory_space<vmem>>) semaphore(%dma_start3A_32 : memref<!tpu.dma_semaphore, #tpu.memory_space<semaphore_mem>>)
      %dma_start3A_33 = arith.constant 1 : i32
      %dma_start3A_34 = arith.constant 1 : i32
      %dma_start3A_35 = arith.constant 1 : i32
      %dma_start3A_36 = arith.constant 0 : i32
      %dma_start3A_37 = arith.constant 0 : i32
      %dma_start3A_38 = tpu.memref_slice %arg8[%dma_start3A_34, %dma_start3A_36, %dma_start3A_37] : memref<3x60x128xf32, #tpu.memory_space<vmem>> -> memref<1x60x128xf32, #tpu.memory_space<vmem>>
      %dma_start3A_39 = tpu.memref_squeeze %dma_start3A_38 : memref<1x60x128xf32, #tpu.memory_space<vmem>> -> memref<60x128xf32, #tpu.memory_space<vmem>>
      %dma_start3A_40 = arith.constant 0 : i32
      %dma_start3A_41 = tpu.memref_slice %arg6[%dma_start3A_33, %dma_start3A_40] : memref<25x60xi32, #tpu.memory_space<vmem>> -> memref<1x60xi32, #tpu.memory_space<vmem>>
      %dma_start3A_42 = tpu.memref_squeeze %dma_start3A_41 : memref<1x60xi32, #tpu.memory_space<vmem>> -> memref<60xi32, #tpu.memory_space<vmem>>
      %dma_start3A_43 = arith.constant 0 : i32
      %dma_start3A_44 = arith.constant 0 : i32
      %dma_start3A_45 = tpu.memref_slice %arg2[%dma_start3A_43, %dma_start3A_44] : memref<24576x128xf32, #tpu.memory_space<hbm>> -> memref<24576x128xf32, #tpu.memory_space<hbm>>
      %dma_start3A_46 = tpu.memref_slice %arg10[%dma_start3A_35] : memref<3x!tpu.dma_semaphore, #tpu.memory_space<semaphore_mem>> -> memref<1x!tpu.dma_semaphore, #tpu.memory_space<semaphore_mem>>
      %dma_start3A_47 = tpu.memref_squeeze %dma_start3A_46 : memref<1x!tpu.dma_semaphore, #tpu.memory_space<semaphore_mem>> -> memref<!tpu.dma_semaphore, #tpu.memory_space<semaphore_mem>>
      tpu.enqueue_indirect_dma source(%dma_start3A_45 : memref<24576x128xf32, #tpu.memory_space<hbm>>) target(%dma_start3A_39 : memref<60x128xf32, #tpu.memory_space<vmem>>) offsets(%dma_start3A_42 : memref<60xi32, #tpu.memory_space<vmem>>) semaphore(%dma_start3A_47 : memref<!tpu.dma_semaphore, #tpu.memory_space<semaphore_mem>>)
      %scan3A_48 = arith.constant 0 : i32
      %scan3A_49 = arith.constant 0 : i32
      %scan3A_50 = arith.constant 25 : i32
      %scan3A_51 = arith.addi %scan3A_49, %scan3A_50 : i32
      %scan3A_52 = arith.constant 1 : i32
      scf.for %scan3A_98 = %scan3A_49 to %scan3A_51 step %scan3A_52  : i32 {
        %rem3A = arith.constant 3 : i32
        %rem3A_99 = arith.remsi %scan3A_98, %rem3A : i32
        %dma_wait3A_100 = arith.constant 0 : i32
        %dma_wait3A_101 = arith.constant 0 : i32
        %dma_wait3A_102 = tpu.memref_slice %arg8[%rem3A_99, %dma_wait3A_100, %dma_wait3A_101] : memref<3x60x128xf32, #tpu.memory_space<vmem>> -> memref<1x60x128xf32, #tpu.memory_space<vmem>>
        %dma_wait3A_103 = tpu.memref_squeeze %dma_wait3A_102 : memref<1x60x128xf32, #tpu.memory_space<vmem>> -> memref<60x128xf32, #tpu.memory_space<vmem>>
        %dma_wait3A_104 = arith.constant 0 : i32
        %dma_wait3A_105 = tpu.memref_slice %arg6[%scan3A_98, %dma_wait3A_104] : memref<25x60xi32, #tpu.memory_space<vmem>> -> memref<1x60xi32, #tpu.memory_space<vmem>>
        %dma_wait3A_106 = tpu.memref_squeeze %dma_wait3A_105 : memref<1x60xi32, #tpu.memory_space<vmem>> -> memref<60xi32, #tpu.memory_space<vmem>>
        %dma_wait3A_107 = arith.constant 0 : i32
        %dma_wait3A_108 = arith.constant 0 : i32
        %dma_wait3A_109 = tpu.memref_slice %arg2[%dma_wait3A_107, %dma_wait3A_108] : memref<24576x128xf32, #tpu.memory_space<hbm>> -> memref<24576x128xf32, #tpu.memory_space<hbm>>
        %dma_wait3A_110 = tpu.memref_slice %arg10[%rem3A_99] : memref<3x!tpu.dma_semaphore, #tpu.memory_space<semaphore_mem>> -> memref<1x!tpu.dma_semaphore, #tpu.memory_space<semaphore_mem>>
        %dma_wait3A_111 = tpu.memref_squeeze %dma_wait3A_110 : memref<1x!tpu.dma_semaphore, #tpu.memory_space<semaphore_mem>> -> memref<!tpu.dma_semaphore, #tpu.memory_space<semaphore_mem>>
        tpu.wait_indirect_dma semaphore(%dma_wait3A_111 : memref<!tpu.dma_semaphore, #tpu.memory_space<semaphore_mem>>) src(%dma_wait3A_109 : memref<24576x128xf32, #tpu.memory_space<hbm>>) dst(%dma_wait3A_103 : memref<60x128xf32, #tpu.memory_space<vmem>>)
        %dma_start3A_112 = arith.constant 0 : i32
        %dma_start3A_113 = arith.constant 0 : i32
        %dma_start3A_114 = tpu.memref_slice %arg8[%rem3A_99, %dma_start3A_112, %dma_start3A_113] : memref<3x60x128xf32, #tpu.memory_space<vmem>> -> memref<1x60x128xf32, #tpu.memory_space<vmem>>
        %dma_start3A_115 = tpu.memref_squeeze %dma_start3A_114 : memref<1x60x128xf32, #tpu.memory_space<vmem>> -> memref<60x128xf32, #tpu.memory_space<vmem>>
        %dma_start3A_116 = arith.constant 0 : i32
        %dma_start3A_117 = tpu.memref_slice %arg7[%scan3A_98, %dma_start3A_116] : memref<25x60xi32, #tpu.memory_space<vmem>> -> memref<1x60xi32, #tpu.memory_space<vmem>>
        %dma_start3A_118 = tpu.memref_squeeze %dma_start3A_117 : memref<1x60xi32, #tpu.memory_space<vmem>> -> memref<60xi32, #tpu.memory_space<vmem>>
        %dma_start3A_119 = arith.constant 0 : i32
        %dma_start3A_120 = arith.constant 0 : i32
        %dma_start3A_121 = tpu.memref_slice %arg9[%dma_start3A_119, %dma_start3A_120] : memref<12288x128xf32, #tpu.memory_space<vmem_shared>> -> memref<12288x128xf32, #tpu.memory_space<vmem_shared>>
        %dma_start3A_122 = tpu.memref_slice %arg11[%rem3A_99] : memref<3x!tpu.dma_semaphore, #tpu.memory_space<semaphore_mem>> -> memref<1x!tpu.dma_semaphore, #tpu.memory_space<semaphore_mem>>
        %dma_start3A_123 = tpu.memref_squeeze %dma_start3A_122 : memref<1x!tpu.dma_semaphore, #tpu.memory_space<semaphore_mem>> -> memref<!tpu.dma_semaphore, #tpu.memory_space<semaphore_mem>>
        tpu.enqueue_indirect_dma source(%dma_start3A_115 : memref<60x128xf32, #tpu.memory_space<vmem>>) target(%dma_start3A_121 : memref<12288x128xf32, #tpu.memory_space<vmem_shared>>) offsets(%dma_start3A_118 : memref<60xi32, #tpu.memory_space<vmem>>) semaphore(%dma_start3A_123 : memref<!tpu.dma_semaphore, #tpu.memory_space<semaphore_mem>>) {add = true}
        %add3A_124 = arith.constant 2 : i32
        %add3A_125 = arith.addi %scan3A_98, %add3A_124 : i32
        %lt3A = arith.constant 25 : i32
        %lt3A_126 = arith.cmpi slt, %add3A_125, %lt3A : i32
        %convert_element_type3A = arith.extui %lt3A_126 : i1 to i32
        %cond3A = arith.constant 0 : i32
        %cond3A_127 = arith.cmpi ne, %convert_element_type3A, %cond3A : i32
        scf.if %cond3A_127 {
          %add3A_128 = arith.constant 2 : i32
          %add3A_129 = arith.addi %scan3A_98, %add3A_128 : i32
          %rem3A_130 = arith.constant 3 : i32
          %rem3A_131 = arith.remsi %add3A_129, %rem3A_130 : i32
          %gt3A = arith.constant 0 : i32
          %gt3A_132 = arith.cmpi sgt, %scan3A_98, %gt3A : i32
          %convert_element_type3A_133 = arith.extui %gt3A_132 : i1 to i32
          %cond3A_134 = arith.constant 0 : i32
          %cond3A_135 = arith.cmpi ne, %convert_element_type3A_133, %cond3A_134 : i32
          scf.if %cond3A_135 {
            %sub3A = arith.constant 1 : i32
            %sub3A_150 = arith.subi %scan3A_98, %sub3A : i32
            %dma_wait3A_151 = arith.constant 0 : i32
            %dma_wait3A_152 = arith.constant 0 : i32
            %dma_wait3A_153 = tpu.memref_slice %arg8[%rem3A_131, %dma_wait3A_151, %dma_wait3A_152] : memref<3x60x128xf32, #tpu.memory_space<vmem>> -> memref<1x60x128xf32, #tpu.memory_space<vmem>>
            %dma_wait3A_154 = tpu.memref_squeeze %dma_wait3A_153 : memref<1x60x128xf32, #tpu.memory_space<vmem>> -> memref<60x128xf32, #tpu.memory_space<vmem>>
            %dma_wait3A_155 = arith.constant 0 : i32
            %dma_wait3A_156 = tpu.memref_slice %arg7[%sub3A_150, %dma_wait3A_155] : memref<25x60xi32, #tpu.memory_space<vmem>> -> memref<1x60xi32, #tpu.memory_space<vmem>>
            %dma_wait3A_157 = tpu.memref_squeeze %dma_wait3A_156 : memref<1x60xi32, #tpu.memory_space<vmem>> -> memref<60xi32, #tpu.memory_space<vmem>>
            %dma_wait3A_158 = arith.constant 0 : i32
            %dma_wait3A_159 = arith.constant 0 : i32
            %dma_wait3A_160 = tpu.memref_slice %arg9[%dma_wait3A_158, %dma_wait3A_159] : memref<12288x128xf32, #tpu.memory_space<vmem_shared>> -> memref<12288x128xf32, #tpu.memory_space<vmem_shared>>
            %dma_wait3A_161 = tpu.memref_slice %arg11[%rem3A_131] : memref<3x!tpu.dma_semaphore, #tpu.memory_space<semaphore_mem>> -> memref<1x!tpu.dma_semaphore, #tpu.memory_space<semaphore_mem>>
            %dma_wait3A_162 = tpu.memref_squeeze %dma_wait3A_161 : memref<1x!tpu.dma_semaphore, #tpu.memory_space<semaphore_mem>> -> memref<!tpu.dma_semaphore, #tpu.memory_space<semaphore_mem>>
            tpu.wait_indirect_dma semaphore(%dma_wait3A_162 : memref<!tpu.dma_semaphore, #tpu.memory_space<semaphore_mem>>) src(%dma_wait3A_154 : memref<60x128xf32, #tpu.memory_space<vmem>>) dst(%dma_wait3A_160 : memref<12288x128xf32, #tpu.memory_space<vmem_shared>>)
          } else {
          }
          %add3A_136 = arith.constant 2 : i32
          %add3A_137 = arith.addi %scan3A_98, %add3A_136 : i32
          %dma_start3A_138 = arith.constant 0 : i32
          %dma_start3A_139 = arith.constant 0 : i32
          %dma_start3A_140 = tpu.memref_slice %arg8[%rem3A_131, %dma_start3A_138, %dma_start3A_139] : memref<3x60x128xf32, #tpu.memory_space<vmem>> -> memref<1x60x128xf32, #tpu.memory_space<vmem>>
          %dma_start3A_141 = tpu.memref_squeeze %dma_start3A_140 : memref<1x60x128xf32, #tpu.memory_space<vmem>> -> memref<60x128xf32, #tpu.memory_space<vmem>>
          %dma_start3A_142 = arith.constant 0 : i32
          %dma_start3A_143 = tpu.memref_slice %arg6[%add3A_137, %dma_start3A_142] : memref<25x60xi32, #tpu.memory_space<vmem>> -> memref<1x60xi32, #tpu.memory_space<vmem>>
          %dma_start3A_144 = tpu.memref_squeeze %dma_start3A_143 : memref<1x60xi32, #tpu.memory_space<vmem>> -> memref<60xi32, #tpu.memory_space<vmem>>
          %dma_start3A_145 = arith.constant 0 : i32
          %dma_start3A_146 = arith.constant 0 : i32
          %dma_start3A_147 = tpu.memref_slice %arg2[%dma_start3A_145, %dma_start3A_146] : memref<24576x128xf32, #tpu.memory_space<hbm>> -> memref<24576x128xf32, #tpu.memory_space<hbm>>
          %dma_start3A_148 = tpu.memref_slice %arg10[%rem3A_131] : memref<3x!tpu.dma_semaphore, #tpu.memory_space<semaphore_mem>> -> memref<1x!tpu.dma_semaphore, #tpu.memory_space<semaphore_mem>>
          %dma_start3A_149 = tpu.memref_squeeze %dma_start3A_148 : memref<1x!tpu.dma_semaphore, #tpu.memory_space<semaphore_mem>> -> memref<!tpu.dma_semaphore, #tpu.memory_space<semaphore_mem>>
          tpu.enqueue_indirect_dma source(%dma_start3A_147 : memref<24576x128xf32, #tpu.memory_space<hbm>>) target(%dma_start3A_141 : memref<60x128xf32, #tpu.memory_space<vmem>>) offsets(%dma_start3A_144 : memref<60xi32, #tpu.memory_space<vmem>>) semaphore(%dma_start3A_149 : memref<!tpu.dma_semaphore, #tpu.memory_space<semaphore_mem>>)
        } else {
        }
      }
      %scan3A_53 = arith.constant 25 : i32
      %dma_wait3A = arith.constant 1 : i32
      %dma_wait3A_54 = arith.constant 22 : i32
      %dma_wait3A_55 = arith.constant 1 : i32
      %dma_wait3A_56 = arith.constant 0 : i32
      %dma_wait3A_57 = arith.constant 0 : i32
      %dma_wait3A_58 = tpu.memref_slice %arg8[%dma_wait3A, %dma_wait3A_56, %dma_wait3A_57] : memref<3x60x128xf32, #tpu.memory_space<vmem>> -> memref<1x60x128xf32, #tpu.memory_space<vmem>>
      %dma_wait3A_59 = tpu.memref_squeeze %dma_wait3A_58 : memref<1x60x128xf32, #tpu.memory_space<vmem>> -> memref<60x128xf32, #tpu.memory_space<vmem>>
      %dma_wait3A_60 = arith.constant 0 : i32
      %dma_wait3A_61 = tpu.memref_slice %arg7[%dma_wait3A_54, %dma_wait3A_60] : memref<25x60xi32, #tpu.memory_space<vmem>> -> memref<1x60xi32, #tpu.memory_space<vmem>>
      %dma_wait3A_62 = tpu.memref_squeeze %dma_wait3A_61 : memref<1x60xi32, #tpu.memory_space<vmem>> -> memref<60xi32, #tpu.memory_space<vmem>>
      %dma_wait3A_63 = arith.constant 0 : i32
      %dma_wait3A_64 = arith.constant 0 : i32
      %dma_wait3A_65 = tpu.memref_slice %arg9[%dma_wait3A_63, %dma_wait3A_64] : memref<12288x128xf32, #tpu.memory_space<vmem_shared>> -> memref<12288x128xf32, #tpu.memory_space<vmem_shared>>
      %dma_wait3A_66 = tpu.memref_slice %arg11[%dma_wait3A_55] : memref<3x!tpu.dma_semaphore, #tpu.memory_space<semaphore_mem>> -> memref<1x!tpu.dma_semaphore, #tpu.memory_space<semaphore_mem>>
      %dma_wait3A_67 = tpu.memref_squeeze %dma_wait3A_66 : memref<1x!tpu.dma_semaphore, #tpu.memory_space<semaphore_mem>> -> memref<!tpu.dma_semaphore, #tpu.memory_space<semaphore_mem>>
      tpu.wait_indirect_dma semaphore(%dma_wait3A_67 : memref<!tpu.dma_semaphore, #tpu.memory_space<semaphore_mem>>) src(%dma_wait3A_59 : memref<60x128xf32, #tpu.memory_space<vmem>>) dst(%dma_wait3A_65 : memref<12288x128xf32, #tpu.memory_space<vmem_shared>>)
      %dma_wait3A_68 = arith.constant 2 : i32
      %dma_wait3A_69 = arith.constant 23 : i32
      %dma_wait3A_70 = arith.constant 2 : i32
      %dma_wait3A_71 = arith.constant 0 : i32
      %dma_wait3A_72 = arith.constant 0 : i32
      %dma_wait3A_73 = tpu.memref_slice %arg8[%dma_wait3A_68, %dma_wait3A_71, %dma_wait3A_72] : memref<3x60x128xf32, #tpu.memory_space<vmem>> -> memref<1x60x128xf32, #tpu.memory_space<vmem>>
      %dma_wait3A_74 = tpu.memref_squeeze %dma_wait3A_73 : memref<1x60x128xf32, #tpu.memory_space<vmem>> -> memref<60x128xf32, #tpu.memory_space<vmem>>
      %dma_wait3A_75 = arith.constant 0 : i32
      %dma_wait3A_76 = tpu.memref_slice %arg7[%dma_wait3A_69, %dma_wait3A_75] : memref<25x60xi32, #tpu.memory_space<vmem>> -> memref<1x60xi32, #tpu.memory_space<vmem>>
      %dma_wait3A_77 = tpu.memref_squeeze %dma_wait3A_76 : memref<1x60xi32, #tpu.memory_space<vmem>> -> memref<60xi32, #tpu.memory_space<vmem>>
      %dma_wait3A_78 = arith.constant 0 : i32
      %dma_wait3A_79 = arith.constant 0 : i32
      %dma_wait3A_80 = tpu.memref_slice %arg9[%dma_wait3A_78, %dma_wait3A_79] : memref<12288x128xf32, #tpu.memory_space<vmem_shared>> -> memref<12288x128xf32, #tpu.memory_space<vmem_shared>>
      %dma_wait3A_81 = tpu.memref_slice %arg11[%dma_wait3A_70] : memref<3x!tpu.dma_semaphore, #tpu.memory_space<semaphore_mem>> -> memref<1x!tpu.dma_semaphore, #tpu.memory_space<semaphore_mem>>
      %dma_wait3A_82 = tpu.memref_squeeze %dma_wait3A_81 : memref<1x!tpu.dma_semaphore, #tpu.memory_space<semaphore_mem>> -> memref<!tpu.dma_semaphore, #tpu.memory_space<semaphore_mem>>
      tpu.wait_indirect_dma semaphore(%dma_wait3A_82 : memref<!tpu.dma_semaphore, #tpu.memory_space<semaphore_mem>>) src(%dma_wait3A_74 : memref<60x128xf32, #tpu.memory_space<vmem>>) dst(%dma_wait3A_80 : memref<12288x128xf32, #tpu.memory_space<vmem_shared>>)
      %dma_wait3A_83 = arith.constant 0 : i32
      %dma_wait3A_84 = arith.constant 24 : i32
      %dma_wait3A_85 = arith.constant 0 : i32
      %dma_wait3A_86 = arith.constant 0 : i32
      %dma_wait3A_87 = arith.constant 0 : i32
      %dma_wait3A_88 = tpu.memref_slice %arg8[%dma_wait3A_83, %dma_wait3A_86, %dma_wait3A_87] : memref<3x60x128xf32, #tpu.memory_space<vmem>> -> memref<1x60x128xf32, #tpu.memory_space<vmem>>
      %dma_wait3A_89 = tpu.memref_squeeze %dma_wait3A_88 : memref<1x60x128xf32, #tpu.memory_space<vmem>> -> memref<60x128xf32, #tpu.memory_space<vmem>>
      %dma_wait3A_90 = arith.constant 0 : i32
      %dma_wait3A_91 = tpu.memref_slice %arg7[%dma_wait3A_84, %dma_wait3A_90] : memref<25x60xi32, #tpu.memory_space<vmem>> -> memref<1x60xi32, #tpu.memory_space<vmem>>
      %dma_wait3A_92 = tpu.memref_squeeze %dma_wait3A_91 : memref<1x60xi32, #tpu.memory_space<vmem>> -> memref<60xi32, #tpu.memory_space<vmem>>
      %dma_wait3A_93 = arith.constant 0 : i32
      %dma_wait3A_94 = arith.constant 0 : i32
      %dma_wait3A_95 = tpu.memref_slice %arg9[%dma_wait3A_93, %dma_wait3A_94] : memref<12288x128xf32, #tpu.memory_space<vmem_shared>> -> memref<12288x128xf32, #tpu.memory_space<vmem_shared>>
      %dma_wait3A_96 = tpu.memref_slice %arg11[%dma_wait3A_85] : memref<3x!tpu.dma_semaphore, #tpu.memory_space<semaphore_mem>> -> memref<1x!tpu.dma_semaphore, #tpu.memory_space<semaphore_mem>>
      %dma_wait3A_97 = tpu.memref_squeeze %dma_wait3A_96 : memref<1x!tpu.dma_semaphore, #tpu.memory_space<semaphore_mem>> -> memref<!tpu.dma_semaphore, #tpu.memory_space<semaphore_mem>>
      tpu.wait_indirect_dma semaphore(%dma_wait3A_97 : memref<!tpu.dma_semaphore, #tpu.memory_space<semaphore_mem>>) src(%dma_wait3A_89 : memref<60x128xf32, #tpu.memory_space<vmem>>) dst(%dma_wait3A_95 : memref<12288x128xf32, #tpu.memory_space<vmem_shared>>)
    }
    %scan3A_9 = arith.constant 8 : i32
    %barrier3A_10 = arith.constant 0 : index
    tpu.barrier barrier_id(%barrier3A_10)
    %mul3A_11 = arith.constant 768 : i32
    %mul3A_12 = arith.muli %arg1, %mul3A_11 : i32
    %mul3A_13 = arith.constant 12288 : i32
    %mul3A_14 = arith.muli %arg0, %mul3A_13 : i32
    %mul3A_15 = arith.constant 768 : i32
    %mul3A_16 = arith.muli %arg1, %mul3A_15 : i32
    %add3A_17 = arith.addi %mul3A_14, %mul3A_16 : i32
    "tpu.region"() ({
      %run_scoped3A = tpu.sem_alloc : memref<!tpu.dma_semaphore, #tpu.memory_space<semaphore_mem>>
      %dma_start3A = arith.constant 0 : i32
      %dma_start3A_18 = tpu.memref_slice %arg5[%add3A_17, %dma_start3A] : memref<24576x128xf32, #tpu.memory_space<hbm>> -> memref<768x128xf32, #tpu.memory_space<hbm>>
      %dma_start3A_19 = arith.constant 0 : i32
      %dma_start3A_20 = tpu.memref_slice %arg9[%mul3A_12, %dma_start3A_19] : memref<12288x128xf32, #tpu.memory_space<vmem_shared>> -> memref<768x128xf32, #tpu.memory_space<vmem_shared>>
      tpu.enqueue_dma source(%dma_start3A_20 : memref<768x128xf32, #tpu.memory_space<vmem_shared>>) target(%dma_start3A_18 : memref<768x128xf32, #tpu.memory_space<hbm>>) target_semaphore(%run_scoped3A : memref<!tpu.dma_semaphore, #tpu.memory_space<semaphore_mem>>)
      %dma_wait3A = arith.constant 0 : i32
      %dma_wait3A_21 = tpu.memref_slice %arg5[%add3A_17, %dma_wait3A] : memref<24576x128xf32, #tpu.memory_space<hbm>> -> memref<768x128xf32, #tpu.memory_space<hbm>>
      %dma_wait3A_22 = arith.constant 0 : i32
      %dma_wait3A_23 = tpu.memref_slice %arg9[%mul3A_12, %dma_wait3A_22] : memref<12288x128xf32, #tpu.memory_space<vmem_shared>> -> memref<768x128xf32, #tpu.memory_space<vmem_shared>>
      tpu.wait_dma2 semaphore(%run_scoped3A : memref<!tpu.dma_semaphore, #tpu.memory_space<semaphore_mem>>) src(%dma_wait3A_23 : memref<768x128xf32, #tpu.memory_space<vmem_shared>>) dst(%dma_wait3A_21 : memref<768x128xf32, #tpu.memory_space<hbm>>)
      tpu.yield
    }) : () -> ()
    return
  }
}

#map = affine_map<(d0, d1) -> (0, 0)>
#map1 = affine_map<(d0, d1) -> (0, 0, 0, 0, 0)>
#map2 = affine_map<(d0, d1) -> (0, 0, 0, 0)>
module attributes {stable_mosaic.version = 14 : i64} {
  func.func @_gcn_sc(%arg0: i32, %arg1: i32, %arg2: memref<24576x128xf32, #tpu.memory_space<hbm>>, %arg3: memref<2x16x8x25x60xi32, #tpu.memory_space<hbm>>, %arg4: memref<16x8x25x60xi32, #tpu.memory_space<hbm>>, %arg5: memref<24576x128xf32, #tpu.memory_space<hbm>>, %arg6: memref<25x60xi32, #tpu.memory_space<vmem>>, %arg7: memref<25x60xi32, #tpu.memory_space<vmem>>, %arg8: memref<3x60x128xf32, #tpu.memory_space<vmem>>, %arg9: memref<12288x128xf32, #tpu.memory_space<vmem_shared>>, %arg10: memref<3x!tpu.dma_semaphore, #tpu.memory_space<semaphore_mem>>, %arg11: memref<3x!tpu.dma_semaphore, #tpu.memory_space<semaphore_mem>>) attributes {dimension_semantics = [#tpu.dimension_semantics<core_parallel>, #tpu.dimension_semantics<subcore_parallel>], iteration_bounds = array<i64: 2, 16>, scalar_prefetch = 0 : i64, scratch_operands = 6 : i64, tpu.core_type = #tpu.core_type<sc_vector_subcore>, window_params = [{transform_indices = #map}, {transform_indices = #map1}, {transform_indices = #map2}, {transform_indices = #map}]} {
    %mul3A = arith.constant 12288 : i32
    %mul3A_0 = arith.muli %arg0, %mul3A : i32
    %mul3A_1 = arith.constant 768 : i32
    %mul3A_2 = arith.muli %arg1, %mul3A_1 : i32
    %add3A = arith.addi %mul3A_0, %mul3A_2 : i32
    %mul3A_3 = arith.constant 768 : i32
    %mul3A_4 = arith.muli %arg1, %mul3A_3 : i32
    "tpu.region"() ({
      %run_scoped3A = tpu.sem_alloc : memref<!tpu.dma_semaphore, #tpu.memory_space<semaphore_mem>>
      %dma_start3A = arith.constant 0 : i32
      %dma_start3A_18 = tpu.memref_slice %arg9[%mul3A_4, %dma_start3A] : memref<12288x128xf32, #tpu.memory_space<vmem_shared>> -> memref<768x128xf32, #tpu.memory_space<vmem_shared>>
      %dma_start3A_19 = arith.constant 0 : i32
      %dma_start3A_20 = tpu.memref_slice %arg2[%add3A, %dma_start3A_19] : memref<24576x128xf32, #tpu.memory_space<hbm>> -> memref<768x128xf32, #tpu.memory_space<hbm>>
      tpu.enqueue_dma source(%dma_start3A_20 : memref<768x128xf32, #tpu.memory_space<hbm>>) target(%dma_start3A_18 : memref<768x128xf32, #tpu.memory_space<vmem_shared>>) target_semaphore(%run_scoped3A : memref<!tpu.dma_semaphore, #tpu.memory_space<semaphore_mem>>)
      %dma_wait3A = arith.constant 0 : i32
      %dma_wait3A_21 = tpu.memref_slice %arg9[%mul3A_4, %dma_wait3A] : memref<12288x128xf32, #tpu.memory_space<vmem_shared>> -> memref<768x128xf32, #tpu.memory_space<vmem_shared>>
      %dma_wait3A_22 = arith.constant 0 : i32
      %dma_wait3A_23 = tpu.memref_slice %arg2[%add3A, %dma_wait3A_22] : memref<24576x128xf32, #tpu.memory_space<hbm>> -> memref<768x128xf32, #tpu.memory_space<hbm>>
      tpu.wait_dma2 semaphore(%run_scoped3A : memref<!tpu.dma_semaphore, #tpu.memory_space<semaphore_mem>>) src(%dma_wait3A_23 : memref<768x128xf32, #tpu.memory_space<hbm>>) dst(%dma_wait3A_21 : memref<768x128xf32, #tpu.memory_space<vmem_shared>>)
      tpu.yield
    }) : () -> ()
    %barrier3A = arith.constant 0 : index
    tpu.barrier barrier_id(%barrier3A)
    %scan3A = arith.constant 0 : i32
    %scan3A_5 = arith.constant 0 : i32
    %scan3A_6 = arith.constant 8 : i32
    %scan3A_7 = arith.addi %scan3A_5, %scan3A_6 : i32
    %scan3A_8 = arith.constant 1 : i32
    scf.for %scan3A_18 = %scan3A_5 to %scan3A_7 step %scan3A_8  : i32 {
      "tpu.region"() ({
        %run_scoped3A = tpu.sem_alloc : memref<!tpu.dma_semaphore, #tpu.memory_space<semaphore_mem>>
        %dma_start3A_98 = arith.constant 0 : i32
        %dma_start3A_99 = arith.constant 0 : i32
        %dma_start3A_100 = tpu.memref_slice %arg3[%arg0, %arg1, %scan3A_18, %dma_start3A_98, %dma_start3A_99] : memref<2x16x8x25x60xi32, #tpu.memory_space<hbm>> -> memref<1x1x1x25x60xi32, #tpu.memory_space<hbm>>
        %dma_start3A_101 = tpu.memref_squeeze %dma_start3A_100 : memref<1x1x1x25x60xi32, #tpu.memory_space<hbm>> -> memref<25x60xi32, #tpu.memory_space<hbm>>
        %dma_start3A_102 = arith.constant 0 : i32
        %dma_start3A_103 = arith.constant 0 : i32
        %dma_start3A_104 = tpu.memref_slice %arg3[%arg0, %arg1, %scan3A_18, %dma_start3A_102, %dma_start3A_103] : memref<2x16x8x25x60xi32, #tpu.memory_space<hbm>> -> memref<1x1x1x25x60xi32, #tpu.memory_space<hbm>>
        %dma_start3A_105 = tpu.memref_squeeze %dma_start3A_104 : memref<1x1x1x25x60xi32, #tpu.memory_space<hbm>> -> memref<25x60xi32, #tpu.memory_space<hbm>>
        tpu.enqueue_dma source(%dma_start3A_105 : memref<25x60xi32, #tpu.memory_space<hbm>>) target(%arg6 : memref<25x60xi32, #tpu.memory_space<vmem>>) target_semaphore(%run_scoped3A : memref<!tpu.dma_semaphore, #tpu.memory_space<semaphore_mem>>)
        %dma_wait3A_106 = arith.constant 0 : i32
        %dma_wait3A_107 = arith.constant 0 : i32
        %dma_wait3A_108 = tpu.memref_slice %arg3[%arg0, %arg1, %scan3A_18, %dma_wait3A_106, %dma_wait3A_107] : memref<2x16x8x25x60xi32, #tpu.memory_space<hbm>> -> memref<1x1x1x25x60xi32, #tpu.memory_space<hbm>>
        %dma_wait3A_109 = tpu.memref_squeeze %dma_wait3A_108 : memref<1x1x1x25x60xi32, #tpu.memory_space<hbm>> -> memref<25x60xi32, #tpu.memory_space<hbm>>
        %dma_wait3A_110 = arith.constant 0 : i32
        %dma_wait3A_111 = arith.constant 0 : i32
        %dma_wait3A_112 = tpu.memref_slice %arg3[%arg0, %arg1, %scan3A_18, %dma_wait3A_110, %dma_wait3A_111] : memref<2x16x8x25x60xi32, #tpu.memory_space<hbm>> -> memref<1x1x1x25x60xi32, #tpu.memory_space<hbm>>
        %dma_wait3A_113 = tpu.memref_squeeze %dma_wait3A_112 : memref<1x1x1x25x60xi32, #tpu.memory_space<hbm>> -> memref<25x60xi32, #tpu.memory_space<hbm>>
        tpu.wait_dma2 semaphore(%run_scoped3A : memref<!tpu.dma_semaphore, #tpu.memory_space<semaphore_mem>>) src(%dma_wait3A_113 : memref<25x60xi32, #tpu.memory_space<hbm>>) dst(%arg6 : memref<25x60xi32, #tpu.memory_space<vmem>>)
        tpu.yield
      }) : () -> ()
      "tpu.region"() ({
        %run_scoped3A = tpu.sem_alloc : memref<!tpu.dma_semaphore, #tpu.memory_space<semaphore_mem>>
        %dma_start3A_98 = arith.constant 0 : i32
        %dma_start3A_99 = arith.constant 0 : i32
        %dma_start3A_100 = tpu.memref_slice %arg4[%arg1, %scan3A_18, %dma_start3A_98, %dma_start3A_99] : memref<16x8x25x60xi32, #tpu.memory_space<hbm>> -> memref<1x1x25x60xi32, #tpu.memory_space<hbm>>
        %dma_start3A_101 = tpu.memref_squeeze %dma_start3A_100 : memref<1x1x25x60xi32, #tpu.memory_space<hbm>> -> memref<25x60xi32, #tpu.memory_space<hbm>>
        %dma_start3A_102 = arith.constant 0 : i32
        %dma_start3A_103 = arith.constant 0 : i32
        %dma_start3A_104 = tpu.memref_slice %arg4[%arg1, %scan3A_18, %dma_start3A_102, %dma_start3A_103] : memref<16x8x25x60xi32, #tpu.memory_space<hbm>> -> memref<1x1x25x60xi32, #tpu.memory_space<hbm>>
        %dma_start3A_105 = tpu.memref_squeeze %dma_start3A_104 : memref<1x1x25x60xi32, #tpu.memory_space<hbm>> -> memref<25x60xi32, #tpu.memory_space<hbm>>
        tpu.enqueue_dma source(%dma_start3A_105 : memref<25x60xi32, #tpu.memory_space<hbm>>) target(%arg7 : memref<25x60xi32, #tpu.memory_space<vmem>>) target_semaphore(%run_scoped3A : memref<!tpu.dma_semaphore, #tpu.memory_space<semaphore_mem>>)
        %dma_wait3A_106 = arith.constant 0 : i32
        %dma_wait3A_107 = arith.constant 0 : i32
        %dma_wait3A_108 = tpu.memref_slice %arg4[%arg1, %scan3A_18, %dma_wait3A_106, %dma_wait3A_107] : memref<16x8x25x60xi32, #tpu.memory_space<hbm>> -> memref<1x1x25x60xi32, #tpu.memory_space<hbm>>
        %dma_wait3A_109 = tpu.memref_squeeze %dma_wait3A_108 : memref<1x1x25x60xi32, #tpu.memory_space<hbm>> -> memref<25x60xi32, #tpu.memory_space<hbm>>
        %dma_wait3A_110 = arith.constant 0 : i32
        %dma_wait3A_111 = arith.constant 0 : i32
        %dma_wait3A_112 = tpu.memref_slice %arg4[%arg1, %scan3A_18, %dma_wait3A_110, %dma_wait3A_111] : memref<16x8x25x60xi32, #tpu.memory_space<hbm>> -> memref<1x1x25x60xi32, #tpu.memory_space<hbm>>
        %dma_wait3A_113 = tpu.memref_squeeze %dma_wait3A_112 : memref<1x1x25x60xi32, #tpu.memory_space<hbm>> -> memref<25x60xi32, #tpu.memory_space<hbm>>
        tpu.wait_dma2 semaphore(%run_scoped3A : memref<!tpu.dma_semaphore, #tpu.memory_space<semaphore_mem>>) src(%dma_wait3A_113 : memref<25x60xi32, #tpu.memory_space<hbm>>) dst(%arg7 : memref<25x60xi32, #tpu.memory_space<vmem>>)
        tpu.yield
      }) : () -> ()
      %dma_start3A = arith.constant 0 : i32
      %dma_start3A_19 = arith.constant 0 : i32
      %dma_start3A_20 = arith.constant 0 : i32
      %dma_start3A_21 = arith.constant 0 : i32
      %dma_start3A_22 = arith.constant 0 : i32
      %dma_start3A_23 = tpu.memref_slice %arg8[%dma_start3A_19, %dma_start3A_21, %dma_start3A_22] : memref<3x60x128xf32, #tpu.memory_space<vmem>> -> memref<1x60x128xf32, #tpu.memory_space<vmem>>
      %dma_start3A_24 = tpu.memref_squeeze %dma_start3A_23 : memref<1x60x128xf32, #tpu.memory_space<vmem>> -> memref<60x128xf32, #tpu.memory_space<vmem>>
      %dma_start3A_25 = arith.constant 0 : i32
      %dma_start3A_26 = tpu.memref_slice %arg6[%dma_start3A, %dma_start3A_25] : memref<25x60xi32, #tpu.memory_space<vmem>> -> memref<1x60xi32, #tpu.memory_space<vmem>>
      %dma_start3A_27 = tpu.memref_squeeze %dma_start3A_26 : memref<1x60xi32, #tpu.memory_space<vmem>> -> memref<60xi32, #tpu.memory_space<vmem>>
      %dma_start3A_28 = arith.constant 0 : i32
      %dma_start3A_29 = arith.constant 0 : i32
      %dma_start3A_30 = tpu.memref_slice %arg2[%dma_start3A_28, %dma_start3A_29] : memref<24576x128xf32, #tpu.memory_space<hbm>> -> memref<24576x128xf32, #tpu.memory_space<hbm>>
      %dma_start3A_31 = tpu.memref_slice %arg10[%dma_start3A_20] : memref<3x!tpu.dma_semaphore, #tpu.memory_space<semaphore_mem>> -> memref<1x!tpu.dma_semaphore, #tpu.memory_space<semaphore_mem>>
      %dma_start3A_32 = tpu.memref_squeeze %dma_start3A_31 : memref<1x!tpu.dma_semaphore, #tpu.memory_space<semaphore_mem>> -> memref<!tpu.dma_semaphore, #tpu.memory_space<semaphore_mem>>
      tpu.enqueue_indirect_dma source(%dma_start3A_30 : memref<24576x128xf32, #tpu.memory_space<hbm>>) target(%dma_start3A_24 : memref<60x128xf32, #tpu.memory_space<vmem>>) offsets(%dma_start3A_27 : memref<60xi32, #tpu.memory_space<vmem>>) semaphore(%dma_start3A_32 : memref<!tpu.dma_semaphore, #tpu.memory_space<semaphore_mem>>)
      %dma_start3A_33 = arith.constant 1 : i32
      %dma_start3A_34 = arith.constant 1 : i32
      %dma_start3A_35 = arith.constant 1 : i32
      %dma_start3A_36 = arith.constant 0 : i32
      %dma_start3A_37 = arith.constant 0 : i32
      %dma_start3A_38 = tpu.memref_slice %arg8[%dma_start3A_34, %dma_start3A_36, %dma_start3A_37] : memref<3x60x128xf32, #tpu.memory_space<vmem>> -> memref<1x60x128xf32, #tpu.memory_space<vmem>>
      %dma_start3A_39 = tpu.memref_squeeze %dma_start3A_38 : memref<1x60x128xf32, #tpu.memory_space<vmem>> -> memref<60x128xf32, #tpu.memory_space<vmem>>
      %dma_start3A_40 = arith.constant 0 : i32
      %dma_start3A_41 = tpu.memref_slice %arg6[%dma_start3A_33, %dma_start3A_40] : memref<25x60xi32, #tpu.memory_space<vmem>> -> memref<1x60xi32, #tpu.memory_space<vmem>>
      %dma_start3A_42 = tpu.memref_squeeze %dma_start3A_41 : memref<1x60xi32, #tpu.memory_space<vmem>> -> memref<60xi32, #tpu.memory_space<vmem>>
      %dma_start3A_43 = arith.constant 0 : i32
      %dma_start3A_44 = arith.constant 0 : i32
      %dma_start3A_45 = tpu.memref_slice %arg2[%dma_start3A_43, %dma_start3A_44] : memref<24576x128xf32, #tpu.memory_space<hbm>> -> memref<24576x128xf32, #tpu.memory_space<hbm>>
      %dma_start3A_46 = tpu.memref_slice %arg10[%dma_start3A_35] : memref<3x!tpu.dma_semaphore, #tpu.memory_space<semaphore_mem>> -> memref<1x!tpu.dma_semaphore, #tpu.memory_space<semaphore_mem>>
      %dma_start3A_47 = tpu.memref_squeeze %dma_start3A_46 : memref<1x!tpu.dma_semaphore, #tpu.memory_space<semaphore_mem>> -> memref<!tpu.dma_semaphore, #tpu.memory_space<semaphore_mem>>
      tpu.enqueue_indirect_dma source(%dma_start3A_45 : memref<24576x128xf32, #tpu.memory_space<hbm>>) target(%dma_start3A_39 : memref<60x128xf32, #tpu.memory_space<vmem>>) offsets(%dma_start3A_42 : memref<60xi32, #tpu.memory_space<vmem>>) semaphore(%dma_start3A_47 : memref<!tpu.dma_semaphore, #tpu.memory_space<semaphore_mem>>)
      %scan3A_48 = arith.constant 0 : i32
      %scan3A_49 = arith.constant 0 : i32
      %scan3A_50 = arith.constant 25 : i32
      %scan3A_51 = arith.addi %scan3A_49, %scan3A_50 : i32
      %scan3A_52 = arith.constant 1 : i32
      scf.for %scan3A_98 = %scan3A_49 to %scan3A_51 step %scan3A_52  : i32 {
        %rem3A = arith.constant 3 : i32
        %rem3A_99 = arith.remsi %scan3A_98, %rem3A : i32
        %dma_wait3A_100 = arith.constant 0 : i32
        %dma_wait3A_101 = arith.constant 0 : i32
        %dma_wait3A_102 = tpu.memref_slice %arg8[%rem3A_99, %dma_wait3A_100, %dma_wait3A_101] : memref<3x60x128xf32, #tpu.memory_space<vmem>> -> memref<1x60x128xf32, #tpu.memory_space<vmem>>
        %dma_wait3A_103 = tpu.memref_squeeze %dma_wait3A_102 : memref<1x60x128xf32, #tpu.memory_space<vmem>> -> memref<60x128xf32, #tpu.memory_space<vmem>>
        %dma_wait3A_104 = arith.constant 0 : i32
        %dma_wait3A_105 = tpu.memref_slice %arg6[%scan3A_98, %dma_wait3A_104] : memref<25x60xi32, #tpu.memory_space<vmem>> -> memref<1x60xi32, #tpu.memory_space<vmem>>
        %dma_wait3A_106 = tpu.memref_squeeze %dma_wait3A_105 : memref<1x60xi32, #tpu.memory_space<vmem>> -> memref<60xi32, #tpu.memory_space<vmem>>
        %dma_wait3A_107 = arith.constant 0 : i32
        %dma_wait3A_108 = arith.constant 0 : i32
        %dma_wait3A_109 = tpu.memref_slice %arg2[%dma_wait3A_107, %dma_wait3A_108] : memref<24576x128xf32, #tpu.memory_space<hbm>> -> memref<24576x128xf32, #tpu.memory_space<hbm>>
        %dma_wait3A_110 = tpu.memref_slice %arg10[%rem3A_99] : memref<3x!tpu.dma_semaphore, #tpu.memory_space<semaphore_mem>> -> memref<1x!tpu.dma_semaphore, #tpu.memory_space<semaphore_mem>>
        %dma_wait3A_111 = tpu.memref_squeeze %dma_wait3A_110 : memref<1x!tpu.dma_semaphore, #tpu.memory_space<semaphore_mem>> -> memref<!tpu.dma_semaphore, #tpu.memory_space<semaphore_mem>>
        tpu.wait_indirect_dma semaphore(%dma_wait3A_111 : memref<!tpu.dma_semaphore, #tpu.memory_space<semaphore_mem>>) src(%dma_wait3A_109 : memref<24576x128xf32, #tpu.memory_space<hbm>>) dst(%dma_wait3A_103 : memref<60x128xf32, #tpu.memory_space<vmem>>)
        %dma_start3A_112 = arith.constant 0 : i32
        %dma_start3A_113 = arith.constant 0 : i32
        %dma_start3A_114 = tpu.memref_slice %arg8[%rem3A_99, %dma_start3A_112, %dma_start3A_113] : memref<3x60x128xf32, #tpu.memory_space<vmem>> -> memref<1x60x128xf32, #tpu.memory_space<vmem>>
        %dma_start3A_115 = tpu.memref_squeeze %dma_start3A_114 : memref<1x60x128xf32, #tpu.memory_space<vmem>> -> memref<60x128xf32, #tpu.memory_space<vmem>>
        %dma_start3A_116 = arith.constant 0 : i32
        %dma_start3A_117 = tpu.memref_slice %arg7[%scan3A_98, %dma_start3A_116] : memref<25x60xi32, #tpu.memory_space<vmem>> -> memref<1x60xi32, #tpu.memory_space<vmem>>
        %dma_start3A_118 = tpu.memref_squeeze %dma_start3A_117 : memref<1x60xi32, #tpu.memory_space<vmem>> -> memref<60xi32, #tpu.memory_space<vmem>>
        %dma_start3A_119 = arith.constant 0 : i32
        %dma_start3A_120 = arith.constant 0 : i32
        %dma_start3A_121 = tpu.memref_slice %arg9[%dma_start3A_119, %dma_start3A_120] : memref<12288x128xf32, #tpu.memory_space<vmem_shared>> -> memref<12288x128xf32, #tpu.memory_space<vmem_shared>>
        %dma_start3A_122 = tpu.memref_slice %arg11[%rem3A_99] : memref<3x!tpu.dma_semaphore, #tpu.memory_space<semaphore_mem>> -> memref<1x!tpu.dma_semaphore, #tpu.memory_space<semaphore_mem>>
        %dma_start3A_123 = tpu.memref_squeeze %dma_start3A_122 : memref<1x!tpu.dma_semaphore, #tpu.memory_space<semaphore_mem>> -> memref<!tpu.dma_semaphore, #tpu.memory_space<semaphore_mem>>
        tpu.enqueue_indirect_dma source(%dma_start3A_115 : memref<60x128xf32, #tpu.memory_space<vmem>>) target(%dma_start3A_121 : memref<12288x128xf32, #tpu.memory_space<vmem_shared>>) offsets(%dma_start3A_118 : memref<60xi32, #tpu.memory_space<vmem>>) semaphore(%dma_start3A_123 : memref<!tpu.dma_semaphore, #tpu.memory_space<semaphore_mem>>) {add = true}
        %add3A_124 = arith.constant 2 : i32
        %add3A_125 = arith.addi %scan3A_98, %add3A_124 : i32
        %lt3A = arith.constant 25 : i32
        %lt3A_126 = arith.cmpi slt, %add3A_125, %lt3A : i32
        %convert_element_type3A = arith.extui %lt3A_126 : i1 to i32
        %cond3A = arith.constant 0 : i32
        %cond3A_127 = arith.cmpi ne, %convert_element_type3A, %cond3A : i32
        scf.if %cond3A_127 {
          %add3A_128 = arith.constant 2 : i32
          %add3A_129 = arith.addi %scan3A_98, %add3A_128 : i32
          %rem3A_130 = arith.constant 3 : i32
          %rem3A_131 = arith.remsi %add3A_129, %rem3A_130 : i32
          %gt3A = arith.constant 0 : i32
          %gt3A_132 = arith.cmpi sgt, %scan3A_98, %gt3A : i32
          %convert_element_type3A_133 = arith.extui %gt3A_132 : i1 to i32
          %cond3A_134 = arith.constant 0 : i32
          %cond3A_135 = arith.cmpi ne, %convert_element_type3A_133, %cond3A_134 : i32
          scf.if %cond3A_135 {
            %sub3A = arith.constant 1 : i32
            %sub3A_150 = arith.subi %scan3A_98, %sub3A : i32
            %dma_wait3A_151 = arith.constant 0 : i32
            %dma_wait3A_152 = arith.constant 0 : i32
            %dma_wait3A_153 = tpu.memref_slice %arg8[%rem3A_131, %dma_wait3A_151, %dma_wait3A_152] : memref<3x60x128xf32, #tpu.memory_space<vmem>> -> memref<1x60x128xf32, #tpu.memory_space<vmem>>
            %dma_wait3A_154 = tpu.memref_squeeze %dma_wait3A_153 : memref<1x60x128xf32, #tpu.memory_space<vmem>> -> memref<60x128xf32, #tpu.memory_space<vmem>>
            %dma_wait3A_155 = arith.constant 0 : i32
            %dma_wait3A_156 = tpu.memref_slice %arg7[%sub3A_150, %dma_wait3A_155] : memref<25x60xi32, #tpu.memory_space<vmem>> -> memref<1x60xi32, #tpu.memory_space<vmem>>
            %dma_wait3A_157 = tpu.memref_squeeze %dma_wait3A_156 : memref<1x60xi32, #tpu.memory_space<vmem>> -> memref<60xi32, #tpu.memory_space<vmem>>
            %dma_wait3A_158 = arith.constant 0 : i32
            %dma_wait3A_159 = arith.constant 0 : i32
            %dma_wait3A_160 = tpu.memref_slice %arg9[%dma_wait3A_158, %dma_wait3A_159] : memref<12288x128xf32, #tpu.memory_space<vmem_shared>> -> memref<12288x128xf32, #tpu.memory_space<vmem_shared>>
            %dma_wait3A_161 = tpu.memref_slice %arg11[%rem3A_131] : memref<3x!tpu.dma_semaphore, #tpu.memory_space<semaphore_mem>> -> memref<1x!tpu.dma_semaphore, #tpu.memory_space<semaphore_mem>>
            %dma_wait3A_162 = tpu.memref_squeeze %dma_wait3A_161 : memref<1x!tpu.dma_semaphore, #tpu.memory_space<semaphore_mem>> -> memref<!tpu.dma_semaphore, #tpu.memory_space<semaphore_mem>>
            tpu.wait_indirect_dma semaphore(%dma_wait3A_162 : memref<!tpu.dma_semaphore, #tpu.memory_space<semaphore_mem>>) src(%dma_wait3A_154 : memref<60x128xf32, #tpu.memory_space<vmem>>) dst(%dma_wait3A_160 : memref<12288x128xf32, #tpu.memory_space<vmem_shared>>)
          } else {
          }
          %add3A_136 = arith.constant 2 : i32
          %add3A_137 = arith.addi %scan3A_98, %add3A_136 : i32
          %dma_start3A_138 = arith.constant 0 : i32
          %dma_start3A_139 = arith.constant 0 : i32
          %dma_start3A_140 = tpu.memref_slice %arg8[%rem3A_131, %dma_start3A_138, %dma_start3A_139] : memref<3x60x128xf32, #tpu.memory_space<vmem>> -> memref<1x60x128xf32, #tpu.memory_space<vmem>>
          %dma_start3A_141 = tpu.memref_squeeze %dma_start3A_140 : memref<1x60x128xf32, #tpu.memory_space<vmem>> -> memref<60x128xf32, #tpu.memory_space<vmem>>
          %dma_start3A_142 = arith.constant 0 : i32
          %dma_start3A_143 = tpu.memref_slice %arg6[%add3A_137, %dma_start3A_142] : memref<25x60xi32, #tpu.memory_space<vmem>> -> memref<1x60xi32, #tpu.memory_space<vmem>>
          %dma_start3A_144 = tpu.memref_squeeze %dma_start3A_143 : memref<1x60xi32, #tpu.memory_space<vmem>> -> memref<60xi32, #tpu.memory_space<vmem>>
          %dma_start3A_145 = arith.constant 0 : i32
          %dma_start3A_146 = arith.constant 0 : i32
          %dma_start3A_147 = tpu.memref_slice %arg2[%dma_start3A_145, %dma_start3A_146] : memref<24576x128xf32, #tpu.memory_space<hbm>> -> memref<24576x128xf32, #tpu.memory_space<hbm>>
          %dma_start3A_148 = tpu.memref_slice %arg10[%rem3A_131] : memref<3x!tpu.dma_semaphore, #tpu.memory_space<semaphore_mem>> -> memref<1x!tpu.dma_semaphore, #tpu.memory_space<semaphore_mem>>
          %dma_start3A_149 = tpu.memref_squeeze %dma_start3A_148 : memref<1x!tpu.dma_semaphore, #tpu.memory_space<semaphore_mem>> -> memref<!tpu.dma_semaphore, #tpu.memory_space<semaphore_mem>>
          tpu.enqueue_indirect_dma source(%dma_start3A_147 : memref<24576x128xf32, #tpu.memory_space<hbm>>) target(%dma_start3A_141 : memref<60x128xf32, #tpu.memory_space<vmem>>) offsets(%dma_start3A_144 : memref<60xi32, #tpu.memory_space<vmem>>) semaphore(%dma_start3A_149 : memref<!tpu.dma_semaphore, #tpu.memory_space<semaphore_mem>>)
        } else {
        }
      }
      %scan3A_53 = arith.constant 25 : i32
      %dma_wait3A = arith.constant 1 : i32
      %dma_wait3A_54 = arith.constant 22 : i32
      %dma_wait3A_55 = arith.constant 1 : i32
      %dma_wait3A_56 = arith.constant 0 : i32
      %dma_wait3A_57 = arith.constant 0 : i32
      %dma_wait3A_58 = tpu.memref_slice %arg8[%dma_wait3A, %dma_wait3A_56, %dma_wait3A_57] : memref<3x60x128xf32, #tpu.memory_space<vmem>> -> memref<1x60x128xf32, #tpu.memory_space<vmem>>
      %dma_wait3A_59 = tpu.memref_squeeze %dma_wait3A_58 : memref<1x60x128xf32, #tpu.memory_space<vmem>> -> memref<60x128xf32, #tpu.memory_space<vmem>>
      %dma_wait3A_60 = arith.constant 0 : i32
      %dma_wait3A_61 = tpu.memref_slice %arg7[%dma_wait3A_54, %dma_wait3A_60] : memref<25x60xi32, #tpu.memory_space<vmem>> -> memref<1x60xi32, #tpu.memory_space<vmem>>
      %dma_wait3A_62 = tpu.memref_squeeze %dma_wait3A_61 : memref<1x60xi32, #tpu.memory_space<vmem>> -> memref<60xi32, #tpu.memory_space<vmem>>
      %dma_wait3A_63 = arith.constant 0 : i32
      %dma_wait3A_64 = arith.constant 0 : i32
      %dma_wait3A_65 = tpu.memref_slice %arg9[%dma_wait3A_63, %dma_wait3A_64] : memref<12288x128xf32, #tpu.memory_space<vmem_shared>> -> memref<12288x128xf32, #tpu.memory_space<vmem_shared>>
      %dma_wait3A_66 = tpu.memref_slice %arg11[%dma_wait3A_55] : memref<3x!tpu.dma_semaphore, #tpu.memory_space<semaphore_mem>> -> memref<1x!tpu.dma_semaphore, #tpu.memory_space<semaphore_mem>>
      %dma_wait3A_67 = tpu.memref_squeeze %dma_wait3A_66 : memref<1x!tpu.dma_semaphore, #tpu.memory_space<semaphore_mem>> -> memref<!tpu.dma_semaphore, #tpu.memory_space<semaphore_mem>>
      tpu.wait_indirect_dma semaphore(%dma_wait3A_67 : memref<!tpu.dma_semaphore, #tpu.memory_space<semaphore_mem>>) src(%dma_wait3A_59 : memref<60x128xf32, #tpu.memory_space<vmem>>) dst(%dma_wait3A_65 : memref<12288x128xf32, #tpu.memory_space<vmem_shared>>)
      %dma_wait3A_68 = arith.constant 2 : i32
      %dma_wait3A_69 = arith.constant 23 : i32
      %dma_wait3A_70 = arith.constant 2 : i32
      %dma_wait3A_71 = arith.constant 0 : i32
      %dma_wait3A_72 = arith.constant 0 : i32
      %dma_wait3A_73 = tpu.memref_slice %arg8[%dma_wait3A_68, %dma_wait3A_71, %dma_wait3A_72] : memref<3x60x128xf32, #tpu.memory_space<vmem>> -> memref<1x60x128xf32, #tpu.memory_space<vmem>>
      %dma_wait3A_74 = tpu.memref_squeeze %dma_wait3A_73 : memref<1x60x128xf32, #tpu.memory_space<vmem>> -> memref<60x128xf32, #tpu.memory_space<vmem>>
      %dma_wait3A_75 = arith.constant 0 : i32
      %dma_wait3A_76 = tpu.memref_slice %arg7[%dma_wait3A_69, %dma_wait3A_75] : memref<25x60xi32, #tpu.memory_space<vmem>> -> memref<1x60xi32, #tpu.memory_space<vmem>>
      %dma_wait3A_77 = tpu.memref_squeeze %dma_wait3A_76 : memref<1x60xi32, #tpu.memory_space<vmem>> -> memref<60xi32, #tpu.memory_space<vmem>>
      %dma_wait3A_78 = arith.constant 0 : i32
      %dma_wait3A_79 = arith.constant 0 : i32
      %dma_wait3A_80 = tpu.memref_slice %arg9[%dma_wait3A_78, %dma_wait3A_79] : memref<12288x128xf32, #tpu.memory_space<vmem_shared>> -> memref<12288x128xf32, #tpu.memory_space<vmem_shared>>
      %dma_wait3A_81 = tpu.memref_slice %arg11[%dma_wait3A_70] : memref<3x!tpu.dma_semaphore, #tpu.memory_space<semaphore_mem>> -> memref<1x!tpu.dma_semaphore, #tpu.memory_space<semaphore_mem>>
      %dma_wait3A_82 = tpu.memref_squeeze %dma_wait3A_81 : memref<1x!tpu.dma_semaphore, #tpu.memory_space<semaphore_mem>> -> memref<!tpu.dma_semaphore, #tpu.memory_space<semaphore_mem>>
      tpu.wait_indirect_dma semaphore(%dma_wait3A_82 : memref<!tpu.dma_semaphore, #tpu.memory_space<semaphore_mem>>) src(%dma_wait3A_74 : memref<60x128xf32, #tpu.memory_space<vmem>>) dst(%dma_wait3A_80 : memref<12288x128xf32, #tpu.memory_space<vmem_shared>>)
      %dma_wait3A_83 = arith.constant 0 : i32
      %dma_wait3A_84 = arith.constant 24 : i32
      %dma_wait3A_85 = arith.constant 0 : i32
      %dma_wait3A_86 = arith.constant 0 : i32
      %dma_wait3A_87 = arith.constant 0 : i32
      %dma_wait3A_88 = tpu.memref_slice %arg8[%dma_wait3A_83, %dma_wait3A_86, %dma_wait3A_87] : memref<3x60x128xf32, #tpu.memory_space<vmem>> -> memref<1x60x128xf32, #tpu.memory_space<vmem>>
      %dma_wait3A_89 = tpu.memref_squeeze %dma_wait3A_88 : memref<1x60x128xf32, #tpu.memory_space<vmem>> -> memref<60x128xf32, #tpu.memory_space<vmem>>
      %dma_wait3A_90 = arith.constant 0 : i32
      %dma_wait3A_91 = tpu.memref_slice %arg7[%dma_wait3A_84, %dma_wait3A_90] : memref<25x60xi32, #tpu.memory_space<vmem>> -> memref<1x60xi32, #tpu.memory_space<vmem>>
      %dma_wait3A_92 = tpu.memref_squeeze %dma_wait3A_91 : memref<1x60xi32, #tpu.memory_space<vmem>> -> memref<60xi32, #tpu.memory_space<vmem>>
      %dma_wait3A_93 = arith.constant 0 : i32
      %dma_wait3A_94 = arith.constant 0 : i32
      %dma_wait3A_95 = tpu.memref_slice %arg9[%dma_wait3A_93, %dma_wait3A_94] : memref<12288x128xf32, #tpu.memory_space<vmem_shared>> -> memref<12288x128xf32, #tpu.memory_space<vmem_shared>>
      %dma_wait3A_96 = tpu.memref_slice %arg11[%dma_wait3A_85] : memref<3x!tpu.dma_semaphore, #tpu.memory_space<semaphore_mem>> -> memref<1x!tpu.dma_semaphore, #tpu.memory_space<semaphore_mem>>
      %dma_wait3A_97 = tpu.memref_squeeze %dma_wait3A_96 : memref<1x!tpu.dma_semaphore, #tpu.memory_space<semaphore_mem>> -> memref<!tpu.dma_semaphore, #tpu.memory_space<semaphore_mem>>
      tpu.wait_indirect_dma semaphore(%dma_wait3A_97 : memref<!tpu.dma_semaphore, #tpu.memory_space<semaphore_mem>>) src(%dma_wait3A_89 : memref<60x128xf32, #tpu.memory_space<vmem>>) dst(%dma_wait3A_95 : memref<12288x128xf32, #tpu.memory_space<vmem_shared>>)
    }
    %scan3A_9 = arith.constant 8 : i32
    %barrier3A_10 = arith.constant 0 : index
    tpu.barrier barrier_id(%barrier3A_10)
    %mul3A_11 = arith.constant 768 : i32
    %mul3A_12 = arith.muli %arg1, %mul3A_11 : i32
    %mul3A_13 = arith.constant 12288 : i32
    %mul3A_14 = arith.muli %arg0, %mul3A_13 : i32
    %mul3A_15 = arith.constant 768 : i32
    %mul3A_16 = arith.muli %arg1, %mul3A_15 : i32
    %add3A_17 = arith.addi %mul3A_14, %mul3A_16 : i32
    "tpu.region"() ({
      %run_scoped3A = tpu.sem_alloc : memref<!tpu.dma_semaphore, #tpu.memory_space<semaphore_mem>>
      %dma_start3A = arith.constant 0 : i32
      %dma_start3A_18 = tpu.memref_slice %arg5[%add3A_17, %dma_start3A] : memref<24576x128xf32, #tpu.memory_space<hbm>> -> memref<768x128xf32, #tpu.memory_space<hbm>>
      %dma_start3A_19 = arith.constant 0 : i32
      %dma_start3A_20 = tpu.memref_slice %arg9[%mul3A_12, %dma_start3A_19] : memref<12288x128xf32, #tpu.memory_space<vmem_shared>> -> memref<768x128xf32, #tpu.memory_space<vmem_shared>>
      tpu.enqueue_dma source(%dma_start3A_20 : memref<768x128xf32, #tpu.memory_space<vmem_shared>>) target(%dma_start3A_18 : memref<768x128xf32, #tpu.memory_space<hbm>>) target_semaphore(%run_scoped3A : memref<!tpu.dma_semaphore, #tpu.memory_space<semaphore_mem>>)
      %dma_wait3A = arith.constant 0 : i32
      %dma_wait3A_21 = tpu.memref_slice %arg5[%add3A_17, %dma_wait3A] : memref<24576x128xf32, #tpu.memory_space<hbm>> -> memref<768x128xf32, #tpu.memory_space<hbm>>
      %dma_wait3A_22 = arith.constant 0 : i32
      %dma_wait3A_23 = tpu.memref_slice %arg9[%mul3A_12, %dma_wait3A_22] : memref<12288x128xf32, #tpu.memory_space<vmem_shared>> -> memref<768x128xf32, #tpu.memory_space<vmem_shared>>
      tpu.wait_dma2 semaphore(%run_scoped3A : memref<!tpu.dma_semaphore, #tpu.memory_space<semaphore_mem>>) src(%dma_wait3A_23 : memref<768x128xf32, #tpu.memory_space<vmem_shared>>) dst(%dma_wait3A_21 : memref<768x128xf32, #tpu.memory_space<hbm>>)
      tpu.yield
    }) : () -> ()
    return
  }
}

#map = affine_map<(d0, d1) -> (0, 0)>
#map1 = affine_map<(d0, d1) -> (0, 0, 0, 0, 0)>
#map2 = affine_map<(d0, d1) -> (0, 0, 0, 0)>
module attributes {stable_mosaic.version = 14 : i64} {
  func.func @_gcn_sc(%arg0: i32, %arg1: i32, %arg2: memref<24576x128xf32, #tpu.memory_space<hbm>>, %arg3: memref<2x16x8x25x60xi32, #tpu.memory_space<hbm>>, %arg4: memref<16x8x25x60xi32, #tpu.memory_space<hbm>>, %arg5: memref<24576x128xf32, #tpu.memory_space<hbm>>, %arg6: memref<25x60xi32, #tpu.memory_space<vmem>>, %arg7: memref<25x60xi32, #tpu.memory_space<vmem>>, %arg8: memref<3x60x128xf32, #tpu.memory_space<vmem>>, %arg9: memref<12288x128xf32, #tpu.memory_space<vmem_shared>>, %arg10: memref<3x!tpu.dma_semaphore, #tpu.memory_space<semaphore_mem>>, %arg11: memref<3x!tpu.dma_semaphore, #tpu.memory_space<semaphore_mem>>) attributes {dimension_semantics = [#tpu.dimension_semantics<core_parallel>, #tpu.dimension_semantics<subcore_parallel>], iteration_bounds = array<i64: 2, 16>, scalar_prefetch = 0 : i64, scratch_operands = 6 : i64, tpu.core_type = #tpu.core_type<sc_vector_subcore>, window_params = [{transform_indices = #map}, {transform_indices = #map1}, {transform_indices = #map2}, {transform_indices = #map}]} {
    %mul3A = arith.constant 12288 : i32
    %mul3A_0 = arith.muli %arg0, %mul3A : i32
    %mul3A_1 = arith.constant 768 : i32
    %mul3A_2 = arith.muli %arg1, %mul3A_1 : i32
    %add3A = arith.addi %mul3A_0, %mul3A_2 : i32
    %mul3A_3 = arith.constant 768 : i32
    %mul3A_4 = arith.muli %arg1, %mul3A_3 : i32
    "tpu.region"() ({
      %run_scoped3A = tpu.sem_alloc : memref<!tpu.dma_semaphore, #tpu.memory_space<semaphore_mem>>
      %dma_start3A = arith.constant 0 : i32
      %dma_start3A_18 = tpu.memref_slice %arg9[%mul3A_4, %dma_start3A] : memref<12288x128xf32, #tpu.memory_space<vmem_shared>> -> memref<768x128xf32, #tpu.memory_space<vmem_shared>>
      %dma_start3A_19 = arith.constant 0 : i32
      %dma_start3A_20 = tpu.memref_slice %arg2[%add3A, %dma_start3A_19] : memref<24576x128xf32, #tpu.memory_space<hbm>> -> memref<768x128xf32, #tpu.memory_space<hbm>>
      tpu.enqueue_dma source(%dma_start3A_20 : memref<768x128xf32, #tpu.memory_space<hbm>>) target(%dma_start3A_18 : memref<768x128xf32, #tpu.memory_space<vmem_shared>>) target_semaphore(%run_scoped3A : memref<!tpu.dma_semaphore, #tpu.memory_space<semaphore_mem>>)
      %dma_wait3A = arith.constant 0 : i32
      %dma_wait3A_21 = tpu.memref_slice %arg9[%mul3A_4, %dma_wait3A] : memref<12288x128xf32, #tpu.memory_space<vmem_shared>> -> memref<768x128xf32, #tpu.memory_space<vmem_shared>>
      %dma_wait3A_22 = arith.constant 0 : i32
      %dma_wait3A_23 = tpu.memref_slice %arg2[%add3A, %dma_wait3A_22] : memref<24576x128xf32, #tpu.memory_space<hbm>> -> memref<768x128xf32, #tpu.memory_space<hbm>>
      tpu.wait_dma2 semaphore(%run_scoped3A : memref<!tpu.dma_semaphore, #tpu.memory_space<semaphore_mem>>) src(%dma_wait3A_23 : memref<768x128xf32, #tpu.memory_space<hbm>>) dst(%dma_wait3A_21 : memref<768x128xf32, #tpu.memory_space<vmem_shared>>)
      tpu.yield
    }) : () -> ()
    %barrier3A = arith.constant 0 : index
    tpu.barrier barrier_id(%barrier3A)
    %scan3A = arith.constant 0 : i32
    %scan3A_5 = arith.constant 0 : i32
    %scan3A_6 = arith.constant 8 : i32
    %scan3A_7 = arith.addi %scan3A_5, %scan3A_6 : i32
    %scan3A_8 = arith.constant 1 : i32
    scf.for %scan3A_18 = %scan3A_5 to %scan3A_7 step %scan3A_8  : i32 {
      "tpu.region"() ({
        %run_scoped3A = tpu.sem_alloc : memref<!tpu.dma_semaphore, #tpu.memory_space<semaphore_mem>>
        %dma_start3A_98 = arith.constant 0 : i32
        %dma_start3A_99 = arith.constant 0 : i32
        %dma_start3A_100 = tpu.memref_slice %arg3[%arg0, %arg1, %scan3A_18, %dma_start3A_98, %dma_start3A_99] : memref<2x16x8x25x60xi32, #tpu.memory_space<hbm>> -> memref<1x1x1x25x60xi32, #tpu.memory_space<hbm>>
        %dma_start3A_101 = tpu.memref_squeeze %dma_start3A_100 : memref<1x1x1x25x60xi32, #tpu.memory_space<hbm>> -> memref<25x60xi32, #tpu.memory_space<hbm>>
        %dma_start3A_102 = arith.constant 0 : i32
        %dma_start3A_103 = arith.constant 0 : i32
        %dma_start3A_104 = tpu.memref_slice %arg3[%arg0, %arg1, %scan3A_18, %dma_start3A_102, %dma_start3A_103] : memref<2x16x8x25x60xi32, #tpu.memory_space<hbm>> -> memref<1x1x1x25x60xi32, #tpu.memory_space<hbm>>
        %dma_start3A_105 = tpu.memref_squeeze %dma_start3A_104 : memref<1x1x1x25x60xi32, #tpu.memory_space<hbm>> -> memref<25x60xi32, #tpu.memory_space<hbm>>
        tpu.enqueue_dma source(%dma_start3A_105 : memref<25x60xi32, #tpu.memory_space<hbm>>) target(%arg6 : memref<25x60xi32, #tpu.memory_space<vmem>>) target_semaphore(%run_scoped3A : memref<!tpu.dma_semaphore, #tpu.memory_space<semaphore_mem>>)
        %dma_wait3A_106 = arith.constant 0 : i32
        %dma_wait3A_107 = arith.constant 0 : i32
        %dma_wait3A_108 = tpu.memref_slice %arg3[%arg0, %arg1, %scan3A_18, %dma_wait3A_106, %dma_wait3A_107] : memref<2x16x8x25x60xi32, #tpu.memory_space<hbm>> -> memref<1x1x1x25x60xi32, #tpu.memory_space<hbm>>
        %dma_wait3A_109 = tpu.memref_squeeze %dma_wait3A_108 : memref<1x1x1x25x60xi32, #tpu.memory_space<hbm>> -> memref<25x60xi32, #tpu.memory_space<hbm>>
        %dma_wait3A_110 = arith.constant 0 : i32
        %dma_wait3A_111 = arith.constant 0 : i32
        %dma_wait3A_112 = tpu.memref_slice %arg3[%arg0, %arg1, %scan3A_18, %dma_wait3A_110, %dma_wait3A_111] : memref<2x16x8x25x60xi32, #tpu.memory_space<hbm>> -> memref<1x1x1x25x60xi32, #tpu.memory_space<hbm>>
        %dma_wait3A_113 = tpu.memref_squeeze %dma_wait3A_112 : memref<1x1x1x25x60xi32, #tpu.memory_space<hbm>> -> memref<25x60xi32, #tpu.memory_space<hbm>>
        tpu.wait_dma2 semaphore(%run_scoped3A : memref<!tpu.dma_semaphore, #tpu.memory_space<semaphore_mem>>) src(%dma_wait3A_113 : memref<25x60xi32, #tpu.memory_space<hbm>>) dst(%arg6 : memref<25x60xi32, #tpu.memory_space<vmem>>)
        tpu.yield
      }) : () -> ()
      "tpu.region"() ({
        %run_scoped3A = tpu.sem_alloc : memref<!tpu.dma_semaphore, #tpu.memory_space<semaphore_mem>>
        %dma_start3A_98 = arith.constant 0 : i32
        %dma_start3A_99 = arith.constant 0 : i32
        %dma_start3A_100 = tpu.memref_slice %arg4[%arg1, %scan3A_18, %dma_start3A_98, %dma_start3A_99] : memref<16x8x25x60xi32, #tpu.memory_space<hbm>> -> memref<1x1x25x60xi32, #tpu.memory_space<hbm>>
        %dma_start3A_101 = tpu.memref_squeeze %dma_start3A_100 : memref<1x1x25x60xi32, #tpu.memory_space<hbm>> -> memref<25x60xi32, #tpu.memory_space<hbm>>
        %dma_start3A_102 = arith.constant 0 : i32
        %dma_start3A_103 = arith.constant 0 : i32
        %dma_start3A_104 = tpu.memref_slice %arg4[%arg1, %scan3A_18, %dma_start3A_102, %dma_start3A_103] : memref<16x8x25x60xi32, #tpu.memory_space<hbm>> -> memref<1x1x25x60xi32, #tpu.memory_space<hbm>>
        %dma_start3A_105 = tpu.memref_squeeze %dma_start3A_104 : memref<1x1x25x60xi32, #tpu.memory_space<hbm>> -> memref<25x60xi32, #tpu.memory_space<hbm>>
        tpu.enqueue_dma source(%dma_start3A_105 : memref<25x60xi32, #tpu.memory_space<hbm>>) target(%arg7 : memref<25x60xi32, #tpu.memory_space<vmem>>) target_semaphore(%run_scoped3A : memref<!tpu.dma_semaphore, #tpu.memory_space<semaphore_mem>>)
        %dma_wait3A_106 = arith.constant 0 : i32
        %dma_wait3A_107 = arith.constant 0 : i32
        %dma_wait3A_108 = tpu.memref_slice %arg4[%arg1, %scan3A_18, %dma_wait3A_106, %dma_wait3A_107] : memref<16x8x25x60xi32, #tpu.memory_space<hbm>> -> memref<1x1x25x60xi32, #tpu.memory_space<hbm>>
        %dma_wait3A_109 = tpu.memref_squeeze %dma_wait3A_108 : memref<1x1x25x60xi32, #tpu.memory_space<hbm>> -> memref<25x60xi32, #tpu.memory_space<hbm>>
        %dma_wait3A_110 = arith.constant 0 : i32
        %dma_wait3A_111 = arith.constant 0 : i32
        %dma_wait3A_112 = tpu.memref_slice %arg4[%arg1, %scan3A_18, %dma_wait3A_110, %dma_wait3A_111] : memref<16x8x25x60xi32, #tpu.memory_space<hbm>> -> memref<1x1x25x60xi32, #tpu.memory_space<hbm>>
        %dma_wait3A_113 = tpu.memref_squeeze %dma_wait3A_112 : memref<1x1x25x60xi32, #tpu.memory_space<hbm>> -> memref<25x60xi32, #tpu.memory_space<hbm>>
        tpu.wait_dma2 semaphore(%run_scoped3A : memref<!tpu.dma_semaphore, #tpu.memory_space<semaphore_mem>>) src(%dma_wait3A_113 : memref<25x60xi32, #tpu.memory_space<hbm>>) dst(%arg7 : memref<25x60xi32, #tpu.memory_space<vmem>>)
        tpu.yield
      }) : () -> ()
      %dma_start3A = arith.constant 0 : i32
      %dma_start3A_19 = arith.constant 0 : i32
      %dma_start3A_20 = arith.constant 0 : i32
      %dma_start3A_21 = arith.constant 0 : i32
      %dma_start3A_22 = arith.constant 0 : i32
      %dma_start3A_23 = tpu.memref_slice %arg8[%dma_start3A_19, %dma_start3A_21, %dma_start3A_22] : memref<3x60x128xf32, #tpu.memory_space<vmem>> -> memref<1x60x128xf32, #tpu.memory_space<vmem>>
      %dma_start3A_24 = tpu.memref_squeeze %dma_start3A_23 : memref<1x60x128xf32, #tpu.memory_space<vmem>> -> memref<60x128xf32, #tpu.memory_space<vmem>>
      %dma_start3A_25 = arith.constant 0 : i32
      %dma_start3A_26 = tpu.memref_slice %arg6[%dma_start3A, %dma_start3A_25] : memref<25x60xi32, #tpu.memory_space<vmem>> -> memref<1x60xi32, #tpu.memory_space<vmem>>
      %dma_start3A_27 = tpu.memref_squeeze %dma_start3A_26 : memref<1x60xi32, #tpu.memory_space<vmem>> -> memref<60xi32, #tpu.memory_space<vmem>>
      %dma_start3A_28 = arith.constant 0 : i32
      %dma_start3A_29 = arith.constant 0 : i32
      %dma_start3A_30 = tpu.memref_slice %arg2[%dma_start3A_28, %dma_start3A_29] : memref<24576x128xf32, #tpu.memory_space<hbm>> -> memref<24576x128xf32, #tpu.memory_space<hbm>>
      %dma_start3A_31 = tpu.memref_slice %arg10[%dma_start3A_20] : memref<3x!tpu.dma_semaphore, #tpu.memory_space<semaphore_mem>> -> memref<1x!tpu.dma_semaphore, #tpu.memory_space<semaphore_mem>>
      %dma_start3A_32 = tpu.memref_squeeze %dma_start3A_31 : memref<1x!tpu.dma_semaphore, #tpu.memory_space<semaphore_mem>> -> memref<!tpu.dma_semaphore, #tpu.memory_space<semaphore_mem>>
      tpu.enqueue_indirect_dma source(%dma_start3A_30 : memref<24576x128xf32, #tpu.memory_space<hbm>>) target(%dma_start3A_24 : memref<60x128xf32, #tpu.memory_space<vmem>>) offsets(%dma_start3A_27 : memref<60xi32, #tpu.memory_space<vmem>>) semaphore(%dma_start3A_32 : memref<!tpu.dma_semaphore, #tpu.memory_space<semaphore_mem>>)
      %dma_start3A_33 = arith.constant 1 : i32
      %dma_start3A_34 = arith.constant 1 : i32
      %dma_start3A_35 = arith.constant 1 : i32
      %dma_start3A_36 = arith.constant 0 : i32
      %dma_start3A_37 = arith.constant 0 : i32
      %dma_start3A_38 = tpu.memref_slice %arg8[%dma_start3A_34, %dma_start3A_36, %dma_start3A_37] : memref<3x60x128xf32, #tpu.memory_space<vmem>> -> memref<1x60x128xf32, #tpu.memory_space<vmem>>
      %dma_start3A_39 = tpu.memref_squeeze %dma_start3A_38 : memref<1x60x128xf32, #tpu.memory_space<vmem>> -> memref<60x128xf32, #tpu.memory_space<vmem>>
      %dma_start3A_40 = arith.constant 0 : i32
      %dma_start3A_41 = tpu.memref_slice %arg6[%dma_start3A_33, %dma_start3A_40] : memref<25x60xi32, #tpu.memory_space<vmem>> -> memref<1x60xi32, #tpu.memory_space<vmem>>
      %dma_start3A_42 = tpu.memref_squeeze %dma_start3A_41 : memref<1x60xi32, #tpu.memory_space<vmem>> -> memref<60xi32, #tpu.memory_space<vmem>>
      %dma_start3A_43 = arith.constant 0 : i32
      %dma_start3A_44 = arith.constant 0 : i32
      %dma_start3A_45 = tpu.memref_slice %arg2[%dma_start3A_43, %dma_start3A_44] : memref<24576x128xf32, #tpu.memory_space<hbm>> -> memref<24576x128xf32, #tpu.memory_space<hbm>>
      %dma_start3A_46 = tpu.memref_slice %arg10[%dma_start3A_35] : memref<3x!tpu.dma_semaphore, #tpu.memory_space<semaphore_mem>> -> memref<1x!tpu.dma_semaphore, #tpu.memory_space<semaphore_mem>>
      %dma_start3A_47 = tpu.memref_squeeze %dma_start3A_46 : memref<1x!tpu.dma_semaphore, #tpu.memory_space<semaphore_mem>> -> memref<!tpu.dma_semaphore, #tpu.memory_space<semaphore_mem>>
      tpu.enqueue_indirect_dma source(%dma_start3A_45 : memref<24576x128xf32, #tpu.memory_space<hbm>>) target(%dma_start3A_39 : memref<60x128xf32, #tpu.memory_space<vmem>>) offsets(%dma_start3A_42 : memref<60xi32, #tpu.memory_space<vmem>>) semaphore(%dma_start3A_47 : memref<!tpu.dma_semaphore, #tpu.memory_space<semaphore_mem>>)
      %scan3A_48 = arith.constant 0 : i32
      %scan3A_49 = arith.constant 0 : i32
      %scan3A_50 = arith.constant 25 : i32
      %scan3A_51 = arith.addi %scan3A_49, %scan3A_50 : i32
      %scan3A_52 = arith.constant 1 : i32
      scf.for %scan3A_98 = %scan3A_49 to %scan3A_51 step %scan3A_52  : i32 {
        %rem3A = arith.constant 3 : i32
        %rem3A_99 = arith.remsi %scan3A_98, %rem3A : i32
        %dma_wait3A_100 = arith.constant 0 : i32
        %dma_wait3A_101 = arith.constant 0 : i32
        %dma_wait3A_102 = tpu.memref_slice %arg8[%rem3A_99, %dma_wait3A_100, %dma_wait3A_101] : memref<3x60x128xf32, #tpu.memory_space<vmem>> -> memref<1x60x128xf32, #tpu.memory_space<vmem>>
        %dma_wait3A_103 = tpu.memref_squeeze %dma_wait3A_102 : memref<1x60x128xf32, #tpu.memory_space<vmem>> -> memref<60x128xf32, #tpu.memory_space<vmem>>
        %dma_wait3A_104 = arith.constant 0 : i32
        %dma_wait3A_105 = tpu.memref_slice %arg6[%scan3A_98, %dma_wait3A_104] : memref<25x60xi32, #tpu.memory_space<vmem>> -> memref<1x60xi32, #tpu.memory_space<vmem>>
        %dma_wait3A_106 = tpu.memref_squeeze %dma_wait3A_105 : memref<1x60xi32, #tpu.memory_space<vmem>> -> memref<60xi32, #tpu.memory_space<vmem>>
        %dma_wait3A_107 = arith.constant 0 : i32
        %dma_wait3A_108 = arith.constant 0 : i32
        %dma_wait3A_109 = tpu.memref_slice %arg2[%dma_wait3A_107, %dma_wait3A_108] : memref<24576x128xf32, #tpu.memory_space<hbm>> -> memref<24576x128xf32, #tpu.memory_space<hbm>>
        %dma_wait3A_110 = tpu.memref_slice %arg10[%rem3A_99] : memref<3x!tpu.dma_semaphore, #tpu.memory_space<semaphore_mem>> -> memref<1x!tpu.dma_semaphore, #tpu.memory_space<semaphore_mem>>
        %dma_wait3A_111 = tpu.memref_squeeze %dma_wait3A_110 : memref<1x!tpu.dma_semaphore, #tpu.memory_space<semaphore_mem>> -> memref<!tpu.dma_semaphore, #tpu.memory_space<semaphore_mem>>
        tpu.wait_indirect_dma semaphore(%dma_wait3A_111 : memref<!tpu.dma_semaphore, #tpu.memory_space<semaphore_mem>>) src(%dma_wait3A_109 : memref<24576x128xf32, #tpu.memory_space<hbm>>) dst(%dma_wait3A_103 : memref<60x128xf32, #tpu.memory_space<vmem>>)
        %dma_start3A_112 = arith.constant 0 : i32
        %dma_start3A_113 = arith.constant 0 : i32
        %dma_start3A_114 = tpu.memref_slice %arg8[%rem3A_99, %dma_start3A_112, %dma_start3A_113] : memref<3x60x128xf32, #tpu.memory_space<vmem>> -> memref<1x60x128xf32, #tpu.memory_space<vmem>>
        %dma_start3A_115 = tpu.memref_squeeze %dma_start3A_114 : memref<1x60x128xf32, #tpu.memory_space<vmem>> -> memref<60x128xf32, #tpu.memory_space<vmem>>
        %dma_start3A_116 = arith.constant 0 : i32
        %dma_start3A_117 = tpu.memref_slice %arg7[%scan3A_98, %dma_start3A_116] : memref<25x60xi32, #tpu.memory_space<vmem>> -> memref<1x60xi32, #tpu.memory_space<vmem>>
        %dma_start3A_118 = tpu.memref_squeeze %dma_start3A_117 : memref<1x60xi32, #tpu.memory_space<vmem>> -> memref<60xi32, #tpu.memory_space<vmem>>
        %dma_start3A_119 = arith.constant 0 : i32
        %dma_start3A_120 = arith.constant 0 : i32
        %dma_start3A_121 = tpu.memref_slice %arg9[%dma_start3A_119, %dma_start3A_120] : memref<12288x128xf32, #tpu.memory_space<vmem_shared>> -> memref<12288x128xf32, #tpu.memory_space<vmem_shared>>
        %dma_start3A_122 = tpu.memref_slice %arg11[%rem3A_99] : memref<3x!tpu.dma_semaphore, #tpu.memory_space<semaphore_mem>> -> memref<1x!tpu.dma_semaphore, #tpu.memory_space<semaphore_mem>>
        %dma_start3A_123 = tpu.memref_squeeze %dma_start3A_122 : memref<1x!tpu.dma_semaphore, #tpu.memory_space<semaphore_mem>> -> memref<!tpu.dma_semaphore, #tpu.memory_space<semaphore_mem>>
        tpu.enqueue_indirect_dma source(%dma_start3A_115 : memref<60x128xf32, #tpu.memory_space<vmem>>) target(%dma_start3A_121 : memref<12288x128xf32, #tpu.memory_space<vmem_shared>>) offsets(%dma_start3A_118 : memref<60xi32, #tpu.memory_space<vmem>>) semaphore(%dma_start3A_123 : memref<!tpu.dma_semaphore, #tpu.memory_space<semaphore_mem>>) {add = true}
        %add3A_124 = arith.constant 2 : i32
        %add3A_125 = arith.addi %scan3A_98, %add3A_124 : i32
        %lt3A = arith.constant 25 : i32
        %lt3A_126 = arith.cmpi slt, %add3A_125, %lt3A : i32
        %convert_element_type3A = arith.extui %lt3A_126 : i1 to i32
        %cond3A = arith.constant 0 : i32
        %cond3A_127 = arith.cmpi ne, %convert_element_type3A, %cond3A : i32
        scf.if %cond3A_127 {
          %add3A_128 = arith.constant 2 : i32
          %add3A_129 = arith.addi %scan3A_98, %add3A_128 : i32
          %rem3A_130 = arith.constant 3 : i32
          %rem3A_131 = arith.remsi %add3A_129, %rem3A_130 : i32
          %gt3A = arith.constant 0 : i32
          %gt3A_132 = arith.cmpi sgt, %scan3A_98, %gt3A : i32
          %convert_element_type3A_133 = arith.extui %gt3A_132 : i1 to i32
          %cond3A_134 = arith.constant 0 : i32
          %cond3A_135 = arith.cmpi ne, %convert_element_type3A_133, %cond3A_134 : i32
          scf.if %cond3A_135 {
            %sub3A = arith.constant 1 : i32
            %sub3A_150 = arith.subi %scan3A_98, %sub3A : i32
            %dma_wait3A_151 = arith.constant 0 : i32
            %dma_wait3A_152 = arith.constant 0 : i32
            %dma_wait3A_153 = tpu.memref_slice %arg8[%rem3A_131, %dma_wait3A_151, %dma_wait3A_152] : memref<3x60x128xf32, #tpu.memory_space<vmem>> -> memref<1x60x128xf32, #tpu.memory_space<vmem>>
            %dma_wait3A_154 = tpu.memref_squeeze %dma_wait3A_153 : memref<1x60x128xf32, #tpu.memory_space<vmem>> -> memref<60x128xf32, #tpu.memory_space<vmem>>
            %dma_wait3A_155 = arith.constant 0 : i32
            %dma_wait3A_156 = tpu.memref_slice %arg7[%sub3A_150, %dma_wait3A_155] : memref<25x60xi32, #tpu.memory_space<vmem>> -> memref<1x60xi32, #tpu.memory_space<vmem>>
            %dma_wait3A_157 = tpu.memref_squeeze %dma_wait3A_156 : memref<1x60xi32, #tpu.memory_space<vmem>> -> memref<60xi32, #tpu.memory_space<vmem>>
            %dma_wait3A_158 = arith.constant 0 : i32
            %dma_wait3A_159 = arith.constant 0 : i32
            %dma_wait3A_160 = tpu.memref_slice %arg9[%dma_wait3A_158, %dma_wait3A_159] : memref<12288x128xf32, #tpu.memory_space<vmem_shared>> -> memref<12288x128xf32, #tpu.memory_space<vmem_shared>>
            %dma_wait3A_161 = tpu.memref_slice %arg11[%rem3A_131] : memref<3x!tpu.dma_semaphore, #tpu.memory_space<semaphore_mem>> -> memref<1x!tpu.dma_semaphore, #tpu.memory_space<semaphore_mem>>
            %dma_wait3A_162 = tpu.memref_squeeze %dma_wait3A_161 : memref<1x!tpu.dma_semaphore, #tpu.memory_space<semaphore_mem>> -> memref<!tpu.dma_semaphore, #tpu.memory_space<semaphore_mem>>
            tpu.wait_indirect_dma semaphore(%dma_wait3A_162 : memref<!tpu.dma_semaphore, #tpu.memory_space<semaphore_mem>>) src(%dma_wait3A_154 : memref<60x128xf32, #tpu.memory_space<vmem>>) dst(%dma_wait3A_160 : memref<12288x128xf32, #tpu.memory_space<vmem_shared>>)
          } else {
          }
          %add3A_136 = arith.constant 2 : i32
          %add3A_137 = arith.addi %scan3A_98, %add3A_136 : i32
          %dma_start3A_138 = arith.constant 0 : i32
          %dma_start3A_139 = arith.constant 0 : i32
          %dma_start3A_140 = tpu.memref_slice %arg8[%rem3A_131, %dma_start3A_138, %dma_start3A_139] : memref<3x60x128xf32, #tpu.memory_space<vmem>> -> memref<1x60x128xf32, #tpu.memory_space<vmem>>
          %dma_start3A_141 = tpu.memref_squeeze %dma_start3A_140 : memref<1x60x128xf32, #tpu.memory_space<vmem>> -> memref<60x128xf32, #tpu.memory_space<vmem>>
          %dma_start3A_142 = arith.constant 0 : i32
          %dma_start3A_143 = tpu.memref_slice %arg6[%add3A_137, %dma_start3A_142] : memref<25x60xi32, #tpu.memory_space<vmem>> -> memref<1x60xi32, #tpu.memory_space<vmem>>
          %dma_start3A_144 = tpu.memref_squeeze %dma_start3A_143 : memref<1x60xi32, #tpu.memory_space<vmem>> -> memref<60xi32, #tpu.memory_space<vmem>>
          %dma_start3A_145 = arith.constant 0 : i32
          %dma_start3A_146 = arith.constant 0 : i32
          %dma_start3A_147 = tpu.memref_slice %arg2[%dma_start3A_145, %dma_start3A_146] : memref<24576x128xf32, #tpu.memory_space<hbm>> -> memref<24576x128xf32, #tpu.memory_space<hbm>>
          %dma_start3A_148 = tpu.memref_slice %arg10[%rem3A_131] : memref<3x!tpu.dma_semaphore, #tpu.memory_space<semaphore_mem>> -> memref<1x!tpu.dma_semaphore, #tpu.memory_space<semaphore_mem>>
          %dma_start3A_149 = tpu.memref_squeeze %dma_start3A_148 : memref<1x!tpu.dma_semaphore, #tpu.memory_space<semaphore_mem>> -> memref<!tpu.dma_semaphore, #tpu.memory_space<semaphore_mem>>
          tpu.enqueue_indirect_dma source(%dma_start3A_147 : memref<24576x128xf32, #tpu.memory_space<hbm>>) target(%dma_start3A_141 : memref<60x128xf32, #tpu.memory_space<vmem>>) offsets(%dma_start3A_144 : memref<60xi32, #tpu.memory_space<vmem>>) semaphore(%dma_start3A_149 : memref<!tpu.dma_semaphore, #tpu.memory_space<semaphore_mem>>)
        } else {
        }
      }
      %scan3A_53 = arith.constant 25 : i32
      %dma_wait3A = arith.constant 1 : i32
      %dma_wait3A_54 = arith.constant 22 : i32
      %dma_wait3A_55 = arith.constant 1 : i32
      %dma_wait3A_56 = arith.constant 0 : i32
      %dma_wait3A_57 = arith.constant 0 : i32
      %dma_wait3A_58 = tpu.memref_slice %arg8[%dma_wait3A, %dma_wait3A_56, %dma_wait3A_57] : memref<3x60x128xf32, #tpu.memory_space<vmem>> -> memref<1x60x128xf32, #tpu.memory_space<vmem>>
      %dma_wait3A_59 = tpu.memref_squeeze %dma_wait3A_58 : memref<1x60x128xf32, #tpu.memory_space<vmem>> -> memref<60x128xf32, #tpu.memory_space<vmem>>
      %dma_wait3A_60 = arith.constant 0 : i32
      %dma_wait3A_61 = tpu.memref_slice %arg7[%dma_wait3A_54, %dma_wait3A_60] : memref<25x60xi32, #tpu.memory_space<vmem>> -> memref<1x60xi32, #tpu.memory_space<vmem>>
      %dma_wait3A_62 = tpu.memref_squeeze %dma_wait3A_61 : memref<1x60xi32, #tpu.memory_space<vmem>> -> memref<60xi32, #tpu.memory_space<vmem>>
      %dma_wait3A_63 = arith.constant 0 : i32
      %dma_wait3A_64 = arith.constant 0 : i32
      %dma_wait3A_65 = tpu.memref_slice %arg9[%dma_wait3A_63, %dma_wait3A_64] : memref<12288x128xf32, #tpu.memory_space<vmem_shared>> -> memref<12288x128xf32, #tpu.memory_space<vmem_shared>>
      %dma_wait3A_66 = tpu.memref_slice %arg11[%dma_wait3A_55] : memref<3x!tpu.dma_semaphore, #tpu.memory_space<semaphore_mem>> -> memref<1x!tpu.dma_semaphore, #tpu.memory_space<semaphore_mem>>
      %dma_wait3A_67 = tpu.memref_squeeze %dma_wait3A_66 : memref<1x!tpu.dma_semaphore, #tpu.memory_space<semaphore_mem>> -> memref<!tpu.dma_semaphore, #tpu.memory_space<semaphore_mem>>
      tpu.wait_indirect_dma semaphore(%dma_wait3A_67 : memref<!tpu.dma_semaphore, #tpu.memory_space<semaphore_mem>>) src(%dma_wait3A_59 : memref<60x128xf32, #tpu.memory_space<vmem>>) dst(%dma_wait3A_65 : memref<12288x128xf32, #tpu.memory_space<vmem_shared>>)
      %dma_wait3A_68 = arith.constant 2 : i32
      %dma_wait3A_69 = arith.constant 23 : i32
      %dma_wait3A_70 = arith.constant 2 : i32
      %dma_wait3A_71 = arith.constant 0 : i32
      %dma_wait3A_72 = arith.constant 0 : i32
      %dma_wait3A_73 = tpu.memref_slice %arg8[%dma_wait3A_68, %dma_wait3A_71, %dma_wait3A_72] : memref<3x60x128xf32, #tpu.memory_space<vmem>> -> memref<1x60x128xf32, #tpu.memory_space<vmem>>
      %dma_wait3A_74 = tpu.memref_squeeze %dma_wait3A_73 : memref<1x60x128xf32, #tpu.memory_space<vmem>> -> memref<60x128xf32, #tpu.memory_space<vmem>>
      %dma_wait3A_75 = arith.constant 0 : i32
      %dma_wait3A_76 = tpu.memref_slice %arg7[%dma_wait3A_69, %dma_wait3A_75] : memref<25x60xi32, #tpu.memory_space<vmem>> -> memref<1x60xi32, #tpu.memory_space<vmem>>
      %dma_wait3A_77 = tpu.memref_squeeze %dma_wait3A_76 : memref<1x60xi32, #tpu.memory_space<vmem>> -> memref<60xi32, #tpu.memory_space<vmem>>
      %dma_wait3A_78 = arith.constant 0 : i32
      %dma_wait3A_79 = arith.constant 0 : i32
      %dma_wait3A_80 = tpu.memref_slice %arg9[%dma_wait3A_78, %dma_wait3A_79] : memref<12288x128xf32, #tpu.memory_space<vmem_shared>> -> memref<12288x128xf32, #tpu.memory_space<vmem_shared>>
      %dma_wait3A_81 = tpu.memref_slice %arg11[%dma_wait3A_70] : memref<3x!tpu.dma_semaphore, #tpu.memory_space<semaphore_mem>> -> memref<1x!tpu.dma_semaphore, #tpu.memory_space<semaphore_mem>>
      %dma_wait3A_82 = tpu.memref_squeeze %dma_wait3A_81 : memref<1x!tpu.dma_semaphore, #tpu.memory_space<semaphore_mem>> -> memref<!tpu.dma_semaphore, #tpu.memory_space<semaphore_mem>>
      tpu.wait_indirect_dma semaphore(%dma_wait3A_82 : memref<!tpu.dma_semaphore, #tpu.memory_space<semaphore_mem>>) src(%dma_wait3A_74 : memref<60x128xf32, #tpu.memory_space<vmem>>) dst(%dma_wait3A_80 : memref<12288x128xf32, #tpu.memory_space<vmem_shared>>)
      %dma_wait3A_83 = arith.constant 0 : i32
      %dma_wait3A_84 = arith.constant 24 : i32
      %dma_wait3A_85 = arith.constant 0 : i32
      %dma_wait3A_86 = arith.constant 0 : i32
      %dma_wait3A_87 = arith.constant 0 : i32
      %dma_wait3A_88 = tpu.memref_slice %arg8[%dma_wait3A_83, %dma_wait3A_86, %dma_wait3A_87] : memref<3x60x128xf32, #tpu.memory_space<vmem>> -> memref<1x60x128xf32, #tpu.memory_space<vmem>>
      %dma_wait3A_89 = tpu.memref_squeeze %dma_wait3A_88 : memref<1x60x128xf32, #tpu.memory_space<vmem>> -> memref<60x128xf32, #tpu.memory_space<vmem>>
      %dma_wait3A_90 = arith.constant 0 : i32
      %dma_wait3A_91 = tpu.memref_slice %arg7[%dma_wait3A_84, %dma_wait3A_90] : memref<25x60xi32, #tpu.memory_space<vmem>> -> memref<1x60xi32, #tpu.memory_space<vmem>>
      %dma_wait3A_92 = tpu.memref_squeeze %dma_wait3A_91 : memref<1x60xi32, #tpu.memory_space<vmem>> -> memref<60xi32, #tpu.memory_space<vmem>>
      %dma_wait3A_93 = arith.constant 0 : i32
      %dma_wait3A_94 = arith.constant 0 : i32
      %dma_wait3A_95 = tpu.memref_slice %arg9[%dma_wait3A_93, %dma_wait3A_94] : memref<12288x128xf32, #tpu.memory_space<vmem_shared>> -> memref<12288x128xf32, #tpu.memory_space<vmem_shared>>
      %dma_wait3A_96 = tpu.memref_slice %arg11[%dma_wait3A_85] : memref<3x!tpu.dma_semaphore, #tpu.memory_space<semaphore_mem>> -> memref<1x!tpu.dma_semaphore, #tpu.memory_space<semaphore_mem>>
      %dma_wait3A_97 = tpu.memref_squeeze %dma_wait3A_96 : memref<1x!tpu.dma_semaphore, #tpu.memory_space<semaphore_mem>> -> memref<!tpu.dma_semaphore, #tpu.memory_space<semaphore_mem>>
      tpu.wait_indirect_dma semaphore(%dma_wait3A_97 : memref<!tpu.dma_semaphore, #tpu.memory_space<semaphore_mem>>) src(%dma_wait3A_89 : memref<60x128xf32, #tpu.memory_space<vmem>>) dst(%dma_wait3A_95 : memref<12288x128xf32, #tpu.memory_space<vmem_shared>>)
    }
    %scan3A_9 = arith.constant 8 : i32
    %barrier3A_10 = arith.constant 0 : index
    tpu.barrier barrier_id(%barrier3A_10)
    %mul3A_11 = arith.constant 768 : i32
    %mul3A_12 = arith.muli %arg1, %mul3A_11 : i32
    %mul3A_13 = arith.constant 12288 : i32
    %mul3A_14 = arith.muli %arg0, %mul3A_13 : i32
    %mul3A_15 = arith.constant 768 : i32
    %mul3A_16 = arith.muli %arg1, %mul3A_15 : i32
    %add3A_17 = arith.addi %mul3A_14, %mul3A_16 : i32
    "tpu.region"() ({
      %run_scoped3A = tpu.sem_alloc : memref<!tpu.dma_semaphore, #tpu.memory_space<semaphore_mem>>
      %dma_start3A = arith.constant 0 : i32
      %dma_start3A_18 = tpu.memref_slice %arg5[%add3A_17, %dma_start3A] : memref<24576x128xf32, #tpu.memory_space<hbm>> -> memref<768x128xf32, #tpu.memory_space<hbm>>
      %dma_start3A_19 = arith.constant 0 : i32
      %dma_start3A_20 = tpu.memref_slice %arg9[%mul3A_12, %dma_start3A_19] : memref<12288x128xf32, #tpu.memory_space<vmem_shared>> -> memref<768x128xf32, #tpu.memory_space<vmem_shared>>
      tpu.enqueue_dma source(%dma_start3A_20 : memref<768x128xf32, #tpu.memory_space<vmem_shared>>) target(%dma_start3A_18 : memref<768x128xf32, #tpu.memory_space<hbm>>) target_semaphore(%run_scoped3A : memref<!tpu.dma_semaphore, #tpu.memory_space<semaphore_mem>>)
      %dma_wait3A = arith.constant 0 : i32
      %dma_wait3A_21 = tpu.memref_slice %arg5[%add3A_17, %dma_wait3A] : memref<24576x128xf32, #tpu.memory_space<hbm>> -> memref<768x128xf32, #tpu.memory_space<hbm>>
      %dma_wait3A_22 = arith.constant 0 : i32
      %dma_wait3A_23 = tpu.memref_slice %arg9[%mul3A_12, %dma_wait3A_22] : memref<12288x128xf32, #tpu.memory_space<vmem_shared>> -> memref<768x128xf32, #tpu.memory_space<vmem_shared>>
      tpu.wait_dma2 semaphore(%run_scoped3A : memref<!tpu.dma_semaphore, #tpu.memory_space<semaphore_mem>>) src(%dma_wait3A_23 : memref<768x128xf32, #tpu.memory_space<vmem_shared>>) dst(%dma_wait3A_21 : memref<768x128xf32, #tpu.memory_space<hbm>>)
      tpu.yield
    }) : () -> ()
    return
  }
}

#map = affine_map<(d0, d1) -> (0)>
#map1 = affine_map<(d0, d1) -> (0, 0)>
module attributes {stable_mosaic.version = 14 : i64} {
  func.func @_deg_sc(%arg0: i32, %arg1: i32, %arg2: memref<192000xi32, #tpu.memory_space<hbm>>, %arg3: memref<12288xi32, #tpu.memory_space<hbm>>, %arg4: memref<2x12288xf32, #tpu.memory_space<hbm>>, %arg5: memref<2x2048xf32, #tpu.memory_space<hbm>>, %arg6: memref<6000xi32, #tpu.memory_space<vmem>>, %arg7: memref<384xi32, #tpu.memory_space<vmem>>, %arg8: memref<12288xf32, #tpu.memory_space<vmem>>, %arg9: memref<2048xf32, #tpu.memory_space<vmem>>, %arg10: memref<16x768xf32, #tpu.memory_space<vmem>>, %arg11: memref<768xf32, #tpu.memory_space<vmem>>, %arg12: memref<16x128xf32, #tpu.memory_space<vmem>>, %arg13: memref<128xf32, #tpu.memory_space<vmem>>, %arg14: memref<16x12288xf32, #tpu.memory_space<vmem_shared>>, %arg15: memref<16x2048xf32, #tpu.memory_space<vmem_shared>>) attributes {dimension_semantics = [#tpu.dimension_semantics<core_parallel>, #tpu.dimension_semantics<subcore_parallel>], iteration_bounds = array<i64: 2, 16>, scalar_prefetch = 0 : i64, scratch_operands = 10 : i64, tpu.core_type = #tpu.core_type<sc_vector_subcore>, window_params = [{transform_indices = #map}, {transform_indices = #map}, {transform_indices = #map1}, {transform_indices = #map1}]} {
    %mul3A = arith.constant 96000 : i32
    %mul3A_0 = arith.muli %arg0, %mul3A : i32
    %mul3A_1 = arith.constant 6000 : i32
    %mul3A_2 = arith.muli %arg1, %mul3A_1 : i32
    %add3A = arith.addi %mul3A_0, %mul3A_2 : i32
    "tpu.region"() ({
      %run_scoped3A = tpu.sem_alloc : memref<!tpu.dma_semaphore, #tpu.memory_space<semaphore_mem>>
      %dma_start3A = tpu.memref_slice %arg2[%add3A] : memref<192000xi32, #tpu.memory_space<hbm>> -> memref<6000xi32, #tpu.memory_space<hbm>>
      %dma_start3A_54 = tpu.memref_slice %arg2[%add3A] : memref<192000xi32, #tpu.memory_space<hbm>> -> memref<6000xi32, #tpu.memory_space<hbm>>
      tpu.enqueue_dma source(%dma_start3A_54 : memref<6000xi32, #tpu.memory_space<hbm>>) target(%arg6 : memref<6000xi32, #tpu.memory_space<vmem>>) target_semaphore(%run_scoped3A : memref<!tpu.dma_semaphore, #tpu.memory_space<semaphore_mem>>)
      %dma_wait3A = tpu.memref_slice %arg2[%add3A] : memref<192000xi32, #tpu.memory_space<hbm>> -> memref<6000xi32, #tpu.memory_space<hbm>>
      %dma_wait3A_55 = tpu.memref_slice %arg2[%add3A] : memref<192000xi32, #tpu.memory_space<hbm>> -> memref<6000xi32, #tpu.memory_space<hbm>>
      tpu.wait_dma2 semaphore(%run_scoped3A : memref<!tpu.dma_semaphore, #tpu.memory_space<semaphore_mem>>) src(%dma_wait3A_55 : memref<6000xi32, #tpu.memory_space<hbm>>) dst(%arg6 : memref<6000xi32, #tpu.memory_space<vmem>>)
      tpu.yield
    }) : () -> ()
    %mul3A_3 = arith.constant 6144 : i32
    %mul3A_4 = arith.muli %arg0, %mul3A_3 : i32
    %mul3A_5 = arith.constant 384 : i32
    %mul3A_6 = arith.muli %arg1, %mul3A_5 : i32
    %add3A_7 = arith.addi %mul3A_4, %mul3A_6 : i32
    "tpu.region"() ({
      %run_scoped3A = tpu.sem_alloc : memref<!tpu.dma_semaphore, #tpu.memory_space<semaphore_mem>>
      %dma_start3A = tpu.memref_slice %arg3[%add3A_7] : memref<12288xi32, #tpu.memory_space<hbm>> -> memref<384xi32, #tpu.memory_space<hbm>>
      %dma_start3A_54 = tpu.memref_slice %arg3[%add3A_7] : memref<12288xi32, #tpu.memory_space<hbm>> -> memref<384xi32, #tpu.memory_space<hbm>>
      tpu.enqueue_dma source(%dma_start3A_54 : memref<384xi32, #tpu.memory_space<hbm>>) target(%arg7 : memref<384xi32, #tpu.memory_space<vmem>>) target_semaphore(%run_scoped3A : memref<!tpu.dma_semaphore, #tpu.memory_space<semaphore_mem>>)
      %dma_wait3A = tpu.memref_slice %arg3[%add3A_7] : memref<12288xi32, #tpu.memory_space<hbm>> -> memref<384xi32, #tpu.memory_space<hbm>>
      %dma_wait3A_55 = tpu.memref_slice %arg3[%add3A_7] : memref<12288xi32, #tpu.memory_space<hbm>> -> memref<384xi32, #tpu.memory_space<hbm>>
      tpu.wait_dma2 semaphore(%run_scoped3A : memref<!tpu.dma_semaphore, #tpu.memory_space<semaphore_mem>>) src(%dma_wait3A_55 : memref<384xi32, #tpu.memory_space<hbm>>) dst(%arg7 : memref<384xi32, #tpu.memory_space<vmem>>)
      tpu.yield
    }) : () -> ()
    %broadcast_in_dim3A = arith.constant 0.000000e+00 : f32
    %broadcast_in_dim3A_8 = vector.broadcast %broadcast_in_dim3A : f32 to vector<16xf32>
    %broadcast_in_dim3A_9 = arith.constant 1.000000e+00 : f32
    %broadcast_in_dim3A_10 = vector.broadcast %broadcast_in_dim3A_9 : f32 to vector<16xf32>
    %scan3A = arith.constant 0 : i32
    %scan3A_11 = arith.constant 0 : i32
    %scan3A_12 = arith.constant 768 : i32
    %scan3A_13 = arith.addi %scan3A_11, %scan3A_12 : i32
    %scan3A_14 = arith.constant 1 : i32
    scf.for %scan3A_54 = %scan3A_11 to %scan3A_13 step %scan3A_14  : i32 {
      %mul3A_55 = arith.constant 16 : i32
      %mul3A_56 = arith.muli %scan3A_54, %mul3A_55 : i32
      %swap3A = arith.index_cast %mul3A_56 : i32 to index
      %swap3A_57 = tpu.vector_load %arg8[%swap3A] {strides = array<i32>} : memref<12288xf32, #tpu.memory_space<vmem>>, vector<16xf32>,
      tpu.vector_store %arg8[%swap3A], %broadcast_in_dim3A_8 {strides = array<i32>} : memref<12288xf32, #tpu.memory_space<vmem>>, vector<16xf32>,
    }
    %scan3A_15 = arith.constant 768 : i32
    %scan3A_16 = arith.constant 0 : i32
    %scan3A_17 = arith.constant 0 : i32
    %scan3A_18 = arith.constant 128 : i32
    %scan3A_19 = arith.addi %scan3A_17, %scan3A_18 : i32
    %scan3A_20 = arith.constant 1 : i32
    scf.for %scan3A_54 = %scan3A_17 to %scan3A_19 step %scan3A_20  : i32 {
      %mul3A_55 = arith.constant 16 : i32
      %mul3A_56 = arith.muli %scan3A_54, %mul3A_55 : i32
      %swap3A = arith.index_cast %mul3A_56 : i32 to index
      %swap3A_57 = tpu.vector_load %arg9[%swap3A] {strides = array<i32>} : memref<2048xf32, #tpu.memory_space<vmem>>, vector<16xf32>,
      tpu.vector_store %arg9[%swap3A], %broadcast_in_dim3A_8 {strides = array<i32>} : memref<2048xf32, #tpu.memory_space<vmem>>, vector<16xf32>,
    }
    %scan3A_21 = arith.constant 128 : i32
    %scan3A_22 = arith.constant 0 : i32
    %scan3A_23 = arith.constant 0 : i32
    %scan3A_24 = arith.constant 375 : i32
    %scan3A_25 = arith.addi %scan3A_23, %scan3A_24 : i32
    %scan3A_26 = arith.constant 1 : i32
    scf.for %scan3A_54 = %scan3A_23 to %scan3A_25 step %scan3A_26  : i32 {
      %mul3A_55 = arith.constant 16 : i32
      %mul3A_56 = arith.muli %scan3A_54, %mul3A_55 : i32
      %get3A = arith.index_cast %mul3A_56 : i32 to index
      %get3A_57 = tpu.vector_load %arg6[%get3A] {strides = array<i32>} : memref<6000xi32, #tpu.memory_space<vmem>>, vector<16xi32>,
      tpu.vector_store_idx %arg8[%get3A_57], %broadcast_in_dim3A_10 {add = true} : memref<12288xf32, #tpu.memory_space<vmem>>[vector<16xi32>], vector<16xf32>,
    }
    %scan3A_27 = arith.constant 375 : i32
    %scan3A_28 = arith.constant 0 : i32
    %scan3A_29 = arith.constant 0 : i32
    %scan3A_30 = arith.constant 24 : i32
    %scan3A_31 = arith.addi %scan3A_29, %scan3A_30 : i32
    %scan3A_32 = arith.constant 1 : i32
    scf.for %scan3A_54 = %scan3A_29 to %scan3A_31 step %scan3A_32  : i32 {
      %mul3A_55 = arith.constant 16 : i32
      %mul3A_56 = arith.muli %scan3A_54, %mul3A_55 : i32
      %get3A = arith.index_cast %mul3A_56 : i32 to index
      %get3A_57 = tpu.vector_load %arg7[%get3A] {strides = array<i32>} : memref<384xi32, #tpu.memory_space<vmem>>, vector<16xi32>,
      tpu.vector_store_idx %arg9[%get3A_57], %broadcast_in_dim3A_10 {add = true} : memref<2048xf32, #tpu.memory_space<vmem>>[vector<16xi32>], vector<16xf32>,
    }
    %scan3A_33 = arith.constant 24 : i32
    "tpu.region"() ({
      %run_scoped3A = tpu.sem_alloc : memref<!tpu.dma_semaphore, #tpu.memory_space<semaphore_mem>>
      %dma_start3A = arith.constant 0 : i32
      %dma_start3A_54 = tpu.memref_slice %arg14[%arg1, %dma_start3A] : memref<16x12288xf32, #tpu.memory_space<vmem_shared>> -> memref<1x12288xf32, #tpu.memory_space<vmem_shared>>
      %dma_start3A_55 = tpu.memref_squeeze %dma_start3A_54 : memref<1x12288xf32, #tpu.memory_space<vmem_shared>> -> memref<12288xf32, #tpu.memory_space<vmem_shared>>
      %dma_start3A_56 = arith.constant 0 : i32
      %dma_start3A_57 = tpu.memref_slice %arg14[%arg1, %dma_start3A_56] : memref<16x12288xf32, #tpu.memory_space<vmem_shared>> -> memref<1x12288xf32, #tpu.memory_space<vmem_shared>>
      %dma_start3A_58 = tpu.memref_squeeze %dma_start3A_57 : memref<1x12288xf32, #tpu.memory_space<vmem_shared>> -> memref<12288xf32, #tpu.memory_space<vmem_shared>>
      tpu.enqueue_dma source(%arg8 : memref<12288xf32, #tpu.memory_space<vmem>>) target(%dma_start3A_58 : memref<12288xf32, #tpu.memory_space<vmem_shared>>) target_semaphore(%run_scoped3A : memref<!tpu.dma_semaphore, #tpu.memory_space<semaphore_mem>>)
      %dma_wait3A = arith.constant 0 : i32
      %dma_wait3A_59 = tpu.memref_slice %arg14[%arg1, %dma_wait3A] : memref<16x12288xf32, #tpu.memory_space<vmem_shared>> -> memref<1x12288xf32, #tpu.memory_space<vmem_shared>>
      %dma_wait3A_60 = tpu.memref_squeeze %dma_wait3A_59 : memref<1x12288xf32, #tpu.memory_space<vmem_shared>> -> memref<12288xf32, #tpu.memory_space<vmem_shared>>
      %dma_wait3A_61 = arith.constant 0 : i32
      %dma_wait3A_62 = tpu.memref_slice %arg14[%arg1, %dma_wait3A_61] : memref<16x12288xf32, #tpu.memory_space<vmem_shared>> -> memref<1x12288xf32, #tpu.memory_space<vmem_shared>>
      %dma_wait3A_63 = tpu.memref_squeeze %dma_wait3A_62 : memref<1x12288xf32, #tpu.memory_space<vmem_shared>> -> memref<12288xf32, #tpu.memory_space<vmem_shared>>
      tpu.wait_dma2 semaphore(%run_scoped3A : memref<!tpu.dma_semaphore, #tpu.memory_space<semaphore_mem>>) src(%arg8 : memref<12288xf32, #tpu.memory_space<vmem>>) dst(%dma_wait3A_63 : memref<12288xf32, #tpu.memory_space<vmem_shared>>)
      tpu.yield
    }) : () -> ()
    "tpu.region"() ({
      %run_scoped3A = tpu.sem_alloc : memref<!tpu.dma_semaphore, #tpu.memory_space<semaphore_mem>>
      %dma_start3A = arith.constant 0 : i32
      %dma_start3A_54 = tpu.memref_slice %arg15[%arg1, %dma_start3A] : memref<16x2048xf32, #tpu.memory_space<vmem_shared>> -> memref<1x2048xf32, #tpu.memory_space<vmem_shared>>
      %dma_start3A_55 = tpu.memref_squeeze %dma_start3A_54 : memref<1x2048xf32, #tpu.memory_space<vmem_shared>> -> memref<2048xf32, #tpu.memory_space<vmem_shared>>
      %dma_start3A_56 = arith.constant 0 : i32
      %dma_start3A_57 = tpu.memref_slice %arg15[%arg1, %dma_start3A_56] : memref<16x2048xf32, #tpu.memory_space<vmem_shared>> -> memref<1x2048xf32, #tpu.memory_space<vmem_shared>>
      %dma_start3A_58 = tpu.memref_squeeze %dma_start3A_57 : memref<1x2048xf32, #tpu.memory_space<vmem_shared>> -> memref<2048xf32, #tpu.memory_space<vmem_shared>>
      tpu.enqueue_dma source(%arg9 : memref<2048xf32, #tpu.memory_space<vmem>>) target(%dma_start3A_58 : memref<2048xf32, #tpu.memory_space<vmem_shared>>) target_semaphore(%run_scoped3A : memref<!tpu.dma_semaphore, #tpu.memory_space<semaphore_mem>>)
      %dma_wait3A = arith.constant 0 : i32
      %dma_wait3A_59 = tpu.memref_slice %arg15[%arg1, %dma_wait3A] : memref<16x2048xf32, #tpu.memory_space<vmem_shared>> -> memref<1x2048xf32, #tpu.memory_space<vmem_shared>>
      %dma_wait3A_60 = tpu.memref_squeeze %dma_wait3A_59 : memref<1x2048xf32, #tpu.memory_space<vmem_shared>> -> memref<2048xf32, #tpu.memory_space<vmem_shared>>
      %dma_wait3A_61 = arith.constant 0 : i32
      %dma_wait3A_62 = tpu.memref_slice %arg15[%arg1, %dma_wait3A_61] : memref<16x2048xf32, #tpu.memory_space<vmem_shared>> -> memref<1x2048xf32, #tpu.memory_space<vmem_shared>>
      %dma_wait3A_63 = tpu.memref_squeeze %dma_wait3A_62 : memref<1x2048xf32, #tpu.memory_space<vmem_shared>> -> memref<2048xf32, #tpu.memory_space<vmem_shared>>
      tpu.wait_dma2 semaphore(%run_scoped3A : memref<!tpu.dma_semaphore, #tpu.memory_space<semaphore_mem>>) src(%arg9 : memref<2048xf32, #tpu.memory_space<vmem>>) dst(%dma_wait3A_63 : memref<2048xf32, #tpu.memory_space<vmem_shared>>)
      tpu.yield
    }) : () -> ()
    %barrier3A = arith.constant 0 : index
    tpu.barrier barrier_id(%barrier3A)
    %mul3A_34 = arith.constant 768 : i32
    %mul3A_35 = arith.muli %arg1, %mul3A_34 : i32
    "tpu.region"() ({
      %run_scoped3A = tpu.sem_alloc : memref<!tpu.dma_semaphore, #tpu.memory_space<semaphore_mem>>
      %dma_start3A = arith.constant 0 : i32
      %dma_start3A_54 = tpu.memref_slice %arg14[%dma_start3A, %mul3A_35] : memref<16x12288xf32, #tpu.memory_space<vmem_shared>> -> memref<16x768xf32, #tpu.memory_space<vmem_shared>>
      %dma_start3A_55 = arith.constant 0 : i32
      %dma_start3A_56 = tpu.memref_slice %arg14[%dma_start3A_55, %mul3A_35] : memref<16x12288xf32, #tpu.memory_space<vmem_shared>> -> memref<16x768xf32, #tpu.memory_space<vmem_shared>>
      tpu.enqueue_dma source(%dma_start3A_56 : memref<16x768xf32, #tpu.memory_space<vmem_shared>>) target(%arg10 : memref<16x768xf32, #tpu.memory_space<vmem>>) target_semaphore(%run_scoped3A : memref<!tpu.dma_semaphore, #tpu.memory_space<semaphore_mem>>)
      %dma_wait3A = arith.constant 0 : i32
      %dma_wait3A_57 = tpu.memref_slice %arg14[%dma_wait3A, %mul3A_35] : memref<16x12288xf32, #tpu.memory_space<vmem_shared>> -> memref<16x768xf32, #tpu.memory_space<vmem_shared>>
      %dma_wait3A_58 = arith.constant 0 : i32
      %dma_wait3A_59 = tpu.memref_slice %arg14[%dma_wait3A_58, %mul3A_35] : memref<16x12288xf32, #tpu.memory_space<vmem_shared>> -> memref<16x768xf32, #tpu.memory_space<vmem_shared>>
      tpu.wait_dma2 semaphore(%run_scoped3A : memref<!tpu.dma_semaphore, #tpu.memory_space<semaphore_mem>>) src(%dma_wait3A_59 : memref<16x768xf32, #tpu.memory_space<vmem_shared>>) dst(%arg10 : memref<16x768xf32, #tpu.memory_space<vmem>>)
      tpu.yield
    }) : () -> ()
    %scan3A_36 = arith.constant 0 : i32
    %scan3A_37 = arith.constant 0 : i32
    %scan3A_38 = arith.constant 48 : i32
    %scan3A_39 = arith.addi %scan3A_37, %scan3A_38 : i32
    %scan3A_40 = arith.constant 1 : i32
    scf.for %scan3A_54 = %scan3A_37 to %scan3A_39 step %scan3A_40  : i32 {
      %mul3A_55 = arith.constant 16 : i32
      %mul3A_56 = arith.muli %scan3A_54, %mul3A_55 : i32
      %get3A = arith.constant 0 : i32
      %get3A_57 = arith.index_cast %get3A : i32 to index
      %get3A_58 = arith.index_cast %mul3A_56 : i32 to index
      %get3A_59 = tpu.vector_load %arg10[%get3A_57, %get3A_58] {strides = array<i32>} : memref<16x768xf32, #tpu.memory_space<vmem>>, vector<16xf32>,
      %mul3A_60 = arith.constant 16 : i32
      %mul3A_61 = arith.muli %scan3A_54, %mul3A_60 : i32
      %get3A_62 = arith.constant 1 : i32
      %get3A_63 = arith.index_cast %get3A_62 : i32 to index
      %get3A_64 = arith.index_cast %mul3A_61 : i32 to index
      %get3A_65 = tpu.vector_load %arg10[%get3A_63, %get3A_64] {strides = array<i32>} : memref<16x768xf32, #tpu.memory_space<vmem>>, vector<16xf32>,
      %add3A_66 = arith.addf %get3A_59, %get3A_65 : vector<16xf32>
      %mul3A_67 = arith.constant 16 : i32
      %mul3A_68 = arith.muli %scan3A_54, %mul3A_67 : i32
      %get3A_69 = arith.constant 2 : i32
      %get3A_70 = arith.index_cast %get3A_69 : i32 to index
      %get3A_71 = arith.index_cast %mul3A_68 : i32 to index
      %get3A_72 = tpu.vector_load %arg10[%get3A_70, %get3A_71] {strides = array<i32>} : memref<16x768xf32, #tpu.memory_space<vmem>>, vector<16xf32>,
      %add3A_73 = arith.addf %add3A_66, %get3A_72 : vector<16xf32>
      %mul3A_74 = arith.constant 16 : i32
      %mul3A_75 = arith.muli %scan3A_54, %mul3A_74 : i32
      %get3A_76 = arith.constant 3 : i32
      %get3A_77 = arith.index_cast %get3A_76 : i32 to index
      %get3A_78 = arith.index_cast %mul3A_75 : i32 to index
      %get3A_79 = tpu.vector_load %arg10[%get3A_77, %get3A_78] {strides = array<i32>} : memref<16x768xf32, #tpu.memory_space<vmem>>, vector<16xf32>,
      %add3A_80 = arith.addf %add3A_73, %get3A_79 : vector<16xf32>
      %mul3A_81 = arith.constant 16 : i32
      %mul3A_82 = arith.muli %scan3A_54, %mul3A_81 : i32
      %get3A_83 = arith.constant 4 : i32
      %get3A_84 = arith.index_cast %get3A_83 : i32 to index
      %get3A_85 = arith.index_cast %mul3A_82 : i32 to index
      %get3A_86 = tpu.vector_load %arg10[%get3A_84, %get3A_85] {strides = array<i32>} : memref<16x768xf32, #tpu.memory_space<vmem>>, vector<16xf32>,
      %add3A_87 = arith.addf %add3A_80, %get3A_86 : vector<16xf32>
      %mul3A_88 = arith.constant 16 : i32
      %mul3A_89 = arith.muli %scan3A_54, %mul3A_88 : i32
      %get3A_90 = arith.constant 5 : i32
      %get3A_91 = arith.index_cast %get3A_90 : i32 to index
      %get3A_92 = arith.index_cast %mul3A_89 : i32 to index
      %get3A_93 = tpu.vector_load %arg10[%get3A_91, %get3A_92] {strides = array<i32>} : memref<16x768xf32, #tpu.memory_space<vmem>>, vector<16xf32>,
      %add3A_94 = arith.addf %add3A_87, %get3A_93 : vector<16xf32>
      %mul3A_95 = arith.constant 16 : i32
      %mul3A_96 = arith.muli %scan3A_54, %mul3A_95 : i32
      %get3A_97 = arith.constant 6 : i32
      %get3A_98 = arith.index_cast %get3A_97 : i32 to index
      %get3A_99 = arith.index_cast %mul3A_96 : i32 to index
      %get3A_100 = tpu.vector_load %arg10[%get3A_98, %get3A_99] {strides = array<i32>} : memref<16x768xf32, #tpu.memory_space<vmem>>, vector<16xf32>,
      %add3A_101 = arith.addf %add3A_94, %get3A_100 : vector<16xf32>
      %mul3A_102 = arith.constant 16 : i32
      %mul3A_103 = arith.muli %scan3A_54, %mul3A_102 : i32
      %get3A_104 = arith.constant 7 : i32
      %get3A_105 = arith.index_cast %get3A_104 : i32 to index
      %get3A_106 = arith.index_cast %mul3A_103 : i32 to index
      %get3A_107 = tpu.vector_load %arg10[%get3A_105, %get3A_106] {strides = array<i32>} : memref<16x768xf32, #tpu.memory_space<vmem>>, vector<16xf32>,
      %add3A_108 = arith.addf %add3A_101, %get3A_107 : vector<16xf32>
      %mul3A_109 = arith.constant 16 : i32
      %mul3A_110 = arith.muli %scan3A_54, %mul3A_109 : i32
      %get3A_111 = arith.constant 8 : i32
      %get3A_112 = arith.index_cast %get3A_111 : i32 to index
      %get3A_113 = arith.index_cast %mul3A_110 : i32 to index
      %get3A_114 = tpu.vector_load %arg10[%get3A_112, %get3A_113] {strides = array<i32>} : memref<16x768xf32, #tpu.memory_space<vmem>>, vector<16xf32>,
      %add3A_115 = arith.addf %add3A_108, %get3A_114 : vector<16xf32>
      %mul3A_116 = arith.constant 16 : i32
      %mul3A_117 = arith.muli %scan3A_54, %mul3A_116 : i32
      %get3A_118 = arith.constant 9 : i32
      %get3A_119 = arith.index_cast %get3A_118 : i32 to index
      %get3A_120 = arith.index_cast %mul3A_117 : i32 to index
      %get3A_121 = tpu.vector_load %arg10[%get3A_119, %get3A_120] {strides = array<i32>} : memref<16x768xf32, #tpu.memory_space<vmem>>, vector<16xf32>,
      %add3A_122 = arith.addf %add3A_115, %get3A_121 : vector<16xf32>
      %mul3A_123 = arith.constant 16 : i32
      %mul3A_124 = arith.muli %scan3A_54, %mul3A_123 : i32
      %get3A_125 = arith.constant 10 : i32
      %get3A_126 = arith.index_cast %get3A_125 : i32 to index
      %get3A_127 = arith.index_cast %mul3A_124 : i32 to index
      %get3A_128 = tpu.vector_load %arg10[%get3A_126, %get3A_127] {strides = array<i32>} : memref<16x768xf32, #tpu.memory_space<vmem>>, vector<16xf32>,
      %add3A_129 = arith.addf %add3A_122, %get3A_128 : vector<16xf32>
      %mul3A_130 = arith.constant 16 : i32
      %mul3A_131 = arith.muli %scan3A_54, %mul3A_130 : i32
      %get3A_132 = arith.constant 11 : i32
      %get3A_133 = arith.index_cast %get3A_132 : i32 to index
      %get3A_134 = arith.index_cast %mul3A_131 : i32 to index
      %get3A_135 = tpu.vector_load %arg10[%get3A_133, %get3A_134] {strides = array<i32>} : memref<16x768xf32, #tpu.memory_space<vmem>>, vector<16xf32>,
      %add3A_136 = arith.addf %add3A_129, %get3A_135 : vector<16xf32>
      %mul3A_137 = arith.constant 16 : i32
      %mul3A_138 = arith.muli %scan3A_54, %mul3A_137 : i32
      %get3A_139 = arith.constant 12 : i32
      %get3A_140 = arith.index_cast %get3A_139 : i32 to index
      %get3A_141 = arith.index_cast %mul3A_138 : i32 to index
      %get3A_142 = tpu.vector_load %arg10[%get3A_140, %get3A_141] {strides = array<i32>} : memref<16x768xf32, #tpu.memory_space<vmem>>, vector<16xf32>,
      %add3A_143 = arith.addf %add3A_136, %get3A_142 : vector<16xf32>
      %mul3A_144 = arith.constant 16 : i32
      %mul3A_145 = arith.muli %scan3A_54, %mul3A_144 : i32
      %get3A_146 = arith.constant 13 : i32
      %get3A_147 = arith.index_cast %get3A_146 : i32 to index
      %get3A_148 = arith.index_cast %mul3A_145 : i32 to index
      %get3A_149 = tpu.vector_load %arg10[%get3A_147, %get3A_148] {strides = array<i32>} : memref<16x768xf32, #tpu.memory_space<vmem>>, vector<16xf32>,
      %add3A_150 = arith.addf %add3A_143, %get3A_149 : vector<16xf32>
      %mul3A_151 = arith.constant 16 : i32
      %mul3A_152 = arith.muli %scan3A_54, %mul3A_151 : i32
      %get3A_153 = arith.constant 14 : i32
      %get3A_154 = arith.index_cast %get3A_153 : i32 to index
      %get3A_155 = arith.index_cast %mul3A_152 : i32 to index
      %get3A_156 = tpu.vector_load %arg10[%get3A_154, %get3A_155] {strides = array<i32>} : memref<16x768xf32, #tpu.memory_space<vmem>>, vector<16xf32>,
      %add3A_157 = arith.addf %add3A_150, %get3A_156 : vector<16xf32>
      %mul3A_158 = arith.constant 16 : i32
      %mul3A_159 = arith.muli %scan3A_54, %mul3A_158 : i32
      %get3A_160 = arith.constant 15 : i32
      %get3A_161 = arith.index_cast %get3A_160 : i32 to index
      %get3A_162 = arith.index_cast %mul3A_159 : i32 to index
      %get3A_163 = tpu.vector_load %arg10[%get3A_161, %get3A_162] {strides = array<i32>} : memref<16x768xf32, #tpu.memory_space<vmem>>, vector<16xf32>,
      %add3A_164 = arith.addf %add3A_157, %get3A_163 : vector<16xf32>
      %mul3A_165 = arith.constant 16 : i32
      %mul3A_166 = arith.muli %scan3A_54, %mul3A_165 : i32
      %swap3A = arith.index_cast %mul3A_166 : i32 to index
      %swap3A_167 = tpu.vector_load %arg11[%swap3A] {strides = array<i32>} : memref<768xf32, #tpu.memory_space<vmem>>, vector<16xf32>,
      tpu.vector_store %arg11[%swap3A], %add3A_164 {strides = array<i32>} : memref<768xf32, #tpu.memory_space<vmem>>, vector<16xf32>,
    }
    %scan3A_41 = arith.constant 48 : i32
    %mul3A_42 = arith.constant 768 : i32
    %mul3A_43 = arith.muli %arg1, %mul3A_42 : i32
    "tpu.region"() ({
      %run_scoped3A = tpu.sem_alloc : memref<!tpu.dma_semaphore, #tpu.memory_space<semaphore_mem>>
      %dma_start3A = tpu.memref_slice %arg4[%arg0, %mul3A_43] : memref<2x12288xf32, #tpu.memory_space<hbm>> -> memref<1x768xf32, #tpu.memory_space<hbm>>
      %dma_start3A_54 = tpu.memref_squeeze %dma_start3A : memref<1x768xf32, #tpu.memory_space<hbm>> -> memref<768xf32, #tpu.memory_space<hbm>>
      %dma_start3A_55 = tpu.memref_slice %arg4[%arg0, %mul3A_43] : memref<2x12288xf32, #tpu.memory_space<hbm>> -> memref<1x768xf32, #tpu.memory_space<hbm>>
      %dma_start3A_56 = tpu.memref_squeeze %dma_start3A_55 : memref<1x768xf32, #tpu.memory_space<hbm>> -> memref<768xf32, #tpu.memory_space<hbm>>
      tpu.enqueue_dma source(%arg11 : memref<768xf32, #tpu.memory_space<vmem>>) target(%dma_start3A_56 : memref<768xf32, #tpu.memory_space<hbm>>) target_semaphore(%run_scoped3A : memref<!tpu.dma_semaphore, #tpu.memory_space<semaphore_mem>>)
      %dma_wait3A = tpu.memref_slice %arg4[%arg0, %mul3A_43] : memref<2x12288xf32, #tpu.memory_space<hbm>> -> memref<1x768xf32, #tpu.memory_space<hbm>>
      %dma_wait3A_57 = tpu.memref_squeeze %dma_wait3A : memref<1x768xf32, #tpu.memory_space<hbm>> -> memref<768xf32, #tpu.memory_space<hbm>>
      %dma_wait3A_58 = tpu.memref_slice %arg4[%arg0, %mul3A_43] : memref<2x12288xf32, #tpu.memory_space<hbm>> -> memref<1x768xf32, #tpu.memory_space<hbm>>
      %dma_wait3A_59 = tpu.memref_squeeze %dma_wait3A_58 : memref<1x768xf32, #tpu.memory_space<hbm>> -> memref<768xf32, #tpu.memory_space<hbm>>
      tpu.wait_dma2 semaphore(%run_scoped3A : memref<!tpu.dma_semaphore, #tpu.memory_space<semaphore_mem>>) src(%arg11 : memref<768xf32, #tpu.memory_space<vmem>>) dst(%dma_wait3A_59 : memref<768xf32, #tpu.memory_space<hbm>>)
      tpu.yield
    }) : () -> ()
    %mul3A_44 = arith.constant 128 : i32
    %mul3A_45 = arith.muli %arg1, %mul3A_44 : i32
    "tpu.region"() ({
      %run_scoped3A = tpu.sem_alloc : memref<!tpu.dma_semaphore, #tpu.memory_space<semaphore_mem>>
      %dma_start3A = arith.constant 0 : i32
      %dma_start3A_54 = tpu.memref_slice %arg15[%dma_start3A, %mul3A_45] : memref<16x2048xf32, #tpu.memory_space<vmem_shared>> -> memref<16x128xf32, #tpu.memory_space<vmem_shared>>
      %dma_start3A_55 = arith.constant 0 : i32
      %dma_start3A_56 = tpu.memref_slice %arg15[%dma_start3A_55, %mul3A_45] : memref<16x2048xf32, #tpu.memory_space<vmem_shared>> -> memref<16x128xf32, #tpu.memory_space<vmem_shared>>
      tpu.enqueue_dma source(%dma_start3A_56 : memref<16x128xf32, #tpu.memory_space<vmem_shared>>) target(%arg12 : memref<16x128xf32, #tpu.memory_space<vmem>>) target_semaphore(%run_scoped3A : memref<!tpu.dma_semaphore, #tpu.memory_space<semaphore_mem>>)
      %dma_wait3A = arith.constant 0 : i32
      %dma_wait3A_57 = tpu.memref_slice %arg15[%dma_wait3A, %mul3A_45] : memref<16x2048xf32, #tpu.memory_space<vmem_shared>> -> memref<16x128xf32, #tpu.memory_space<vmem_shared>>
      %dma_wait3A_58 = arith.constant 0 : i32
      %dma_wait3A_59 = tpu.memref_slice %arg15[%dma_wait3A_58, %mul3A_45] : memref<16x2048xf32, #tpu.memory_space<vmem_shared>> -> memref<16x128xf32, #tpu.memory_space<vmem_shared>>
      tpu.wait_dma2 semaphore(%run_scoped3A : memref<!tpu.dma_semaphore, #tpu.memory_space<semaphore_mem>>) src(%dma_wait3A_59 : memref<16x128xf32, #tpu.memory_space<vmem_shared>>) dst(%arg12 : memref<16x128xf32, #tpu.memory_space<vmem>>)
      tpu.yield
    }) : () -> ()
    %scan3A_46 = arith.constant 0 : i32
    %scan3A_47 = arith.constant 0 : i32
    %scan3A_48 = arith.constant 8 : i32
    %scan3A_49 = arith.addi %scan3A_47, %scan3A_48 : i32
    %scan3A_50 = arith.constant 1 : i32
    scf.for %scan3A_54 = %scan3A_47 to %scan3A_49 step %scan3A_50  : i32 {
      %mul3A_55 = arith.constant 16 : i32
      %mul3A_56 = arith.muli %scan3A_54, %mul3A_55 : i32
      %get3A = arith.constant 0 : i32
      %get3A_57 = arith.index_cast %get3A : i32 to index
      %get3A_58 = arith.index_cast %mul3A_56 : i32 to index
      %get3A_59 = tpu.vector_load %arg12[%get3A_57, %get3A_58] {strides = array<i32>} : memref<16x128xf32, #tpu.memory_space<vmem>>, vector<16xf32>,
      %mul3A_60 = arith.constant 16 : i32
      %mul3A_61 = arith.muli %scan3A_54, %mul3A_60 : i32
      %get3A_62 = arith.constant 1 : i32
      %get3A_63 = arith.index_cast %get3A_62 : i32 to index
      %get3A_64 = arith.index_cast %mul3A_61 : i32 to index
      %get3A_65 = tpu.vector_load %arg12[%get3A_63, %get3A_64] {strides = array<i32>} : memref<16x128xf32, #tpu.memory_space<vmem>>, vector<16xf32>,
      %add3A_66 = arith.addf %get3A_59, %get3A_65 : vector<16xf32>
      %mul3A_67 = arith.constant 16 : i32
      %mul3A_68 = arith.muli %scan3A_54, %mul3A_67 : i32
      %get3A_69 = arith.constant 2 : i32
      %get3A_70 = arith.index_cast %get3A_69 : i32 to index
      %get3A_71 = arith.index_cast %mul3A_68 : i32 to index
      %get3A_72 = tpu.vector_load %arg12[%get3A_70, %get3A_71] {strides = array<i32>} : memref<16x128xf32, #tpu.memory_space<vmem>>, vector<16xf32>,
      %add3A_73 = arith.addf %add3A_66, %get3A_72 : vector<16xf32>
      %mul3A_74 = arith.constant 16 : i32
      %mul3A_75 = arith.muli %scan3A_54, %mul3A_74 : i32
      %get3A_76 = arith.constant 3 : i32
      %get3A_77 = arith.index_cast %get3A_76 : i32 to index
      %get3A_78 = arith.index_cast %mul3A_75 : i32 to index
      %get3A_79 = tpu.vector_load %arg12[%get3A_77, %get3A_78] {strides = array<i32>} : memref<16x128xf32, #tpu.memory_space<vmem>>, vector<16xf32>,
      %add3A_80 = arith.addf %add3A_73, %get3A_79 : vector<16xf32>
      %mul3A_81 = arith.constant 16 : i32
      %mul3A_82 = arith.muli %scan3A_54, %mul3A_81 : i32
      %get3A_83 = arith.constant 4 : i32
      %get3A_84 = arith.index_cast %get3A_83 : i32 to index
      %get3A_85 = arith.index_cast %mul3A_82 : i32 to index
      %get3A_86 = tpu.vector_load %arg12[%get3A_84, %get3A_85] {strides = array<i32>} : memref<16x128xf32, #tpu.memory_space<vmem>>, vector<16xf32>,
      %add3A_87 = arith.addf %add3A_80, %get3A_86 : vector<16xf32>
      %mul3A_88 = arith.constant 16 : i32
      %mul3A_89 = arith.muli %scan3A_54, %mul3A_88 : i32
      %get3A_90 = arith.constant 5 : i32
      %get3A_91 = arith.index_cast %get3A_90 : i32 to index
      %get3A_92 = arith.index_cast %mul3A_89 : i32 to index
      %get3A_93 = tpu.vector_load %arg12[%get3A_91, %get3A_92] {strides = array<i32>} : memref<16x128xf32, #tpu.memory_space<vmem>>, vector<16xf32>,
      %add3A_94 = arith.addf %add3A_87, %get3A_93 : vector<16xf32>
      %mul3A_95 = arith.constant 16 : i32
      %mul3A_96 = arith.muli %scan3A_54, %mul3A_95 : i32
      %get3A_97 = arith.constant 6 : i32
      %get3A_98 = arith.index_cast %get3A_97 : i32 to index
      %get3A_99 = arith.index_cast %mul3A_96 : i32 to index
      %get3A_100 = tpu.vector_load %arg12[%get3A_98, %get3A_99] {strides = array<i32>} : memref<16x128xf32, #tpu.memory_space<vmem>>, vector<16xf32>,
      %add3A_101 = arith.addf %add3A_94, %get3A_100 : vector<16xf32>
      %mul3A_102 = arith.constant 16 : i32
      %mul3A_103 = arith.muli %scan3A_54, %mul3A_102 : i32
      %get3A_104 = arith.constant 7 : i32
      %get3A_105 = arith.index_cast %get3A_104 : i32 to index
      %get3A_106 = arith.index_cast %mul3A_103 : i32 to index
      %get3A_107 = tpu.vector_load %arg12[%get3A_105, %get3A_106] {strides = array<i32>} : memref<16x128xf32, #tpu.memory_space<vmem>>, vector<16xf32>,
      %add3A_108 = arith.addf %add3A_101, %get3A_107 : vector<16xf32>
      %mul3A_109 = arith.constant 16 : i32
      %mul3A_110 = arith.muli %scan3A_54, %mul3A_109 : i32
      %get3A_111 = arith.constant 8 : i32
      %get3A_112 = arith.index_cast %get3A_111 : i32 to index
      %get3A_113 = arith.index_cast %mul3A_110 : i32 to index
      %get3A_114 = tpu.vector_load %arg12[%get3A_112, %get3A_113] {strides = array<i32>} : memref<16x128xf32, #tpu.memory_space<vmem>>, vector<16xf32>,
      %add3A_115 = arith.addf %add3A_108, %get3A_114 : vector<16xf32>
      %mul3A_116 = arith.constant 16 : i32
      %mul3A_117 = arith.muli %scan3A_54, %mul3A_116 : i32
      %get3A_118 = arith.constant 9 : i32
      %get3A_119 = arith.index_cast %get3A_118 : i32 to index
      %get3A_120 = arith.index_cast %mul3A_117 : i32 to index
      %get3A_121 = tpu.vector_load %arg12[%get3A_119, %get3A_120] {strides = array<i32>} : memref<16x128xf32, #tpu.memory_space<vmem>>, vector<16xf32>,
      %add3A_122 = arith.addf %add3A_115, %get3A_121 : vector<16xf32>
      %mul3A_123 = arith.constant 16 : i32
      %mul3A_124 = arith.muli %scan3A_54, %mul3A_123 : i32
      %get3A_125 = arith.constant 10 : i32
      %get3A_126 = arith.index_cast %get3A_125 : i32 to index
      %get3A_127 = arith.index_cast %mul3A_124 : i32 to index
      %get3A_128 = tpu.vector_load %arg12[%get3A_126, %get3A_127] {strides = array<i32>} : memref<16x128xf32, #tpu.memory_space<vmem>>, vector<16xf32>,
      %add3A_129 = arith.addf %add3A_122, %get3A_128 : vector<16xf32>
      %mul3A_130 = arith.constant 16 : i32
      %mul3A_131 = arith.muli %scan3A_54, %mul3A_130 : i32
      %get3A_132 = arith.constant 11 : i32
      %get3A_133 = arith.index_cast %get3A_132 : i32 to index
      %get3A_134 = arith.index_cast %mul3A_131 : i32 to index
      %get3A_135 = tpu.vector_load %arg12[%get3A_133, %get3A_134] {strides = array<i32>} : memref<16x128xf32, #tpu.memory_space<vmem>>, vector<16xf32>,
      %add3A_136 = arith.addf %add3A_129, %get3A_135 : vector<16xf32>
      %mul3A_137 = arith.constant 16 : i32
      %mul3A_138 = arith.muli %scan3A_54, %mul3A_137 : i32
      %get3A_139 = arith.constant 12 : i32
      %get3A_140 = arith.index_cast %get3A_139 : i32 to index
      %get3A_141 = arith.index_cast %mul3A_138 : i32 to index
      %get3A_142 = tpu.vector_load %arg12[%get3A_140, %get3A_141] {strides = array<i32>} : memref<16x128xf32, #tpu.memory_space<vmem>>, vector<16xf32>,
      %add3A_143 = arith.addf %add3A_136, %get3A_142 : vector<16xf32>
      %mul3A_144 = arith.constant 16 : i32
      %mul3A_145 = arith.muli %scan3A_54, %mul3A_144 : i32
      %get3A_146 = arith.constant 13 : i32
      %get3A_147 = arith.index_cast %get3A_146 : i32 to index
      %get3A_148 = arith.index_cast %mul3A_145 : i32 to index
      %get3A_149 = tpu.vector_load %arg12[%get3A_147, %get3A_148] {strides = array<i32>} : memref<16x128xf32, #tpu.memory_space<vmem>>, vector<16xf32>,
      %add3A_150 = arith.addf %add3A_143, %get3A_149 : vector<16xf32>
      %mul3A_151 = arith.constant 16 : i32
      %mul3A_152 = arith.muli %scan3A_54, %mul3A_151 : i32
      %get3A_153 = arith.constant 14 : i32
      %get3A_154 = arith.index_cast %get3A_153 : i32 to index
      %get3A_155 = arith.index_cast %mul3A_152 : i32 to index
      %get3A_156 = tpu.vector_load %arg12[%get3A_154, %get3A_155] {strides = array<i32>} : memref<16x128xf32, #tpu.memory_space<vmem>>, vector<16xf32>,
      %add3A_157 = arith.addf %add3A_150, %get3A_156 : vector<16xf32>
      %mul3A_158 = arith.constant 16 : i32
      %mul3A_159 = arith.muli %scan3A_54, %mul3A_158 : i32
      %get3A_160 = arith.constant 15 : i32
      %get3A_161 = arith.index_cast %get3A_160 : i32 to index
      %get3A_162 = arith.index_cast %mul3A_159 : i32 to index
      %get3A_163 = tpu.vector_load %arg12[%get3A_161, %get3A_162] {strides = array<i32>} : memref<16x128xf32, #tpu.memory_space<vmem>>, vector<16xf32>,
      %add3A_164 = arith.addf %add3A_157, %get3A_163 : vector<16xf32>
      %mul3A_165 = arith.constant 16 : i32
      %mul3A_166 = arith.muli %scan3A_54, %mul3A_165 : i32
      %swap3A = arith.index_cast %mul3A_166 : i32 to index
      %swap3A_167 = tpu.vector_load %arg13[%swap3A] {strides = array<i32>} : memref<128xf32, #tpu.memory_space<vmem>>, vector<16xf32>,
      tpu.vector_store %arg13[%swap3A], %add3A_164 {strides = array<i32>} : memref<128xf32, #tpu.memory_space<vmem>>, vector<16xf32>,
    }
    %scan3A_51 = arith.constant 8 : i32
    %mul3A_52 = arith.constant 128 : i32
    %mul3A_53 = arith.muli %arg1, %mul3A_52 : i32
    "tpu.region"() ({
      %run_scoped3A = tpu.sem_alloc : memref<!tpu.dma_semaphore, #tpu.memory_space<semaphore_mem>>
      %dma_start3A = tpu.memref_slice %arg5[%arg0, %mul3A_53] : memref<2x2048xf32, #tpu.memory_space<hbm>> -> memref<1x128xf32, #tpu.memory_space<hbm>>
      %dma_start3A_54 = tpu.memref_squeeze %dma_start3A : memref<1x128xf32, #tpu.memory_space<hbm>> -> memref<128xf32, #tpu.memory_space<hbm>>
      %dma_start3A_55 = tpu.memref_slice %arg5[%arg0, %mul3A_53] : memref<2x2048xf32, #tpu.memory_space<hbm>> -> memref<1x128xf32, #tpu.memory_space<hbm>>
      %dma_start3A_56 = tpu.memref_squeeze %dma_start3A_55 : memref<1x128xf32, #tpu.memory_space<hbm>> -> memref<128xf32, #tpu.memory_space<hbm>>
      tpu.enqueue_dma source(%arg13 : memref<128xf32, #tpu.memory_space<vmem>>) target(%dma_start3A_56 : memref<128xf32, #tpu.memory_space<hbm>>) target_semaphore(%run_scoped3A : memref<!tpu.dma_semaphore, #tpu.memory_space<semaphore_mem>>)
      %dma_wait3A = tpu.memref_slice %arg5[%arg0, %mul3A_53] : memref<2x2048xf32, #tpu.memory_space<hbm>> -> memref<1x128xf32, #tpu.memory_space<hbm>>
      %dma_wait3A_57 = tpu.memref_squeeze %dma_wait3A : memref<1x128xf32, #tpu.memory_space<hbm>> -> memref<128xf32, #tpu.memory_space<hbm>>
      %dma_wait3A_58 = tpu.memref_slice %arg5[%arg0, %mul3A_53] : memref<2x2048xf32, #tpu.memory_space<hbm>> -> memref<1x128xf32, #tpu.memory_space<hbm>>
      %dma_wait3A_59 = tpu.memref_squeeze %dma_wait3A_58 : memref<1x128xf32, #tpu.memory_space<hbm>> -> memref<128xf32, #tpu.memory_space<hbm>>
      tpu.wait_dma2 semaphore(%run_scoped3A : memref<!tpu.dma_semaphore, #tpu.memory_space<semaphore_mem>>) src(%arg13 : memref<128xf32, #tpu.memory_space<vmem>>) dst(%dma_wait3A_59 : memref<128xf32, #tpu.memory_space<hbm>>)
      tpu.yield
    }) : () -> ()
    return
  }
}

#map = affine_map<(d0, d1) -> (0, 0)>
#map1 = affine_map<(d0, d1) -> (0, 0, 0, 0)>
#map2 = affine_map<(d0, d1) -> (0, 0, 0)>
module attributes {stable_mosaic.version = 14 : i64} {
  func.func @_pool_sc(%arg0: i32, %arg1: i32, %arg2: memref<120000x128xf32, #tpu.memory_space<hbm>>, %arg3: memref<10x16x8x96xi32, #tpu.memory_space<hbm>>, %arg4: memref<16x8x96xi32, #tpu.memory_space<hbm>>, %arg5: memref<128x128xf32, #tpu.memory_space<hbm>>, %arg6: memref<10x2048x128xf32, #tpu.memory_space<hbm>>, %arg7: memref<8x96xi32, #tpu.memory_space<vmem>>, %arg8: memref<8x96xi32, #tpu.memory_space<vmem>>, %arg9: memref<2x96x128xf32, #tpu.memory_space<vmem>>, %arg10: memref<2048x128xf32, #tpu.memory_space<vmem_shared>>, %arg11: memref<2x!tpu.dma_semaphore, #tpu.memory_space<semaphore_mem>>, %arg12: memref<2x!tpu.dma_semaphore, #tpu.memory_space<semaphore_mem>>) attributes {dimension_semantics = [#tpu.dimension_semantics<core_parallel>, #tpu.dimension_semantics<subcore_parallel>], iteration_bounds = array<i64: 2, 16>, scalar_prefetch = 0 : i64, scratch_operands = 6 : i64, tpu.core_type = #tpu.core_type<sc_vector_subcore>, window_params = [{transform_indices = #map}, {transform_indices = #map1}, {transform_indices = #map2}, {transform_indices = #map}, {transform_indices = #map2}]} {
    "tpu.region"() ({
      %run_scoped3A = tpu.sem_alloc : memref<!tpu.dma_semaphore, #tpu.memory_space<semaphore_mem>>
      %dma_start3A = arith.constant 0 : i32
      %dma_start3A_5 = arith.constant 0 : i32
      %dma_start3A_6 = tpu.memref_slice %arg4[%arg1, %dma_start3A, %dma_start3A_5] : memref<16x8x96xi32, #tpu.memory_space<hbm>> -> memref<1x8x96xi32, #tpu.memory_space<hbm>>
      %dma_start3A_7 = tpu.memref_squeeze %dma_start3A_6 : memref<1x8x96xi32, #tpu.memory_space<hbm>> -> memref<8x96xi32, #tpu.memory_space<hbm>>
      %dma_start3A_8 = arith.constant 0 : i32
      %dma_start3A_9 = arith.constant 0 : i32
      %dma_start3A_10 = tpu.memref_slice %arg4[%arg1, %dma_start3A_8, %dma_start3A_9] : memref<16x8x96xi32, #tpu.memory_space<hbm>> -> memref<1x8x96xi32, #tpu.memory_space<hbm>>
      %dma_start3A_11 = tpu.memref_squeeze %dma_start3A_10 : memref<1x8x96xi32, #tpu.memory_space<hbm>> -> memref<8x96xi32, #tpu.memory_space<hbm>>
      tpu.enqueue_dma source(%dma_start3A_11 : memref<8x96xi32, #tpu.memory_space<hbm>>) target(%arg8 : memref<8x96xi32, #tpu.memory_space<vmem>>) target_semaphore(%run_scoped3A : memref<!tpu.dma_semaphore, #tpu.memory_space<semaphore_mem>>)
      %dma_wait3A = arith.constant 0 : i32
      %dma_wait3A_12 = arith.constant 0 : i32
      %dma_wait3A_13 = tpu.memref_slice %arg4[%arg1, %dma_wait3A, %dma_wait3A_12] : memref<16x8x96xi32, #tpu.memory_space<hbm>> -> memref<1x8x96xi32, #tpu.memory_space<hbm>>
      %dma_wait3A_14 = tpu.memref_squeeze %dma_wait3A_13 : memref<1x8x96xi32, #tpu.memory_space<hbm>> -> memref<8x96xi32, #tpu.memory_space<hbm>>
      %dma_wait3A_15 = arith.constant 0 : i32
      %dma_wait3A_16 = arith.constant 0 : i32
      %dma_wait3A_17 = tpu.memref_slice %arg4[%arg1, %dma_wait3A_15, %dma_wait3A_16] : memref<16x8x96xi32, #tpu.memory_space<hbm>> -> memref<1x8x96xi32, #tpu.memory_space<hbm>>
      %dma_wait3A_18 = tpu.memref_squeeze %dma_wait3A_17 : memref<1x8x96xi32, #tpu.memory_space<hbm>> -> memref<8x96xi32, #tpu.memory_space<hbm>>
      tpu.wait_dma2 semaphore(%run_scoped3A : memref<!tpu.dma_semaphore, #tpu.memory_space<semaphore_mem>>) src(%dma_wait3A_18 : memref<8x96xi32, #tpu.memory_space<hbm>>) dst(%arg8 : memref<8x96xi32, #tpu.memory_space<vmem>>)
      tpu.yield
    }) : () -> ()
    %scan3A = arith.constant 0 : i32
    %scan3A_0 = arith.constant 0 : i32
    %scan3A_1 = arith.constant 5 : i32
    %scan3A_2 = arith.addi %scan3A_0, %scan3A_1 : i32
    %scan3A_3 = arith.constant 1 : i32
    scf.for %scan3A_5 = %scan3A_0 to %scan3A_2 step %scan3A_3  : i32 {
      %mul3A = arith.constant 5 : i32
      %mul3A_6 = arith.muli %arg0, %mul3A : i32
      %add3A = arith.addi %mul3A_6, %scan3A_5 : i32
      "tpu.region"() ({
        %run_scoped3A = tpu.sem_alloc : memref<!tpu.dma_semaphore, #tpu.memory_space<semaphore_mem>>
        %dma_start3A_49 = arith.constant 0 : i32
        %dma_start3A_50 = arith.constant 0 : i32
        %dma_start3A_51 = tpu.memref_slice %arg3[%add3A, %arg1, %dma_start3A_49, %dma_start3A_50] : memref<10x16x8x96xi32, #tpu.memory_space<hbm>> -> memref<1x1x8x96xi32, #tpu.memory_space<hbm>>
        %dma_start3A_52 = tpu.memref_squeeze %dma_start3A_51 : memref<1x1x8x96xi32, #tpu.memory_space<hbm>> -> memref<8x96xi32, #tpu.memory_space<hbm>>
        %dma_start3A_53 = arith.constant 0 : i32
        %dma_start3A_54 = arith.constant 0 : i32
        %dma_start3A_55 = tpu.memref_slice %arg3[%add3A, %arg1, %dma_start3A_53, %dma_start3A_54] : memref<10x16x8x96xi32, #tpu.memory_space<hbm>> -> memref<1x1x8x96xi32, #tpu.memory_space<hbm>>
        %dma_start3A_56 = tpu.memref_squeeze %dma_start3A_55 : memref<1x1x8x96xi32, #tpu.memory_space<hbm>> -> memref<8x96xi32, #tpu.memory_space<hbm>>
        tpu.enqueue_dma source(%dma_start3A_56 : memref<8x96xi32, #tpu.memory_space<hbm>>) target(%arg7 : memref<8x96xi32, #tpu.memory_space<vmem>>) target_semaphore(%run_scoped3A : memref<!tpu.dma_semaphore, #tpu.memory_space<semaphore_mem>>)
        %dma_wait3A_57 = arith.constant 0 : i32
        %dma_wait3A_58 = arith.constant 0 : i32
        %dma_wait3A_59 = tpu.memref_slice %arg3[%add3A, %arg1, %dma_wait3A_57, %dma_wait3A_58] : memref<10x16x8x96xi32, #tpu.memory_space<hbm>> -> memref<1x1x8x96xi32, #tpu.memory_space<hbm>>
        %dma_wait3A_60 = tpu.memref_squeeze %dma_wait3A_59 : memref<1x1x8x96xi32, #tpu.memory_space<hbm>> -> memref<8x96xi32, #tpu.memory_space<hbm>>
        %dma_wait3A_61 = arith.constant 0 : i32
        %dma_wait3A_62 = arith.constant 0 : i32
        %dma_wait3A_63 = tpu.memref_slice %arg3[%add3A, %arg1, %dma_wait3A_61, %dma_wait3A_62] : memref<10x16x8x96xi32, #tpu.memory_space<hbm>> -> memref<1x1x8x96xi32, #tpu.memory_space<hbm>>
        %dma_wait3A_64 = tpu.memref_squeeze %dma_wait3A_63 : memref<1x1x8x96xi32, #tpu.memory_space<hbm>> -> memref<8x96xi32, #tpu.memory_space<hbm>>
        tpu.wait_dma2 semaphore(%run_scoped3A : memref<!tpu.dma_semaphore, #tpu.memory_space<semaphore_mem>>) src(%dma_wait3A_64 : memref<8x96xi32, #tpu.memory_space<hbm>>) dst(%arg7 : memref<8x96xi32, #tpu.memory_space<vmem>>)
        tpu.yield
      }) : () -> ()
      %mul3A_7 = arith.constant 128 : i32
      %mul3A_8 = arith.muli %arg1, %mul3A_7 : i32
      "tpu.region"() ({
        %run_scoped3A = tpu.sem_alloc : memref<!tpu.dma_semaphore, #tpu.memory_space<semaphore_mem>>
        %dma_start3A_49 = arith.constant 0 : i32
        %dma_start3A_50 = tpu.memref_slice %arg10[%mul3A_8, %dma_start3A_49] : memref<2048x128xf32, #tpu.memory_space<vmem_shared>> -> memref<128x128xf32, #tpu.memory_space<vmem_shared>>
        tpu.enqueue_dma source(%arg5 : memref<128x128xf32, #tpu.memory_space<hbm>>) target(%dma_start3A_50 : memref<128x128xf32, #tpu.memory_space<vmem_shared>>) target_semaphore(%run_scoped3A : memref<!tpu.dma_semaphore, #tpu.memory_space<semaphore_mem>>)
        %dma_wait3A_51 = arith.constant 0 : i32
        %dma_wait3A_52 = tpu.memref_slice %arg10[%mul3A_8, %dma_wait3A_51] : memref<2048x128xf32, #tpu.memory_space<vmem_shared>> -> memref<128x128xf32, #tpu.memory_space<vmem_shared>>
        tpu.wait_dma2 semaphore(%run_scoped3A : memref<!tpu.dma_semaphore, #tpu.memory_space<semaphore_mem>>) src(%arg5 : memref<128x128xf32, #tpu.memory_space<hbm>>) dst(%dma_wait3A_52 : memref<128x128xf32, #tpu.memory_space<vmem_shared>>)
        tpu.yield
      }) : () -> ()
      %barrier3A = arith.constant 0 : index
      tpu.barrier barrier_id(%barrier3A)
      %dma_start3A = arith.constant 0 : i32
      %dma_start3A_9 = arith.constant 0 : i32
      %dma_start3A_10 = arith.constant 0 : i32
      %dma_start3A_11 = arith.constant 0 : i32
      %dma_start3A_12 = arith.constant 0 : i32
      %dma_start3A_13 = tpu.memref_slice %arg9[%dma_start3A_9, %dma_start3A_11, %dma_start3A_12] : memref<2x96x128xf32, #tpu.memory_space<vmem>> -> memref<1x96x128xf32, #tpu.memory_space<vmem>>
      %dma_start3A_14 = tpu.memref_squeeze %dma_start3A_13 : memref<1x96x128xf32, #tpu.memory_space<vmem>> -> memref<96x128xf32, #tpu.memory_space<vmem>>
      %dma_start3A_15 = arith.constant 0 : i32
      %dma_start3A_16 = tpu.memref_slice %arg7[%dma_start3A, %dma_start3A_15] : memref<8x96xi32, #tpu.memory_space<vmem>> -> memref<1x96xi32, #tpu.memory_space<vmem>>
      %dma_start3A_17 = tpu.memref_squeeze %dma_start3A_16 : memref<1x96xi32, #tpu.memory_space<vmem>> -> memref<96xi32, #tpu.memory_space<vmem>>
      %dma_start3A_18 = arith.constant 0 : i32
      %dma_start3A_19 = arith.constant 0 : i32
      %dma_start3A_20 = tpu.memref_slice %arg2[%dma_start3A_18, %dma_start3A_19] : memref<120000x128xf32, #tpu.memory_space<hbm>> -> memref<120000x128xf32, #tpu.memory_space<hbm>>
      %dma_start3A_21 = tpu.memref_slice %arg11[%dma_start3A_10] : memref<2x!tpu.dma_semaphore, #tpu.memory_space<semaphore_mem>> -> memref<1x!tpu.dma_semaphore, #tpu.memory_space<semaphore_mem>>
      %dma_start3A_22 = tpu.memref_squeeze %dma_start3A_21 : memref<1x!tpu.dma_semaphore, #tpu.memory_space<semaphore_mem>> -> memref<!tpu.dma_semaphore, #tpu.memory_space<semaphore_mem>>
      tpu.enqueue_indirect_dma source(%dma_start3A_20 : memref<120000x128xf32, #tpu.memory_space<hbm>>) target(%dma_start3A_14 : memref<96x128xf32, #tpu.memory_space<vmem>>) offsets(%dma_start3A_17 : memref<96xi32, #tpu.memory_space<vmem>>) semaphore(%dma_start3A_22 : memref<!tpu.dma_semaphore, #tpu.memory_space<semaphore_mem>>)
      %scan3A_23 = arith.constant 0 : i32
      %scan3A_24 = arith.constant 0 : i32
      %scan3A_25 = arith.constant 8 : i32
      %scan3A_26 = arith.addi %scan3A_24, %scan3A_25 : i32
      %scan3A_27 = arith.constant 1 : i32
      scf.for %scan3A_49 = %scan3A_24 to %scan3A_26 step %scan3A_27  : i32 {
        %rem3A = arith.constant 2 : i32
        %rem3A_50 = arith.remsi %scan3A_49, %rem3A : i32
        %add3A_51 = arith.constant 1 : i32
        %add3A_52 = arith.addi %scan3A_49, %add3A_51 : i32
        %rem3A_53 = arith.constant 2 : i32
        %rem3A_54 = arith.remsi %add3A_52, %rem3A_53 : i32
        %gt3A = arith.constant 0 : i32
        %gt3A_55 = arith.cmpi sgt, %scan3A_49, %gt3A : i32
        %convert_element_type3A = arith.extui %gt3A_55 : i1 to i32
        %cond3A = arith.constant 0 : i32
        %cond3A_56 = arith.cmpi ne, %convert_element_type3A, %cond3A : i32
        scf.if %cond3A_56 {
          %sub3A = arith.constant 1 : i32
          %sub3A_87 = arith.subi %scan3A_49, %sub3A : i32
          %dma_wait3A_88 = arith.constant 0 : i32
          %dma_wait3A_89 = arith.constant 0 : i32
          %dma_wait3A_90 = tpu.memref_slice %arg9[%rem3A_54, %dma_wait3A_88, %dma_wait3A_89] : memref<2x96x128xf32, #tpu.memory_space<vmem>> -> memref<1x96x128xf32, #tpu.memory_space<vmem>>
          %dma_wait3A_91 = tpu.memref_squeeze %dma_wait3A_90 : memref<1x96x128xf32, #tpu.memory_space<vmem>> -> memref<96x128xf32, #tpu.memory_space<vmem>>
          %dma_wait3A_92 = arith.constant 0 : i32
          %dma_wait3A_93 = tpu.memref_slice %arg8[%sub3A_87, %dma_wait3A_92] : memref<8x96xi32, #tpu.memory_space<vmem>> -> memref<1x96xi32, #tpu.memory_space<vmem>>
          %dma_wait3A_94 = tpu.memref_squeeze %dma_wait3A_93 : memref<1x96xi32, #tpu.memory_space<vmem>> -> memref<96xi32, #tpu.memory_space<vmem>>
          %dma_wait3A_95 = arith.constant 0 : i32
          %dma_wait3A_96 = arith.constant 0 : i32
          %dma_wait3A_97 = tpu.memref_slice %arg10[%dma_wait3A_95, %dma_wait3A_96] : memref<2048x128xf32, #tpu.memory_space<vmem_shared>> -> memref<2048x128xf32, #tpu.memory_space<vmem_shared>>
          %dma_wait3A_98 = tpu.memref_slice %arg12[%rem3A_54] : memref<2x!tpu.dma_semaphore, #tpu.memory_space<semaphore_mem>> -> memref<1x!tpu.dma_semaphore, #tpu.memory_space<semaphore_mem>>
          %dma_wait3A_99 = tpu.memref_squeeze %dma_wait3A_98 : memref<1x!tpu.dma_semaphore, #tpu.memory_space<semaphore_mem>> -> memref<!tpu.dma_semaphore, #tpu.memory_space<semaphore_mem>>
          tpu.wait_indirect_dma semaphore(%dma_wait3A_99 : memref<!tpu.dma_semaphore, #tpu.memory_space<semaphore_mem>>) src(%dma_wait3A_91 : memref<96x128xf32, #tpu.memory_space<vmem>>) dst(%dma_wait3A_97 : memref<2048x128xf32, #tpu.memory_space<vmem_shared>>)
        } else {
        }
        %add3A_57 = arith.constant 1 : i32
        %add3A_58 = arith.addi %scan3A_49, %add3A_57 : i32
        %lt3A = arith.constant 8 : i32
        %lt3A_59 = arith.cmpi slt, %add3A_58, %lt3A : i32
        %convert_element_type3A_60 = arith.extui %lt3A_59 : i1 to i32
        %cond3A_61 = arith.constant 0 : i32
        %cond3A_62 = arith.cmpi ne, %convert_element_type3A_60, %cond3A_61 : i32
        scf.if %cond3A_62 {
          %add3A_87 = arith.constant 1 : i32
          %add3A_88 = arith.addi %scan3A_49, %add3A_87 : i32
          %dma_start3A_89 = arith.constant 0 : i32
          %dma_start3A_90 = arith.constant 0 : i32
          %dma_start3A_91 = tpu.memref_slice %arg9[%rem3A_54, %dma_start3A_89, %dma_start3A_90] : memref<2x96x128xf32, #tpu.memory_space<vmem>> -> memref<1x96x128xf32, #tpu.memory_space<vmem>>
          %dma_start3A_92 = tpu.memref_squeeze %dma_start3A_91 : memref<1x96x128xf32, #tpu.memory_space<vmem>> -> memref<96x128xf32, #tpu.memory_space<vmem>>
          %dma_start3A_93 = arith.constant 0 : i32
          %dma_start3A_94 = tpu.memref_slice %arg7[%add3A_88, %dma_start3A_93] : memref<8x96xi32, #tpu.memory_space<vmem>> -> memref<1x96xi32, #tpu.memory_space<vmem>>
          %dma_start3A_95 = tpu.memref_squeeze %dma_start3A_94 : memref<1x96xi32, #tpu.memory_space<vmem>> -> memref<96xi32, #tpu.memory_space<vmem>>
          %dma_start3A_96 = arith.constant 0 : i32
          %dma_start3A_97 = arith.constant 0 : i32
          %dma_start3A_98 = tpu.memref_slice %arg2[%dma_start3A_96, %dma_start3A_97] : memref<120000x128xf32, #tpu.memory_space<hbm>> -> memref<120000x128xf32, #tpu.memory_space<hbm>>
          %dma_start3A_99 = tpu.memref_slice %arg11[%rem3A_54] : memref<2x!tpu.dma_semaphore, #tpu.memory_space<semaphore_mem>> -> memref<1x!tpu.dma_semaphore, #tpu.memory_space<semaphore_mem>>
          %dma_start3A_100 = tpu.memref_squeeze %dma_start3A_99 : memref<1x!tpu.dma_semaphore, #tpu.memory_space<semaphore_mem>> -> memref<!tpu.dma_semaphore, #tpu.memory_space<semaphore_mem>>
          tpu.enqueue_indirect_dma source(%dma_start3A_98 : memref<120000x128xf32, #tpu.memory_space<hbm>>) target(%dma_start3A_92 : memref<96x128xf32, #tpu.memory_space<vmem>>) offsets(%dma_start3A_95 : memref<96xi32, #tpu.memory_space<vmem>>) semaphore(%dma_start3A_100 : memref<!tpu.dma_semaphore, #tpu.memory_space<semaphore_mem>>)
        } else {
        }
        %dma_wait3A_63 = arith.constant 0 : i32
        %dma_wait3A_64 = arith.constant 0 : i32
        %dma_wait3A_65 = tpu.memref_slice %arg9[%rem3A_50, %dma_wait3A_63, %dma_wait3A_64] : memref<2x96x128xf32, #tpu.memory_space<vmem>> -> memref<1x96x128xf32, #tpu.memory_space<vmem>>
        %dma_wait3A_66 = tpu.memref_squeeze %dma_wait3A_65 : memref<1x96x128xf32, #tpu.memory_space<vmem>> -> memref<96x128xf32, #tpu.memory_space<vmem>>
        %dma_wait3A_67 = arith.constant 0 : i32
        %dma_wait3A_68 = tpu.memref_slice %arg7[%scan3A_49, %dma_wait3A_67] : memref<8x96xi32, #tpu.memory_space<vmem>> -> memref<1x96xi32, #tpu.memory_space<vmem>>
        %dma_wait3A_69 = tpu.memref_squeeze %dma_wait3A_68 : memref<1x96xi32, #tpu.memory_space<vmem>> -> memref<96xi32, #tpu.memory_space<vmem>>
        %dma_wait3A_70 = arith.constant 0 : i32
        %dma_wait3A_71 = arith.constant 0 : i32
        %dma_wait3A_72 = tpu.memref_slice %arg2[%dma_wait3A_70, %dma_wait3A_71] : memref<120000x128xf32, #tpu.memory_space<hbm>> -> memref<120000x128xf32, #tpu.memory_space<hbm>>
        %dma_wait3A_73 = tpu.memref_slice %arg11[%rem3A_50] : memref<2x!tpu.dma_semaphore, #tpu.memory_space<semaphore_mem>> -> memref<1x!tpu.dma_semaphore, #tpu.memory_space<semaphore_mem>>
        %dma_wait3A_74 = tpu.memref_squeeze %dma_wait3A_73 : memref<1x!tpu.dma_semaphore, #tpu.memory_space<semaphore_mem>> -> memref<!tpu.dma_semaphore, #tpu.memory_space<semaphore_mem>>
        tpu.wait_indirect_dma semaphore(%dma_wait3A_74 : memref<!tpu.dma_semaphore, #tpu.memory_space<semaphore_mem>>) src(%dma_wait3A_72 : memref<120000x128xf32, #tpu.memory_space<hbm>>) dst(%dma_wait3A_66 : memref<96x128xf32, #tpu.memory_space<vmem>>)
        %dma_start3A_75 = arith.constant 0 : i32
        %dma_start3A_76 = arith.constant 0 : i32
        %dma_start3A_77 = tpu.memref_slice %arg9[%rem3A_50, %dma_start3A_75, %dma_start3A_76] : memref<2x96x128xf32, #tpu.memory_space<vmem>> -> memref<1x96x128xf32, #tpu.memory_space<vmem>>
        %dma_start3A_78 = tpu.memref_squeeze %dma_start3A_77 : memref<1x96x128xf32, #tpu.memory_space<vmem>> -> memref<96x128xf32, #tpu.memory_space<vmem>>
        %dma_start3A_79 = arith.constant 0 : i32
        %dma_start3A_80 = tpu.memref_slice %arg8[%scan3A_49, %dma_start3A_79] : memref<8x96xi32, #tpu.memory_space<vmem>> -> memref<1x96xi32, #tpu.memory_space<vmem>>
        %dma_start3A_81 = tpu.memref_squeeze %dma_start3A_80 : memref<1x96xi32, #tpu.memory_space<vmem>> -> memref<96xi32, #tpu.memory_space<vmem>>
        %dma_start3A_82 = arith.constant 0 : i32
        %dma_start3A_83 = arith.constant 0 : i32
        %dma_start3A_84 = tpu.memref_slice %arg10[%dma_start3A_82, %dma_start3A_83] : memref<2048x128xf32, #tpu.memory_space<vmem_shared>> -> memref<2048x128xf32, #tpu.memory_space<vmem_shared>>
        %dma_start3A_85 = tpu.memref_slice %arg12[%rem3A_50] : memref<2x!tpu.dma_semaphore, #tpu.memory_space<semaphore_mem>> -> memref<1x!tpu.dma_semaphore, #tpu.memory_space<semaphore_mem>>
        %dma_start3A_86 = tpu.memref_squeeze %dma_start3A_85 : memref<1x!tpu.dma_semaphore, #tpu.memory_space<semaphore_mem>> -> memref<!tpu.dma_semaphore, #tpu.memory_space<semaphore_mem>>
        tpu.enqueue_indirect_dma source(%dma_start3A_78 : memref<96x128xf32, #tpu.memory_space<vmem>>) target(%dma_start3A_84 : memref<2048x128xf32, #tpu.memory_space<vmem_shared>>) offsets(%dma_start3A_81 : memref<96xi32, #tpu.memory_space<vmem>>) semaphore(%dma_start3A_86 : memref<!tpu.dma_semaphore, #tpu.memory_space<semaphore_mem>>) {add = true}
      }
      %scan3A_28 = arith.constant 8 : i32
      %dma_wait3A = arith.constant 1 : i32
      %dma_wait3A_29 = arith.constant 7 : i32
      %dma_wait3A_30 = arith.constant 1 : i32
      %dma_wait3A_31 = arith.constant 0 : i32
      %dma_wait3A_32 = arith.constant 0 : i32
      %dma_wait3A_33 = tpu.memref_slice %arg9[%dma_wait3A, %dma_wait3A_31, %dma_wait3A_32] : memref<2x96x128xf32, #tpu.memory_space<vmem>> -> memref<1x96x128xf32, #tpu.memory_space<vmem>>
      %dma_wait3A_34 = tpu.memref_squeeze %dma_wait3A_33 : memref<1x96x128xf32, #tpu.memory_space<vmem>> -> memref<96x128xf32, #tpu.memory_space<vmem>>
      %dma_wait3A_35 = arith.constant 0 : i32
      %dma_wait3A_36 = tpu.memref_slice %arg8[%dma_wait3A_29, %dma_wait3A_35] : memref<8x96xi32, #tpu.memory_space<vmem>> -> memref<1x96xi32, #tpu.memory_space<vmem>>
      %dma_wait3A_37 = tpu.memref_squeeze %dma_wait3A_36 : memref<1x96xi32, #tpu.memory_space<vmem>> -> memref<96xi32, #tpu.memory_space<vmem>>
      %dma_wait3A_38 = arith.constant 0 : i32
      %dma_wait3A_39 = arith.constant 0 : i32
      %dma_wait3A_40 = tpu.memref_slice %arg10[%dma_wait3A_38, %dma_wait3A_39] : memref<2048x128xf32, #tpu.memory_space<vmem_shared>> -> memref<2048x128xf32, #tpu.memory_space<vmem_shared>>
      %dma_wait3A_41 = tpu.memref_slice %arg12[%dma_wait3A_30] : memref<2x!tpu.dma_semaphore, #tpu.memory_space<semaphore_mem>> -> memref<1x!tpu.dma_semaphore, #tpu.memory_space<semaphore_mem>>
      %dma_wait3A_42 = tpu.memref_squeeze %dma_wait3A_41 : memref<1x!tpu.dma_semaphore, #tpu.memory_space<semaphore_mem>> -> memref<!tpu.dma_semaphore, #tpu.memory_space<semaphore_mem>>
      tpu.wait_indirect_dma semaphore(%dma_wait3A_42 : memref<!tpu.dma_semaphore, #tpu.memory_space<semaphore_mem>>) src(%dma_wait3A_34 : memref<96x128xf32, #tpu.memory_space<vmem>>) dst(%dma_wait3A_40 : memref<2048x128xf32, #tpu.memory_space<vmem_shared>>)
      %barrier3A_43 = arith.constant 0 : index
      tpu.barrier barrier_id(%barrier3A_43)
      %mul3A_44 = arith.constant 128 : i32
      %mul3A_45 = arith.muli %arg1, %mul3A_44 : i32
      %mul3A_46 = arith.constant 128 : i32
      %mul3A_47 = arith.muli %arg1, %mul3A_46 : i32
      "tpu.region"() ({
        %run_scoped3A = tpu.sem_alloc : memref<!tpu.dma_semaphore, #tpu.memory_space<semaphore_mem>>
        %dma_start3A_49 = arith.constant 0 : i32
        %dma_start3A_50 = tpu.memref_slice %arg6[%add3A, %mul3A_47, %dma_start3A_49] : memref<10x2048x128xf32, #tpu.memory_space<hbm>> -> memref<1x128x128xf32, #tpu.memory_space<hbm>>
        %dma_start3A_51 = tpu.memref_squeeze %dma_start3A_50 : memref<1x128x128xf32, #tpu.memory_space<hbm>> -> memref<128x128xf32, #tpu.memory_space<hbm>>
        %dma_start3A_52 = arith.constant 0 : i32
        %dma_start3A_53 = tpu.memref_slice %arg10[%mul3A_45, %dma_start3A_52] : memref<2048x128xf32, #tpu.memory_space<vmem_shared>> -> memref<128x128xf32, #tpu.memory_space<vmem_shared>>
        tpu.enqueue_dma source(%dma_start3A_53 : memref<128x128xf32, #tpu.memory_space<vmem_shared>>) target(%dma_start3A_51 : memref<128x128xf32, #tpu.memory_space<hbm>>) target_semaphore(%run_scoped3A : memref<!tpu.dma_semaphore, #tpu.memory_space<semaphore_mem>>)
        %dma_wait3A_54 = arith.constant 0 : i32
        %dma_wait3A_55 = tpu.memref_slice %arg6[%add3A, %mul3A_47, %dma_wait3A_54] : memref<10x2048x128xf32, #tpu.memory_space<hbm>> -> memref<1x128x128xf32, #tpu.memory_space<hbm>>
        %dma_wait3A_56 = tpu.memref_squeeze %dma_wait3A_55 : memref<1x128x128xf32, #tpu.memory_space<hbm>> -> memref<128x128xf32, #tpu.memory_space<hbm>>
        %dma_wait3A_57 = arith.constant 0 : i32
        %dma_wait3A_58 = tpu.memref_slice %arg10[%mul3A_45, %dma_wait3A_57] : memref<2048x128xf32, #tpu.memory_space<vmem_shared>> -> memref<128x128xf32, #tpu.memory_space<vmem_shared>>
        tpu.wait_dma2 semaphore(%run_scoped3A : memref<!tpu.dma_semaphore, #tpu.memory_space<semaphore_mem>>) src(%dma_wait3A_58 : memref<128x128xf32, #tpu.memory_space<vmem_shared>>) dst(%dma_wait3A_56 : memref<128x128xf32, #tpu.memory_space<hbm>>)
        tpu.yield
      }) : () -> ()
      %barrier3A_48 = arith.constant 0 : index
      tpu.barrier barrier_id(%barrier3A_48)
    }
    %scan3A_4 = arith.constant 5 : i32
    return
  }
}

#map = affine_map<(d0, d1) -> (0, 0)>
#map1 = affine_map<(d0, d1) -> (0, 0, 0, 0, 0)>
#map2 = affine_map<(d0, d1) -> (0, 0, 0, 0)>
module attributes {stable_mosaic.version = 14 : i64} {
  func.func @_gcn_sc(%arg0: i32, %arg1: i32, %arg2: memref<24576x128xf32, #tpu.memory_space<hbm>>, %arg3: memref<2x16x8x25x60xi32, #tpu.memory_space<hbm>>, %arg4: memref<16x8x25x60xi32, #tpu.memory_space<hbm>>, %arg5: memref<24576x128xf32, #tpu.memory_space<hbm>>, %arg6: memref<25x60xi32, #tpu.memory_space<vmem>>, %arg7: memref<25x60xi32, #tpu.memory_space<vmem>>, %arg8: memref<3x60x128xf32, #tpu.memory_space<vmem>>, %arg9: memref<12288x128xf32, #tpu.memory_space<vmem_shared>>, %arg10: memref<3x!tpu.dma_semaphore, #tpu.memory_space<semaphore_mem>>, %arg11: memref<3x!tpu.dma_semaphore, #tpu.memory_space<semaphore_mem>>) attributes {dimension_semantics = [#tpu.dimension_semantics<core_parallel>, #tpu.dimension_semantics<subcore_parallel>], iteration_bounds = array<i64: 2, 16>, scalar_prefetch = 0 : i64, scratch_operands = 6 : i64, tpu.core_type = #tpu.core_type<sc_vector_subcore>, window_params = [{transform_indices = #map}, {transform_indices = #map1}, {transform_indices = #map2}, {transform_indices = #map}]} {
    %mul3A = arith.constant 12288 : i32
    %mul3A_0 = arith.muli %arg0, %mul3A : i32
    %mul3A_1 = arith.constant 768 : i32
    %mul3A_2 = arith.muli %arg1, %mul3A_1 : i32
    %add3A = arith.addi %mul3A_0, %mul3A_2 : i32
    %mul3A_3 = arith.constant 768 : i32
    %mul3A_4 = arith.muli %arg1, %mul3A_3 : i32
    "tpu.region"() ({
      %run_scoped3A = tpu.sem_alloc : memref<!tpu.dma_semaphore, #tpu.memory_space<semaphore_mem>>
      %dma_start3A = arith.constant 0 : i32
      %dma_start3A_18 = tpu.memref_slice %arg9[%mul3A_4, %dma_start3A] : memref<12288x128xf32, #tpu.memory_space<vmem_shared>> -> memref<768x128xf32, #tpu.memory_space<vmem_shared>>
      %dma_start3A_19 = arith.constant 0 : i32
      %dma_start3A_20 = tpu.memref_slice %arg2[%add3A, %dma_start3A_19] : memref<24576x128xf32, #tpu.memory_space<hbm>> -> memref<768x128xf32, #tpu.memory_space<hbm>>
      tpu.enqueue_dma source(%dma_start3A_20 : memref<768x128xf32, #tpu.memory_space<hbm>>) target(%dma_start3A_18 : memref<768x128xf32, #tpu.memory_space<vmem_shared>>) target_semaphore(%run_scoped3A : memref<!tpu.dma_semaphore, #tpu.memory_space<semaphore_mem>>)
      %dma_wait3A = arith.constant 0 : i32
      %dma_wait3A_21 = tpu.memref_slice %arg9[%mul3A_4, %dma_wait3A] : memref<12288x128xf32, #tpu.memory_space<vmem_shared>> -> memref<768x128xf32, #tpu.memory_space<vmem_shared>>
      %dma_wait3A_22 = arith.constant 0 : i32
      %dma_wait3A_23 = tpu.memref_slice %arg2[%add3A, %dma_wait3A_22] : memref<24576x128xf32, #tpu.memory_space<hbm>> -> memref<768x128xf32, #tpu.memory_space<hbm>>
      tpu.wait_dma2 semaphore(%run_scoped3A : memref<!tpu.dma_semaphore, #tpu.memory_space<semaphore_mem>>) src(%dma_wait3A_23 : memref<768x128xf32, #tpu.memory_space<hbm>>) dst(%dma_wait3A_21 : memref<768x128xf32, #tpu.memory_space<vmem_shared>>)
      tpu.yield
    }) : () -> ()
    %barrier3A = arith.constant 0 : index
    tpu.barrier barrier_id(%barrier3A)
    %scan3A = arith.constant 0 : i32
    %scan3A_5 = arith.constant 0 : i32
    %scan3A_6 = arith.constant 8 : i32
    %scan3A_7 = arith.addi %scan3A_5, %scan3A_6 : i32
    %scan3A_8 = arith.constant 1 : i32
    scf.for %scan3A_18 = %scan3A_5 to %scan3A_7 step %scan3A_8  : i32 {
      "tpu.region"() ({
        %run_scoped3A = tpu.sem_alloc : memref<!tpu.dma_semaphore, #tpu.memory_space<semaphore_mem>>
        %dma_start3A_98 = arith.constant 0 : i32
        %dma_start3A_99 = arith.constant 0 : i32
        %dma_start3A_100 = tpu.memref_slice %arg3[%arg0, %arg1, %scan3A_18, %dma_start3A_98, %dma_start3A_99] : memref<2x16x8x25x60xi32, #tpu.memory_space<hbm>> -> memref<1x1x1x25x60xi32, #tpu.memory_space<hbm>>
        %dma_start3A_101 = tpu.memref_squeeze %dma_start3A_100 : memref<1x1x1x25x60xi32, #tpu.memory_space<hbm>> -> memref<25x60xi32, #tpu.memory_space<hbm>>
        %dma_start3A_102 = arith.constant 0 : i32
        %dma_start3A_103 = arith.constant 0 : i32
        %dma_start3A_104 = tpu.memref_slice %arg3[%arg0, %arg1, %scan3A_18, %dma_start3A_102, %dma_start3A_103] : memref<2x16x8x25x60xi32, #tpu.memory_space<hbm>> -> memref<1x1x1x25x60xi32, #tpu.memory_space<hbm>>
        %dma_start3A_105 = tpu.memref_squeeze %dma_start3A_104 : memref<1x1x1x25x60xi32, #tpu.memory_space<hbm>> -> memref<25x60xi32, #tpu.memory_space<hbm>>
        tpu.enqueue_dma source(%dma_start3A_105 : memref<25x60xi32, #tpu.memory_space<hbm>>) target(%arg6 : memref<25x60xi32, #tpu.memory_space<vmem>>) target_semaphore(%run_scoped3A : memref<!tpu.dma_semaphore, #tpu.memory_space<semaphore_mem>>)
        %dma_wait3A_106 = arith.constant 0 : i32
        %dma_wait3A_107 = arith.constant 0 : i32
        %dma_wait3A_108 = tpu.memref_slice %arg3[%arg0, %arg1, %scan3A_18, %dma_wait3A_106, %dma_wait3A_107] : memref<2x16x8x25x60xi32, #tpu.memory_space<hbm>> -> memref<1x1x1x25x60xi32, #tpu.memory_space<hbm>>
        %dma_wait3A_109 = tpu.memref_squeeze %dma_wait3A_108 : memref<1x1x1x25x60xi32, #tpu.memory_space<hbm>> -> memref<25x60xi32, #tpu.memory_space<hbm>>
        %dma_wait3A_110 = arith.constant 0 : i32
        %dma_wait3A_111 = arith.constant 0 : i32
        %dma_wait3A_112 = tpu.memref_slice %arg3[%arg0, %arg1, %scan3A_18, %dma_wait3A_110, %dma_wait3A_111] : memref<2x16x8x25x60xi32, #tpu.memory_space<hbm>> -> memref<1x1x1x25x60xi32, #tpu.memory_space<hbm>>
        %dma_wait3A_113 = tpu.memref_squeeze %dma_wait3A_112 : memref<1x1x1x25x60xi32, #tpu.memory_space<hbm>> -> memref<25x60xi32, #tpu.memory_space<hbm>>
        tpu.wait_dma2 semaphore(%run_scoped3A : memref<!tpu.dma_semaphore, #tpu.memory_space<semaphore_mem>>) src(%dma_wait3A_113 : memref<25x60xi32, #tpu.memory_space<hbm>>) dst(%arg6 : memref<25x60xi32, #tpu.memory_space<vmem>>)
        tpu.yield
      }) : () -> ()
      "tpu.region"() ({
        %run_scoped3A = tpu.sem_alloc : memref<!tpu.dma_semaphore, #tpu.memory_space<semaphore_mem>>
        %dma_start3A_98 = arith.constant 0 : i32
        %dma_start3A_99 = arith.constant 0 : i32
        %dma_start3A_100 = tpu.memref_slice %arg4[%arg1, %scan3A_18, %dma_start3A_98, %dma_start3A_99] : memref<16x8x25x60xi32, #tpu.memory_space<hbm>> -> memref<1x1x25x60xi32, #tpu.memory_space<hbm>>
        %dma_start3A_101 = tpu.memref_squeeze %dma_start3A_100 : memref<1x1x25x60xi32, #tpu.memory_space<hbm>> -> memref<25x60xi32, #tpu.memory_space<hbm>>
        %dma_start3A_102 = arith.constant 0 : i32
        %dma_start3A_103 = arith.constant 0 : i32
        %dma_start3A_104 = tpu.memref_slice %arg4[%arg1, %scan3A_18, %dma_start3A_102, %dma_start3A_103] : memref<16x8x25x60xi32, #tpu.memory_space<hbm>> -> memref<1x1x25x60xi32, #tpu.memory_space<hbm>>
        %dma_start3A_105 = tpu.memref_squeeze %dma_start3A_104 : memref<1x1x25x60xi32, #tpu.memory_space<hbm>> -> memref<25x60xi32, #tpu.memory_space<hbm>>
        tpu.enqueue_dma source(%dma_start3A_105 : memref<25x60xi32, #tpu.memory_space<hbm>>) target(%arg7 : memref<25x60xi32, #tpu.memory_space<vmem>>) target_semaphore(%run_scoped3A : memref<!tpu.dma_semaphore, #tpu.memory_space<semaphore_mem>>)
        %dma_wait3A_106 = arith.constant 0 : i32
        %dma_wait3A_107 = arith.constant 0 : i32
        %dma_wait3A_108 = tpu.memref_slice %arg4[%arg1, %scan3A_18, %dma_wait3A_106, %dma_wait3A_107] : memref<16x8x25x60xi32, #tpu.memory_space<hbm>> -> memref<1x1x25x60xi32, #tpu.memory_space<hbm>>
        %dma_wait3A_109 = tpu.memref_squeeze %dma_wait3A_108 : memref<1x1x25x60xi32, #tpu.memory_space<hbm>> -> memref<25x60xi32, #tpu.memory_space<hbm>>
        %dma_wait3A_110 = arith.constant 0 : i32
        %dma_wait3A_111 = arith.constant 0 : i32
        %dma_wait3A_112 = tpu.memref_slice %arg4[%arg1, %scan3A_18, %dma_wait3A_110, %dma_wait3A_111] : memref<16x8x25x60xi32, #tpu.memory_space<hbm>> -> memref<1x1x25x60xi32, #tpu.memory_space<hbm>>
        %dma_wait3A_113 = tpu.memref_squeeze %dma_wait3A_112 : memref<1x1x25x60xi32, #tpu.memory_space<hbm>> -> memref<25x60xi32, #tpu.memory_space<hbm>>
        tpu.wait_dma2 semaphore(%run_scoped3A : memref<!tpu.dma_semaphore, #tpu.memory_space<semaphore_mem>>) src(%dma_wait3A_113 : memref<25x60xi32, #tpu.memory_space<hbm>>) dst(%arg7 : memref<25x60xi32, #tpu.memory_space<vmem>>)
        tpu.yield
      }) : () -> ()
      %dma_start3A = arith.constant 0 : i32
      %dma_start3A_19 = arith.constant 0 : i32
      %dma_start3A_20 = arith.constant 0 : i32
      %dma_start3A_21 = arith.constant 0 : i32
      %dma_start3A_22 = arith.constant 0 : i32
      %dma_start3A_23 = tpu.memref_slice %arg8[%dma_start3A_19, %dma_start3A_21, %dma_start3A_22] : memref<3x60x128xf32, #tpu.memory_space<vmem>> -> memref<1x60x128xf32, #tpu.memory_space<vmem>>
      %dma_start3A_24 = tpu.memref_squeeze %dma_start3A_23 : memref<1x60x128xf32, #tpu.memory_space<vmem>> -> memref<60x128xf32, #tpu.memory_space<vmem>>
      %dma_start3A_25 = arith.constant 0 : i32
      %dma_start3A_26 = tpu.memref_slice %arg6[%dma_start3A, %dma_start3A_25] : memref<25x60xi32, #tpu.memory_space<vmem>> -> memref<1x60xi32, #tpu.memory_space<vmem>>
      %dma_start3A_27 = tpu.memref_squeeze %dma_start3A_26 : memref<1x60xi32, #tpu.memory_space<vmem>> -> memref<60xi32, #tpu.memory_space<vmem>>
      %dma_start3A_28 = arith.constant 0 : i32
      %dma_start3A_29 = arith.constant 0 : i32
      %dma_start3A_30 = tpu.memref_slice %arg2[%dma_start3A_28, %dma_start3A_29] : memref<24576x128xf32, #tpu.memory_space<hbm>> -> memref<24576x128xf32, #tpu.memory_space<hbm>>
      %dma_start3A_31 = tpu.memref_slice %arg10[%dma_start3A_20] : memref<3x!tpu.dma_semaphore, #tpu.memory_space<semaphore_mem>> -> memref<1x!tpu.dma_semaphore, #tpu.memory_space<semaphore_mem>>
      %dma_start3A_32 = tpu.memref_squeeze %dma_start3A_31 : memref<1x!tpu.dma_semaphore, #tpu.memory_space<semaphore_mem>> -> memref<!tpu.dma_semaphore, #tpu.memory_space<semaphore_mem>>
      tpu.enqueue_indirect_dma source(%dma_start3A_30 : memref<24576x128xf32, #tpu.memory_space<hbm>>) target(%dma_start3A_24 : memref<60x128xf32, #tpu.memory_space<vmem>>) offsets(%dma_start3A_27 : memref<60xi32, #tpu.memory_space<vmem>>) semaphore(%dma_start3A_32 : memref<!tpu.dma_semaphore, #tpu.memory_space<semaphore_mem>>)
      %dma_start3A_33 = arith.constant 1 : i32
      %dma_start3A_34 = arith.constant 1 : i32
      %dma_start3A_35 = arith.constant 1 : i32
      %dma_start3A_36 = arith.constant 0 : i32
      %dma_start3A_37 = arith.constant 0 : i32
      %dma_start3A_38 = tpu.memref_slice %arg8[%dma_start3A_34, %dma_start3A_36, %dma_start3A_37] : memref<3x60x128xf32, #tpu.memory_space<vmem>> -> memref<1x60x128xf32, #tpu.memory_space<vmem>>
      %dma_start3A_39 = tpu.memref_squeeze %dma_start3A_38 : memref<1x60x128xf32, #tpu.memory_space<vmem>> -> memref<60x128xf32, #tpu.memory_space<vmem>>
      %dma_start3A_40 = arith.constant 0 : i32
      %dma_start3A_41 = tpu.memref_slice %arg6[%dma_start3A_33, %dma_start3A_40] : memref<25x60xi32, #tpu.memory_space<vmem>> -> memref<1x60xi32, #tpu.memory_space<vmem>>
      %dma_start3A_42 = tpu.memref_squeeze %dma_start3A_41 : memref<1x60xi32, #tpu.memory_space<vmem>> -> memref<60xi32, #tpu.memory_space<vmem>>
      %dma_start3A_43 = arith.constant 0 : i32
      %dma_start3A_44 = arith.constant 0 : i32
      %dma_start3A_45 = tpu.memref_slice %arg2[%dma_start3A_43, %dma_start3A_44] : memref<24576x128xf32, #tpu.memory_space<hbm>> -> memref<24576x128xf32, #tpu.memory_space<hbm>>
      %dma_start3A_46 = tpu.memref_slice %arg10[%dma_start3A_35] : memref<3x!tpu.dma_semaphore, #tpu.memory_space<semaphore_mem>> -> memref<1x!tpu.dma_semaphore, #tpu.memory_space<semaphore_mem>>
      %dma_start3A_47 = tpu.memref_squeeze %dma_start3A_46 : memref<1x!tpu.dma_semaphore, #tpu.memory_space<semaphore_mem>> -> memref<!tpu.dma_semaphore, #tpu.memory_space<semaphore_mem>>
      tpu.enqueue_indirect_dma source(%dma_start3A_45 : memref<24576x128xf32, #tpu.memory_space<hbm>>) target(%dma_start3A_39 : memref<60x128xf32, #tpu.memory_space<vmem>>) offsets(%dma_start3A_42 : memref<60xi32, #tpu.memory_space<vmem>>) semaphore(%dma_start3A_47 : memref<!tpu.dma_semaphore, #tpu.memory_space<semaphore_mem>>)
      %scan3A_48 = arith.constant 0 : i32
      %scan3A_49 = arith.constant 0 : i32
      %scan3A_50 = arith.constant 25 : i32
      %scan3A_51 = arith.addi %scan3A_49, %scan3A_50 : i32
      %scan3A_52 = arith.constant 1 : i32
      scf.for %scan3A_98 = %scan3A_49 to %scan3A_51 step %scan3A_52  : i32 {
        %rem3A = arith.constant 3 : i32
        %rem3A_99 = arith.remsi %scan3A_98, %rem3A : i32
        %dma_wait3A_100 = arith.constant 0 : i32
        %dma_wait3A_101 = arith.constant 0 : i32
        %dma_wait3A_102 = tpu.memref_slice %arg8[%rem3A_99, %dma_wait3A_100, %dma_wait3A_101] : memref<3x60x128xf32, #tpu.memory_space<vmem>> -> memref<1x60x128xf32, #tpu.memory_space<vmem>>
        %dma_wait3A_103 = tpu.memref_squeeze %dma_wait3A_102 : memref<1x60x128xf32, #tpu.memory_space<vmem>> -> memref<60x128xf32, #tpu.memory_space<vmem>>
        %dma_wait3A_104 = arith.constant 0 : i32
        %dma_wait3A_105 = tpu.memref_slice %arg6[%scan3A_98, %dma_wait3A_104] : memref<25x60xi32, #tpu.memory_space<vmem>> -> memref<1x60xi32, #tpu.memory_space<vmem>>
        %dma_wait3A_106 = tpu.memref_squeeze %dma_wait3A_105 : memref<1x60xi32, #tpu.memory_space<vmem>> -> memref<60xi32, #tpu.memory_space<vmem>>
        %dma_wait3A_107 = arith.constant 0 : i32
        %dma_wait3A_108 = arith.constant 0 : i32
        %dma_wait3A_109 = tpu.memref_slice %arg2[%dma_wait3A_107, %dma_wait3A_108] : memref<24576x128xf32, #tpu.memory_space<hbm>> -> memref<24576x128xf32, #tpu.memory_space<hbm>>
        %dma_wait3A_110 = tpu.memref_slice %arg10[%rem3A_99] : memref<3x!tpu.dma_semaphore, #tpu.memory_space<semaphore_mem>> -> memref<1x!tpu.dma_semaphore, #tpu.memory_space<semaphore_mem>>
        %dma_wait3A_111 = tpu.memref_squeeze %dma_wait3A_110 : memref<1x!tpu.dma_semaphore, #tpu.memory_space<semaphore_mem>> -> memref<!tpu.dma_semaphore, #tpu.memory_space<semaphore_mem>>
        tpu.wait_indirect_dma semaphore(%dma_wait3A_111 : memref<!tpu.dma_semaphore, #tpu.memory_space<semaphore_mem>>) src(%dma_wait3A_109 : memref<24576x128xf32, #tpu.memory_space<hbm>>) dst(%dma_wait3A_103 : memref<60x128xf32, #tpu.memory_space<vmem>>)
        %dma_start3A_112 = arith.constant 0 : i32
        %dma_start3A_113 = arith.constant 0 : i32
        %dma_start3A_114 = tpu.memref_slice %arg8[%rem3A_99, %dma_start3A_112, %dma_start3A_113] : memref<3x60x128xf32, #tpu.memory_space<vmem>> -> memref<1x60x128xf32, #tpu.memory_space<vmem>>
        %dma_start3A_115 = tpu.memref_squeeze %dma_start3A_114 : memref<1x60x128xf32, #tpu.memory_space<vmem>> -> memref<60x128xf32, #tpu.memory_space<vmem>>
        %dma_start3A_116 = arith.constant 0 : i32
        %dma_start3A_117 = tpu.memref_slice %arg7[%scan3A_98, %dma_start3A_116] : memref<25x60xi32, #tpu.memory_space<vmem>> -> memref<1x60xi32, #tpu.memory_space<vmem>>
        %dma_start3A_118 = tpu.memref_squeeze %dma_start3A_117 : memref<1x60xi32, #tpu.memory_space<vmem>> -> memref<60xi32, #tpu.memory_space<vmem>>
        %dma_start3A_119 = arith.constant 0 : i32
        %dma_start3A_120 = arith.constant 0 : i32
        %dma_start3A_121 = tpu.memref_slice %arg9[%dma_start3A_119, %dma_start3A_120] : memref<12288x128xf32, #tpu.memory_space<vmem_shared>> -> memref<12288x128xf32, #tpu.memory_space<vmem_shared>>
        %dma_start3A_122 = tpu.memref_slice %arg11[%rem3A_99] : memref<3x!tpu.dma_semaphore, #tpu.memory_space<semaphore_mem>> -> memref<1x!tpu.dma_semaphore, #tpu.memory_space<semaphore_mem>>
        %dma_start3A_123 = tpu.memref_squeeze %dma_start3A_122 : memref<1x!tpu.dma_semaphore, #tpu.memory_space<semaphore_mem>> -> memref<!tpu.dma_semaphore, #tpu.memory_space<semaphore_mem>>
        tpu.enqueue_indirect_dma source(%dma_start3A_115 : memref<60x128xf32, #tpu.memory_space<vmem>>) target(%dma_start3A_121 : memref<12288x128xf32, #tpu.memory_space<vmem_shared>>) offsets(%dma_start3A_118 : memref<60xi32, #tpu.memory_space<vmem>>) semaphore(%dma_start3A_123 : memref<!tpu.dma_semaphore, #tpu.memory_space<semaphore_mem>>) {add = true}
        %add3A_124 = arith.constant 2 : i32
        %add3A_125 = arith.addi %scan3A_98, %add3A_124 : i32
        %lt3A = arith.constant 25 : i32
        %lt3A_126 = arith.cmpi slt, %add3A_125, %lt3A : i32
        %convert_element_type3A = arith.extui %lt3A_126 : i1 to i32
        %cond3A = arith.constant 0 : i32
        %cond3A_127 = arith.cmpi ne, %convert_element_type3A, %cond3A : i32
        scf.if %cond3A_127 {
          %add3A_128 = arith.constant 2 : i32
          %add3A_129 = arith.addi %scan3A_98, %add3A_128 : i32
          %rem3A_130 = arith.constant 3 : i32
          %rem3A_131 = arith.remsi %add3A_129, %rem3A_130 : i32
          %gt3A = arith.constant 0 : i32
          %gt3A_132 = arith.cmpi sgt, %scan3A_98, %gt3A : i32
          %convert_element_type3A_133 = arith.extui %gt3A_132 : i1 to i32
          %cond3A_134 = arith.constant 0 : i32
          %cond3A_135 = arith.cmpi ne, %convert_element_type3A_133, %cond3A_134 : i32
          scf.if %cond3A_135 {
            %sub3A = arith.constant 1 : i32
            %sub3A_150 = arith.subi %scan3A_98, %sub3A : i32
            %dma_wait3A_151 = arith.constant 0 : i32
            %dma_wait3A_152 = arith.constant 0 : i32
            %dma_wait3A_153 = tpu.memref_slice %arg8[%rem3A_131, %dma_wait3A_151, %dma_wait3A_152] : memref<3x60x128xf32, #tpu.memory_space<vmem>> -> memref<1x60x128xf32, #tpu.memory_space<vmem>>
            %dma_wait3A_154 = tpu.memref_squeeze %dma_wait3A_153 : memref<1x60x128xf32, #tpu.memory_space<vmem>> -> memref<60x128xf32, #tpu.memory_space<vmem>>
            %dma_wait3A_155 = arith.constant 0 : i32
            %dma_wait3A_156 = tpu.memref_slice %arg7[%sub3A_150, %dma_wait3A_155] : memref<25x60xi32, #tpu.memory_space<vmem>> -> memref<1x60xi32, #tpu.memory_space<vmem>>
            %dma_wait3A_157 = tpu.memref_squeeze %dma_wait3A_156 : memref<1x60xi32, #tpu.memory_space<vmem>> -> memref<60xi32, #tpu.memory_space<vmem>>
            %dma_wait3A_158 = arith.constant 0 : i32
            %dma_wait3A_159 = arith.constant 0 : i32
            %dma_wait3A_160 = tpu.memref_slice %arg9[%dma_wait3A_158, %dma_wait3A_159] : memref<12288x128xf32, #tpu.memory_space<vmem_shared>> -> memref<12288x128xf32, #tpu.memory_space<vmem_shared>>
            %dma_wait3A_161 = tpu.memref_slice %arg11[%rem3A_131] : memref<3x!tpu.dma_semaphore, #tpu.memory_space<semaphore_mem>> -> memref<1x!tpu.dma_semaphore, #tpu.memory_space<semaphore_mem>>
            %dma_wait3A_162 = tpu.memref_squeeze %dma_wait3A_161 : memref<1x!tpu.dma_semaphore, #tpu.memory_space<semaphore_mem>> -> memref<!tpu.dma_semaphore, #tpu.memory_space<semaphore_mem>>
            tpu.wait_indirect_dma semaphore(%dma_wait3A_162 : memref<!tpu.dma_semaphore, #tpu.memory_space<semaphore_mem>>) src(%dma_wait3A_154 : memref<60x128xf32, #tpu.memory_space<vmem>>) dst(%dma_wait3A_160 : memref<12288x128xf32, #tpu.memory_space<vmem_shared>>)
          } else {
          }
          %add3A_136 = arith.constant 2 : i32
          %add3A_137 = arith.addi %scan3A_98, %add3A_136 : i32
          %dma_start3A_138 = arith.constant 0 : i32
          %dma_start3A_139 = arith.constant 0 : i32
          %dma_start3A_140 = tpu.memref_slice %arg8[%rem3A_131, %dma_start3A_138, %dma_start3A_139] : memref<3x60x128xf32, #tpu.memory_space<vmem>> -> memref<1x60x128xf32, #tpu.memory_space<vmem>>
          %dma_start3A_141 = tpu.memref_squeeze %dma_start3A_140 : memref<1x60x128xf32, #tpu.memory_space<vmem>> -> memref<60x128xf32, #tpu.memory_space<vmem>>
          %dma_start3A_142 = arith.constant 0 : i32
          %dma_start3A_143 = tpu.memref_slice %arg6[%add3A_137, %dma_start3A_142] : memref<25x60xi32, #tpu.memory_space<vmem>> -> memref<1x60xi32, #tpu.memory_space<vmem>>
          %dma_start3A_144 = tpu.memref_squeeze %dma_start3A_143 : memref<1x60xi32, #tpu.memory_space<vmem>> -> memref<60xi32, #tpu.memory_space<vmem>>
          %dma_start3A_145 = arith.constant 0 : i32
          %dma_start3A_146 = arith.constant 0 : i32
          %dma_start3A_147 = tpu.memref_slice %arg2[%dma_start3A_145, %dma_start3A_146] : memref<24576x128xf32, #tpu.memory_space<hbm>> -> memref<24576x128xf32, #tpu.memory_space<hbm>>
          %dma_start3A_148 = tpu.memref_slice %arg10[%rem3A_131] : memref<3x!tpu.dma_semaphore, #tpu.memory_space<semaphore_mem>> -> memref<1x!tpu.dma_semaphore, #tpu.memory_space<semaphore_mem>>
          %dma_start3A_149 = tpu.memref_squeeze %dma_start3A_148 : memref<1x!tpu.dma_semaphore, #tpu.memory_space<semaphore_mem>> -> memref<!tpu.dma_semaphore, #tpu.memory_space<semaphore_mem>>
          tpu.enqueue_indirect_dma source(%dma_start3A_147 : memref<24576x128xf32, #tpu.memory_space<hbm>>) target(%dma_start3A_141 : memref<60x128xf32, #tpu.memory_space<vmem>>) offsets(%dma_start3A_144 : memref<60xi32, #tpu.memory_space<vmem>>) semaphore(%dma_start3A_149 : memref<!tpu.dma_semaphore, #tpu.memory_space<semaphore_mem>>)
        } else {
        }
      }
      %scan3A_53 = arith.constant 25 : i32
      %dma_wait3A = arith.constant 1 : i32
      %dma_wait3A_54 = arith.constant 22 : i32
      %dma_wait3A_55 = arith.constant 1 : i32
      %dma_wait3A_56 = arith.constant 0 : i32
      %dma_wait3A_57 = arith.constant 0 : i32
      %dma_wait3A_58 = tpu.memref_slice %arg8[%dma_wait3A, %dma_wait3A_56, %dma_wait3A_57] : memref<3x60x128xf32, #tpu.memory_space<vmem>> -> memref<1x60x128xf32, #tpu.memory_space<vmem>>
      %dma_wait3A_59 = tpu.memref_squeeze %dma_wait3A_58 : memref<1x60x128xf32, #tpu.memory_space<vmem>> -> memref<60x128xf32, #tpu.memory_space<vmem>>
      %dma_wait3A_60 = arith.constant 0 : i32
      %dma_wait3A_61 = tpu.memref_slice %arg7[%dma_wait3A_54, %dma_wait3A_60] : memref<25x60xi32, #tpu.memory_space<vmem>> -> memref<1x60xi32, #tpu.memory_space<vmem>>
      %dma_wait3A_62 = tpu.memref_squeeze %dma_wait3A_61 : memref<1x60xi32, #tpu.memory_space<vmem>> -> memref<60xi32, #tpu.memory_space<vmem>>
      %dma_wait3A_63 = arith.constant 0 : i32
      %dma_wait3A_64 = arith.constant 0 : i32
      %dma_wait3A_65 = tpu.memref_slice %arg9[%dma_wait3A_63, %dma_wait3A_64] : memref<12288x128xf32, #tpu.memory_space<vmem_shared>> -> memref<12288x128xf32, #tpu.memory_space<vmem_shared>>
      %dma_wait3A_66 = tpu.memref_slice %arg11[%dma_wait3A_55] : memref<3x!tpu.dma_semaphore, #tpu.memory_space<semaphore_mem>> -> memref<1x!tpu.dma_semaphore, #tpu.memory_space<semaphore_mem>>
      %dma_wait3A_67 = tpu.memref_squeeze %dma_wait3A_66 : memref<1x!tpu.dma_semaphore, #tpu.memory_space<semaphore_mem>> -> memref<!tpu.dma_semaphore, #tpu.memory_space<semaphore_mem>>
      tpu.wait_indirect_dma semaphore(%dma_wait3A_67 : memref<!tpu.dma_semaphore, #tpu.memory_space<semaphore_mem>>) src(%dma_wait3A_59 : memref<60x128xf32, #tpu.memory_space<vmem>>) dst(%dma_wait3A_65 : memref<12288x128xf32, #tpu.memory_space<vmem_shared>>)
      %dma_wait3A_68 = arith.constant 2 : i32
      %dma_wait3A_69 = arith.constant 23 : i32
      %dma_wait3A_70 = arith.constant 2 : i32
      %dma_wait3A_71 = arith.constant 0 : i32
      %dma_wait3A_72 = arith.constant 0 : i32
      %dma_wait3A_73 = tpu.memref_slice %arg8[%dma_wait3A_68, %dma_wait3A_71, %dma_wait3A_72] : memref<3x60x128xf32, #tpu.memory_space<vmem>> -> memref<1x60x128xf32, #tpu.memory_space<vmem>>
      %dma_wait3A_74 = tpu.memref_squeeze %dma_wait3A_73 : memref<1x60x128xf32, #tpu.memory_space<vmem>> -> memref<60x128xf32, #tpu.memory_space<vmem>>
      %dma_wait3A_75 = arith.constant 0 : i32
      %dma_wait3A_76 = tpu.memref_slice %arg7[%dma_wait3A_69, %dma_wait3A_75] : memref<25x60xi32, #tpu.memory_space<vmem>> -> memref<1x60xi32, #tpu.memory_space<vmem>>
      %dma_wait3A_77 = tpu.memref_squeeze %dma_wait3A_76 : memref<1x60xi32, #tpu.memory_space<vmem>> -> memref<60xi32, #tpu.memory_space<vmem>>
      %dma_wait3A_78 = arith.constant 0 : i32
      %dma_wait3A_79 = arith.constant 0 : i32
      %dma_wait3A_80 = tpu.memref_slice %arg9[%dma_wait3A_78, %dma_wait3A_79] : memref<12288x128xf32, #tpu.memory_space<vmem_shared>> -> memref<12288x128xf32, #tpu.memory_space<vmem_shared>>
      %dma_wait3A_81 = tpu.memref_slice %arg11[%dma_wait3A_70] : memref<3x!tpu.dma_semaphore, #tpu.memory_space<semaphore_mem>> -> memref<1x!tpu.dma_semaphore, #tpu.memory_space<semaphore_mem>>
      %dma_wait3A_82 = tpu.memref_squeeze %dma_wait3A_81 : memref<1x!tpu.dma_semaphore, #tpu.memory_space<semaphore_mem>> -> memref<!tpu.dma_semaphore, #tpu.memory_space<semaphore_mem>>
      tpu.wait_indirect_dma semaphore(%dma_wait3A_82 : memref<!tpu.dma_semaphore, #tpu.memory_space<semaphore_mem>>) src(%dma_wait3A_74 : memref<60x128xf32, #tpu.memory_space<vmem>>) dst(%dma_wait3A_80 : memref<12288x128xf32, #tpu.memory_space<vmem_shared>>)
      %dma_wait3A_83 = arith.constant 0 : i32
      %dma_wait3A_84 = arith.constant 24 : i32
      %dma_wait3A_85 = arith.constant 0 : i32
      %dma_wait3A_86 = arith.constant 0 : i32
      %dma_wait3A_87 = arith.constant 0 : i32
      %dma_wait3A_88 = tpu.memref_slice %arg8[%dma_wait3A_83, %dma_wait3A_86, %dma_wait3A_87] : memref<3x60x128xf32, #tpu.memory_space<vmem>> -> memref<1x60x128xf32, #tpu.memory_space<vmem>>
      %dma_wait3A_89 = tpu.memref_squeeze %dma_wait3A_88 : memref<1x60x128xf32, #tpu.memory_space<vmem>> -> memref<60x128xf32, #tpu.memory_space<vmem>>
      %dma_wait3A_90 = arith.constant 0 : i32
      %dma_wait3A_91 = tpu.memref_slice %arg7[%dma_wait3A_84, %dma_wait3A_90] : memref<25x60xi32, #tpu.memory_space<vmem>> -> memref<1x60xi32, #tpu.memory_space<vmem>>
      %dma_wait3A_92 = tpu.memref_squeeze %dma_wait3A_91 : memref<1x60xi32, #tpu.memory_space<vmem>> -> memref<60xi32, #tpu.memory_space<vmem>>
      %dma_wait3A_93 = arith.constant 0 : i32
      %dma_wait3A_94 = arith.constant 0 : i32
      %dma_wait3A_95 = tpu.memref_slice %arg9[%dma_wait3A_93, %dma_wait3A_94] : memref<12288x128xf32, #tpu.memory_space<vmem_shared>> -> memref<12288x128xf32, #tpu.memory_space<vmem_shared>>
      %dma_wait3A_96 = tpu.memref_slice %arg11[%dma_wait3A_85] : memref<3x!tpu.dma_semaphore, #tpu.memory_space<semaphore_mem>> -> memref<1x!tpu.dma_semaphore, #tpu.memory_space<semaphore_mem>>
      %dma_wait3A_97 = tpu.memref_squeeze %dma_wait3A_96 : memref<1x!tpu.dma_semaphore, #tpu.memory_space<semaphore_mem>> -> memref<!tpu.dma_semaphore, #tpu.memory_space<semaphore_mem>>
      tpu.wait_indirect_dma semaphore(%dma_wait3A_97 : memref<!tpu.dma_semaphore, #tpu.memory_space<semaphore_mem>>) src(%dma_wait3A_89 : memref<60x128xf32, #tpu.memory_space<vmem>>) dst(%dma_wait3A_95 : memref<12288x128xf32, #tpu.memory_space<vmem_shared>>)
    }
    %scan3A_9 = arith.constant 8 : i32
    %barrier3A_10 = arith.constant 0 : index
    tpu.barrier barrier_id(%barrier3A_10)
    %mul3A_11 = arith.constant 768 : i32
    %mul3A_12 = arith.muli %arg1, %mul3A_11 : i32
    %mul3A_13 = arith.constant 12288 : i32
    %mul3A_14 = arith.muli %arg0, %mul3A_13 : i32
    %mul3A_15 = arith.constant 768 : i32
    %mul3A_16 = arith.muli %arg1, %mul3A_15 : i32
    %add3A_17 = arith.addi %mul3A_14, %mul3A_16 : i32
    "tpu.region"() ({
      %run_scoped3A = tpu.sem_alloc : memref<!tpu.dma_semaphore, #tpu.memory_space<semaphore_mem>>
      %dma_start3A = arith.constant 0 : i32
      %dma_start3A_18 = tpu.memref_slice %arg5[%add3A_17, %dma_start3A] : memref<24576x128xf32, #tpu.memory_space<hbm>> -> memref<768x128xf32, #tpu.memory_space<hbm>>
      %dma_start3A_19 = arith.constant 0 : i32
      %dma_start3A_20 = tpu.memref_slice %arg9[%mul3A_12, %dma_start3A_19] : memref<12288x128xf32, #tpu.memory_space<vmem_shared>> -> memref<768x128xf32, #tpu.memory_space<vmem_shared>>
      tpu.enqueue_dma source(%dma_start3A_20 : memref<768x128xf32, #tpu.memory_space<vmem_shared>>) target(%dma_start3A_18 : memref<768x128xf32, #tpu.memory_space<hbm>>) target_semaphore(%run_scoped3A : memref<!tpu.dma_semaphore, #tpu.memory_space<semaphore_mem>>)
      %dma_wait3A = arith.constant 0 : i32
      %dma_wait3A_21 = tpu.memref_slice %arg5[%add3A_17, %dma_wait3A] : memref<24576x128xf32, #tpu.memory_space<hbm>> -> memref<768x128xf32, #tpu.memory_space<hbm>>
      %dma_wait3A_22 = arith.constant 0 : i32
      %dma_wait3A_23 = tpu.memref_slice %arg9[%mul3A_12, %dma_wait3A_22] : memref<12288x128xf32, #tpu.memory_space<vmem_shared>> -> memref<768x128xf32, #tpu.memory_space<vmem_shared>>
      tpu.wait_dma2 semaphore(%run_scoped3A : memref<!tpu.dma_semaphore, #tpu.memory_space<semaphore_mem>>) src(%dma_wait3A_23 : memref<768x128xf32, #tpu.memory_space<vmem_shared>>) dst(%dma_wait3A_21 : memref<768x128xf32, #tpu.memory_space<hbm>>)
      tpu.yield
    }) : () -> ()
    return
  }
}

#map = affine_map<(d0, d1) -> (0, 0)>
#map1 = affine_map<(d0, d1) -> (0, 0, 0, 0, 0)>
#map2 = affine_map<(d0, d1) -> (0, 0, 0, 0)>
module attributes {stable_mosaic.version = 14 : i64} {
  func.func @_gcn_sc(%arg0: i32, %arg1: i32, %arg2: memref<24576x128xf32, #tpu.memory_space<hbm>>, %arg3: memref<2x16x8x25x60xi32, #tpu.memory_space<hbm>>, %arg4: memref<16x8x25x60xi32, #tpu.memory_space<hbm>>, %arg5: memref<24576x128xf32, #tpu.memory_space<hbm>>, %arg6: memref<25x60xi32, #tpu.memory_space<vmem>>, %arg7: memref<25x60xi32, #tpu.memory_space<vmem>>, %arg8: memref<3x60x128xf32, #tpu.memory_space<vmem>>, %arg9: memref<12288x128xf32, #tpu.memory_space<vmem_shared>>, %arg10: memref<3x!tpu.dma_semaphore, #tpu.memory_space<semaphore_mem>>, %arg11: memref<3x!tpu.dma_semaphore, #tpu.memory_space<semaphore_mem>>) attributes {dimension_semantics = [#tpu.dimension_semantics<core_parallel>, #tpu.dimension_semantics<subcore_parallel>], iteration_bounds = array<i64: 2, 16>, scalar_prefetch = 0 : i64, scratch_operands = 6 : i64, tpu.core_type = #tpu.core_type<sc_vector_subcore>, window_params = [{transform_indices = #map}, {transform_indices = #map1}, {transform_indices = #map2}, {transform_indices = #map}]} {
    %mul3A = arith.constant 12288 : i32
    %mul3A_0 = arith.muli %arg0, %mul3A : i32
    %mul3A_1 = arith.constant 768 : i32
    %mul3A_2 = arith.muli %arg1, %mul3A_1 : i32
    %add3A = arith.addi %mul3A_0, %mul3A_2 : i32
    %mul3A_3 = arith.constant 768 : i32
    %mul3A_4 = arith.muli %arg1, %mul3A_3 : i32
    "tpu.region"() ({
      %run_scoped3A = tpu.sem_alloc : memref<!tpu.dma_semaphore, #tpu.memory_space<semaphore_mem>>
      %dma_start3A = arith.constant 0 : i32
      %dma_start3A_18 = tpu.memref_slice %arg9[%mul3A_4, %dma_start3A] : memref<12288x128xf32, #tpu.memory_space<vmem_shared>> -> memref<768x128xf32, #tpu.memory_space<vmem_shared>>
      %dma_start3A_19 = arith.constant 0 : i32
      %dma_start3A_20 = tpu.memref_slice %arg2[%add3A, %dma_start3A_19] : memref<24576x128xf32, #tpu.memory_space<hbm>> -> memref<768x128xf32, #tpu.memory_space<hbm>>
      tpu.enqueue_dma source(%dma_start3A_20 : memref<768x128xf32, #tpu.memory_space<hbm>>) target(%dma_start3A_18 : memref<768x128xf32, #tpu.memory_space<vmem_shared>>) target_semaphore(%run_scoped3A : memref<!tpu.dma_semaphore, #tpu.memory_space<semaphore_mem>>)
      %dma_wait3A = arith.constant 0 : i32
      %dma_wait3A_21 = tpu.memref_slice %arg9[%mul3A_4, %dma_wait3A] : memref<12288x128xf32, #tpu.memory_space<vmem_shared>> -> memref<768x128xf32, #tpu.memory_space<vmem_shared>>
      %dma_wait3A_22 = arith.constant 0 : i32
      %dma_wait3A_23 = tpu.memref_slice %arg2[%add3A, %dma_wait3A_22] : memref<24576x128xf32, #tpu.memory_space<hbm>> -> memref<768x128xf32, #tpu.memory_space<hbm>>
      tpu.wait_dma2 semaphore(%run_scoped3A : memref<!tpu.dma_semaphore, #tpu.memory_space<semaphore_mem>>) src(%dma_wait3A_23 : memref<768x128xf32, #tpu.memory_space<hbm>>) dst(%dma_wait3A_21 : memref<768x128xf32, #tpu.memory_space<vmem_shared>>)
      tpu.yield
    }) : () -> ()
    %barrier3A = arith.constant 0 : index
    tpu.barrier barrier_id(%barrier3A)
    %scan3A = arith.constant 0 : i32
    %scan3A_5 = arith.constant 0 : i32
    %scan3A_6 = arith.constant 8 : i32
    %scan3A_7 = arith.addi %scan3A_5, %scan3A_6 : i32
    %scan3A_8 = arith.constant 1 : i32
    scf.for %scan3A_18 = %scan3A_5 to %scan3A_7 step %scan3A_8  : i32 {
      "tpu.region"() ({
        %run_scoped3A = tpu.sem_alloc : memref<!tpu.dma_semaphore, #tpu.memory_space<semaphore_mem>>
        %dma_start3A_98 = arith.constant 0 : i32
        %dma_start3A_99 = arith.constant 0 : i32
        %dma_start3A_100 = tpu.memref_slice %arg3[%arg0, %arg1, %scan3A_18, %dma_start3A_98, %dma_start3A_99] : memref<2x16x8x25x60xi32, #tpu.memory_space<hbm>> -> memref<1x1x1x25x60xi32, #tpu.memory_space<hbm>>
        %dma_start3A_101 = tpu.memref_squeeze %dma_start3A_100 : memref<1x1x1x25x60xi32, #tpu.memory_space<hbm>> -> memref<25x60xi32, #tpu.memory_space<hbm>>
        %dma_start3A_102 = arith.constant 0 : i32
        %dma_start3A_103 = arith.constant 0 : i32
        %dma_start3A_104 = tpu.memref_slice %arg3[%arg0, %arg1, %scan3A_18, %dma_start3A_102, %dma_start3A_103] : memref<2x16x8x25x60xi32, #tpu.memory_space<hbm>> -> memref<1x1x1x25x60xi32, #tpu.memory_space<hbm>>
        %dma_start3A_105 = tpu.memref_squeeze %dma_start3A_104 : memref<1x1x1x25x60xi32, #tpu.memory_space<hbm>> -> memref<25x60xi32, #tpu.memory_space<hbm>>
        tpu.enqueue_dma source(%dma_start3A_105 : memref<25x60xi32, #tpu.memory_space<hbm>>) target(%arg6 : memref<25x60xi32, #tpu.memory_space<vmem>>) target_semaphore(%run_scoped3A : memref<!tpu.dma_semaphore, #tpu.memory_space<semaphore_mem>>)
        %dma_wait3A_106 = arith.constant 0 : i32
        %dma_wait3A_107 = arith.constant 0 : i32
        %dma_wait3A_108 = tpu.memref_slice %arg3[%arg0, %arg1, %scan3A_18, %dma_wait3A_106, %dma_wait3A_107] : memref<2x16x8x25x60xi32, #tpu.memory_space<hbm>> -> memref<1x1x1x25x60xi32, #tpu.memory_space<hbm>>
        %dma_wait3A_109 = tpu.memref_squeeze %dma_wait3A_108 : memref<1x1x1x25x60xi32, #tpu.memory_space<hbm>> -> memref<25x60xi32, #tpu.memory_space<hbm>>
        %dma_wait3A_110 = arith.constant 0 : i32
        %dma_wait3A_111 = arith.constant 0 : i32
        %dma_wait3A_112 = tpu.memref_slice %arg3[%arg0, %arg1, %scan3A_18, %dma_wait3A_110, %dma_wait3A_111] : memref<2x16x8x25x60xi32, #tpu.memory_space<hbm>> -> memref<1x1x1x25x60xi32, #tpu.memory_space<hbm>>
        %dma_wait3A_113 = tpu.memref_squeeze %dma_wait3A_112 : memref<1x1x1x25x60xi32, #tpu.memory_space<hbm>> -> memref<25x60xi32, #tpu.memory_space<hbm>>
        tpu.wait_dma2 semaphore(%run_scoped3A : memref<!tpu.dma_semaphore, #tpu.memory_space<semaphore_mem>>) src(%dma_wait3A_113 : memref<25x60xi32, #tpu.memory_space<hbm>>) dst(%arg6 : memref<25x60xi32, #tpu.memory_space<vmem>>)
        tpu.yield
      }) : () -> ()
      "tpu.region"() ({
        %run_scoped3A = tpu.sem_alloc : memref<!tpu.dma_semaphore, #tpu.memory_space<semaphore_mem>>
        %dma_start3A_98 = arith.constant 0 : i32
        %dma_start3A_99 = arith.constant 0 : i32
        %dma_start3A_100 = tpu.memref_slice %arg4[%arg1, %scan3A_18, %dma_start3A_98, %dma_start3A_99] : memref<16x8x25x60xi32, #tpu.memory_space<hbm>> -> memref<1x1x25x60xi32, #tpu.memory_space<hbm>>
        %dma_start3A_101 = tpu.memref_squeeze %dma_start3A_100 : memref<1x1x25x60xi32, #tpu.memory_space<hbm>> -> memref<25x60xi32, #tpu.memory_space<hbm>>
        %dma_start3A_102 = arith.constant 0 : i32
        %dma_start3A_103 = arith.constant 0 : i32
        %dma_start3A_104 = tpu.memref_slice %arg4[%arg1, %scan3A_18, %dma_start3A_102, %dma_start3A_103] : memref<16x8x25x60xi32, #tpu.memory_space<hbm>> -> memref<1x1x25x60xi32, #tpu.memory_space<hbm>>
        %dma_start3A_105 = tpu.memref_squeeze %dma_start3A_104 : memref<1x1x25x60xi32, #tpu.memory_space<hbm>> -> memref<25x60xi32, #tpu.memory_space<hbm>>
        tpu.enqueue_dma source(%dma_start3A_105 : memref<25x60xi32, #tpu.memory_space<hbm>>) target(%arg7 : memref<25x60xi32, #tpu.memory_space<vmem>>) target_semaphore(%run_scoped3A : memref<!tpu.dma_semaphore, #tpu.memory_space<semaphore_mem>>)
        %dma_wait3A_106 = arith.constant 0 : i32
        %dma_wait3A_107 = arith.constant 0 : i32
        %dma_wait3A_108 = tpu.memref_slice %arg4[%arg1, %scan3A_18, %dma_wait3A_106, %dma_wait3A_107] : memref<16x8x25x60xi32, #tpu.memory_space<hbm>> -> memref<1x1x25x60xi32, #tpu.memory_space<hbm>>
        %dma_wait3A_109 = tpu.memref_squeeze %dma_wait3A_108 : memref<1x1x25x60xi32, #tpu.memory_space<hbm>> -> memref<25x60xi32, #tpu.memory_space<hbm>>
        %dma_wait3A_110 = arith.constant 0 : i32
        %dma_wait3A_111 = arith.constant 0 : i32
        %dma_wait3A_112 = tpu.memref_slice %arg4[%arg1, %scan3A_18, %dma_wait3A_110, %dma_wait3A_111] : memref<16x8x25x60xi32, #tpu.memory_space<hbm>> -> memref<1x1x25x60xi32, #tpu.memory_space<hbm>>
        %dma_wait3A_113 = tpu.memref_squeeze %dma_wait3A_112 : memref<1x1x25x60xi32, #tpu.memory_space<hbm>> -> memref<25x60xi32, #tpu.memory_space<hbm>>
        tpu.wait_dma2 semaphore(%run_scoped3A : memref<!tpu.dma_semaphore, #tpu.memory_space<semaphore_mem>>) src(%dma_wait3A_113 : memref<25x60xi32, #tpu.memory_space<hbm>>) dst(%arg7 : memref<25x60xi32, #tpu.memory_space<vmem>>)
        tpu.yield
      }) : () -> ()
      %dma_start3A = arith.constant 0 : i32
      %dma_start3A_19 = arith.constant 0 : i32
      %dma_start3A_20 = arith.constant 0 : i32
      %dma_start3A_21 = arith.constant 0 : i32
      %dma_start3A_22 = arith.constant 0 : i32
      %dma_start3A_23 = tpu.memref_slice %arg8[%dma_start3A_19, %dma_start3A_21, %dma_start3A_22] : memref<3x60x128xf32, #tpu.memory_space<vmem>> -> memref<1x60x128xf32, #tpu.memory_space<vmem>>
      %dma_start3A_24 = tpu.memref_squeeze %dma_start3A_23 : memref<1x60x128xf32, #tpu.memory_space<vmem>> -> memref<60x128xf32, #tpu.memory_space<vmem>>
      %dma_start3A_25 = arith.constant 0 : i32
      %dma_start3A_26 = tpu.memref_slice %arg6[%dma_start3A, %dma_start3A_25] : memref<25x60xi32, #tpu.memory_space<vmem>> -> memref<1x60xi32, #tpu.memory_space<vmem>>
      %dma_start3A_27 = tpu.memref_squeeze %dma_start3A_26 : memref<1x60xi32, #tpu.memory_space<vmem>> -> memref<60xi32, #tpu.memory_space<vmem>>
      %dma_start3A_28 = arith.constant 0 : i32
      %dma_start3A_29 = arith.constant 0 : i32
      %dma_start3A_30 = tpu.memref_slice %arg2[%dma_start3A_28, %dma_start3A_29] : memref<24576x128xf32, #tpu.memory_space<hbm>> -> memref<24576x128xf32, #tpu.memory_space<hbm>>
      %dma_start3A_31 = tpu.memref_slice %arg10[%dma_start3A_20] : memref<3x!tpu.dma_semaphore, #tpu.memory_space<semaphore_mem>> -> memref<1x!tpu.dma_semaphore, #tpu.memory_space<semaphore_mem>>
      %dma_start3A_32 = tpu.memref_squeeze %dma_start3A_31 : memref<1x!tpu.dma_semaphore, #tpu.memory_space<semaphore_mem>> -> memref<!tpu.dma_semaphore, #tpu.memory_space<semaphore_mem>>
      tpu.enqueue_indirect_dma source(%dma_start3A_30 : memref<24576x128xf32, #tpu.memory_space<hbm>>) target(%dma_start3A_24 : memref<60x128xf32, #tpu.memory_space<vmem>>) offsets(%dma_start3A_27 : memref<60xi32, #tpu.memory_space<vmem>>) semaphore(%dma_start3A_32 : memref<!tpu.dma_semaphore, #tpu.memory_space<semaphore_mem>>)
      %dma_start3A_33 = arith.constant 1 : i32
      %dma_start3A_34 = arith.constant 1 : i32
      %dma_start3A_35 = arith.constant 1 : i32
      %dma_start3A_36 = arith.constant 0 : i32
      %dma_start3A_37 = arith.constant 0 : i32
      %dma_start3A_38 = tpu.memref_slice %arg8[%dma_start3A_34, %dma_start3A_36, %dma_start3A_37] : memref<3x60x128xf32, #tpu.memory_space<vmem>> -> memref<1x60x128xf32, #tpu.memory_space<vmem>>
      %dma_start3A_39 = tpu.memref_squeeze %dma_start3A_38 : memref<1x60x128xf32, #tpu.memory_space<vmem>> -> memref<60x128xf32, #tpu.memory_space<vmem>>
      %dma_start3A_40 = arith.constant 0 : i32
      %dma_start3A_41 = tpu.memref_slice %arg6[%dma_start3A_33, %dma_start3A_40] : memref<25x60xi32, #tpu.memory_space<vmem>> -> memref<1x60xi32, #tpu.memory_space<vmem>>
      %dma_start3A_42 = tpu.memref_squeeze %dma_start3A_41 : memref<1x60xi32, #tpu.memory_space<vmem>> -> memref<60xi32, #tpu.memory_space<vmem>>
      %dma_start3A_43 = arith.constant 0 : i32
      %dma_start3A_44 = arith.constant 0 : i32
      %dma_start3A_45 = tpu.memref_slice %arg2[%dma_start3A_43, %dma_start3A_44] : memref<24576x128xf32, #tpu.memory_space<hbm>> -> memref<24576x128xf32, #tpu.memory_space<hbm>>
      %dma_start3A_46 = tpu.memref_slice %arg10[%dma_start3A_35] : memref<3x!tpu.dma_semaphore, #tpu.memory_space<semaphore_mem>> -> memref<1x!tpu.dma_semaphore, #tpu.memory_space<semaphore_mem>>
      %dma_start3A_47 = tpu.memref_squeeze %dma_start3A_46 : memref<1x!tpu.dma_semaphore, #tpu.memory_space<semaphore_mem>> -> memref<!tpu.dma_semaphore, #tpu.memory_space<semaphore_mem>>
      tpu.enqueue_indirect_dma source(%dma_start3A_45 : memref<24576x128xf32, #tpu.memory_space<hbm>>) target(%dma_start3A_39 : memref<60x128xf32, #tpu.memory_space<vmem>>) offsets(%dma_start3A_42 : memref<60xi32, #tpu.memory_space<vmem>>) semaphore(%dma_start3A_47 : memref<!tpu.dma_semaphore, #tpu.memory_space<semaphore_mem>>)
      %scan3A_48 = arith.constant 0 : i32
      %scan3A_49 = arith.constant 0 : i32
      %scan3A_50 = arith.constant 25 : i32
      %scan3A_51 = arith.addi %scan3A_49, %scan3A_50 : i32
      %scan3A_52 = arith.constant 1 : i32
      scf.for %scan3A_98 = %scan3A_49 to %scan3A_51 step %scan3A_52  : i32 {
        %rem3A = arith.constant 3 : i32
        %rem3A_99 = arith.remsi %scan3A_98, %rem3A : i32
        %dma_wait3A_100 = arith.constant 0 : i32
        %dma_wait3A_101 = arith.constant 0 : i32
        %dma_wait3A_102 = tpu.memref_slice %arg8[%rem3A_99, %dma_wait3A_100, %dma_wait3A_101] : memref<3x60x128xf32, #tpu.memory_space<vmem>> -> memref<1x60x128xf32, #tpu.memory_space<vmem>>
        %dma_wait3A_103 = tpu.memref_squeeze %dma_wait3A_102 : memref<1x60x128xf32, #tpu.memory_space<vmem>> -> memref<60x128xf32, #tpu.memory_space<vmem>>
        %dma_wait3A_104 = arith.constant 0 : i32
        %dma_wait3A_105 = tpu.memref_slice %arg6[%scan3A_98, %dma_wait3A_104] : memref<25x60xi32, #tpu.memory_space<vmem>> -> memref<1x60xi32, #tpu.memory_space<vmem>>
        %dma_wait3A_106 = tpu.memref_squeeze %dma_wait3A_105 : memref<1x60xi32, #tpu.memory_space<vmem>> -> memref<60xi32, #tpu.memory_space<vmem>>
        %dma_wait3A_107 = arith.constant 0 : i32
        %dma_wait3A_108 = arith.constant 0 : i32
        %dma_wait3A_109 = tpu.memref_slice %arg2[%dma_wait3A_107, %dma_wait3A_108] : memref<24576x128xf32, #tpu.memory_space<hbm>> -> memref<24576x128xf32, #tpu.memory_space<hbm>>
        %dma_wait3A_110 = tpu.memref_slice %arg10[%rem3A_99] : memref<3x!tpu.dma_semaphore, #tpu.memory_space<semaphore_mem>> -> memref<1x!tpu.dma_semaphore, #tpu.memory_space<semaphore_mem>>
        %dma_wait3A_111 = tpu.memref_squeeze %dma_wait3A_110 : memref<1x!tpu.dma_semaphore, #tpu.memory_space<semaphore_mem>> -> memref<!tpu.dma_semaphore, #tpu.memory_space<semaphore_mem>>
        tpu.wait_indirect_dma semaphore(%dma_wait3A_111 : memref<!tpu.dma_semaphore, #tpu.memory_space<semaphore_mem>>) src(%dma_wait3A_109 : memref<24576x128xf32, #tpu.memory_space<hbm>>) dst(%dma_wait3A_103 : memref<60x128xf32, #tpu.memory_space<vmem>>)
        %dma_start3A_112 = arith.constant 0 : i32
        %dma_start3A_113 = arith.constant 0 : i32
        %dma_start3A_114 = tpu.memref_slice %arg8[%rem3A_99, %dma_start3A_112, %dma_start3A_113] : memref<3x60x128xf32, #tpu.memory_space<vmem>> -> memref<1x60x128xf32, #tpu.memory_space<vmem>>
        %dma_start3A_115 = tpu.memref_squeeze %dma_start3A_114 : memref<1x60x128xf32, #tpu.memory_space<vmem>> -> memref<60x128xf32, #tpu.memory_space<vmem>>
        %dma_start3A_116 = arith.constant 0 : i32
        %dma_start3A_117 = tpu.memref_slice %arg7[%scan3A_98, %dma_start3A_116] : memref<25x60xi32, #tpu.memory_space<vmem>> -> memref<1x60xi32, #tpu.memory_space<vmem>>
        %dma_start3A_118 = tpu.memref_squeeze %dma_start3A_117 : memref<1x60xi32, #tpu.memory_space<vmem>> -> memref<60xi32, #tpu.memory_space<vmem>>
        %dma_start3A_119 = arith.constant 0 : i32
        %dma_start3A_120 = arith.constant 0 : i32
        %dma_start3A_121 = tpu.memref_slice %arg9[%dma_start3A_119, %dma_start3A_120] : memref<12288x128xf32, #tpu.memory_space<vmem_shared>> -> memref<12288x128xf32, #tpu.memory_space<vmem_shared>>
        %dma_start3A_122 = tpu.memref_slice %arg11[%rem3A_99] : memref<3x!tpu.dma_semaphore, #tpu.memory_space<semaphore_mem>> -> memref<1x!tpu.dma_semaphore, #tpu.memory_space<semaphore_mem>>
        %dma_start3A_123 = tpu.memref_squeeze %dma_start3A_122 : memref<1x!tpu.dma_semaphore, #tpu.memory_space<semaphore_mem>> -> memref<!tpu.dma_semaphore, #tpu.memory_space<semaphore_mem>>
        tpu.enqueue_indirect_dma source(%dma_start3A_115 : memref<60x128xf32, #tpu.memory_space<vmem>>) target(%dma_start3A_121 : memref<12288x128xf32, #tpu.memory_space<vmem_shared>>) offsets(%dma_start3A_118 : memref<60xi32, #tpu.memory_space<vmem>>) semaphore(%dma_start3A_123 : memref<!tpu.dma_semaphore, #tpu.memory_space<semaphore_mem>>) {add = true}
        %add3A_124 = arith.constant 2 : i32
        %add3A_125 = arith.addi %scan3A_98, %add3A_124 : i32
        %lt3A = arith.constant 25 : i32
        %lt3A_126 = arith.cmpi slt, %add3A_125, %lt3A : i32
        %convert_element_type3A = arith.extui %lt3A_126 : i1 to i32
        %cond3A = arith.constant 0 : i32
        %cond3A_127 = arith.cmpi ne, %convert_element_type3A, %cond3A : i32
        scf.if %cond3A_127 {
          %add3A_128 = arith.constant 2 : i32
          %add3A_129 = arith.addi %scan3A_98, %add3A_128 : i32
          %rem3A_130 = arith.constant 3 : i32
          %rem3A_131 = arith.remsi %add3A_129, %rem3A_130 : i32
          %gt3A = arith.constant 0 : i32
          %gt3A_132 = arith.cmpi sgt, %scan3A_98, %gt3A : i32
          %convert_element_type3A_133 = arith.extui %gt3A_132 : i1 to i32
          %cond3A_134 = arith.constant 0 : i32
          %cond3A_135 = arith.cmpi ne, %convert_element_type3A_133, %cond3A_134 : i32
          scf.if %cond3A_135 {
            %sub3A = arith.constant 1 : i32
            %sub3A_150 = arith.subi %scan3A_98, %sub3A : i32
            %dma_wait3A_151 = arith.constant 0 : i32
            %dma_wait3A_152 = arith.constant 0 : i32
            %dma_wait3A_153 = tpu.memref_slice %arg8[%rem3A_131, %dma_wait3A_151, %dma_wait3A_152] : memref<3x60x128xf32, #tpu.memory_space<vmem>> -> memref<1x60x128xf32, #tpu.memory_space<vmem>>
            %dma_wait3A_154 = tpu.memref_squeeze %dma_wait3A_153 : memref<1x60x128xf32, #tpu.memory_space<vmem>> -> memref<60x128xf32, #tpu.memory_space<vmem>>
            %dma_wait3A_155 = arith.constant 0 : i32
            %dma_wait3A_156 = tpu.memref_slice %arg7[%sub3A_150, %dma_wait3A_155] : memref<25x60xi32, #tpu.memory_space<vmem>> -> memref<1x60xi32, #tpu.memory_space<vmem>>
            %dma_wait3A_157 = tpu.memref_squeeze %dma_wait3A_156 : memref<1x60xi32, #tpu.memory_space<vmem>> -> memref<60xi32, #tpu.memory_space<vmem>>
            %dma_wait3A_158 = arith.constant 0 : i32
            %dma_wait3A_159 = arith.constant 0 : i32
            %dma_wait3A_160 = tpu.memref_slice %arg9[%dma_wait3A_158, %dma_wait3A_159] : memref<12288x128xf32, #tpu.memory_space<vmem_shared>> -> memref<12288x128xf32, #tpu.memory_space<vmem_shared>>
            %dma_wait3A_161 = tpu.memref_slice %arg11[%rem3A_131] : memref<3x!tpu.dma_semaphore, #tpu.memory_space<semaphore_mem>> -> memref<1x!tpu.dma_semaphore, #tpu.memory_space<semaphore_mem>>
            %dma_wait3A_162 = tpu.memref_squeeze %dma_wait3A_161 : memref<1x!tpu.dma_semaphore, #tpu.memory_space<semaphore_mem>> -> memref<!tpu.dma_semaphore, #tpu.memory_space<semaphore_mem>>
            tpu.wait_indirect_dma semaphore(%dma_wait3A_162 : memref<!tpu.dma_semaphore, #tpu.memory_space<semaphore_mem>>) src(%dma_wait3A_154 : memref<60x128xf32, #tpu.memory_space<vmem>>) dst(%dma_wait3A_160 : memref<12288x128xf32, #tpu.memory_space<vmem_shared>>)
          } else {
          }
          %add3A_136 = arith.constant 2 : i32
          %add3A_137 = arith.addi %scan3A_98, %add3A_136 : i32
          %dma_start3A_138 = arith.constant 0 : i32
          %dma_start3A_139 = arith.constant 0 : i32
          %dma_start3A_140 = tpu.memref_slice %arg8[%rem3A_131, %dma_start3A_138, %dma_start3A_139] : memref<3x60x128xf32, #tpu.memory_space<vmem>> -> memref<1x60x128xf32, #tpu.memory_space<vmem>>
          %dma_start3A_141 = tpu.memref_squeeze %dma_start3A_140 : memref<1x60x128xf32, #tpu.memory_space<vmem>> -> memref<60x128xf32, #tpu.memory_space<vmem>>
          %dma_start3A_142 = arith.constant 0 : i32
          %dma_start3A_143 = tpu.memref_slice %arg6[%add3A_137, %dma_start3A_142] : memref<25x60xi32, #tpu.memory_space<vmem>> -> memref<1x60xi32, #tpu.memory_space<vmem>>
          %dma_start3A_144 = tpu.memref_squeeze %dma_start3A_143 : memref<1x60xi32, #tpu.memory_space<vmem>> -> memref<60xi32, #tpu.memory_space<vmem>>
          %dma_start3A_145 = arith.constant 0 : i32
          %dma_start3A_146 = arith.constant 0 : i32
          %dma_start3A_147 = tpu.memref_slice %arg2[%dma_start3A_145, %dma_start3A_146] : memref<24576x128xf32, #tpu.memory_space<hbm>> -> memref<24576x128xf32, #tpu.memory_space<hbm>>
          %dma_start3A_148 = tpu.memref_slice %arg10[%rem3A_131] : memref<3x!tpu.dma_semaphore, #tpu.memory_space<semaphore_mem>> -> memref<1x!tpu.dma_semaphore, #tpu.memory_space<semaphore_mem>>
          %dma_start3A_149 = tpu.memref_squeeze %dma_start3A_148 : memref<1x!tpu.dma_semaphore, #tpu.memory_space<semaphore_mem>> -> memref<!tpu.dma_semaphore, #tpu.memory_space<semaphore_mem>>
          tpu.enqueue_indirect_dma source(%dma_start3A_147 : memref<24576x128xf32, #tpu.memory_space<hbm>>) target(%dma_start3A_141 : memref<60x128xf32, #tpu.memory_space<vmem>>) offsets(%dma_start3A_144 : memref<60xi32, #tpu.memory_space<vmem>>) semaphore(%dma_start3A_149 : memref<!tpu.dma_semaphore, #tpu.memory_space<semaphore_mem>>)
        } else {
        }
      }
      %scan3A_53 = arith.constant 25 : i32
      %dma_wait3A = arith.constant 1 : i32
      %dma_wait3A_54 = arith.constant 22 : i32
      %dma_wait3A_55 = arith.constant 1 : i32
      %dma_wait3A_56 = arith.constant 0 : i32
      %dma_wait3A_57 = arith.constant 0 : i32
      %dma_wait3A_58 = tpu.memref_slice %arg8[%dma_wait3A, %dma_wait3A_56, %dma_wait3A_57] : memref<3x60x128xf32, #tpu.memory_space<vmem>> -> memref<1x60x128xf32, #tpu.memory_space<vmem>>
      %dma_wait3A_59 = tpu.memref_squeeze %dma_wait3A_58 : memref<1x60x128xf32, #tpu.memory_space<vmem>> -> memref<60x128xf32, #tpu.memory_space<vmem>>
      %dma_wait3A_60 = arith.constant 0 : i32
      %dma_wait3A_61 = tpu.memref_slice %arg7[%dma_wait3A_54, %dma_wait3A_60] : memref<25x60xi32, #tpu.memory_space<vmem>> -> memref<1x60xi32, #tpu.memory_space<vmem>>
      %dma_wait3A_62 = tpu.memref_squeeze %dma_wait3A_61 : memref<1x60xi32, #tpu.memory_space<vmem>> -> memref<60xi32, #tpu.memory_space<vmem>>
      %dma_wait3A_63 = arith.constant 0 : i32
      %dma_wait3A_64 = arith.constant 0 : i32
      %dma_wait3A_65 = tpu.memref_slice %arg9[%dma_wait3A_63, %dma_wait3A_64] : memref<12288x128xf32, #tpu.memory_space<vmem_shared>> -> memref<12288x128xf32, #tpu.memory_space<vmem_shared>>
      %dma_wait3A_66 = tpu.memref_slice %arg11[%dma_wait3A_55] : memref<3x!tpu.dma_semaphore, #tpu.memory_space<semaphore_mem>> -> memref<1x!tpu.dma_semaphore, #tpu.memory_space<semaphore_mem>>
      %dma_wait3A_67 = tpu.memref_squeeze %dma_wait3A_66 : memref<1x!tpu.dma_semaphore, #tpu.memory_space<semaphore_mem>> -> memref<!tpu.dma_semaphore, #tpu.memory_space<semaphore_mem>>
      tpu.wait_indirect_dma semaphore(%dma_wait3A_67 : memref<!tpu.dma_semaphore, #tpu.memory_space<semaphore_mem>>) src(%dma_wait3A_59 : memref<60x128xf32, #tpu.memory_space<vmem>>) dst(%dma_wait3A_65 : memref<12288x128xf32, #tpu.memory_space<vmem_shared>>)
      %dma_wait3A_68 = arith.constant 2 : i32
      %dma_wait3A_69 = arith.constant 23 : i32
      %dma_wait3A_70 = arith.constant 2 : i32
      %dma_wait3A_71 = arith.constant 0 : i32
      %dma_wait3A_72 = arith.constant 0 : i32
      %dma_wait3A_73 = tpu.memref_slice %arg8[%dma_wait3A_68, %dma_wait3A_71, %dma_wait3A_72] : memref<3x60x128xf32, #tpu.memory_space<vmem>> -> memref<1x60x128xf32, #tpu.memory_space<vmem>>
      %dma_wait3A_74 = tpu.memref_squeeze %dma_wait3A_73 : memref<1x60x128xf32, #tpu.memory_space<vmem>> -> memref<60x128xf32, #tpu.memory_space<vmem>>
      %dma_wait3A_75 = arith.constant 0 : i32
      %dma_wait3A_76 = tpu.memref_slice %arg7[%dma_wait3A_69, %dma_wait3A_75] : memref<25x60xi32, #tpu.memory_space<vmem>> -> memref<1x60xi32, #tpu.memory_space<vmem>>
      %dma_wait3A_77 = tpu.memref_squeeze %dma_wait3A_76 : memref<1x60xi32, #tpu.memory_space<vmem>> -> memref<60xi32, #tpu.memory_space<vmem>>
      %dma_wait3A_78 = arith.constant 0 : i32
      %dma_wait3A_79 = arith.constant 0 : i32
      %dma_wait3A_80 = tpu.memref_slice %arg9[%dma_wait3A_78, %dma_wait3A_79] : memref<12288x128xf32, #tpu.memory_space<vmem_shared>> -> memref<12288x128xf32, #tpu.memory_space<vmem_shared>>
      %dma_wait3A_81 = tpu.memref_slice %arg11[%dma_wait3A_70] : memref<3x!tpu.dma_semaphore, #tpu.memory_space<semaphore_mem>> -> memref<1x!tpu.dma_semaphore, #tpu.memory_space<semaphore_mem>>
      %dma_wait3A_82 = tpu.memref_squeeze %dma_wait3A_81 : memref<1x!tpu.dma_semaphore, #tpu.memory_space<semaphore_mem>> -> memref<!tpu.dma_semaphore, #tpu.memory_space<semaphore_mem>>
      tpu.wait_indirect_dma semaphore(%dma_wait3A_82 : memref<!tpu.dma_semaphore, #tpu.memory_space<semaphore_mem>>) src(%dma_wait3A_74 : memref<60x128xf32, #tpu.memory_space<vmem>>) dst(%dma_wait3A_80 : memref<12288x128xf32, #tpu.memory_space<vmem_shared>>)
      %dma_wait3A_83 = arith.constant 0 : i32
      %dma_wait3A_84 = arith.constant 24 : i32
      %dma_wait3A_85 = arith.constant 0 : i32
      %dma_wait3A_86 = arith.constant 0 : i32
      %dma_wait3A_87 = arith.constant 0 : i32
      %dma_wait3A_88 = tpu.memref_slice %arg8[%dma_wait3A_83, %dma_wait3A_86, %dma_wait3A_87] : memref<3x60x128xf32, #tpu.memory_space<vmem>> -> memref<1x60x128xf32, #tpu.memory_space<vmem>>
      %dma_wait3A_89 = tpu.memref_squeeze %dma_wait3A_88 : memref<1x60x128xf32, #tpu.memory_space<vmem>> -> memref<60x128xf32, #tpu.memory_space<vmem>>
      %dma_wait3A_90 = arith.constant 0 : i32
      %dma_wait3A_91 = tpu.memref_slice %arg7[%dma_wait3A_84, %dma_wait3A_90] : memref<25x60xi32, #tpu.memory_space<vmem>> -> memref<1x60xi32, #tpu.memory_space<vmem>>
      %dma_wait3A_92 = tpu.memref_squeeze %dma_wait3A_91 : memref<1x60xi32, #tpu.memory_space<vmem>> -> memref<60xi32, #tpu.memory_space<vmem>>
      %dma_wait3A_93 = arith.constant 0 : i32
      %dma_wait3A_94 = arith.constant 0 : i32
      %dma_wait3A_95 = tpu.memref_slice %arg9[%dma_wait3A_93, %dma_wait3A_94] : memref<12288x128xf32, #tpu.memory_space<vmem_shared>> -> memref<12288x128xf32, #tpu.memory_space<vmem_shared>>
      %dma_wait3A_96 = tpu.memref_slice %arg11[%dma_wait3A_85] : memref<3x!tpu.dma_semaphore, #tpu.memory_space<semaphore_mem>> -> memref<1x!tpu.dma_semaphore, #tpu.memory_space<semaphore_mem>>
      %dma_wait3A_97 = tpu.memref_squeeze %dma_wait3A_96 : memref<1x!tpu.dma_semaphore, #tpu.memory_space<semaphore_mem>> -> memref<!tpu.dma_semaphore, #tpu.memory_space<semaphore_mem>>
      tpu.wait_indirect_dma semaphore(%dma_wait3A_97 : memref<!tpu.dma_semaphore, #tpu.memory_space<semaphore_mem>>) src(%dma_wait3A_89 : memref<60x128xf32, #tpu.memory_space<vmem>>) dst(%dma_wait3A_95 : memref<12288x128xf32, #tpu.memory_space<vmem_shared>>)
    }
    %scan3A_9 = arith.constant 8 : i32
    %barrier3A_10 = arith.constant 0 : index
    tpu.barrier barrier_id(%barrier3A_10)
    %mul3A_11 = arith.constant 768 : i32
    %mul3A_12 = arith.muli %arg1, %mul3A_11 : i32
    %mul3A_13 = arith.constant 12288 : i32
    %mul3A_14 = arith.muli %arg0, %mul3A_13 : i32
    %mul3A_15 = arith.constant 768 : i32
    %mul3A_16 = arith.muli %arg1, %mul3A_15 : i32
    %add3A_17 = arith.addi %mul3A_14, %mul3A_16 : i32
    "tpu.region"() ({
      %run_scoped3A = tpu.sem_alloc : memref<!tpu.dma_semaphore, #tpu.memory_space<semaphore_mem>>
      %dma_start3A = arith.constant 0 : i32
      %dma_start3A_18 = tpu.memref_slice %arg5[%add3A_17, %dma_start3A] : memref<24576x128xf32, #tpu.memory_space<hbm>> -> memref<768x128xf32, #tpu.memory_space<hbm>>
      %dma_start3A_19 = arith.constant 0 : i32
      %dma_start3A_20 = tpu.memref_slice %arg9[%mul3A_12, %dma_start3A_19] : memref<12288x128xf32, #tpu.memory_space<vmem_shared>> -> memref<768x128xf32, #tpu.memory_space<vmem_shared>>
      tpu.enqueue_dma source(%dma_start3A_20 : memref<768x128xf32, #tpu.memory_space<vmem_shared>>) target(%dma_start3A_18 : memref<768x128xf32, #tpu.memory_space<hbm>>) target_semaphore(%run_scoped3A : memref<!tpu.dma_semaphore, #tpu.memory_space<semaphore_mem>>)
      %dma_wait3A = arith.constant 0 : i32
      %dma_wait3A_21 = tpu.memref_slice %arg5[%add3A_17, %dma_wait3A] : memref<24576x128xf32, #tpu.memory_space<hbm>> -> memref<768x128xf32, #tpu.memory_space<hbm>>
      %dma_wait3A_22 = arith.constant 0 : i32
      %dma_wait3A_23 = tpu.memref_slice %arg9[%mul3A_12, %dma_wait3A_22] : memref<12288x128xf32, #tpu.memory_space<vmem_shared>> -> memref<768x128xf32, #tpu.memory_space<vmem_shared>>
      tpu.wait_dma2 semaphore(%run_scoped3A : memref<!tpu.dma_semaphore, #tpu.memory_space<semaphore_mem>>) src(%dma_wait3A_23 : memref<768x128xf32, #tpu.memory_space<vmem_shared>>) dst(%dma_wait3A_21 : memref<768x128xf32, #tpu.memory_space<hbm>>)
      tpu.yield
    }) : () -> ()
    return
  }
}

#map = affine_map<(d0, d1) -> (0, 0)>
#map1 = affine_map<(d0, d1) -> (0, 0, 0, 0, 0)>
#map2 = affine_map<(d0, d1) -> (0, 0, 0, 0)>
module attributes {stable_mosaic.version = 14 : i64} {
  func.func @_gcn_sc(%arg0: i32, %arg1: i32, %arg2: memref<24576x128xf32, #tpu.memory_space<hbm>>, %arg3: memref<2x16x8x25x60xi32, #tpu.memory_space<hbm>>, %arg4: memref<16x8x25x60xi32, #tpu.memory_space<hbm>>, %arg5: memref<24576x128xf32, #tpu.memory_space<hbm>>, %arg6: memref<25x60xi32, #tpu.memory_space<vmem>>, %arg7: memref<25x60xi32, #tpu.memory_space<vmem>>, %arg8: memref<3x60x128xf32, #tpu.memory_space<vmem>>, %arg9: memref<12288x128xf32, #tpu.memory_space<vmem_shared>>, %arg10: memref<3x!tpu.dma_semaphore, #tpu.memory_space<semaphore_mem>>, %arg11: memref<3x!tpu.dma_semaphore, #tpu.memory_space<semaphore_mem>>) attributes {dimension_semantics = [#tpu.dimension_semantics<core_parallel>, #tpu.dimension_semantics<subcore_parallel>], iteration_bounds = array<i64: 2, 16>, scalar_prefetch = 0 : i64, scratch_operands = 6 : i64, tpu.core_type = #tpu.core_type<sc_vector_subcore>, window_params = [{transform_indices = #map}, {transform_indices = #map1}, {transform_indices = #map2}, {transform_indices = #map}]} {
    %mul3A = arith.constant 12288 : i32
    %mul3A_0 = arith.muli %arg0, %mul3A : i32
    %mul3A_1 = arith.constant 768 : i32
    %mul3A_2 = arith.muli %arg1, %mul3A_1 : i32
    %add3A = arith.addi %mul3A_0, %mul3A_2 : i32
    %mul3A_3 = arith.constant 768 : i32
    %mul3A_4 = arith.muli %arg1, %mul3A_3 : i32
    "tpu.region"() ({
      %run_scoped3A = tpu.sem_alloc : memref<!tpu.dma_semaphore, #tpu.memory_space<semaphore_mem>>
      %dma_start3A = arith.constant 0 : i32
      %dma_start3A_18 = tpu.memref_slice %arg9[%mul3A_4, %dma_start3A] : memref<12288x128xf32, #tpu.memory_space<vmem_shared>> -> memref<768x128xf32, #tpu.memory_space<vmem_shared>>
      %dma_start3A_19 = arith.constant 0 : i32
      %dma_start3A_20 = tpu.memref_slice %arg2[%add3A, %dma_start3A_19] : memref<24576x128xf32, #tpu.memory_space<hbm>> -> memref<768x128xf32, #tpu.memory_space<hbm>>
      tpu.enqueue_dma source(%dma_start3A_20 : memref<768x128xf32, #tpu.memory_space<hbm>>) target(%dma_start3A_18 : memref<768x128xf32, #tpu.memory_space<vmem_shared>>) target_semaphore(%run_scoped3A : memref<!tpu.dma_semaphore, #tpu.memory_space<semaphore_mem>>)
      %dma_wait3A = arith.constant 0 : i32
      %dma_wait3A_21 = tpu.memref_slice %arg9[%mul3A_4, %dma_wait3A] : memref<12288x128xf32, #tpu.memory_space<vmem_shared>> -> memref<768x128xf32, #tpu.memory_space<vmem_shared>>
      %dma_wait3A_22 = arith.constant 0 : i32
      %dma_wait3A_23 = tpu.memref_slice %arg2[%add3A, %dma_wait3A_22] : memref<24576x128xf32, #tpu.memory_space<hbm>> -> memref<768x128xf32, #tpu.memory_space<hbm>>
      tpu.wait_dma2 semaphore(%run_scoped3A : memref<!tpu.dma_semaphore, #tpu.memory_space<semaphore_mem>>) src(%dma_wait3A_23 : memref<768x128xf32, #tpu.memory_space<hbm>>) dst(%dma_wait3A_21 : memref<768x128xf32, #tpu.memory_space<vmem_shared>>)
      tpu.yield
    }) : () -> ()
    %barrier3A = arith.constant 0 : index
    tpu.barrier barrier_id(%barrier3A)
    %scan3A = arith.constant 0 : i32
    %scan3A_5 = arith.constant 0 : i32
    %scan3A_6 = arith.constant 8 : i32
    %scan3A_7 = arith.addi %scan3A_5, %scan3A_6 : i32
    %scan3A_8 = arith.constant 1 : i32
    scf.for %scan3A_18 = %scan3A_5 to %scan3A_7 step %scan3A_8  : i32 {
      "tpu.region"() ({
        %run_scoped3A = tpu.sem_alloc : memref<!tpu.dma_semaphore, #tpu.memory_space<semaphore_mem>>
        %dma_start3A_98 = arith.constant 0 : i32
        %dma_start3A_99 = arith.constant 0 : i32
        %dma_start3A_100 = tpu.memref_slice %arg3[%arg0, %arg1, %scan3A_18, %dma_start3A_98, %dma_start3A_99] : memref<2x16x8x25x60xi32, #tpu.memory_space<hbm>> -> memref<1x1x1x25x60xi32, #tpu.memory_space<hbm>>
        %dma_start3A_101 = tpu.memref_squeeze %dma_start3A_100 : memref<1x1x1x25x60xi32, #tpu.memory_space<hbm>> -> memref<25x60xi32, #tpu.memory_space<hbm>>
        %dma_start3A_102 = arith.constant 0 : i32
        %dma_start3A_103 = arith.constant 0 : i32
        %dma_start3A_104 = tpu.memref_slice %arg3[%arg0, %arg1, %scan3A_18, %dma_start3A_102, %dma_start3A_103] : memref<2x16x8x25x60xi32, #tpu.memory_space<hbm>> -> memref<1x1x1x25x60xi32, #tpu.memory_space<hbm>>
        %dma_start3A_105 = tpu.memref_squeeze %dma_start3A_104 : memref<1x1x1x25x60xi32, #tpu.memory_space<hbm>> -> memref<25x60xi32, #tpu.memory_space<hbm>>
        tpu.enqueue_dma source(%dma_start3A_105 : memref<25x60xi32, #tpu.memory_space<hbm>>) target(%arg6 : memref<25x60xi32, #tpu.memory_space<vmem>>) target_semaphore(%run_scoped3A : memref<!tpu.dma_semaphore, #tpu.memory_space<semaphore_mem>>)
        %dma_wait3A_106 = arith.constant 0 : i32
        %dma_wait3A_107 = arith.constant 0 : i32
        %dma_wait3A_108 = tpu.memref_slice %arg3[%arg0, %arg1, %scan3A_18, %dma_wait3A_106, %dma_wait3A_107] : memref<2x16x8x25x60xi32, #tpu.memory_space<hbm>> -> memref<1x1x1x25x60xi32, #tpu.memory_space<hbm>>
        %dma_wait3A_109 = tpu.memref_squeeze %dma_wait3A_108 : memref<1x1x1x25x60xi32, #tpu.memory_space<hbm>> -> memref<25x60xi32, #tpu.memory_space<hbm>>
        %dma_wait3A_110 = arith.constant 0 : i32
        %dma_wait3A_111 = arith.constant 0 : i32
        %dma_wait3A_112 = tpu.memref_slice %arg3[%arg0, %arg1, %scan3A_18, %dma_wait3A_110, %dma_wait3A_111] : memref<2x16x8x25x60xi32, #tpu.memory_space<hbm>> -> memref<1x1x1x25x60xi32, #tpu.memory_space<hbm>>
        %dma_wait3A_113 = tpu.memref_squeeze %dma_wait3A_112 : memref<1x1x1x25x60xi32, #tpu.memory_space<hbm>> -> memref<25x60xi32, #tpu.memory_space<hbm>>
        tpu.wait_dma2 semaphore(%run_scoped3A : memref<!tpu.dma_semaphore, #tpu.memory_space<semaphore_mem>>) src(%dma_wait3A_113 : memref<25x60xi32, #tpu.memory_space<hbm>>) dst(%arg6 : memref<25x60xi32, #tpu.memory_space<vmem>>)
        tpu.yield
      }) : () -> ()
      "tpu.region"() ({
        %run_scoped3A = tpu.sem_alloc : memref<!tpu.dma_semaphore, #tpu.memory_space<semaphore_mem>>
        %dma_start3A_98 = arith.constant 0 : i32
        %dma_start3A_99 = arith.constant 0 : i32
        %dma_start3A_100 = tpu.memref_slice %arg4[%arg1, %scan3A_18, %dma_start3A_98, %dma_start3A_99] : memref<16x8x25x60xi32, #tpu.memory_space<hbm>> -> memref<1x1x25x60xi32, #tpu.memory_space<hbm>>
        %dma_start3A_101 = tpu.memref_squeeze %dma_start3A_100 : memref<1x1x25x60xi32, #tpu.memory_space<hbm>> -> memref<25x60xi32, #tpu.memory_space<hbm>>
        %dma_start3A_102 = arith.constant 0 : i32
        %dma_start3A_103 = arith.constant 0 : i32
        %dma_start3A_104 = tpu.memref_slice %arg4[%arg1, %scan3A_18, %dma_start3A_102, %dma_start3A_103] : memref<16x8x25x60xi32, #tpu.memory_space<hbm>> -> memref<1x1x25x60xi32, #tpu.memory_space<hbm>>
        %dma_start3A_105 = tpu.memref_squeeze %dma_start3A_104 : memref<1x1x25x60xi32, #tpu.memory_space<hbm>> -> memref<25x60xi32, #tpu.memory_space<hbm>>
        tpu.enqueue_dma source(%dma_start3A_105 : memref<25x60xi32, #tpu.memory_space<hbm>>) target(%arg7 : memref<25x60xi32, #tpu.memory_space<vmem>>) target_semaphore(%run_scoped3A : memref<!tpu.dma_semaphore, #tpu.memory_space<semaphore_mem>>)
        %dma_wait3A_106 = arith.constant 0 : i32
        %dma_wait3A_107 = arith.constant 0 : i32
        %dma_wait3A_108 = tpu.memref_slice %arg4[%arg1, %scan3A_18, %dma_wait3A_106, %dma_wait3A_107] : memref<16x8x25x60xi32, #tpu.memory_space<hbm>> -> memref<1x1x25x60xi32, #tpu.memory_space<hbm>>
        %dma_wait3A_109 = tpu.memref_squeeze %dma_wait3A_108 : memref<1x1x25x60xi32, #tpu.memory_space<hbm>> -> memref<25x60xi32, #tpu.memory_space<hbm>>
        %dma_wait3A_110 = arith.constant 0 : i32
        %dma_wait3A_111 = arith.constant 0 : i32
        %dma_wait3A_112 = tpu.memref_slice %arg4[%arg1, %scan3A_18, %dma_wait3A_110, %dma_wait3A_111] : memref<16x8x25x60xi32, #tpu.memory_space<hbm>> -> memref<1x1x25x60xi32, #tpu.memory_space<hbm>>
        %dma_wait3A_113 = tpu.memref_squeeze %dma_wait3A_112 : memref<1x1x25x60xi32, #tpu.memory_space<hbm>> -> memref<25x60xi32, #tpu.memory_space<hbm>>
        tpu.wait_dma2 semaphore(%run_scoped3A : memref<!tpu.dma_semaphore, #tpu.memory_space<semaphore_mem>>) src(%dma_wait3A_113 : memref<25x60xi32, #tpu.memory_space<hbm>>) dst(%arg7 : memref<25x60xi32, #tpu.memory_space<vmem>>)
        tpu.yield
      }) : () -> ()
      %dma_start3A = arith.constant 0 : i32
      %dma_start3A_19 = arith.constant 0 : i32
      %dma_start3A_20 = arith.constant 0 : i32
      %dma_start3A_21 = arith.constant 0 : i32
      %dma_start3A_22 = arith.constant 0 : i32
      %dma_start3A_23 = tpu.memref_slice %arg8[%dma_start3A_19, %dma_start3A_21, %dma_start3A_22] : memref<3x60x128xf32, #tpu.memory_space<vmem>> -> memref<1x60x128xf32, #tpu.memory_space<vmem>>
      %dma_start3A_24 = tpu.memref_squeeze %dma_start3A_23 : memref<1x60x128xf32, #tpu.memory_space<vmem>> -> memref<60x128xf32, #tpu.memory_space<vmem>>
      %dma_start3A_25 = arith.constant 0 : i32
      %dma_start3A_26 = tpu.memref_slice %arg6[%dma_start3A, %dma_start3A_25] : memref<25x60xi32, #tpu.memory_space<vmem>> -> memref<1x60xi32, #tpu.memory_space<vmem>>
      %dma_start3A_27 = tpu.memref_squeeze %dma_start3A_26 : memref<1x60xi32, #tpu.memory_space<vmem>> -> memref<60xi32, #tpu.memory_space<vmem>>
      %dma_start3A_28 = arith.constant 0 : i32
      %dma_start3A_29 = arith.constant 0 : i32
      %dma_start3A_30 = tpu.memref_slice %arg2[%dma_start3A_28, %dma_start3A_29] : memref<24576x128xf32, #tpu.memory_space<hbm>> -> memref<24576x128xf32, #tpu.memory_space<hbm>>
      %dma_start3A_31 = tpu.memref_slice %arg10[%dma_start3A_20] : memref<3x!tpu.dma_semaphore, #tpu.memory_space<semaphore_mem>> -> memref<1x!tpu.dma_semaphore, #tpu.memory_space<semaphore_mem>>
      %dma_start3A_32 = tpu.memref_squeeze %dma_start3A_31 : memref<1x!tpu.dma_semaphore, #tpu.memory_space<semaphore_mem>> -> memref<!tpu.dma_semaphore, #tpu.memory_space<semaphore_mem>>
      tpu.enqueue_indirect_dma source(%dma_start3A_30 : memref<24576x128xf32, #tpu.memory_space<hbm>>) target(%dma_start3A_24 : memref<60x128xf32, #tpu.memory_space<vmem>>) offsets(%dma_start3A_27 : memref<60xi32, #tpu.memory_space<vmem>>) semaphore(%dma_start3A_32 : memref<!tpu.dma_semaphore, #tpu.memory_space<semaphore_mem>>)
      %dma_start3A_33 = arith.constant 1 : i32
      %dma_start3A_34 = arith.constant 1 : i32
      %dma_start3A_35 = arith.constant 1 : i32
      %dma_start3A_36 = arith.constant 0 : i32
      %dma_start3A_37 = arith.constant 0 : i32
      %dma_start3A_38 = tpu.memref_slice %arg8[%dma_start3A_34, %dma_start3A_36, %dma_start3A_37] : memref<3x60x128xf32, #tpu.memory_space<vmem>> -> memref<1x60x128xf32, #tpu.memory_space<vmem>>
      %dma_start3A_39 = tpu.memref_squeeze %dma_start3A_38 : memref<1x60x128xf32, #tpu.memory_space<vmem>> -> memref<60x128xf32, #tpu.memory_space<vmem>>
      %dma_start3A_40 = arith.constant 0 : i32
      %dma_start3A_41 = tpu.memref_slice %arg6[%dma_start3A_33, %dma_start3A_40] : memref<25x60xi32, #tpu.memory_space<vmem>> -> memref<1x60xi32, #tpu.memory_space<vmem>>
      %dma_start3A_42 = tpu.memref_squeeze %dma_start3A_41 : memref<1x60xi32, #tpu.memory_space<vmem>> -> memref<60xi32, #tpu.memory_space<vmem>>
      %dma_start3A_43 = arith.constant 0 : i32
      %dma_start3A_44 = arith.constant 0 : i32
      %dma_start3A_45 = tpu.memref_slice %arg2[%dma_start3A_43, %dma_start3A_44] : memref<24576x128xf32, #tpu.memory_space<hbm>> -> memref<24576x128xf32, #tpu.memory_space<hbm>>
      %dma_start3A_46 = tpu.memref_slice %arg10[%dma_start3A_35] : memref<3x!tpu.dma_semaphore, #tpu.memory_space<semaphore_mem>> -> memref<1x!tpu.dma_semaphore, #tpu.memory_space<semaphore_mem>>
      %dma_start3A_47 = tpu.memref_squeeze %dma_start3A_46 : memref<1x!tpu.dma_semaphore, #tpu.memory_space<semaphore_mem>> -> memref<!tpu.dma_semaphore, #tpu.memory_space<semaphore_mem>>
      tpu.enqueue_indirect_dma source(%dma_start3A_45 : memref<24576x128xf32, #tpu.memory_space<hbm>>) target(%dma_start3A_39 : memref<60x128xf32, #tpu.memory_space<vmem>>) offsets(%dma_start3A_42 : memref<60xi32, #tpu.memory_space<vmem>>) semaphore(%dma_start3A_47 : memref<!tpu.dma_semaphore, #tpu.memory_space<semaphore_mem>>)
      %scan3A_48 = arith.constant 0 : i32
      %scan3A_49 = arith.constant 0 : i32
      %scan3A_50 = arith.constant 25 : i32
      %scan3A_51 = arith.addi %scan3A_49, %scan3A_50 : i32
      %scan3A_52 = arith.constant 1 : i32
      scf.for %scan3A_98 = %scan3A_49 to %scan3A_51 step %scan3A_52  : i32 {
        %rem3A = arith.constant 3 : i32
        %rem3A_99 = arith.remsi %scan3A_98, %rem3A : i32
        %dma_wait3A_100 = arith.constant 0 : i32
        %dma_wait3A_101 = arith.constant 0 : i32
        %dma_wait3A_102 = tpu.memref_slice %arg8[%rem3A_99, %dma_wait3A_100, %dma_wait3A_101] : memref<3x60x128xf32, #tpu.memory_space<vmem>> -> memref<1x60x128xf32, #tpu.memory_space<vmem>>
        %dma_wait3A_103 = tpu.memref_squeeze %dma_wait3A_102 : memref<1x60x128xf32, #tpu.memory_space<vmem>> -> memref<60x128xf32, #tpu.memory_space<vmem>>
        %dma_wait3A_104 = arith.constant 0 : i32
        %dma_wait3A_105 = tpu.memref_slice %arg6[%scan3A_98, %dma_wait3A_104] : memref<25x60xi32, #tpu.memory_space<vmem>> -> memref<1x60xi32, #tpu.memory_space<vmem>>
        %dma_wait3A_106 = tpu.memref_squeeze %dma_wait3A_105 : memref<1x60xi32, #tpu.memory_space<vmem>> -> memref<60xi32, #tpu.memory_space<vmem>>
        %dma_wait3A_107 = arith.constant 0 : i32
        %dma_wait3A_108 = arith.constant 0 : i32
        %dma_wait3A_109 = tpu.memref_slice %arg2[%dma_wait3A_107, %dma_wait3A_108] : memref<24576x128xf32, #tpu.memory_space<hbm>> -> memref<24576x128xf32, #tpu.memory_space<hbm>>
        %dma_wait3A_110 = tpu.memref_slice %arg10[%rem3A_99] : memref<3x!tpu.dma_semaphore, #tpu.memory_space<semaphore_mem>> -> memref<1x!tpu.dma_semaphore, #tpu.memory_space<semaphore_mem>>
        %dma_wait3A_111 = tpu.memref_squeeze %dma_wait3A_110 : memref<1x!tpu.dma_semaphore, #tpu.memory_space<semaphore_mem>> -> memref<!tpu.dma_semaphore, #tpu.memory_space<semaphore_mem>>
        tpu.wait_indirect_dma semaphore(%dma_wait3A_111 : memref<!tpu.dma_semaphore, #tpu.memory_space<semaphore_mem>>) src(%dma_wait3A_109 : memref<24576x128xf32, #tpu.memory_space<hbm>>) dst(%dma_wait3A_103 : memref<60x128xf32, #tpu.memory_space<vmem>>)
        %dma_start3A_112 = arith.constant 0 : i32
        %dma_start3A_113 = arith.constant 0 : i32
        %dma_start3A_114 = tpu.memref_slice %arg8[%rem3A_99, %dma_start3A_112, %dma_start3A_113] : memref<3x60x128xf32, #tpu.memory_space<vmem>> -> memref<1x60x128xf32, #tpu.memory_space<vmem>>
        %dma_start3A_115 = tpu.memref_squeeze %dma_start3A_114 : memref<1x60x128xf32, #tpu.memory_space<vmem>> -> memref<60x128xf32, #tpu.memory_space<vmem>>
        %dma_start3A_116 = arith.constant 0 : i32
        %dma_start3A_117 = tpu.memref_slice %arg7[%scan3A_98, %dma_start3A_116] : memref<25x60xi32, #tpu.memory_space<vmem>> -> memref<1x60xi32, #tpu.memory_space<vmem>>
        %dma_start3A_118 = tpu.memref_squeeze %dma_start3A_117 : memref<1x60xi32, #tpu.memory_space<vmem>> -> memref<60xi32, #tpu.memory_space<vmem>>
        %dma_start3A_119 = arith.constant 0 : i32
        %dma_start3A_120 = arith.constant 0 : i32
        %dma_start3A_121 = tpu.memref_slice %arg9[%dma_start3A_119, %dma_start3A_120] : memref<12288x128xf32, #tpu.memory_space<vmem_shared>> -> memref<12288x128xf32, #tpu.memory_space<vmem_shared>>
        %dma_start3A_122 = tpu.memref_slice %arg11[%rem3A_99] : memref<3x!tpu.dma_semaphore, #tpu.memory_space<semaphore_mem>> -> memref<1x!tpu.dma_semaphore, #tpu.memory_space<semaphore_mem>>
        %dma_start3A_123 = tpu.memref_squeeze %dma_start3A_122 : memref<1x!tpu.dma_semaphore, #tpu.memory_space<semaphore_mem>> -> memref<!tpu.dma_semaphore, #tpu.memory_space<semaphore_mem>>
        tpu.enqueue_indirect_dma source(%dma_start3A_115 : memref<60x128xf32, #tpu.memory_space<vmem>>) target(%dma_start3A_121 : memref<12288x128xf32, #tpu.memory_space<vmem_shared>>) offsets(%dma_start3A_118 : memref<60xi32, #tpu.memory_space<vmem>>) semaphore(%dma_start3A_123 : memref<!tpu.dma_semaphore, #tpu.memory_space<semaphore_mem>>) {add = true}
        %add3A_124 = arith.constant 2 : i32
        %add3A_125 = arith.addi %scan3A_98, %add3A_124 : i32
        %lt3A = arith.constant 25 : i32
        %lt3A_126 = arith.cmpi slt, %add3A_125, %lt3A : i32
        %convert_element_type3A = arith.extui %lt3A_126 : i1 to i32
        %cond3A = arith.constant 0 : i32
        %cond3A_127 = arith.cmpi ne, %convert_element_type3A, %cond3A : i32
        scf.if %cond3A_127 {
          %add3A_128 = arith.constant 2 : i32
          %add3A_129 = arith.addi %scan3A_98, %add3A_128 : i32
          %rem3A_130 = arith.constant 3 : i32
          %rem3A_131 = arith.remsi %add3A_129, %rem3A_130 : i32
          %gt3A = arith.constant 0 : i32
          %gt3A_132 = arith.cmpi sgt, %scan3A_98, %gt3A : i32
          %convert_element_type3A_133 = arith.extui %gt3A_132 : i1 to i32
          %cond3A_134 = arith.constant 0 : i32
          %cond3A_135 = arith.cmpi ne, %convert_element_type3A_133, %cond3A_134 : i32
          scf.if %cond3A_135 {
            %sub3A = arith.constant 1 : i32
            %sub3A_150 = arith.subi %scan3A_98, %sub3A : i32
            %dma_wait3A_151 = arith.constant 0 : i32
            %dma_wait3A_152 = arith.constant 0 : i32
            %dma_wait3A_153 = tpu.memref_slice %arg8[%rem3A_131, %dma_wait3A_151, %dma_wait3A_152] : memref<3x60x128xf32, #tpu.memory_space<vmem>> -> memref<1x60x128xf32, #tpu.memory_space<vmem>>
            %dma_wait3A_154 = tpu.memref_squeeze %dma_wait3A_153 : memref<1x60x128xf32, #tpu.memory_space<vmem>> -> memref<60x128xf32, #tpu.memory_space<vmem>>
            %dma_wait3A_155 = arith.constant 0 : i32
            %dma_wait3A_156 = tpu.memref_slice %arg7[%sub3A_150, %dma_wait3A_155] : memref<25x60xi32, #tpu.memory_space<vmem>> -> memref<1x60xi32, #tpu.memory_space<vmem>>
            %dma_wait3A_157 = tpu.memref_squeeze %dma_wait3A_156 : memref<1x60xi32, #tpu.memory_space<vmem>> -> memref<60xi32, #tpu.memory_space<vmem>>
            %dma_wait3A_158 = arith.constant 0 : i32
            %dma_wait3A_159 = arith.constant 0 : i32
            %dma_wait3A_160 = tpu.memref_slice %arg9[%dma_wait3A_158, %dma_wait3A_159] : memref<12288x128xf32, #tpu.memory_space<vmem_shared>> -> memref<12288x128xf32, #tpu.memory_space<vmem_shared>>
            %dma_wait3A_161 = tpu.memref_slice %arg11[%rem3A_131] : memref<3x!tpu.dma_semaphore, #tpu.memory_space<semaphore_mem>> -> memref<1x!tpu.dma_semaphore, #tpu.memory_space<semaphore_mem>>
            %dma_wait3A_162 = tpu.memref_squeeze %dma_wait3A_161 : memref<1x!tpu.dma_semaphore, #tpu.memory_space<semaphore_mem>> -> memref<!tpu.dma_semaphore, #tpu.memory_space<semaphore_mem>>
            tpu.wait_indirect_dma semaphore(%dma_wait3A_162 : memref<!tpu.dma_semaphore, #tpu.memory_space<semaphore_mem>>) src(%dma_wait3A_154 : memref<60x128xf32, #tpu.memory_space<vmem>>) dst(%dma_wait3A_160 : memref<12288x128xf32, #tpu.memory_space<vmem_shared>>)
          } else {
          }
          %add3A_136 = arith.constant 2 : i32
          %add3A_137 = arith.addi %scan3A_98, %add3A_136 : i32
          %dma_start3A_138 = arith.constant 0 : i32
          %dma_start3A_139 = arith.constant 0 : i32
          %dma_start3A_140 = tpu.memref_slice %arg8[%rem3A_131, %dma_start3A_138, %dma_start3A_139] : memref<3x60x128xf32, #tpu.memory_space<vmem>> -> memref<1x60x128xf32, #tpu.memory_space<vmem>>
          %dma_start3A_141 = tpu.memref_squeeze %dma_start3A_140 : memref<1x60x128xf32, #tpu.memory_space<vmem>> -> memref<60x128xf32, #tpu.memory_space<vmem>>
          %dma_start3A_142 = arith.constant 0 : i32
          %dma_start3A_143 = tpu.memref_slice %arg6[%add3A_137, %dma_start3A_142] : memref<25x60xi32, #tpu.memory_space<vmem>> -> memref<1x60xi32, #tpu.memory_space<vmem>>
          %dma_start3A_144 = tpu.memref_squeeze %dma_start3A_143 : memref<1x60xi32, #tpu.memory_space<vmem>> -> memref<60xi32, #tpu.memory_space<vmem>>
          %dma_start3A_145 = arith.constant 0 : i32
          %dma_start3A_146 = arith.constant 0 : i32
          %dma_start3A_147 = tpu.memref_slice %arg2[%dma_start3A_145, %dma_start3A_146] : memref<24576x128xf32, #tpu.memory_space<hbm>> -> memref<24576x128xf32, #tpu.memory_space<hbm>>
          %dma_start3A_148 = tpu.memref_slice %arg10[%rem3A_131] : memref<3x!tpu.dma_semaphore, #tpu.memory_space<semaphore_mem>> -> memref<1x!tpu.dma_semaphore, #tpu.memory_space<semaphore_mem>>
          %dma_start3A_149 = tpu.memref_squeeze %dma_start3A_148 : memref<1x!tpu.dma_semaphore, #tpu.memory_space<semaphore_mem>> -> memref<!tpu.dma_semaphore, #tpu.memory_space<semaphore_mem>>
          tpu.enqueue_indirect_dma source(%dma_start3A_147 : memref<24576x128xf32, #tpu.memory_space<hbm>>) target(%dma_start3A_141 : memref<60x128xf32, #tpu.memory_space<vmem>>) offsets(%dma_start3A_144 : memref<60xi32, #tpu.memory_space<vmem>>) semaphore(%dma_start3A_149 : memref<!tpu.dma_semaphore, #tpu.memory_space<semaphore_mem>>)
        } else {
        }
      }
      %scan3A_53 = arith.constant 25 : i32
      %dma_wait3A = arith.constant 1 : i32
      %dma_wait3A_54 = arith.constant 22 : i32
      %dma_wait3A_55 = arith.constant 1 : i32
      %dma_wait3A_56 = arith.constant 0 : i32
      %dma_wait3A_57 = arith.constant 0 : i32
      %dma_wait3A_58 = tpu.memref_slice %arg8[%dma_wait3A, %dma_wait3A_56, %dma_wait3A_57] : memref<3x60x128xf32, #tpu.memory_space<vmem>> -> memref<1x60x128xf32, #tpu.memory_space<vmem>>
      %dma_wait3A_59 = tpu.memref_squeeze %dma_wait3A_58 : memref<1x60x128xf32, #tpu.memory_space<vmem>> -> memref<60x128xf32, #tpu.memory_space<vmem>>
      %dma_wait3A_60 = arith.constant 0 : i32
      %dma_wait3A_61 = tpu.memref_slice %arg7[%dma_wait3A_54, %dma_wait3A_60] : memref<25x60xi32, #tpu.memory_space<vmem>> -> memref<1x60xi32, #tpu.memory_space<vmem>>
      %dma_wait3A_62 = tpu.memref_squeeze %dma_wait3A_61 : memref<1x60xi32, #tpu.memory_space<vmem>> -> memref<60xi32, #tpu.memory_space<vmem>>
      %dma_wait3A_63 = arith.constant 0 : i32
      %dma_wait3A_64 = arith.constant 0 : i32
      %dma_wait3A_65 = tpu.memref_slice %arg9[%dma_wait3A_63, %dma_wait3A_64] : memref<12288x128xf32, #tpu.memory_space<vmem_shared>> -> memref<12288x128xf32, #tpu.memory_space<vmem_shared>>
      %dma_wait3A_66 = tpu.memref_slice %arg11[%dma_wait3A_55] : memref<3x!tpu.dma_semaphore, #tpu.memory_space<semaphore_mem>> -> memref<1x!tpu.dma_semaphore, #tpu.memory_space<semaphore_mem>>
      %dma_wait3A_67 = tpu.memref_squeeze %dma_wait3A_66 : memref<1x!tpu.dma_semaphore, #tpu.memory_space<semaphore_mem>> -> memref<!tpu.dma_semaphore, #tpu.memory_space<semaphore_mem>>
      tpu.wait_indirect_dma semaphore(%dma_wait3A_67 : memref<!tpu.dma_semaphore, #tpu.memory_space<semaphore_mem>>) src(%dma_wait3A_59 : memref<60x128xf32, #tpu.memory_space<vmem>>) dst(%dma_wait3A_65 : memref<12288x128xf32, #tpu.memory_space<vmem_shared>>)
      %dma_wait3A_68 = arith.constant 2 : i32
      %dma_wait3A_69 = arith.constant 23 : i32
      %dma_wait3A_70 = arith.constant 2 : i32
      %dma_wait3A_71 = arith.constant 0 : i32
      %dma_wait3A_72 = arith.constant 0 : i32
      %dma_wait3A_73 = tpu.memref_slice %arg8[%dma_wait3A_68, %dma_wait3A_71, %dma_wait3A_72] : memref<3x60x128xf32, #tpu.memory_space<vmem>> -> memref<1x60x128xf32, #tpu.memory_space<vmem>>
      %dma_wait3A_74 = tpu.memref_squeeze %dma_wait3A_73 : memref<1x60x128xf32, #tpu.memory_space<vmem>> -> memref<60x128xf32, #tpu.memory_space<vmem>>
      %dma_wait3A_75 = arith.constant 0 : i32
      %dma_wait3A_76 = tpu.memref_slice %arg7[%dma_wait3A_69, %dma_wait3A_75] : memref<25x60xi32, #tpu.memory_space<vmem>> -> memref<1x60xi32, #tpu.memory_space<vmem>>
      %dma_wait3A_77 = tpu.memref_squeeze %dma_wait3A_76 : memref<1x60xi32, #tpu.memory_space<vmem>> -> memref<60xi32, #tpu.memory_space<vmem>>
      %dma_wait3A_78 = arith.constant 0 : i32
      %dma_wait3A_79 = arith.constant 0 : i32
      %dma_wait3A_80 = tpu.memref_slice %arg9[%dma_wait3A_78, %dma_wait3A_79] : memref<12288x128xf32, #tpu.memory_space<vmem_shared>> -> memref<12288x128xf32, #tpu.memory_space<vmem_shared>>
      %dma_wait3A_81 = tpu.memref_slice %arg11[%dma_wait3A_70] : memref<3x!tpu.dma_semaphore, #tpu.memory_space<semaphore_mem>> -> memref<1x!tpu.dma_semaphore, #tpu.memory_space<semaphore_mem>>
      %dma_wait3A_82 = tpu.memref_squeeze %dma_wait3A_81 : memref<1x!tpu.dma_semaphore, #tpu.memory_space<semaphore_mem>> -> memref<!tpu.dma_semaphore, #tpu.memory_space<semaphore_mem>>
      tpu.wait_indirect_dma semaphore(%dma_wait3A_82 : memref<!tpu.dma_semaphore, #tpu.memory_space<semaphore_mem>>) src(%dma_wait3A_74 : memref<60x128xf32, #tpu.memory_space<vmem>>) dst(%dma_wait3A_80 : memref<12288x128xf32, #tpu.memory_space<vmem_shared>>)
      %dma_wait3A_83 = arith.constant 0 : i32
      %dma_wait3A_84 = arith.constant 24 : i32
      %dma_wait3A_85 = arith.constant 0 : i32
      %dma_wait3A_86 = arith.constant 0 : i32
      %dma_wait3A_87 = arith.constant 0 : i32
      %dma_wait3A_88 = tpu.memref_slice %arg8[%dma_wait3A_83, %dma_wait3A_86, %dma_wait3A_87] : memref<3x60x128xf32, #tpu.memory_space<vmem>> -> memref<1x60x128xf32, #tpu.memory_space<vmem>>
      %dma_wait3A_89 = tpu.memref_squeeze %dma_wait3A_88 : memref<1x60x128xf32, #tpu.memory_space<vmem>> -> memref<60x128xf32, #tpu.memory_space<vmem>>
      %dma_wait3A_90 = arith.constant 0 : i32
      %dma_wait3A_91 = tpu.memref_slice %arg7[%dma_wait3A_84, %dma_wait3A_90] : memref<25x60xi32, #tpu.memory_space<vmem>> -> memref<1x60xi32, #tpu.memory_space<vmem>>
      %dma_wait3A_92 = tpu.memref_squeeze %dma_wait3A_91 : memref<1x60xi32, #tpu.memory_space<vmem>> -> memref<60xi32, #tpu.memory_space<vmem>>
      %dma_wait3A_93 = arith.constant 0 : i32
      %dma_wait3A_94 = arith.constant 0 : i32
      %dma_wait3A_95 = tpu.memref_slice %arg9[%dma_wait3A_93, %dma_wait3A_94] : memref<12288x128xf32, #tpu.memory_space<vmem_shared>> -> memref<12288x128xf32, #tpu.memory_space<vmem_shared>>
      %dma_wait3A_96 = tpu.memref_slice %arg11[%dma_wait3A_85] : memref<3x!tpu.dma_semaphore, #tpu.memory_space<semaphore_mem>> -> memref<1x!tpu.dma_semaphore, #tpu.memory_space<semaphore_mem>>
      %dma_wait3A_97 = tpu.memref_squeeze %dma_wait3A_96 : memref<1x!tpu.dma_semaphore, #tpu.memory_space<semaphore_mem>> -> memref<!tpu.dma_semaphore, #tpu.memory_space<semaphore_mem>>
      tpu.wait_indirect_dma semaphore(%dma_wait3A_97 : memref<!tpu.dma_semaphore, #tpu.memory_space<semaphore_mem>>) src(%dma_wait3A_89 : memref<60x128xf32, #tpu.memory_space<vmem>>) dst(%dma_wait3A_95 : memref<12288x128xf32, #tpu.memory_space<vmem_shared>>)
    }
    %scan3A_9 = arith.constant 8 : i32
    %barrier3A_10 = arith.constant 0 : index
    tpu.barrier barrier_id(%barrier3A_10)
    %mul3A_11 = arith.constant 768 : i32
    %mul3A_12 = arith.muli %arg1, %mul3A_11 : i32
    %mul3A_13 = arith.constant 12288 : i32
    %mul3A_14 = arith.muli %arg0, %mul3A_13 : i32
    %mul3A_15 = arith.constant 768 : i32
    %mul3A_16 = arith.muli %arg1, %mul3A_15 : i32
    %add3A_17 = arith.addi %mul3A_14, %mul3A_16 : i32
    "tpu.region"() ({
      %run_scoped3A = tpu.sem_alloc : memref<!tpu.dma_semaphore, #tpu.memory_space<semaphore_mem>>
      %dma_start3A = arith.constant 0 : i32
      %dma_start3A_18 = tpu.memref_slice %arg5[%add3A_17, %dma_start3A] : memref<24576x128xf32, #tpu.memory_space<hbm>> -> memref<768x128xf32, #tpu.memory_space<hbm>>
      %dma_start3A_19 = arith.constant 0 : i32
      %dma_start3A_20 = tpu.memref_slice %arg9[%mul3A_12, %dma_start3A_19] : memref<12288x128xf32, #tpu.memory_space<vmem_shared>> -> memref<768x128xf32, #tpu.memory_space<vmem_shared>>
      tpu.enqueue_dma source(%dma_start3A_20 : memref<768x128xf32, #tpu.memory_space<vmem_shared>>) target(%dma_start3A_18 : memref<768x128xf32, #tpu.memory_space<hbm>>) target_semaphore(%run_scoped3A : memref<!tpu.dma_semaphore, #tpu.memory_space<semaphore_mem>>)
      %dma_wait3A = arith.constant 0 : i32
      %dma_wait3A_21 = tpu.memref_slice %arg5[%add3A_17, %dma_wait3A] : memref<24576x128xf32, #tpu.memory_space<hbm>> -> memref<768x128xf32, #tpu.memory_space<hbm>>
      %dma_wait3A_22 = arith.constant 0 : i32
      %dma_wait3A_23 = tpu.memref_slice %arg9[%mul3A_12, %dma_wait3A_22] : memref<12288x128xf32, #tpu.memory_space<vmem_shared>> -> memref<768x128xf32, #tpu.memory_space<vmem_shared>>
      tpu.wait_dma2 semaphore(%run_scoped3A : memref<!tpu.dma_semaphore, #tpu.memory_space<semaphore_mem>>) src(%dma_wait3A_23 : memref<768x128xf32, #tpu.memory_space<vmem_shared>>) dst(%dma_wait3A_21 : memref<768x128xf32, #tpu.memory_space<hbm>>)
      tpu.yield
    }) : () -> ()
    return
  }
}

module attributes {stable_mosaic.version = 14 : i64} {
  func.func @body(%arg0: i32, %arg1: memref<2x12288xf32, #tpu.memory_space<vmem>>, %arg2: memref<12288x128xf32, #tpu.memory_space<vmem>>) attributes {dimension_semantics = [#tpu.dimension_semantics<arbitrary>], iteration_bounds = array<i64: 1>, scalar_prefetch = 0 : i64, scratch_operands = 0 : i64, tpu.core_type = #tpu.core_type<tc>, window_params = [{pipeline_mode = #tpu.pipeline_mode<synchronous>, transform_indices = @transform_0, window_bounds = array<i64: 2, 12288>}, {pipeline_mode = #tpu.pipeline_mode<synchronous>, transform_indices = @transform_1, window_bounds = array<i64: 12288, 128>}]} {
    %get3A = arith.constant 0 : index
    %get3A_0 = arith.constant 0 : index
    %get3A_1 = vector.load %arg1[%get3A, %get3A_0] : memref<2x12288xf32, #tpu.memory_space<vmem>>, vector<1x12288xf32>
    %get3A_2 = vector.shape_cast %get3A_1 : vector<1x12288xf32> to vector<12288xf32>
    %get3A_3 = arith.constant 1 : index
    %get3A_4 = arith.constant 0 : index
    %get3A_5 = vector.load %arg1[%get3A_3, %get3A_4] : memref<2x12288xf32, #tpu.memory_space<vmem>>, vector<1x12288xf32>
    %get3A_6 = vector.shape_cast %get3A_5 : vector<1x12288xf32> to vector<12288xf32>
    %add3A = arith.addf %get3A_2, %get3A_6 : vector<12288xf32>
    %add3A_7 = arith.constant 1.000000e+00 : f32
    %add3A_8 = vector.broadcast %add3A_7 : f32 to vector<12288xf32>
    %add3A_9 = arith.addf %add3A, %add3A_8 : vector<12288xf32>
    %rsqrt3A = math.rsqrt %add3A_9 : vector<12288xf32>
    %reshape3A = vector.shape_cast %rsqrt3A : vector<12288xf32> to vector<12288x1xf32>
    %broadcast_in_dim3A = vector.shape_cast %reshape3A : vector<12288x1xf32> to vector<12288x1xf32>
    %broadcast_in_dim3A_10 = vector.broadcast %broadcast_in_dim3A : vector<12288x1xf32> to vector<12288x128xf32>
    %swap3A = arith.constant 0 : index
    %swap3A_11 = arith.constant 0 : index
    %swap3A_12 = vector.load %arg2[%swap3A, %swap3A_11] : memref<12288x128xf32, #tpu.memory_space<vmem>>, vector<12288x128xf32>
    tpu.vector_store %arg2[%swap3A, %swap3A_11], %broadcast_in_dim3A_10 {strides = array<i32>} : memref<12288x128xf32, #tpu.memory_space<vmem>>, vector<12288x128xf32>,
    return
  }
  func.func @transform_0(%arg0: i32) -> (i32, i32) {
    %c0_i32 = arith.constant 0 : i32
    %c0_i32_0 = arith.constant 0 : i32
    %c0_i32_1 = arith.constant 0 : i32
    return %c0_i32, %c0_i32_0 : i32, i32
  }
  func.func @transform_1(%arg0: i32) -> (i32, i32) {
    %c0_i32 = arith.constant 0 : i32
    %c0_i32_0 = arith.constant 0 : i32
    %c0_i32_1 = arith.constant 0 : i32
    return %c0_i32, %c0_i32_0 : i32, i32
  }
}

module attributes {stable_mosaic.version = 14 : i64} {
  func.func @body(%arg0: i32, %arg1: memref<512x19xf32, #tpu.memory_space<vmem>>, %arg2: memref<512x128xf32, #tpu.memory_space<vmem>>, %arg3: memref<19x512xf32, #tpu.memory_space<vmem>>, %arg4: memref<1x512xf32, #tpu.memory_space<vmem>>, %arg5: memref<512x256xf32, #tpu.memory_space<vmem>>, %arg6: memref<4x512x128xf32, #tpu.memory_space<vmem>>, %arg7: memref<2x512x128xf32, #tpu.memory_space<vmem>>) attributes {dimension_semantics = [#tpu.dimension_semantics<arbitrary>], iteration_bounds = array<i64: 24>, scalar_prefetch = 0 : i64, scratch_operands = 0 : i64, tpu.core_type = #tpu.core_type<tc>, window_params = [{transform_indices = @transform_0, window_bounds = array<i64: 512, 19>}, {transform_indices = @transform_1, window_bounds = array<i64: 512, 128>}, {pipeline_mode = #tpu.pipeline_mode<synchronous>, transform_indices = @transform_2, window_bounds = array<i64: 19, 512>}, {pipeline_mode = #tpu.pipeline_mode<synchronous>, transform_indices = @transform_3, window_bounds = array<i64: 1, 512>}, {pipeline_mode = #tpu.pipeline_mode<synchronous>, transform_indices = @transform_4, window_bounds = array<i64: 512, 256>}, {transform_indices = @transform_5, window_bounds = array<i64: 4, 512, 128>}, {transform_indices = @transform_6, window_bounds = array<i64: 2, 512, 128>}]} {
    %get3A = arith.constant 0 : index
    %get3A_0 = arith.constant 0 : index
    %get3A_1 = vector.load %arg1[%get3A, %get3A_0] : memref<512x19xf32, #tpu.memory_space<vmem>>, vector<512x19xf32>
    %get3A_2 = arith.constant 0 : index
    %get3A_3 = arith.constant 0 : index
    %get3A_4 = vector.load %arg3[%get3A_2, %get3A_3] : memref<19x512xf32, #tpu.memory_space<vmem>>, vector<19x512xf32>
    %dot_general3A = arith.constant dense<0.000000e+00> : vector<512x512xf32>
    %dot_general3A_5 = tpu.matmul %get3A_1, %get3A_4, %dot_general3A {dimension_numbers = #tpu.dot_dimension_numbers<[1], [0], [0], [1], [0, 0, 1, 1], [], []>, transpose_lhs_hint = false} : vector<512x19xf32>, vector<19x512xf32>, vector<512x512xf32> -> vector<512x512xf32>
    %get3A_6 = arith.constant 0 : index
    %get3A_7 = arith.constant 0 : index
    %get3A_8 = vector.load %arg4[%get3A_6, %get3A_7] : memref<1x512xf32, #tpu.memory_space<vmem>>, vector<1x512xf32>
    %add3A = vector.broadcast %get3A_8 : vector<1x512xf32> to vector<512x512xf32>
    %add3A_9 = arith.addf %dot_general3A_5, %add3A : vector<512x512xf32>
    %max3A = arith.constant 0.000000e+00 : f32
    %max3A_10 = vector.broadcast %max3A : f32 to vector<512x512xf32>
    %max3A_11 = arith.maximumf %add3A_9, %max3A_10 : vector<512x512xf32>
    %slice3A = vector.extract_strided_slice %max3A_11 {offsets = [0, 0], sizes = [512, 128], strides = [1, 1]} : vector<512x512xf32> to vector<512x128xf32>
    %swap3A = arith.constant 0 : index
    %swap3A_12 = arith.constant 0 : index
    %swap3A_13 = arith.constant 0 : index
    %swap3A_14 = vector.load %arg6[%swap3A, %swap3A_12, %swap3A_13] : memref<4x512x128xf32, #tpu.memory_space<vmem>>, vector<1x512x128xf32>
    %swap3A_15 = vector.shape_cast %swap3A_14 : vector<1x512x128xf32> to vector<512x128xf32>
    %swap3A_16 = vector.shape_cast %slice3A : vector<512x128xf32> to vector<1x512x128xf32>
    tpu.vector_store %arg6[%swap3A, %swap3A_12, %swap3A_13], %swap3A_16 {strides = array<i32>} : memref<4x512x128xf32, #tpu.memory_space<vmem>>, vector<1x512x128xf32>,
    %slice3A_17 = vector.extract_strided_slice %max3A_11 {offsets = [0, 128], sizes = [512, 128], strides = [1, 1]} : vector<512x512xf32> to vector<512x128xf32>
    %swap3A_18 = arith.constant 1 : index
    %swap3A_19 = arith.constant 0 : index
    %swap3A_20 = arith.constant 0 : index
    %swap3A_21 = vector.load %arg6[%swap3A_18, %swap3A_19, %swap3A_20] : memref<4x512x128xf32, #tpu.memory_space<vmem>>, vector<1x512x128xf32>
    %swap3A_22 = vector.shape_cast %swap3A_21 : vector<1x512x128xf32> to vector<512x128xf32>
    %swap3A_23 = vector.shape_cast %slice3A_17 : vector<512x128xf32> to vector<1x512x128xf32>
    tpu.vector_store %arg6[%swap3A_18, %swap3A_19, %swap3A_20], %swap3A_23 {strides = array<i32>} : memref<4x512x128xf32, #tpu.memory_space<vmem>>, vector<1x512x128xf32>,
    %slice3A_24 = vector.extract_strided_slice %max3A_11 {offsets = [0, 256], sizes = [512, 128], strides = [1, 1]} : vector<512x512xf32> to vector<512x128xf32>
    %swap3A_25 = arith.constant 2 : index
    %swap3A_26 = arith.constant 0 : index
    %swap3A_27 = arith.constant 0 : index
    %swap3A_28 = vector.load %arg6[%swap3A_25, %swap3A_26, %swap3A_27] : memref<4x512x128xf32, #tpu.memory_space<vmem>>, vector<1x512x128xf32>
    %swap3A_29 = vector.shape_cast %swap3A_28 : vector<1x512x128xf32> to vector<512x128xf32>
    %swap3A_30 = vector.shape_cast %slice3A_24 : vector<512x128xf32> to vector<1x512x128xf32>
    tpu.vector_store %arg6[%swap3A_25, %swap3A_26, %swap3A_27], %swap3A_30 {strides = array<i32>} : memref<4x512x128xf32, #tpu.memory_space<vmem>>, vector<1x512x128xf32>,
    %slice3A_31 = vector.extract_strided_slice %max3A_11 {offsets = [0, 384], sizes = [512, 128], strides = [1, 1]} : vector<512x512xf32> to vector<512x128xf32>
    %swap3A_32 = arith.constant 3 : index
    %swap3A_33 = arith.constant 0 : index
    %swap3A_34 = arith.constant 0 : index
    %swap3A_35 = vector.load %arg6[%swap3A_32, %swap3A_33, %swap3A_34] : memref<4x512x128xf32, #tpu.memory_space<vmem>>, vector<1x512x128xf32>
    %swap3A_36 = vector.shape_cast %swap3A_35 : vector<1x512x128xf32> to vector<512x128xf32>
    %swap3A_37 = vector.shape_cast %slice3A_31 : vector<512x128xf32> to vector<1x512x128xf32>
    tpu.vector_store %arg6[%swap3A_32, %swap3A_33, %swap3A_34], %swap3A_37 {strides = array<i32>} : memref<4x512x128xf32, #tpu.memory_space<vmem>>, vector<1x512x128xf32>,
    %get3A_38 = arith.constant 0 : index
    %get3A_39 = arith.constant 0 : index
    %get3A_40 = vector.load %arg2[%get3A_38, %get3A_39] : memref<512x128xf32, #tpu.memory_space<vmem>>, vector<512x1xf32>
    %get3A_41 = arith.constant 0 : index
    %get3A_42 = arith.constant 0 : index
    %get3A_43 = vector.load %arg5[%get3A_41, %get3A_42] : memref<512x256xf32, #tpu.memory_space<vmem>>, vector<512x256xf32>
    %dot_general3A_44 = arith.constant dense<0.000000e+00> : vector<512x256xf32>
    %dot_general3A_45 = tpu.matmul %max3A_11, %get3A_43, %dot_general3A_44 {dimension_numbers = #tpu.dot_dimension_numbers<[1], [0], [0], [1], [0, 0, 1, 1], [], []>, transpose_lhs_hint = false} : vector<512x512xf32>, vector<512x256xf32>, vector<512x256xf32> -> vector<512x256xf32>
    %mul3A = vector.broadcast %get3A_40 : vector<512x1xf32> to vector<512x256xf32>
    %mul3A_46 = arith.mulf %dot_general3A_45, %mul3A : vector<512x256xf32>
    %slice3A_47 = vector.extract_strided_slice %mul3A_46 {offsets = [0, 0], sizes = [512, 128], strides = [1, 1]} : vector<512x256xf32> to vector<512x128xf32>
    %swap3A_48 = arith.constant 0 : index
    %swap3A_49 = arith.constant 0 : index
    %swap3A_50 = arith.constant 0 : index
    %swap3A_51 = vector.load %arg7[%swap3A_48, %swap3A_49, %swap3A_50] : memref<2x512x128xf32, #tpu.memory_space<vmem>>, vector<1x512x128xf32>
    %swap3A_52 = vector.shape_cast %swap3A_51 : vector<1x512x128xf32> to vector<512x128xf32>
    %swap3A_53 = vector.shape_cast %slice3A_47 : vector<512x128xf32> to vector<1x512x128xf32>
    tpu.vector_store %arg7[%swap3A_48, %swap3A_49, %swap3A_50], %swap3A_53 {strides = array<i32>} : memref<2x512x128xf32, #tpu.memory_space<vmem>>, vector<1x512x128xf32>,
    %slice3A_54 = vector.extract_strided_slice %mul3A_46 {offsets = [0, 128], sizes = [512, 128], strides = [1, 1]} : vector<512x256xf32> to vector<512x128xf32>
    %swap3A_55 = arith.constant 1 : index
    %swap3A_56 = arith.constant 0 : index
    %swap3A_57 = arith.constant 0 : index
    %swap3A_58 = vector.load %arg7[%swap3A_55, %swap3A_56, %swap3A_57] : memref<2x512x128xf32, #tpu.memory_space<vmem>>, vector<1x512x128xf32>
    %swap3A_59 = vector.shape_cast %swap3A_58 : vector<1x512x128xf32> to vector<512x128xf32>
    %swap3A_60 = vector.shape_cast %slice3A_54 : vector<512x128xf32> to vector<1x512x128xf32>
    tpu.vector_store %arg7[%swap3A_55, %swap3A_56, %swap3A_57], %swap3A_60 {strides = array<i32>} : memref<2x512x128xf32, #tpu.memory_space<vmem>>, vector<1x512x128xf32>,
    return
  }
  func.func @transform_0(%arg0: i32) -> (i32, i32) {
    %c0_i32 = arith.constant 0 : i32
    %c0_i32_0 = arith.constant 0 : i32
    return %arg0, %c0_i32 : i32, i32
  }
  func.func @transform_1(%arg0: i32) -> (i32, i32) {
    %c0_i32 = arith.constant 0 : i32
    %c0_i32_0 = arith.constant 0 : i32
    return %arg0, %c0_i32 : i32, i32
  }
  func.func @transform_2(%arg0: i32) -> (i32, i32) {
    %c0_i32 = arith.constant 0 : i32
    %c0_i32_0 = arith.constant 0 : i32
    %c0_i32_1 = arith.constant 0 : i32
    return %c0_i32, %c0_i32_0 : i32, i32
  }
  func.func @transform_3(%arg0: i32) -> (i32, i32) {
    %c0_i32 = arith.constant 0 : i32
    %c0_i32_0 = arith.constant 0 : i32
    %c0_i32_1 = arith.constant 0 : i32
    return %c0_i32, %c0_i32_0 : i32, i32
  }
  func.func @transform_4(%arg0: i32) -> (i32, i32) {
    %c0_i32 = arith.constant 0 : i32
    %c0_i32_0 = arith.constant 0 : i32
    %c0_i32_1 = arith.constant 0 : i32
    return %c0_i32, %c0_i32_0 : i32, i32
  }
  func.func @transform_5(%arg0: i32) -> (i32, i32, i32) {
    %c0_i32 = arith.constant 0 : i32
    %c0_i32_0 = arith.constant 0 : i32
    %c0_i32_1 = arith.constant 0 : i32
    return %c0_i32, %arg0, %c0_i32_0 : i32, i32, i32
  }
  func.func @transform_6(%arg0: i32) -> (i32, i32, i32) {
    %c0_i32 = arith.constant 0 : i32
    %c0_i32_0 = arith.constant 0 : i32
    %c0_i32_1 = arith.constant 0 : i32
    return %c0_i32, %arg0, %c0_i32_0 : i32, i32, i32
  }
}

module attributes {stable_mosaic.version = 14 : i64} {
  func.func @body(%arg0: i32, %arg1: memref<2x512x128xf32, #tpu.memory_space<vmem>>, %arg2: memref<512x128xf32, #tpu.memory_space<vmem>>, %arg3: memref<1x256xf32, #tpu.memory_space<vmem>>, %arg4: memref<256x256xf32, #tpu.memory_space<vmem>>, %arg5: memref<10x12000x128xf32, #tpu.memory_space<any>>, %arg6: memref<2x512x128xf32, #tpu.memory_space<vmem>>, %arg7: memref<2x512x128xf32, #tpu.memory_space<vmem>>) attributes {dimension_semantics = [#tpu.dimension_semantics<arbitrary>], iteration_bounds = array<i64: 24>, scalar_prefetch = 0 : i64, scratch_operands = 0 : i64, tpu.core_type = #tpu.core_type<tc>, window_params = [{transform_indices = @transform_0, window_bounds = array<i64: 2, 512, 128>}, {transform_indices = @transform_1, window_bounds = array<i64: 512, 128>}, {pipeline_mode = #tpu.pipeline_mode<synchronous>, transform_indices = @transform_2, window_bounds = array<i64: 1, 256>}, {pipeline_mode = #tpu.pipeline_mode<synchronous>, transform_indices = @transform_3, window_bounds = array<i64: 256, 256>}, {}, {transform_indices = @transform_5, window_bounds = array<i64: 2, 512, 128>}, {transform_indices = @transform_6, window_bounds = array<i64: 2, 512, 128>}]} {
    %get3A = arith.constant 0 : index
    %get3A_0 = arith.constant 0 : index
    %get3A_1 = vector.load %arg2[%get3A, %get3A_0] : memref<512x128xf32, #tpu.memory_space<vmem>>, vector<512x1xf32>
    %get3A_2 = arith.constant 0 : index
    %get3A_3 = arith.constant 0 : index
    %get3A_4 = arith.constant 0 : index
    %get3A_5 = vector.load %arg1[%get3A_2, %get3A_3, %get3A_4] : memref<2x512x128xf32, #tpu.memory_space<vmem>>, vector<1x512x128xf32>
    %get3A_6 = vector.shape_cast %get3A_5 : vector<1x512x128xf32> to vector<512x128xf32>
    %get3A_7 = arith.constant 1 : index
    %get3A_8 = arith.constant 0 : index
    %get3A_9 = arith.constant 0 : index
    %get3A_10 = vector.load %arg1[%get3A_7, %get3A_8, %get3A_9] : memref<2x512x128xf32, #tpu.memory_space<vmem>>, vector<1x512x128xf32>
    %get3A_11 = vector.shape_cast %get3A_10 : vector<1x512x128xf32> to vector<512x128xf32>
    %concatenate3A = tpu.concatenate %get3A_6, %get3A_11 in 1 : vector<512x128xf32>, vector<512x128xf32> -> vector<512x256xf32>
    %mul3A = vector.broadcast %get3A_1 : vector<512x1xf32> to vector<512x256xf32>
    %mul3A_12 = arith.mulf %concatenate3A, %mul3A : vector<512x256xf32>
    %get3A_13 = arith.constant 0 : index
    %get3A_14 = arith.constant 0 : index
    %get3A_15 = vector.load %arg3[%get3A_13, %get3A_14] : memref<1x256xf32, #tpu.memory_space<vmem>>, vector<1x256xf32>
    %add3A = vector.broadcast %get3A_15 : vector<1x256xf32> to vector<512x256xf32>
    %add3A_16 = arith.addf %mul3A_12, %add3A : vector<512x256xf32>
    %max3A = arith.constant 0.000000e+00 : f32
    %max3A_17 = vector.broadcast %max3A : f32 to vector<512x256xf32>
    %max3A_18 = arith.maximumf %add3A_16, %max3A_17 : vector<512x256xf32>
    %slice3A = vector.extract_strided_slice %max3A_18 {offsets = [0, 0], sizes = [512, 128], strides = [1, 1]} : vector<512x256xf32> to vector<512x128xf32>
    %swap3A = arith.constant 0 : index
    %swap3A_19 = arith.constant 0 : index
    %swap3A_20 = arith.constant 0 : index
    %swap3A_21 = vector.load %arg6[%swap3A, %swap3A_19, %swap3A_20] : memref<2x512x128xf32, #tpu.memory_space<vmem>>, vector<1x512x128xf32>
    %swap3A_22 = vector.shape_cast %swap3A_21 : vector<1x512x128xf32> to vector<512x128xf32>
    %swap3A_23 = vector.shape_cast %slice3A : vector<512x128xf32> to vector<1x512x128xf32>
    tpu.vector_store %arg6[%swap3A, %swap3A_19, %swap3A_20], %swap3A_23 {strides = array<i32>} : memref<2x512x128xf32, #tpu.memory_space<vmem>>, vector<1x512x128xf32>,
    %slice3A_24 = vector.extract_strided_slice %max3A_18 {offsets = [0, 128], sizes = [512, 128], strides = [1, 1]} : vector<512x256xf32> to vector<512x128xf32>
    %swap3A_25 = arith.constant 1 : index
    %swap3A_26 = arith.constant 0 : index
    %swap3A_27 = arith.constant 0 : index
    %swap3A_28 = vector.load %arg6[%swap3A_25, %swap3A_26, %swap3A_27] : memref<2x512x128xf32, #tpu.memory_space<vmem>>, vector<1x512x128xf32>
    %swap3A_29 = vector.shape_cast %swap3A_28 : vector<1x512x128xf32> to vector<512x128xf32>
    %swap3A_30 = vector.shape_cast %slice3A_24 : vector<512x128xf32> to vector<1x512x128xf32>
    tpu.vector_store %arg6[%swap3A_25, %swap3A_26, %swap3A_27], %swap3A_30 {strides = array<i32>} : memref<2x512x128xf32, #tpu.memory_space<vmem>>, vector<1x512x128xf32>,
    %get3A_31 = arith.constant 0 : index
    %get3A_32 = arith.constant 0 : index
    %get3A_33 = vector.load %arg4[%get3A_31, %get3A_32] : memref<256x256xf32, #tpu.memory_space<vmem>>, vector<256x256xf32>
    %dot_general3A = arith.constant dense<0.000000e+00> : vector<512x256xf32>
    %dot_general3A_34 = tpu.matmul %max3A_18, %get3A_33, %dot_general3A {dimension_numbers = #tpu.dot_dimension_numbers<[1], [0], [0], [1], [0, 0, 1, 1], [], []>, transpose_lhs_hint = false} : vector<512x256xf32>, vector<256x256xf32>, vector<512x256xf32> -> vector<512x256xf32>
    %mul3A_35 = vector.broadcast %get3A_1 : vector<512x1xf32> to vector<512x256xf32>
    %mul3A_36 = arith.mulf %dot_general3A_34, %mul3A_35 : vector<512x256xf32>
    %slice3A_37 = vector.extract_strided_slice %mul3A_36 {offsets = [0, 0], sizes = [512, 128], strides = [1, 1]} : vector<512x256xf32> to vector<512x128xf32>
    %swap3A_38 = arith.constant 0 : index
    %swap3A_39 = arith.constant 0 : index
    %swap3A_40 = arith.constant 0 : index
    %swap3A_41 = vector.load %arg7[%swap3A_38, %swap3A_39, %swap3A_40] : memref<2x512x128xf32, #tpu.memory_space<vmem>>, vector<1x512x128xf32>
    %swap3A_42 = vector.shape_cast %swap3A_41 : vector<1x512x128xf32> to vector<512x128xf32>
    %swap3A_43 = vector.shape_cast %slice3A_37 : vector<512x128xf32> to vector<1x512x128xf32>
    tpu.vector_store %arg7[%swap3A_38, %swap3A_39, %swap3A_40], %swap3A_43 {strides = array<i32>} : memref<2x512x128xf32, #tpu.memory_space<vmem>>, vector<1x512x128xf32>,
    %slice3A_44 = vector.extract_strided_slice %mul3A_36 {offsets = [0, 128], sizes = [512, 128], strides = [1, 1]} : vector<512x256xf32> to vector<512x128xf32>
    %swap3A_45 = arith.constant 1 : index
    %swap3A_46 = arith.constant 0 : index
    %swap3A_47 = arith.constant 0 : index
    %swap3A_48 = vector.load %arg7[%swap3A_45, %swap3A_46, %swap3A_47] : memref<2x512x128xf32, #tpu.memory_space<vmem>>, vector<1x512x128xf32>
    %swap3A_49 = vector.shape_cast %swap3A_48 : vector<1x512x128xf32> to vector<512x128xf32>
    %swap3A_50 = vector.shape_cast %slice3A_44 : vector<512x128xf32> to vector<1x512x128xf32>
    tpu.vector_store %arg7[%swap3A_45, %swap3A_46, %swap3A_47], %swap3A_50 {strides = array<i32>} : memref<2x512x128xf32, #tpu.memory_space<vmem>>, vector<1x512x128xf32>,
    return
  }
  func.func @transform_0(%arg0: i32) -> (i32, i32, i32) {
    %c0_i32 = arith.constant 0 : i32
    %c0_i32_0 = arith.constant 0 : i32
    %c0_i32_1 = arith.constant 0 : i32
    return %c0_i32, %arg0, %c0_i32_0 : i32, i32, i32
  }
  func.func @transform_1(%arg0: i32) -> (i32, i32) {
    %c0_i32 = arith.constant 0 : i32
    %c0_i32_0 = arith.constant 0 : i32
    return %arg0, %c0_i32 : i32, i32
  }
  func.func @transform_2(%arg0: i32) -> (i32, i32) {
    %c0_i32 = arith.constant 0 : i32
    %c0_i32_0 = arith.constant 0 : i32
    %c0_i32_1 = arith.constant 0 : i32
    return %c0_i32, %c0_i32_0 : i32, i32
  }
  func.func @transform_3(%arg0: i32) -> (i32, i32) {
    %c0_i32 = arith.constant 0 : i32
    %c0_i32_0 = arith.constant 0 : i32
    %c0_i32_1 = arith.constant 0 : i32
    return %c0_i32, %c0_i32_0 : i32, i32
  }
  func.func @transform_5(%arg0: i32) -> (i32, i32, i32) {
    %c2_i32 = arith.constant 2 : i32
    %c0_i32 = arith.constant 0 : i32
    %c0_i32_0 = arith.constant 0 : i32
    return %c2_i32, %arg0, %c0_i32 : i32, i32, i32
  }
  func.func @transform_6(%arg0: i32) -> (i32, i32, i32) {
    %c0_i32 = arith.constant 0 : i32
    %c0_i32_0 = arith.constant 0 : i32
    %c0_i32_1 = arith.constant 0 : i32
    return %c0_i32, %arg0, %c0_i32_0 : i32, i32, i32
  }
}

module attributes {stable_mosaic.version = 14 : i64} {
  func.func @body(%arg0: i32, %arg1: memref<2x512x128xf32, #tpu.memory_space<vmem>>, %arg2: memref<512x128xf32, #tpu.memory_space<vmem>>, %arg3: memref<1x256xf32, #tpu.memory_space<vmem>>, %arg4: memref<256x256xf32, #tpu.memory_space<vmem>>, %arg5: memref<10x12000x128xf32, #tpu.memory_space<any>>, %arg6: memref<2x512x128xf32, #tpu.memory_space<vmem>>, %arg7: memref<2x512x128xf32, #tpu.memory_space<vmem>>) attributes {dimension_semantics = [#tpu.dimension_semantics<arbitrary>], iteration_bounds = array<i64: 24>, scalar_prefetch = 0 : i64, scratch_operands = 0 : i64, tpu.core_type = #tpu.core_type<tc>, window_params = [{transform_indices = @transform_0, window_bounds = array<i64: 2, 512, 128>}, {transform_indices = @transform_1, window_bounds = array<i64: 512, 128>}, {pipeline_mode = #tpu.pipeline_mode<synchronous>, transform_indices = @transform_2, window_bounds = array<i64: 1, 256>}, {pipeline_mode = #tpu.pipeline_mode<synchronous>, transform_indices = @transform_3, window_bounds = array<i64: 256, 256>}, {}, {transform_indices = @transform_5, window_bounds = array<i64: 2, 512, 128>}, {transform_indices = @transform_6, window_bounds = array<i64: 2, 512, 128>}]} {
    %get3A = arith.constant 0 : index
    %get3A_0 = arith.constant 0 : index
    %get3A_1 = vector.load %arg2[%get3A, %get3A_0] : memref<512x128xf32, #tpu.memory_space<vmem>>, vector<512x1xf32>
    %get3A_2 = arith.constant 0 : index
    %get3A_3 = arith.constant 0 : index
    %get3A_4 = arith.constant 0 : index
    %get3A_5 = vector.load %arg1[%get3A_2, %get3A_3, %get3A_4] : memref<2x512x128xf32, #tpu.memory_space<vmem>>, vector<1x512x128xf32>
    %get3A_6 = vector.shape_cast %get3A_5 : vector<1x512x128xf32> to vector<512x128xf32>
    %get3A_7 = arith.constant 1 : index
    %get3A_8 = arith.constant 0 : index
    %get3A_9 = arith.constant 0 : index
    %get3A_10 = vector.load %arg1[%get3A_7, %get3A_8, %get3A_9] : memref<2x512x128xf32, #tpu.memory_space<vmem>>, vector<1x512x128xf32>
    %get3A_11 = vector.shape_cast %get3A_10 : vector<1x512x128xf32> to vector<512x128xf32>
    %concatenate3A = tpu.concatenate %get3A_6, %get3A_11 in 1 : vector<512x128xf32>, vector<512x128xf32> -> vector<512x256xf32>
    %mul3A = vector.broadcast %get3A_1 : vector<512x1xf32> to vector<512x256xf32>
    %mul3A_12 = arith.mulf %concatenate3A, %mul3A : vector<512x256xf32>
    %get3A_13 = arith.constant 0 : index
    %get3A_14 = arith.constant 0 : index
    %get3A_15 = vector.load %arg3[%get3A_13, %get3A_14] : memref<1x256xf32, #tpu.memory_space<vmem>>, vector<1x256xf32>
    %add3A = vector.broadcast %get3A_15 : vector<1x256xf32> to vector<512x256xf32>
    %add3A_16 = arith.addf %mul3A_12, %add3A : vector<512x256xf32>
    %max3A = arith.constant 0.000000e+00 : f32
    %max3A_17 = vector.broadcast %max3A : f32 to vector<512x256xf32>
    %max3A_18 = arith.maximumf %add3A_16, %max3A_17 : vector<512x256xf32>
    %slice3A = vector.extract_strided_slice %max3A_18 {offsets = [0, 0], sizes = [512, 128], strides = [1, 1]} : vector<512x256xf32> to vector<512x128xf32>
    %swap3A = arith.constant 0 : index
    %swap3A_19 = arith.constant 0 : index
    %swap3A_20 = arith.constant 0 : index
    %swap3A_21 = vector.load %arg6[%swap3A, %swap3A_19, %swap3A_20] : memref<2x512x128xf32, #tpu.memory_space<vmem>>, vector<1x512x128xf32>
    %swap3A_22 = vector.shape_cast %swap3A_21 : vector<1x512x128xf32> to vector<512x128xf32>
    %swap3A_23 = vector.shape_cast %slice3A : vector<512x128xf32> to vector<1x512x128xf32>
    tpu.vector_store %arg6[%swap3A, %swap3A_19, %swap3A_20], %swap3A_23 {strides = array<i32>} : memref<2x512x128xf32, #tpu.memory_space<vmem>>, vector<1x512x128xf32>,
    %slice3A_24 = vector.extract_strided_slice %max3A_18 {offsets = [0, 128], sizes = [512, 128], strides = [1, 1]} : vector<512x256xf32> to vector<512x128xf32>
    %swap3A_25 = arith.constant 1 : index
    %swap3A_26 = arith.constant 0 : index
    %swap3A_27 = arith.constant 0 : index
    %swap3A_28 = vector.load %arg6[%swap3A_25, %swap3A_26, %swap3A_27] : memref<2x512x128xf32, #tpu.memory_space<vmem>>, vector<1x512x128xf32>
    %swap3A_29 = vector.shape_cast %swap3A_28 : vector<1x512x128xf32> to vector<512x128xf32>
    %swap3A_30 = vector.shape_cast %slice3A_24 : vector<512x128xf32> to vector<1x512x128xf32>
    tpu.vector_store %arg6[%swap3A_25, %swap3A_26, %swap3A_27], %swap3A_30 {strides = array<i32>} : memref<2x512x128xf32, #tpu.memory_space<vmem>>, vector<1x512x128xf32>,
    %get3A_31 = arith.constant 0 : index
    %get3A_32 = arith.constant 0 : index
    %get3A_33 = vector.load %arg4[%get3A_31, %get3A_32] : memref<256x256xf32, #tpu.memory_space<vmem>>, vector<256x256xf32>
    %dot_general3A = arith.constant dense<0.000000e+00> : vector<512x256xf32>
    %dot_general3A_34 = tpu.matmul %max3A_18, %get3A_33, %dot_general3A {dimension_numbers = #tpu.dot_dimension_numbers<[1], [0], [0], [1], [0, 0, 1, 1], [], []>, transpose_lhs_hint = false} : vector<512x256xf32>, vector<256x256xf32>, vector<512x256xf32> -> vector<512x256xf32>
    %mul3A_35 = vector.broadcast %get3A_1 : vector<512x1xf32> to vector<512x256xf32>
    %mul3A_36 = arith.mulf %dot_general3A_34, %mul3A_35 : vector<512x256xf32>
    %slice3A_37 = vector.extract_strided_slice %mul3A_36 {offsets = [0, 0], sizes = [512, 128], strides = [1, 1]} : vector<512x256xf32> to vector<512x128xf32>
    %swap3A_38 = arith.constant 0 : index
    %swap3A_39 = arith.constant 0 : index
    %swap3A_40 = arith.constant 0 : index
    %swap3A_41 = vector.load %arg7[%swap3A_38, %swap3A_39, %swap3A_40] : memref<2x512x128xf32, #tpu.memory_space<vmem>>, vector<1x512x128xf32>
    %swap3A_42 = vector.shape_cast %swap3A_41 : vector<1x512x128xf32> to vector<512x128xf32>
    %swap3A_43 = vector.shape_cast %slice3A_37 : vector<512x128xf32> to vector<1x512x128xf32>
    tpu.vector_store %arg7[%swap3A_38, %swap3A_39, %swap3A_40], %swap3A_43 {strides = array<i32>} : memref<2x512x128xf32, #tpu.memory_space<vmem>>, vector<1x512x128xf32>,
    %slice3A_44 = vector.extract_strided_slice %mul3A_36 {offsets = [0, 128], sizes = [512, 128], strides = [1, 1]} : vector<512x256xf32> to vector<512x128xf32>
    %swap3A_45 = arith.constant 1 : index
    %swap3A_46 = arith.constant 0 : index
    %swap3A_47 = arith.constant 0 : index
    %swap3A_48 = vector.load %arg7[%swap3A_45, %swap3A_46, %swap3A_47] : memref<2x512x128xf32, #tpu.memory_space<vmem>>, vector<1x512x128xf32>
    %swap3A_49 = vector.shape_cast %swap3A_48 : vector<1x512x128xf32> to vector<512x128xf32>
    %swap3A_50 = vector.shape_cast %slice3A_44 : vector<512x128xf32> to vector<1x512x128xf32>
    tpu.vector_store %arg7[%swap3A_45, %swap3A_46, %swap3A_47], %swap3A_50 {strides = array<i32>} : memref<2x512x128xf32, #tpu.memory_space<vmem>>, vector<1x512x128xf32>,
    return
  }
  func.func @transform_0(%arg0: i32) -> (i32, i32, i32) {
    %c0_i32 = arith.constant 0 : i32
    %c0_i32_0 = arith.constant 0 : i32
    %c0_i32_1 = arith.constant 0 : i32
    return %c0_i32, %arg0, %c0_i32_0 : i32, i32, i32
  }
  func.func @transform_1(%arg0: i32) -> (i32, i32) {
    %c0_i32 = arith.constant 0 : i32
    %c0_i32_0 = arith.constant 0 : i32
    return %arg0, %c0_i32 : i32, i32
  }
  func.func @transform_2(%arg0: i32) -> (i32, i32) {
    %c0_i32 = arith.constant 0 : i32
    %c0_i32_0 = arith.constant 0 : i32
    %c0_i32_1 = arith.constant 0 : i32
    return %c0_i32, %c0_i32_0 : i32, i32
  }
  func.func @transform_3(%arg0: i32) -> (i32, i32) {
    %c0_i32 = arith.constant 0 : i32
    %c0_i32_0 = arith.constant 0 : i32
    %c0_i32_1 = arith.constant 0 : i32
    return %c0_i32, %c0_i32_0 : i32, i32
  }
  func.func @transform_5(%arg0: i32) -> (i32, i32, i32) {
    %c3_i32 = arith.constant 3 : i32
    %c0_i32 = arith.constant 0 : i32
    %c0_i32_0 = arith.constant 0 : i32
    return %c3_i32, %arg0, %c0_i32 : i32, i32, i32
  }
  func.func @transform_6(%arg0: i32) -> (i32, i32, i32) {
    %c0_i32 = arith.constant 0 : i32
    %c0_i32_0 = arith.constant 0 : i32
    %c0_i32_1 = arith.constant 0 : i32
    return %c0_i32, %arg0, %c0_i32_0 : i32, i32, i32
  }
}

module attributes {stable_mosaic.version = 14 : i64} {
  func.func @body(%arg0: i32, %arg1: memref<2x512x128xf32, #tpu.memory_space<vmem>>, %arg2: memref<512x128xf32, #tpu.memory_space<vmem>>, %arg3: memref<1x256xf32, #tpu.memory_space<vmem>>, %arg4: memref<10x12000x128xf32, #tpu.memory_space<any>>, %arg5: memref<2x512x128xf32, #tpu.memory_space<vmem>>) attributes {dimension_semantics = [#tpu.dimension_semantics<arbitrary>], iteration_bounds = array<i64: 24>, scalar_prefetch = 0 : i64, scratch_operands = 0 : i64, tpu.core_type = #tpu.core_type<tc>, window_params = [{transform_indices = @transform_0, window_bounds = array<i64: 2, 512, 128>}, {transform_indices = @transform_1, window_bounds = array<i64: 512, 128>}, {pipeline_mode = #tpu.pipeline_mode<synchronous>, transform_indices = @transform_2, window_bounds = array<i64: 1, 256>}, {}, {transform_indices = @transform_4, window_bounds = array<i64: 2, 512, 128>}]} {
    %get3A = arith.constant 0 : index
    %get3A_0 = arith.constant 0 : index
    %get3A_1 = vector.load %arg2[%get3A, %get3A_0] : memref<512x128xf32, #tpu.memory_space<vmem>>, vector<512x1xf32>
    %get3A_2 = arith.constant 0 : index
    %get3A_3 = arith.constant 0 : index
    %get3A_4 = arith.constant 0 : index
    %get3A_5 = vector.load %arg1[%get3A_2, %get3A_3, %get3A_4] : memref<2x512x128xf32, #tpu.memory_space<vmem>>, vector<1x512x128xf32>
    %get3A_6 = vector.shape_cast %get3A_5 : vector<1x512x128xf32> to vector<512x128xf32>
    %get3A_7 = arith.constant 1 : index
    %get3A_8 = arith.constant 0 : index
    %get3A_9 = arith.constant 0 : index
    %get3A_10 = vector.load %arg1[%get3A_7, %get3A_8, %get3A_9] : memref<2x512x128xf32, #tpu.memory_space<vmem>>, vector<1x512x128xf32>
    %get3A_11 = vector.shape_cast %get3A_10 : vector<1x512x128xf32> to vector<512x128xf32>
    %concatenate3A = tpu.concatenate %get3A_6, %get3A_11 in 1 : vector<512x128xf32>, vector<512x128xf32> -> vector<512x256xf32>
    %mul3A = vector.broadcast %get3A_1 : vector<512x1xf32> to vector<512x256xf32>
    %mul3A_12 = arith.mulf %concatenate3A, %mul3A : vector<512x256xf32>
    %get3A_13 = arith.constant 0 : index
    %get3A_14 = arith.constant 0 : index
    %get3A_15 = vector.load %arg3[%get3A_13, %get3A_14] : memref<1x256xf32, #tpu.memory_space<vmem>>, vector<1x256xf32>
    %add3A = vector.broadcast %get3A_15 : vector<1x256xf32> to vector<512x256xf32>
    %add3A_16 = arith.addf %mul3A_12, %add3A : vector<512x256xf32>
    %max3A = arith.constant 0.000000e+00 : f32
    %max3A_17 = vector.broadcast %max3A : f32 to vector<512x256xf32>
    %max3A_18 = arith.maximumf %add3A_16, %max3A_17 : vector<512x256xf32>
    %slice3A = vector.extract_strided_slice %max3A_18 {offsets = [0, 0], sizes = [512, 128], strides = [1, 1]} : vector<512x256xf32> to vector<512x128xf32>
    %swap3A = arith.constant 0 : index
    %swap3A_19 = arith.constant 0 : index
    %swap3A_20 = arith.constant 0 : index
    %swap3A_21 = vector.load %arg5[%swap3A, %swap3A_19, %swap3A_20] : memref<2x512x128xf32, #tpu.memory_space<vmem>>, vector<1x512x128xf32>
    %swap3A_22 = vector.shape_cast %swap3A_21 : vector<1x512x128xf32> to vector<512x128xf32>
    %swap3A_23 = vector.shape_cast %slice3A : vector<512x128xf32> to vector<1x512x128xf32>
    tpu.vector_store %arg5[%swap3A, %swap3A_19, %swap3A_20], %swap3A_23 {strides = array<i32>} : memref<2x512x128xf32, #tpu.memory_space<vmem>>, vector<1x512x128xf32>,
    %slice3A_24 = vector.extract_strided_slice %max3A_18 {offsets = [0, 128], sizes = [512, 128], strides = [1, 1]} : vector<512x256xf32> to vector<512x128xf32>
    %swap3A_25 = arith.constant 1 : index
    %swap3A_26 = arith.constant 0 : index
    %swap3A_27 = arith.constant 0 : index
    %swap3A_28 = vector.load %arg5[%swap3A_25, %swap3A_26, %swap3A_27] : memref<2x512x128xf32, #tpu.memory_space<vmem>>, vector<1x512x128xf32>
    %swap3A_29 = vector.shape_cast %swap3A_28 : vector<1x512x128xf32> to vector<512x128xf32>
    %swap3A_30 = vector.shape_cast %slice3A_24 : vector<512x128xf32> to vector<1x512x128xf32>
    tpu.vector_store %arg5[%swap3A_25, %swap3A_26, %swap3A_27], %swap3A_30 {strides = array<i32>} : memref<2x512x128xf32, #tpu.memory_space<vmem>>, vector<1x512x128xf32>,
    return
  }
  func.func @transform_0(%arg0: i32) -> (i32, i32, i32) {
    %c0_i32 = arith.constant 0 : i32
    %c0_i32_0 = arith.constant 0 : i32
    %c0_i32_1 = arith.constant 0 : i32
    return %c0_i32, %arg0, %c0_i32_0 : i32, i32, i32
  }
  func.func @transform_1(%arg0: i32) -> (i32, i32) {
    %c0_i32 = arith.constant 0 : i32
    %c0_i32_0 = arith.constant 0 : i32
    return %arg0, %c0_i32 : i32, i32
  }
  func.func @transform_2(%arg0: i32) -> (i32, i32) {
    %c0_i32 = arith.constant 0 : i32
    %c0_i32_0 = arith.constant 0 : i32
    %c0_i32_1 = arith.constant 0 : i32
    return %c0_i32, %c0_i32_0 : i32, i32
  }
  func.func @transform_4(%arg0: i32) -> (i32, i32, i32) {
    %c4_i32 = arith.constant 4 : i32
    %c0_i32 = arith.constant 0 : i32
    %c0_i32_0 = arith.constant 0 : i32
    return %c4_i32, %arg0, %c0_i32 : i32, i32, i32
  }
}

module attributes {stable_mosaic.version = 14 : i64} {
  func.func @body(%arg0: i32, %arg1: memref<10x512x128xf32, #tpu.memory_space<vmem>>, %arg2: memref<2x512xf32, #tpu.memory_space<vmem>>, %arg3: memref<512x256xf32, #tpu.memory_space<vmem>>, %arg4: memref<1280x256xf32, #tpu.memory_space<vmem>>, %arg5: memref<1x256xf32, #tpu.memory_space<vmem>>, %arg6: memref<256x256xf32, #tpu.memory_space<vmem>>, %arg7: memref<1x256xf32, #tpu.memory_space<vmem>>, %arg8: memref<256x256xf32, #tpu.memory_space<vmem>>, %arg9: memref<1x256xf32, #tpu.memory_space<vmem>>, %arg10: memref<256x1536xf32, #tpu.memory_space<vmem>>, %arg11: memref<1x1536xf32, #tpu.memory_space<vmem>>, %arg12: memref<512x256xf32, #tpu.memory_space<vmem>>, %arg13: memref<512x256xf32, #tpu.memory_space<vmem>>, %arg14: memref<512x1536xf32, #tpu.memory_space<vmem>>) attributes {dimension_semantics = [#tpu.dimension_semantics<arbitrary>], iteration_bounds = array<i64: 4>, scalar_prefetch = 0 : i64, scratch_operands = 0 : i64, tpu.core_type = #tpu.core_type<tc>, window_params = [{transform_indices = @transform_0, window_bounds = array<i64: 10, 512, 128>}, {transform_indices = @transform_1, window_bounds = array<i64: 2, 512>}, {transform_indices = @transform_2, window_bounds = array<i64: 512, 256>}, {pipeline_mode = #tpu.pipeline_mode<synchronous>, transform_indices = @transform_3, window_bounds = array<i64: 1280, 256>}, {pipeline_mode = #tpu.pipeline_mode<synchronous>, transform_indices = @transform_4, window_bounds = array<i64: 1, 256>}, {pipeline_mode = #tpu.pipeline_mode<synchronous>, transform_indices = @transform_5, window_bounds = array<i64: 256, 256>}, {pipeline_mode = #tpu.pipeline_mode<synchronous>, transform_indices = @transform_6, window_bounds = array<i64: 1, 256>}, {pipeline_mode = #tpu.pipeline_mode<synchronous>, transform_indices = @transform_7, window_bounds = array<i64: 256, 256>}, {pipeline_mode = #tpu.pipeline_mode<synchronous>, transform_indices = @transform_8, window_bounds = array<i64: 1, 256>}, {pipeline_mode = #tpu.pipeline_mode<synchronous>, transform_indices = @transform_9, window_bounds = array<i64: 256, 1536>}, {pipeline_mode = #tpu.pipeline_mode<synchronous>, transform_indices = @transform_10, window_bounds = array<i64: 1, 1536>}, {transform_indices = @transform_11, window_bounds = array<i64: 512, 256>}, {transform_indices = @transform_12, window_bounds = array<i64: 512, 256>}, {transform_indices = @transform_13, window_bounds = array<i64: 512, 1536>}]} {
    %get3A = arith.constant 0 : index
    %get3A_0 = arith.constant 0 : index
    %get3A_1 = vector.load %arg2[%get3A, %get3A_0] : memref<2x512xf32, #tpu.memory_space<vmem>>, vector<1x512xf32>
    %get3A_2 = vector.shape_cast %get3A_1 : vector<1x512xf32> to vector<512xf32>
    %get3A_3 = arith.constant 1 : index
    %get3A_4 = arith.constant 0 : index
    %get3A_5 = vector.load %arg2[%get3A_3, %get3A_4] : memref<2x512xf32, #tpu.memory_space<vmem>>, vector<1x512xf32>
    %get3A_6 = vector.shape_cast %get3A_5 : vector<1x512xf32> to vector<512xf32>
    %add3A = arith.addf %get3A_2, %get3A_6 : vector<512xf32>
    %reshape3A = vector.shape_cast %add3A : vector<512xf32> to vector<512x1xf32>
    %get3A_7 = arith.constant 0 : index
    %get3A_8 = arith.constant 0 : index
    %get3A_9 = arith.constant 0 : index
    %get3A_10 = vector.load %arg1[%get3A_7, %get3A_8, %get3A_9] : memref<10x512x128xf32, #tpu.memory_space<vmem>>, vector<1x512x128xf32>
    %get3A_11 = vector.shape_cast %get3A_10 : vector<1x512x128xf32> to vector<512x128xf32>
    %get3A_12 = arith.constant 1 : index
    %get3A_13 = arith.constant 0 : index
    %get3A_14 = arith.constant 0 : index
    %get3A_15 = vector.load %arg1[%get3A_12, %get3A_13, %get3A_14] : memref<10x512x128xf32, #tpu.memory_space<vmem>>, vector<1x512x128xf32>
    %get3A_16 = vector.shape_cast %get3A_15 : vector<1x512x128xf32> to vector<512x128xf32>
    %get3A_17 = arith.constant 2 : index
    %get3A_18 = arith.constant 0 : index
    %get3A_19 = arith.constant 0 : index
    %get3A_20 = vector.load %arg1[%get3A_17, %get3A_18, %get3A_19] : memref<10x512x128xf32, #tpu.memory_space<vmem>>, vector<1x512x128xf32>
    %get3A_21 = vector.shape_cast %get3A_20 : vector<1x512x128xf32> to vector<512x128xf32>
    %get3A_22 = arith.constant 3 : index
    %get3A_23 = arith.constant 0 : index
    %get3A_24 = arith.constant 0 : index
    %get3A_25 = vector.load %arg1[%get3A_22, %get3A_23, %get3A_24] : memref<10x512x128xf32, #tpu.memory_space<vmem>>, vector<1x512x128xf32>
    %get3A_26 = vector.shape_cast %get3A_25 : vector<1x512x128xf32> to vector<512x128xf32>
    %get3A_27 = arith.constant 4 : index
    %get3A_28 = arith.constant 0 : index
    %get3A_29 = arith.constant 0 : index
    %get3A_30 = vector.load %arg1[%get3A_27, %get3A_28, %get3A_29] : memref<10x512x128xf32, #tpu.memory_space<vmem>>, vector<1x512x128xf32>
    %get3A_31 = vector.shape_cast %get3A_30 : vector<1x512x128xf32> to vector<512x128xf32>
    %get3A_32 = arith.constant 5 : index
    %get3A_33 = arith.constant 0 : index
    %get3A_34 = arith.constant 0 : index
    %get3A_35 = vector.load %arg1[%get3A_32, %get3A_33, %get3A_34] : memref<10x512x128xf32, #tpu.memory_space<vmem>>, vector<1x512x128xf32>
    %get3A_36 = vector.shape_cast %get3A_35 : vector<1x512x128xf32> to vector<512x128xf32>
    %get3A_37 = arith.constant 6 : index
    %get3A_38 = arith.constant 0 : index
    %get3A_39 = arith.constant 0 : index
    %get3A_40 = vector.load %arg1[%get3A_37, %get3A_38, %get3A_39] : memref<10x512x128xf32, #tpu.memory_space<vmem>>, vector<1x512x128xf32>
    %get3A_41 = vector.shape_cast %get3A_40 : vector<1x512x128xf32> to vector<512x128xf32>
    %get3A_42 = arith.constant 7 : index
    %get3A_43 = arith.constant 0 : index
    %get3A_44 = arith.constant 0 : index
    %get3A_45 = vector.load %arg1[%get3A_42, %get3A_43, %get3A_44] : memref<10x512x128xf32, #tpu.memory_space<vmem>>, vector<1x512x128xf32>
    %get3A_46 = vector.shape_cast %get3A_45 : vector<1x512x128xf32> to vector<512x128xf32>
    %get3A_47 = arith.constant 8 : index
    %get3A_48 = arith.constant 0 : index
    %get3A_49 = arith.constant 0 : index
    %get3A_50 = vector.load %arg1[%get3A_47, %get3A_48, %get3A_49] : memref<10x512x128xf32, #tpu.memory_space<vmem>>, vector<1x512x128xf32>
    %get3A_51 = vector.shape_cast %get3A_50 : vector<1x512x128xf32> to vector<512x128xf32>
    %get3A_52 = arith.constant 9 : index
    %get3A_53 = arith.constant 0 : index
    %get3A_54 = arith.constant 0 : index
    %get3A_55 = vector.load %arg1[%get3A_52, %get3A_53, %get3A_54] : memref<10x512x128xf32, #tpu.memory_space<vmem>>, vector<1x512x128xf32>
    %get3A_56 = vector.shape_cast %get3A_55 : vector<1x512x128xf32> to vector<512x128xf32>
    %concatenate3A = tpu.concatenate %get3A_11, %get3A_16, %get3A_21, %get3A_26, %get3A_31, %get3A_36, %get3A_41, %get3A_46, %get3A_51, %get3A_56 in 1 : vector<512x128xf32>, vector<512x128xf32>, vector<512x128xf32>, vector<512x128xf32>, vector<512x128xf32>, vector<512x128xf32>, vector<512x128xf32>, vector<512x128xf32>, vector<512x128xf32>, vector<512x128xf32> -> vector<512x1280xf32>
    %max3A = arith.constant 1.000000e+00 : f32
    %max3A_57 = vector.broadcast %max3A : f32 to vector<512x1xf32>
    %max3A_58 = arith.maximumf %reshape3A, %max3A_57 : vector<512x1xf32>
    %div3A = vector.broadcast %max3A_58 : vector<512x1xf32> to vector<512x1280xf32>
    %div3A_59 = arith.divf %concatenate3A, %div3A : vector<512x1280xf32>
    %get3A_60 = arith.constant 0 : index
    %get3A_61 = arith.constant 0 : index
    %get3A_62 = vector.load %arg4[%get3A_60, %get3A_61] : memref<1280x256xf32, #tpu.memory_space<vmem>>, vector<1280x256xf32>
    %dot_general3A = arith.constant dense<0.000000e+00> : vector<512x256xf32>
    %dot_general3A_63 = tpu.matmul %div3A_59, %get3A_62, %dot_general3A {dimension_numbers = #tpu.dot_dimension_numbers<[1], [0], [0], [1], [0, 0, 1, 1], [], []>, transpose_lhs_hint = false} : vector<512x1280xf32>, vector<1280x256xf32>, vector<512x256xf32> -> vector<512x256xf32>
    %get3A_64 = arith.constant 0 : index
    %get3A_65 = arith.constant 0 : index
    %get3A_66 = vector.load %arg5[%get3A_64, %get3A_65] : memref<1x256xf32, #tpu.memory_space<vmem>>, vector<1x256xf32>
    %add3A_67 = vector.broadcast %get3A_66 : vector<1x256xf32> to vector<512x256xf32>
    %add3A_68 = arith.addf %dot_general3A_63, %add3A_67 : vector<512x256xf32>
    %get3A_69 = arith.constant 0 : index
    %get3A_70 = arith.constant 0 : index
    %get3A_71 = vector.load %arg6[%get3A_69, %get3A_70] : memref<256x256xf32, #tpu.memory_space<vmem>>, vector<256x256xf32>
    %dot_general3A_72 = arith.constant dense<0.000000e+00> : vector<512x256xf32>
    %dot_general3A_73 = tpu.matmul %add3A_68, %get3A_71, %dot_general3A_72 {dimension_numbers = #tpu.dot_dimension_numbers<[1], [0], [0], [1], [0, 0, 1, 1], [], []>, transpose_lhs_hint = false} : vector<512x256xf32>, vector<256x256xf32>, vector<512x256xf32> -> vector<512x256xf32>
    %get3A_74 = arith.constant 0 : index
    %get3A_75 = arith.constant 0 : index
    %get3A_76 = vector.load %arg7[%get3A_74, %get3A_75] : memref<1x256xf32, #tpu.memory_space<vmem>>, vector<1x256xf32>
    %add3A_77 = vector.broadcast %get3A_76 : vector<1x256xf32> to vector<512x256xf32>
    %add3A_78 = arith.addf %dot_general3A_73, %add3A_77 : vector<512x256xf32>
    %get3A_79 = arith.constant 0 : index
    %get3A_80 = arith.constant 0 : index
    %get3A_81 = vector.load %arg8[%get3A_79, %get3A_80] : memref<256x256xf32, #tpu.memory_space<vmem>>, vector<256x256xf32>
    %dot_general3A_82 = arith.constant dense<0.000000e+00> : vector<512x256xf32>
    %dot_general3A_83 = tpu.matmul %add3A_68, %get3A_81, %dot_general3A_82 {dimension_numbers = #tpu.dot_dimension_numbers<[1], [0], [0], [1], [0, 0, 1, 1], [], []>, transpose_lhs_hint = false} : vector<512x256xf32>, vector<256x256xf32>, vector<512x256xf32> -> vector<512x256xf32>
    %get3A_84 = arith.constant 0 : index
    %get3A_85 = arith.constant 0 : index
    %get3A_86 = vector.load %arg9[%get3A_84, %get3A_85] : memref<1x256xf32, #tpu.memory_space<vmem>>, vector<1x256xf32>
    %add3A_87 = vector.broadcast %get3A_86 : vector<1x256xf32> to vector<512x256xf32>
    %add3A_88 = arith.addf %dot_general3A_83, %add3A_87 : vector<512x256xf32>
    %swap3A = arith.constant 0 : index
    %swap3A_89 = arith.constant 0 : index
    %swap3A_90 = vector.load %arg12[%swap3A, %swap3A_89] : memref<512x256xf32, #tpu.memory_space<vmem>>, vector<512x256xf32>
    tpu.vector_store %arg12[%swap3A, %swap3A_89], %add3A_78 {strides = array<i32>} : memref<512x256xf32, #tpu.memory_space<vmem>>, vector<512x256xf32>,
    %swap3A_91 = arith.constant 0 : index
    %swap3A_92 = arith.constant 0 : index
    %swap3A_93 = vector.load %arg13[%swap3A_91, %swap3A_92] : memref<512x256xf32, #tpu.memory_space<vmem>>, vector<512x256xf32>
    tpu.vector_store %arg13[%swap3A_91, %swap3A_92], %add3A_88 {strides = array<i32>} : memref<512x256xf32, #tpu.memory_space<vmem>>, vector<512x256xf32>,
    %get3A_94 = arith.constant 0 : index
    %get3A_95 = arith.constant 0 : index
    %get3A_96 = vector.load %arg3[%get3A_94, %get3A_95] : memref<512x256xf32, #tpu.memory_space<vmem>>, vector<512x256xf32>
    %mul3A = arith.constant 5.000000e-01 : f32
    %mul3A_97 = vector.broadcast %mul3A : f32 to vector<512x256xf32>
    %mul3A_98 = arith.mulf %mul3A_97, %add3A_88 : vector<512x256xf32>
    %exp3A = math.exp %mul3A_98 : vector<512x256xf32>
    %mul3A_99 = arith.mulf %get3A_96, %exp3A : vector<512x256xf32>
    %add3A_100 = arith.addf %mul3A_99, %add3A_78 : vector<512x256xf32>
    %get3A_101 = arith.constant 0 : index
    %get3A_102 = arith.constant 0 : index
    %get3A_103 = vector.load %arg10[%get3A_101, %get3A_102] : memref<256x1536xf32, #tpu.memory_space<vmem>>, vector<256x1536xf32>
    %dot_general3A_104 = arith.constant dense<0.000000e+00> : vector<512x1536xf32>
    %dot_general3A_105 = tpu.matmul %add3A_100, %get3A_103, %dot_general3A_104 {dimension_numbers = #tpu.dot_dimension_numbers<[1], [0], [0], [1], [0, 0, 1, 1], [], []>, transpose_lhs_hint = false} : vector<512x256xf32>, vector<256x1536xf32>, vector<512x1536xf32> -> vector<512x1536xf32>
    %get3A_106 = arith.constant 0 : index
    %get3A_107 = arith.constant 0 : index
    %get3A_108 = vector.load %arg11[%get3A_106, %get3A_107] : memref<1x1536xf32, #tpu.memory_space<vmem>>, vector<1x1536xf32>
    %add3A_109 = vector.broadcast %get3A_108 : vector<1x1536xf32> to vector<512x1536xf32>
    %add3A_110 = arith.addf %dot_general3A_105, %add3A_109 : vector<512x1536xf32>
    %swap3A_111 = arith.constant 0 : index
    %swap3A_112 = arith.constant 0 : index
    %swap3A_113 = vector.load %arg14[%swap3A_111, %swap3A_112] : memref<512x1536xf32, #tpu.memory_space<vmem>>, vector<512x1536xf32>
    tpu.vector_store %arg14[%swap3A_111, %swap3A_112], %add3A_110 {strides = array<i32>} : memref<512x1536xf32, #tpu.memory_space<vmem>>, vector<512x1536xf32>,
    return
  }
  func.func @transform_0(%arg0: i32) -> (i32, i32, i32) {
    %c0_i32 = arith.constant 0 : i32
    %c0_i32_0 = arith.constant 0 : i32
    %c0_i32_1 = arith.constant 0 : i32
    return %c0_i32, %arg0, %c0_i32_0 : i32, i32, i32
  }
  func.func @transform_1(%arg0: i32) -> (i32, i32) {
    %c0_i32 = arith.constant 0 : i32
    %c0_i32_0 = arith.constant 0 : i32
    return %c0_i32, %arg0 : i32, i32
  }
  func.func @transform_2(%arg0: i32) -> (i32, i32) {
    %c0_i32 = arith.constant 0 : i32
    %c0_i32_0 = arith.constant 0 : i32
    return %arg0, %c0_i32 : i32, i32
  }
  func.func @transform_3(%arg0: i32) -> (i32, i32) {
    %c0_i32 = arith.constant 0 : i32
    %c0_i32_0 = arith.constant 0 : i32
    %c0_i32_1 = arith.constant 0 : i32
    return %c0_i32, %c0_i32_0 : i32, i32
  }
  func.func @transform_4(%arg0: i32) -> (i32, i32) {
    %c0_i32 = arith.constant 0 : i32
    %c0_i32_0 = arith.constant 0 : i32
    %c0_i32_1 = arith.constant 0 : i32
    return %c0_i32, %c0_i32_0 : i32, i32
  }
  func.func @transform_5(%arg0: i32) -> (i32, i32) {
    %c0_i32 = arith.constant 0 : i32
    %c0_i32_0 = arith.constant 0 : i32
    %c0_i32_1 = arith.constant 0 : i32
    return %c0_i32, %c0_i32_0 : i32, i32
  }
  func.func @transform_6(%arg0: i32) -> (i32, i32) {
    %c0_i32 = arith.constant 0 : i32
    %c0_i32_0 = arith.constant 0 : i32
    %c0_i32_1 = arith.constant 0 : i32
    return %c0_i32, %c0_i32_0 : i32, i32
  }
  func.func @transform_7(%arg0: i32) -> (i32, i32) {
    %c0_i32 = arith.constant 0 : i32
    %c0_i32_0 = arith.constant 0 : i32
    %c0_i32_1 = arith.constant 0 : i32
    return %c0_i32, %c0_i32_0 : i32, i32
  }
  func.func @transform_8(%arg0: i32) -> (i32, i32) {
    %c0_i32 = arith.constant 0 : i32
    %c0_i32_0 = arith.constant 0 : i32
    %c0_i32_1 = arith.constant 0 : i32
    return %c0_i32, %c0_i32_0 : i32, i32
  }
  func.func @transform_9(%arg0: i32) -> (i32, i32) {
    %c0_i32 = arith.constant 0 : i32
    %c0_i32_0 = arith.constant 0 : i32
    %c0_i32_1 = arith.constant 0 : i32
    return %c0_i32, %c0_i32_0 : i32, i32
  }
  func.func @transform_10(%arg0: i32) -> (i32, i32) {
    %c0_i32 = arith.constant 0 : i32
    %c0_i32_0 = arith.constant 0 : i32
    %c0_i32_1 = arith.constant 0 : i32
    return %c0_i32, %c0_i32_0 : i32, i32
  }
  func.func @transform_11(%arg0: i32) -> (i32, i32) {
    %c0_i32 = arith.constant 0 : i32
    %c0_i32_0 = arith.constant 0 : i32
    return %arg0, %c0_i32 : i32, i32
  }
  func.func @transform_12(%arg0: i32) -> (i32, i32) {
    %c0_i32 = arith.constant 0 : i32
    %c0_i32_0 = arith.constant 0 : i32
    return %arg0, %c0_i32 : i32, i32
  }
  func.func @transform_13(%arg0: i32) -> (i32, i32) {
    %c0_i32 = arith.constant 0 : i32
    %c0_i32_0 = arith.constant 0 : i32
    return %arg0, %c0_i32 : i32, i32
  }
}

module attributes {stable_mosaic.version = 14 : i64} {
  func.func @body(%arg0: i32, %arg1: memref<512x256xf32, #tpu.memory_space<vmem>>, %arg2: memref<512x128xf32, #tpu.memory_space<vmem>>, %arg3: memref<256x256xf32, #tpu.memory_space<vmem>>, %arg4: memref<2x512x128xf32, #tpu.memory_space<vmem>>) attributes {dimension_semantics = [#tpu.dimension_semantics<arbitrary>], iteration_bounds = array<i64: 24>, scalar_prefetch = 0 : i64, scratch_operands = 0 : i64, tpu.core_type = #tpu.core_type<tc>, window_params = [{transform_indices = @transform_0, window_bounds = array<i64: 512, 256>}, {transform_indices = @transform_1, window_bounds = array<i64: 512, 128>}, {pipeline_mode = #tpu.pipeline_mode<synchronous>, transform_indices = @transform_2, window_bounds = array<i64: 256, 256>}, {transform_indices = @transform_3, window_bounds = array<i64: 2, 512, 128>}]} {
    %get3A = arith.constant 0 : index
    %get3A_0 = arith.constant 0 : index
    %get3A_1 = vector.load %arg2[%get3A, %get3A_0] : memref<512x128xf32, #tpu.memory_space<vmem>>, vector<512x1xf32>
    %get3A_2 = arith.constant 0 : index
    %get3A_3 = arith.constant 0 : index
    %get3A_4 = vector.load %arg1[%get3A_2, %get3A_3] : memref<512x256xf32, #tpu.memory_space<vmem>>, vector<512x256xf32>
    %max3A = arith.constant 0.000000e+00 : f32
    %max3A_5 = vector.broadcast %max3A : f32 to vector<512x256xf32>
    %max3A_6 = arith.maximumf %get3A_4, %max3A_5 : vector<512x256xf32>
    %get3A_7 = arith.constant 0 : index
    %get3A_8 = arith.constant 0 : index
    %get3A_9 = vector.load %arg3[%get3A_7, %get3A_8] : memref<256x256xf32, #tpu.memory_space<vmem>>, vector<256x256xf32>
    %dot_general3A = arith.constant dense<0.000000e+00> : vector<512x256xf32>
    %dot_general3A_10 = tpu.matmul %max3A_6, %get3A_9, %dot_general3A {dimension_numbers = #tpu.dot_dimension_numbers<[1], [0], [0], [1], [0, 0, 1, 1], [], []>, transpose_lhs_hint = false} : vector<512x256xf32>, vector<256x256xf32>, vector<512x256xf32> -> vector<512x256xf32>
    %mul3A = vector.broadcast %get3A_1 : vector<512x1xf32> to vector<512x256xf32>
    %mul3A_11 = arith.mulf %dot_general3A_10, %mul3A : vector<512x256xf32>
    %slice3A = vector.extract_strided_slice %mul3A_11 {offsets = [0, 0], sizes = [512, 128], strides = [1, 1]} : vector<512x256xf32> to vector<512x128xf32>
    %swap3A = arith.constant 0 : index
    %swap3A_12 = arith.constant 0 : index
    %swap3A_13 = arith.constant 0 : index
    %swap3A_14 = vector.load %arg4[%swap3A, %swap3A_12, %swap3A_13] : memref<2x512x128xf32, #tpu.memory_space<vmem>>, vector<1x512x128xf32>
    %swap3A_15 = vector.shape_cast %swap3A_14 : vector<1x512x128xf32> to vector<512x128xf32>
    %swap3A_16 = vector.shape_cast %slice3A : vector<512x128xf32> to vector<1x512x128xf32>
    tpu.vector_store %arg4[%swap3A, %swap3A_12, %swap3A_13], %swap3A_16 {strides = array<i32>} : memref<2x512x128xf32, #tpu.memory_space<vmem>>, vector<1x512x128xf32>,
    %slice3A_17 = vector.extract_strided_slice %mul3A_11 {offsets = [0, 128], sizes = [512, 128], strides = [1, 1]} : vector<512x256xf32> to vector<512x128xf32>
    %swap3A_18 = arith.constant 1 : index
    %swap3A_19 = arith.constant 0 : index
    %swap3A_20 = arith.constant 0 : index
    %swap3A_21 = vector.load %arg4[%swap3A_18, %swap3A_19, %swap3A_20] : memref<2x512x128xf32, #tpu.memory_space<vmem>>, vector<1x512x128xf32>
    %swap3A_22 = vector.shape_cast %swap3A_21 : vector<1x512x128xf32> to vector<512x128xf32>
    %swap3A_23 = vector.shape_cast %slice3A_17 : vector<512x128xf32> to vector<1x512x128xf32>
    tpu.vector_store %arg4[%swap3A_18, %swap3A_19, %swap3A_20], %swap3A_23 {strides = array<i32>} : memref<2x512x128xf32, #tpu.memory_space<vmem>>, vector<1x512x128xf32>,
    return
  }
  func.func @transform_0(%arg0: i32) -> (i32, i32) {
    %c0_i32 = arith.constant 0 : i32
    %c0_i32_0 = arith.constant 0 : i32
    return %arg0, %c0_i32 : i32, i32
  }
  func.func @transform_1(%arg0: i32) -> (i32, i32) {
    %c0_i32 = arith.constant 0 : i32
    %c0_i32_0 = arith.constant 0 : i32
    return %arg0, %c0_i32 : i32, i32
  }
  func.func @transform_2(%arg0: i32) -> (i32, i32) {
    %c0_i32 = arith.constant 0 : i32
    %c0_i32_0 = arith.constant 0 : i32
    %c0_i32_1 = arith.constant 0 : i32
    return %c0_i32, %c0_i32_0 : i32, i32
  }
  func.func @transform_3(%arg0: i32) -> (i32, i32, i32) {
    %c0_i32 = arith.constant 0 : i32
    %c0_i32_0 = arith.constant 0 : i32
    %c0_i32_1 = arith.constant 0 : i32
    return %c0_i32, %arg0, %c0_i32_0 : i32, i32, i32
  }
}

module attributes {stable_mosaic.version = 14 : i64} {
  func.func @body(%arg0: i32, %arg1: memref<2x512x128xf32, #tpu.memory_space<vmem>>, %arg2: memref<512x128xf32, #tpu.memory_space<vmem>>, %arg3: memref<1x256xf32, #tpu.memory_space<vmem>>, %arg4: memref<256x256xf32, #tpu.memory_space<vmem>>, %arg5: memref<2x512x128xf32, #tpu.memory_space<vmem>>) attributes {dimension_semantics = [#tpu.dimension_semantics<arbitrary>], iteration_bounds = array<i64: 24>, scalar_prefetch = 0 : i64, scratch_operands = 0 : i64, tpu.core_type = #tpu.core_type<tc>, window_params = [{transform_indices = @transform_0, window_bounds = array<i64: 2, 512, 128>}, {transform_indices = @transform_1, window_bounds = array<i64: 512, 128>}, {pipeline_mode = #tpu.pipeline_mode<synchronous>, transform_indices = @transform_2, window_bounds = array<i64: 1, 256>}, {pipeline_mode = #tpu.pipeline_mode<synchronous>, transform_indices = @transform_3, window_bounds = array<i64: 256, 256>}, {transform_indices = @transform_4, window_bounds = array<i64: 2, 512, 128>}]} {
    %get3A = arith.constant 0 : index
    %get3A_0 = arith.constant 0 : index
    %get3A_1 = vector.load %arg2[%get3A, %get3A_0] : memref<512x128xf32, #tpu.memory_space<vmem>>, vector<512x1xf32>
    %get3A_2 = arith.constant 0 : index
    %get3A_3 = arith.constant 0 : index
    %get3A_4 = arith.constant 0 : index
    %get3A_5 = vector.load %arg1[%get3A_2, %get3A_3, %get3A_4] : memref<2x512x128xf32, #tpu.memory_space<vmem>>, vector<1x512x128xf32>
    %get3A_6 = vector.shape_cast %get3A_5 : vector<1x512x128xf32> to vector<512x128xf32>
    %get3A_7 = arith.constant 1 : index
    %get3A_8 = arith.constant 0 : index
    %get3A_9 = arith.constant 0 : index
    %get3A_10 = vector.load %arg1[%get3A_7, %get3A_8, %get3A_9] : memref<2x512x128xf32, #tpu.memory_space<vmem>>, vector<1x512x128xf32>
    %get3A_11 = vector.shape_cast %get3A_10 : vector<1x512x128xf32> to vector<512x128xf32>
    %concatenate3A = tpu.concatenate %get3A_6, %get3A_11 in 1 : vector<512x128xf32>, vector<512x128xf32> -> vector<512x256xf32>
    %mul3A = vector.broadcast %get3A_1 : vector<512x1xf32> to vector<512x256xf32>
    %mul3A_12 = arith.mulf %concatenate3A, %mul3A : vector<512x256xf32>
    %get3A_13 = arith.constant 0 : index
    %get3A_14 = arith.constant 0 : index
    %get3A_15 = vector.load %arg3[%get3A_13, %get3A_14] : memref<1x256xf32, #tpu.memory_space<vmem>>, vector<1x256xf32>
    %add3A = vector.broadcast %get3A_15 : vector<1x256xf32> to vector<512x256xf32>
    %add3A_16 = arith.addf %mul3A_12, %add3A : vector<512x256xf32>
    %max3A = arith.constant 0.000000e+00 : f32
    %max3A_17 = vector.broadcast %max3A : f32 to vector<512x256xf32>
    %max3A_18 = arith.maximumf %add3A_16, %max3A_17 : vector<512x256xf32>
    %get3A_19 = arith.constant 0 : index
    %get3A_20 = arith.constant 0 : index
    %get3A_21 = vector.load %arg4[%get3A_19, %get3A_20] : memref<256x256xf32, #tpu.memory_space<vmem>>, vector<256x256xf32>
    %dot_general3A = arith.constant dense<0.000000e+00> : vector<512x256xf32>
    %dot_general3A_22 = tpu.matmul %max3A_18, %get3A_21, %dot_general3A {dimension_numbers = #tpu.dot_dimension_numbers<[1], [0], [0], [1], [0, 0, 1, 1], [], []>, transpose_lhs_hint = false} : vector<512x256xf32>, vector<256x256xf32>, vector<512x256xf32> -> vector<512x256xf32>
    %mul3A_23 = vector.broadcast %get3A_1 : vector<512x1xf32> to vector<512x256xf32>
    %mul3A_24 = arith.mulf %dot_general3A_22, %mul3A_23 : vector<512x256xf32>
    %slice3A = vector.extract_strided_slice %mul3A_24 {offsets = [0, 0], sizes = [512, 128], strides = [1, 1]} : vector<512x256xf32> to vector<512x128xf32>
    %swap3A = arith.constant 0 : index
    %swap3A_25 = arith.constant 0 : index
    %swap3A_26 = arith.constant 0 : index
    %swap3A_27 = vector.load %arg5[%swap3A, %swap3A_25, %swap3A_26] : memref<2x512x128xf32, #tpu.memory_space<vmem>>, vector<1x512x128xf32>
    %swap3A_28 = vector.shape_cast %swap3A_27 : vector<1x512x128xf32> to vector<512x128xf32>
    %swap3A_29 = vector.shape_cast %slice3A : vector<512x128xf32> to vector<1x512x128xf32>
    tpu.vector_store %arg5[%swap3A, %swap3A_25, %swap3A_26], %swap3A_29 {strides = array<i32>} : memref<2x512x128xf32, #tpu.memory_space<vmem>>, vector<1x512x128xf32>,
    %slice3A_30 = vector.extract_strided_slice %mul3A_24 {offsets = [0, 128], sizes = [512, 128], strides = [1, 1]} : vector<512x256xf32> to vector<512x128xf32>
    %swap3A_31 = arith.constant 1 : index
    %swap3A_32 = arith.constant 0 : index
    %swap3A_33 = arith.constant 0 : index
    %swap3A_34 = vector.load %arg5[%swap3A_31, %swap3A_32, %swap3A_33] : memref<2x512x128xf32, #tpu.memory_space<vmem>>, vector<1x512x128xf32>
    %swap3A_35 = vector.shape_cast %swap3A_34 : vector<1x512x128xf32> to vector<512x128xf32>
    %swap3A_36 = vector.shape_cast %slice3A_30 : vector<512x128xf32> to vector<1x512x128xf32>
    tpu.vector_store %arg5[%swap3A_31, %swap3A_32, %swap3A_33], %swap3A_36 {strides = array<i32>} : memref<2x512x128xf32, #tpu.memory_space<vmem>>, vector<1x512x128xf32>,
    return
  }
  func.func @transform_0(%arg0: i32) -> (i32, i32, i32) {
    %c0_i32 = arith.constant 0 : i32
    %c0_i32_0 = arith.constant 0 : i32
    %c0_i32_1 = arith.constant 0 : i32
    return %c0_i32, %arg0, %c0_i32_0 : i32, i32, i32
  }
  func.func @transform_1(%arg0: i32) -> (i32, i32) {
    %c0_i32 = arith.constant 0 : i32
    %c0_i32_0 = arith.constant 0 : i32
    return %arg0, %c0_i32 : i32, i32
  }
  func.func @transform_2(%arg0: i32) -> (i32, i32) {
    %c0_i32 = arith.constant 0 : i32
    %c0_i32_0 = arith.constant 0 : i32
    %c0_i32_1 = arith.constant 0 : i32
    return %c0_i32, %c0_i32_0 : i32, i32
  }
  func.func @transform_3(%arg0: i32) -> (i32, i32) {
    %c0_i32 = arith.constant 0 : i32
    %c0_i32_0 = arith.constant 0 : i32
    %c0_i32_1 = arith.constant 0 : i32
    return %c0_i32, %c0_i32_0 : i32, i32
  }
  func.func @transform_4(%arg0: i32) -> (i32, i32, i32) {
    %c0_i32 = arith.constant 0 : i32
    %c0_i32_0 = arith.constant 0 : i32
    %c0_i32_1 = arith.constant 0 : i32
    return %c0_i32, %arg0, %c0_i32_0 : i32, i32, i32
  }
}

module attributes {stable_mosaic.version = 14 : i64} {
  func.func @body(%arg0: i32, %arg1: memref<2x512x128xf32, #tpu.memory_space<vmem>>, %arg2: memref<512x128xf32, #tpu.memory_space<vmem>>, %arg3: memref<1x256xf32, #tpu.memory_space<vmem>>, %arg4: memref<256x1280xf32, #tpu.memory_space<vmem>>, %arg5: memref<1x1280xf32, #tpu.memory_space<vmem>>, %arg6: memref<1280x128xf32, #tpu.memory_space<vmem>>, %arg7: memref<1x128xf32, #tpu.memory_space<vmem>>, %arg8: memref<512x128xf32, #tpu.memory_space<vmem>>) attributes {dimension_semantics = [#tpu.dimension_semantics<arbitrary>], iteration_bounds = array<i64: 24>, scalar_prefetch = 0 : i64, scratch_operands = 0 : i64, tpu.core_type = #tpu.core_type<tc>, window_params = [{transform_indices = @transform_0, window_bounds = array<i64: 2, 512, 128>}, {transform_indices = @transform_1, window_bounds = array<i64: 512, 128>}, {pipeline_mode = #tpu.pipeline_mode<synchronous>, transform_indices = @transform_2, window_bounds = array<i64: 1, 256>}, {pipeline_mode = #tpu.pipeline_mode<synchronous>, transform_indices = @transform_3, window_bounds = array<i64: 256, 1280>}, {pipeline_mode = #tpu.pipeline_mode<synchronous>, transform_indices = @transform_4, window_bounds = array<i64: 1, 1280>}, {pipeline_mode = #tpu.pipeline_mode<synchronous>, transform_indices = @transform_5, window_bounds = array<i64: 1280, 128>}, {pipeline_mode = #tpu.pipeline_mode<synchronous>, transform_indices = @transform_6, window_bounds = array<i64: 1, 128>}, {transform_indices = @transform_7, window_bounds = array<i64: 512, 128>}]} {
    %get3A = arith.constant 0 : index
    %get3A_0 = arith.constant 0 : index
    %get3A_1 = vector.load %arg2[%get3A, %get3A_0] : memref<512x128xf32, #tpu.memory_space<vmem>>, vector<512x1xf32>
    %get3A_2 = arith.constant 0 : index
    %get3A_3 = arith.constant 0 : index
    %get3A_4 = arith.constant 0 : index
    %get3A_5 = vector.load %arg1[%get3A_2, %get3A_3, %get3A_4] : memref<2x512x128xf32, #tpu.memory_space<vmem>>, vector<1x512x128xf32>
    %get3A_6 = vector.shape_cast %get3A_5 : vector<1x512x128xf32> to vector<512x128xf32>
    %get3A_7 = arith.constant 1 : index
    %get3A_8 = arith.constant 0 : index
    %get3A_9 = arith.constant 0 : index
    %get3A_10 = vector.load %arg1[%get3A_7, %get3A_8, %get3A_9] : memref<2x512x128xf32, #tpu.memory_space<vmem>>, vector<1x512x128xf32>
    %get3A_11 = vector.shape_cast %get3A_10 : vector<1x512x128xf32> to vector<512x128xf32>
    %concatenate3A = tpu.concatenate %get3A_6, %get3A_11 in 1 : vector<512x128xf32>, vector<512x128xf32> -> vector<512x256xf32>
    %mul3A = vector.broadcast %get3A_1 : vector<512x1xf32> to vector<512x256xf32>
    %mul3A_12 = arith.mulf %concatenate3A, %mul3A : vector<512x256xf32>
    %get3A_13 = arith.constant 0 : index
    %get3A_14 = arith.constant 0 : index
    %get3A_15 = vector.load %arg3[%get3A_13, %get3A_14] : memref<1x256xf32, #tpu.memory_space<vmem>>, vector<1x256xf32>
    %add3A = vector.broadcast %get3A_15 : vector<1x256xf32> to vector<512x256xf32>
    %add3A_16 = arith.addf %mul3A_12, %add3A : vector<512x256xf32>
    %max3A = arith.constant 0.000000e+00 : f32
    %max3A_17 = vector.broadcast %max3A : f32 to vector<512x256xf32>
    %max3A_18 = arith.maximumf %add3A_16, %max3A_17 : vector<512x256xf32>
    %get3A_19 = arith.constant 0 : index
    %get3A_20 = arith.constant 0 : index
    %get3A_21 = vector.load %arg4[%get3A_19, %get3A_20] : memref<256x1280xf32, #tpu.memory_space<vmem>>, vector<256x1280xf32>
    %dot_general3A = arith.constant dense<0.000000e+00> : vector<512x1280xf32>
    %dot_general3A_22 = tpu.matmul %max3A_18, %get3A_21, %dot_general3A {dimension_numbers = #tpu.dot_dimension_numbers<[1], [0], [0], [1], [0, 0, 1, 1], [], []>, transpose_lhs_hint = false} : vector<512x256xf32>, vector<256x1280xf32>, vector<512x1280xf32> -> vector<512x1280xf32>
    %get3A_23 = arith.constant 0 : index
    %get3A_24 = arith.constant 0 : index
    %get3A_25 = vector.load %arg5[%get3A_23, %get3A_24] : memref<1x1280xf32, #tpu.memory_space<vmem>>, vector<1x1280xf32>
    %add3A_26 = vector.broadcast %get3A_25 : vector<1x1280xf32> to vector<512x1280xf32>
    %add3A_27 = arith.addf %dot_general3A_22, %add3A_26 : vector<512x1280xf32>
    %max3A_28 = arith.constant 0.000000e+00 : f32
    %max3A_29 = vector.broadcast %max3A_28 : f32 to vector<512x1280xf32>
    %max3A_30 = arith.maximumf %add3A_27, %max3A_29 : vector<512x1280xf32>
    %get3A_31 = arith.constant 0 : index
    %get3A_32 = arith.constant 0 : index
    %get3A_33 = vector.load %arg6[%get3A_31, %get3A_32] : memref<1280x128xf32, #tpu.memory_space<vmem>>, vector<1280x128xf32>
    %dot_general3A_34 = arith.constant dense<0.000000e+00> : vector<512x128xf32>
    %dot_general3A_35 = tpu.matmul %max3A_30, %get3A_33, %dot_general3A_34 {dimension_numbers = #tpu.dot_dimension_numbers<[1], [0], [0], [1], [0, 0, 1, 1], [], []>, transpose_lhs_hint = false} : vector<512x1280xf32>, vector<1280x128xf32>, vector<512x128xf32> -> vector<512x128xf32>
    %get3A_36 = arith.constant 0 : index
    %get3A_37 = arith.constant 0 : index
    %get3A_38 = vector.load %arg7[%get3A_36, %get3A_37] : memref<1x128xf32, #tpu.memory_space<vmem>>, vector<1x128xf32>
    %add3A_39 = vector.broadcast %get3A_38 : vector<1x128xf32> to vector<512x128xf32>
    %add3A_40 = arith.addf %dot_general3A_35, %add3A_39 : vector<512x128xf32>
    %swap3A = arith.constant 0 : index
    %swap3A_41 = arith.constant 0 : index
    %swap3A_42 = vector.load %arg8[%swap3A, %swap3A_41] : memref<512x128xf32, #tpu.memory_space<vmem>>, vector<512x128xf32>
    tpu.vector_store %arg8[%swap3A, %swap3A_41], %add3A_40 {strides = array<i32>} : memref<512x128xf32, #tpu.memory_space<vmem>>, vector<512x128xf32>,
    return
  }
  func.func @transform_0(%arg0: i32) -> (i32, i32, i32) {
    %c0_i32 = arith.constant 0 : i32
    %c0_i32_0 = arith.constant 0 : i32
    %c0_i32_1 = arith.constant 0 : i32
    return %c0_i32, %arg0, %c0_i32_0 : i32, i32, i32
  }
  func.func @transform_1(%arg0: i32) -> (i32, i32) {
    %c0_i32 = arith.constant 0 : i32
    %c0_i32_0 = arith.constant 0 : i32
    return %arg0, %c0_i32 : i32, i32
  }
  func.func @transform_2(%arg0: i32) -> (i32, i32) {
    %c0_i32 = arith.constant 0 : i32
    %c0_i32_0 = arith.constant 0 : i32
    %c0_i32_1 = arith.constant 0 : i32
    return %c0_i32, %c0_i32_0 : i32, i32
  }
  func.func @transform_3(%arg0: i32) -> (i32, i32) {
    %c0_i32 = arith.constant 0 : i32
    %c0_i32_0 = arith.constant 0 : i32
    %c0_i32_1 = arith.constant 0 : i32
    return %c0_i32, %c0_i32_0 : i32, i32
  }
  func.func @transform_4(%arg0: i32) -> (i32, i32) {
    %c0_i32 = arith.constant 0 : i32
    %c0_i32_0 = arith.constant 0 : i32
    %c0_i32_1 = arith.constant 0 : i32
    return %c0_i32, %c0_i32_0 : i32, i32
  }
  func.func @transform_5(%arg0: i32) -> (i32, i32) {
    %c0_i32 = arith.constant 0 : i32
    %c0_i32_0 = arith.constant 0 : i32
    %c0_i32_1 = arith.constant 0 : i32
    return %c0_i32, %c0_i32_0 : i32, i32
  }
  func.func @transform_6(%arg0: i32) -> (i32, i32) {
    %c0_i32 = arith.constant 0 : i32
    %c0_i32_0 = arith.constant 0 : i32
    %c0_i32_1 = arith.constant 0 : i32
    return %c0_i32, %c0_i32_0 : i32, i32
  }
  func.func @transform_7(%arg0: i32) -> (i32, i32) {
    %c0_i32 = arith.constant 0 : i32
    %c0_i32_0 = arith.constant 0 : i32
    return %arg0, %c0_i32 : i32, i32
  }
}

</mosaic_0001>

<sc_bundles>
// kernel: kernel.20.cloned.1.call-start
scs
__scs_entry_jumppad:
0x0: {  	(pc) =	sbr.rel $0x88, $3  }
0x1: {  	(tag) =	ssettag $0x0;
	lr =	simm.s32 $0x1  }
0x2: {  	[smem:$0x3F6B] =	sst lr;
	_ =	strace $0xD0000000  }
0x3: {  	_ = 	snop  }
0x4: {  	_ = 	snop  }
0x5: {  	_ = 	snop  }
0x6: {  	_ = 	snop  }
0x7: {  	_ = 	snop  }
__scs_overlays_trampoline_lowered:
0x8: {  	[smem:$0x3F7A] =	sst s0  }
0x9: {  	[smem:$0x3F7B] =	sst s1  }
0xa: {  	[smem:$0x3F7C] =	sst s2  }
0xb: {  	[smem:$0x3F7D] =	sst s3  }
0xc: {  	[smem:$0x3F7E] =	sst s4  }
0xd: {  	[smem:$0x3F7F] =	sst s5  }
0xe: {  	[smem:$0x3F80] =	sst s6  }
0xf: {  	[smem:$0x3F81] =	sst s7  }
0x10: {  	[smem:$0x3F82] =	sst s8  }
0x11: {  	[smem:$0x3F83] =	sst s9;
	s0 =	simm.s32 @!p0 $0x0  }
0x12: {  	s1 =	sld [smem:$0x3F69];
	s0 =	simm.s32 @p0 $0x1  }
0x13: {  	[smem:$0x3F84] =	sst s0;
	s0 =	simm.s32 @!p1 $0x0  }
0x14: {  	s2 =	sld [smem:$0x3F68];
	s0 =	simm.s32 @p1 $0x1  }
0x15: {  	[smem:$0x3F85] =	sst s0;
	s0 =	simm.s32 @!p2 $0x0  }
0x16: {  	s3 =	sld [smem:$0x3FDB];
	s0 =	simm.s32 @p2 $0x1  }
0x17: {  	s4 =	simm.s32 $0x1BF5;
	[smem:$0x3F87] =	sst s0  }
0x18: {  	s0 =	sld [smem:$0x3F6A];
	_ =	swait.ge [sflag:s4], $0x0  }
0x19: {  	s7 =	sld [smem:$0x3F6B]  }
0x1a: {  	s8 =	sadd.s32 $0xFFFFE003, lr  }
0x1b: {  	s9 =	sadd.s32 $0xFFFFFEF7, lr;
	s5 =	simm.s32 $0xFFFFFFFF;
	p2 =	slt.u32 s8, $0xFFFFF086  }
0x1c: {  	p1 =	slt.u32 s9, $0xF7A;
	s5 =	simm.s32 @!p2 $0x0  }
0x1d: {  	s5 =	simm.s32 @p1 $0x1;
	p0 =	seq.s32 s7, s2  }
0x1e: {  	s7 =	smul.u32 @!p0 $0xF7A, s2;
	p2 =	seq.s32 @!p0 s5, $0x0  }
0x1f: {  	s9 =	smul.u32 $0xF7A, s1;
	s8 =	simm.s32 @!p0 $0x1BF5;
	p2 =	por !p2, p0  }
0x20: {  	[sflag:s8] =	ssyncset.s32 @!p0 $0xFFFFF086;
	s6 =	sadd.s32 @!p0 s3, s7;
	s7 =	simm.s32 @!p0 $0x108  }
0x21: {  	s3 =	sadd.s32 s3, s9;
	s6 =	sadd.s32 @!p0 $0x88, s6;
	s7 =	simm.s32 @p2 $0x1082  }
0x22: {  	[simem:s7], [sflag:s8] =	dma.local @!p0 [hbm:s6], $0xF7A  }
0x23: {  	s9 =	sor.u32 $0xD0000000, s2;
	s6 =	simm.s32 $0x108;
	_ =	swait.ge @!p0 [sflag:s8], $0x0  }
0x24: {  	s3 =	sadd.s32 $0x88, s3;
	s6 =	simm.s32 @!p1 $0x1082;
	[sflag:s4] =	ssyncset.s32 $0xFFFFF086  }
0x25: {  	[simem:s6], [sflag:s4] =	dma.local [hbm:s3], $0xF7A  }
0x26: {  	[smem:$0x3F6B] =	sst s1;
	(tag) =	ssettag s2;
	_ =	strace s9  }
0x27: {  	s1 =	sld [smem:$0x3F7B]  }
0x28: {  	s2 =	sld [smem:$0x3F7C]  }
0x29: {  	s4 =	sld [smem:$0x3F7E]  }
0x2a: {  	p0 =	seq.s32 s5, $0x0;
	s5 =	sld [smem:$0x3F7F]  }
0x2b: {  	s6 =	sld [smem:$0x3F80]  }
0x2c: {  	s7 =	sld [smem:$0x3F81]  }
0x2d: {  	s3 =	simm.s32 $0x108;
	s8 =	sld [smem:$0x3F82]  }
0x2e: {  	s3 =	simm.s32 @!p0 $0x1082;
	s9 =	sld [smem:$0x3F83]  }
0x2f: {  	lr =	sadd.s32 s0, s3;
	s0 =	sld [smem:$0x3F7A]  }
0x30: {  	s3 =	sld [smem:$0x3F7D]  }
0x31: {  	[smem:$0x3F86] =	sst s10  }
0x32: {  	s10 =	sld [smem:$0x3F84];
	_ =	sdelay $0x3  }
0x33: {  	p0 =	seq.s32 s10, $0x1;
	s10 =	sld [smem:$0x3F86];
	_ =	sdelay $0x3  }
0x34: {  	[smem:$0x3F86] =	sst s10  }
0x35: {  	s10 =	sld [smem:$0x3F85];
	_ =	sdelay $0x3  }
0x36: {  	p1 =	seq.s32 s10, $0x1;
	s10 =	sld [smem:$0x3F86];
	_ =	sdelay $0x3  }
0x37: {  	[smem:$0x3F86] =	sst s10  }
0x38: {  	s10 =	sld [smem:$0x3F87]  }
0x39: {  	_ = 	snop;
	(pc) =	sbr.ind lr, $3  }
0x3a: {  	_ = 	snop  }
0x3b: {  	_ = 	snop  }
0x3c: {  	p2 =	seq.s32 s10, $0x1;
	s10 =	sld [smem:$0x3F86]  }
0x3d: {  	_ =	shalt  }
0x3e: {  	_ =	shalt  }
0x3f: {  	_ =	shalt  }
0x40: {  	_ =	shalt  }
0x41: {  	_ =	shalt  }
0x42: {  	_ =	shalt  }
0x43: {  	_ =	shalt  }
0x44: {  	_ =	shalt  }
0x45: {  	_ =	shalt  }
0x46: {  	_ =	shalt  }
0x47: {  	_ =	shalt  }
0x48: {  	_ =	shalt  }
0x49: {  	_ =	shalt  }
0x4a: {  	_ =	shalt  }
0x4b: {  	_ =	shalt  }
0x4c: {  	_ =	shalt  }
0x4d: {  	_ =	shalt  }
0x4e: {  	_ =	shalt  }
0x4f: {  	_ =	shalt  }
0x50: {  	_ =	shalt  }
0x51: {  	_ =	shalt  }
0x52: {  	_ =	shalt  }
0x53: {  	_ =	shalt  }
0x54: {  	_ =	shalt  }
0x55: {  	_ =	shalt  }
0x56: {  	_ =	shalt  }
0x57: {  	_ =	shalt  }
0x58: {  	_ =	shalt  }
0x59: {  	_ =	shalt  }
0x5a: {  	_ =	shalt  }
0x5b: {  	_ =	shalt  }
0x5c: {  	_ =	shalt  }
0x5d: {  	_ =	shalt  }
0x5e: {  	_ =	shalt  }
0x5f: {  	_ =	shalt  }
0x60: {  	_ =	shalt  }
0x61: {  	_ =	shalt  }
0x62: {  	_ =	shalt  }
0x63: {  	_ =	shalt  }
0x64: {  	_ =	shalt  }
0x65: {  	_ =	shalt  }
0x66: {  	_ =	shalt  }
0x67: {  	_ =	shalt  }
0x68: {  	_ =	shalt  }
0x69: {  	_ =	shalt  }
0x6a: {  	_ =	shalt  }
0x6b: {  	_ =	shalt  }
0x6c: {  	_ =	shalt  }
0x6d: {  	_ =	shalt  }
0x6e: {  	_ =	shalt  }
0x6f: {  	_ =	shalt  }
0x70: {  	_ =	shalt  }
0x71: {  	_ =	shalt  }
0x72: {  	_ =	shalt  }
0x73: {  	_ =	shalt  }
0x74: {  	_ =	shalt  }
0x75: {  	_ =	shalt  }
0x76: {  	_ =	shalt  }
0x77: {  	_ =	shalt  }
0x78: {  	_ =	shalt  }
0x79: {  	_ =	shalt  }
0x7a: {  	_ =	shalt  }
0x7b: {  	_ =	shalt  }
0x7c: {  	_ =	shalt  }
0x7d: {  	_ =	shalt  }
0x7e: {  	_ =	shalt  }
0x7f: {  	_ =	shalt  }
0x80: {  	_ =	shalt  }
0x81: {  	_ =	shalt  }
0x82: {  	_ =	shalt  }
0x83: {  	_ =	shalt  }
0x84: {  	_ =	shalt  }
0x85: {  	_ =	shalt  }
0x86: {  	_ =	shalt  }
0x87: {  	_ =	shalt  }
.Lfunc_end0:
.L_simem_size_0:
called_computation_lowered:
.L_overlay_start_0:
0x88: {  	s2 =	sld [smem:$0x3FD9]  }
0x89: {  	s3 =	sld [smem:$0x3FFE];
	_ =	sdelay $0x1  }
0x8a: {  	s1 =	srdreg.scid  }
0x8b: {  	s0 =	sand.u32 $0x1, s1  }
0x8c: {  	s15 =	sshll.u32 s0, $0xA;
	s2 =	sadd.s32 s3, s2  }
0x8d: {  	s2 =	sadd.s32 s2, s15  }
0x8e: {  	[smem:$0x3F92] =	sst s2  }
0x8f: {  	_ = 	snop  }
0x90: {  	s2 =	sld [smem:$0x3FD0];
	_ =	sdelay $0x2  }
0x91: {  	s16 =	simm.s32 $0xA;
	s4 =	simm.s32 $0x10  }
0x92: {  	[smem:s4], [sflag:s16] =	dma.local [hbm:s2], $0x1  }
0x93: {  	_ =	swait.eq [sflag:s16], $0x1  }
0x94: {  	s17 =	sld [smem:$0x10]  }
0x95: {  	s18 =	sld [smem:$0x11];
	[sflag:s16] =	ssyncset.done $0x0  }
0x96: {  	s5 =	sld [smem:$0x12];
	[sflag:s16] =	ssyncadd.s32 $0xFFFFFFFF  }
0x97: {  	s19 =	sld [smem:$0x13];
	(tm) =	ssettm $0x1  }
0x98: {  	s6 =	sld [smem:$0x3FFB];
	_ =	sdelay $0x3  }
0x99: {  	_ =	strace s6  }
0x9a: {  	s6 =	sld [smem:$0x3FFC];
	_ =	sdelay $0x3  }
0x9b: {  	_ =	strace s6  }
0x9c: {  	s6 =	sld [smem:$0x3FFD];
	_ =	sdelay $0x3  }
0x9d: {  	_ =	strace s6  }
0x9e: {  	_ =	strace $0x8FFFFFFF  }
0x9f: {  	s20 =	sld [smem:$0x3FDB];
	_ =	sdelay $0x1  }
0xa0: {  	s7 =	simm.s32 $_scs_section_size  }
0xa1: {  	s8 =	simm.s32 $_size__tile_overlayer_lowered;
	s9 =	simm.s32 $_tile_overlayer_lowered  }
0xa2: {  	s23 =	simm.s32 $0x1BFF;
	s22 =	sshll.u32 s9, $0x1;
	s6 =	sadd.s32 s7, s20  }
0xa3: {  	s10 =	simm.s32 $0x0;
	s21 =	sshll.u32 s8, $0x1;
	s8 =	sadd.s32 s22, s6  }
0xa4: {  	[timem:s10], [sflag:s23] =	dma.local [hbm:s8], s21  }
0xa5: {  	_ =	swait.ge [sflag:s23], s21  }
0xa6: {  	s7 =	ssub.s32 $0x0, s21;
	[sflag:s23] =	ssyncset.done $0x0  }
0xa7: {  	[sflag:s23] =	ssyncadd.s32 s7;
	_ =	sdelay $0x1  }
0xa8: {  	s24 =	simm.s32 $0x1B8B  }
0xa9: {  	_ =	swait.ge [sflag:s24], $0x1  }
0xaa: {  	[sflag:s24] =	ssyncset.done $0x0  }
0xab: {  	s25 =	simm.s32 $0x1B8E;
	[sflag:s24] =	ssyncadd.s32 $0xFFFFFFFF  }
0xac: {  	s26 =	simm.s32 $execute0_lowered;
	[smem:$0x3FD2] =	sst s25  }
0xad: {  	s7 =	sshll.u32 s26, $0x1;
	_ =	strace $0x80000046;
	[dreg:$0x1] =	wrdreg $0xFFFFFFFF  }
0xae: {  	s28 =	simm.s32 $_size_execute0_lowered;
	s6 =	sadd.s32 s6, s7;
	[dreg:$0x0] =	wrdreg $0x0  }
0xaf: {  	s7 =	sshll.u32 s28, $0x1;
	[dreg:$0x2] =	wrdreg s6  }
0xb0: {  	[dreg:$0x3] =	wrdreg s7  }
0xb1: {  	[dreg:$0x4] =	wrdreg $0xC0  }
0xb2: {  	_ =	task [dreg:s10], $0x5FFFF  }
0xb3: {  	[dreg:$0x1] =	wrdreg $0xFFFFFFFF  }
0xb4: {  	[dreg:$0x0] =	wrdreg $0x60  }
0xb5: {  	[dreg:$0x2] =	wrdreg s19  }
0xb6: {  	[dreg:$0x3] =	wrdreg s17  }
0xb7: {  	[dreg:$0x4] =	wrdreg s18  }
0xb8: {  	[dreg:$0x5] =	wrdreg s5  }
0xb9: {  	[dreg:$0x6] =	wrdreg $0x8C800  }
0xba: {  	[dreg:$0x7] =	wrdreg $0xBC800  }
0xbb: {  	[dreg:$0x8] =	wrdreg $0x9  }
0xbc: {  	_ =	task.clear_ibuf [dreg:s10], $0x9FFFF;
	_ =	strace $0x90000046  }
0xbd: {  	s29 =	simm.s32 $0x9;
	_ =	strace $0x80000048  }
0xbe: {  	_ =	swait.ge [sflag:s29], $0x1  }
0xbf: {  	[sflag:s29] =	ssyncadd.s32 $0xFFFFFFFF  }
0xc0: {  	_ =	strace $0x90000048  }
0xc1: {  	_ =	sfence  }
0xc2: {  	s30 =	sld [smem:$0x0];
	_ =	sdelay $0x2  }
0xc3: {  	s31 =	sshll.u32 s1, $0xD;
	s1 =	sshrl.u32 s1, $0x2  }
0xc4: {  	s3 =	sand.u32 $0x4000, s31;
	s1 =	sadd.s32 s1, s30  }
0xc5: {  	s0 =	sor.u32 s3, s0;
	s1 =	sshll.u32 s1, $0x11  }
0xc6: {  	s0 =	sor.u32 s1, s0  }
0xc7: {  	s0 =	sadd.s32 $0x8F2B, s0  }
0xc8: {  	[sflag:s0] =	ssyncadd.remote.s32 $0x1  }
0xc9: {  	_ =	sfence.sel $0xFFFF  }
0xca: {  	[dreg:$0x0] =	wrdreg $0xFFFFFFFF;
	(pc) =	sbr.abs _section_cstart, $3  }
0xcb: {  	[dreg:$0x1] =	wrdreg $0xFFFFFFFF  }
0xcc: {  	_ =	task.clear_ibuf [dreg:s10], $0x2FFFF;
	_ =	strace $0x9FFFFFFF  }
0xcd: {  	(tm) =	ssettm $0x7FFFFFFF  }
tec
execute0_lowered:
.L_overlay_start_1:
0x0: {  	(tag) =	ssettag $0x1  }
0x1: {  	s3 =	rddreg [dreg:$0x0]  }
0x2: {  	s4 =	rddreg [dreg:$0x1]  }
0x3: {  	s8 =	rddreg [dreg:$0x2]  }
0x4: {  	s10 =	rddreg [dreg:$0x3]  }
0x5: {  	s7 =	rddreg [dreg:$0x4];
	s1 =	stileid.u32  }
0x6: {  	s0 =	srdreg.scid;
	s6 =	smul.u32 $0x1770, s1  }
0x7: {  	s9 =	rddreg [dreg:$0x5];
	s2 =	simm.s32 $0x0;
	s15 =	smul.u32 $0x180, s1  }
0x8: {  	s16 =	simm.s32 $0x80;
	s17 =	simm.s32 $0x400;
	s24 =	smul.u32 $0x6000, s1  }
0x9: {  	s11 =	sand.u32 $0x1, s0;
	[smem:$0x7FF] =	sst s2;
	s25 =	smul.u32 $0x600, s1  }
0xa: {  	s19 =	sshrl.u32 s1, $0x3;
	s20 =	sshll.u32 s1, $0x7;
	s5 =	smul.u32 $0x17700, s11  }
0xb: {  	s29 =	sshll.u32 s1, $0x8;
	s31 =	sshll.u32 s1, $0xA;
	s13 =	smul.u32 $0x1800, s11  }
0xc: {  	s12 =	ssub.s32 $0x2, s11;
	_ =	strace $0x80000047;
	s21 =	smul.u32 $0x60000, s19  }
0xd: {  	s22 =	sand.u32 $0x380, s20;
	s11 =	sshll.u32 s11, $0x7;
	s20 =	simm.s32 $0x5100  }
0xe: {  	s14 =	sshrl.u32 s12, $0x1;
	s26 =	sshrl.u32 s24, $0x2;
	s28 =	sor.u32 s11, s25  }
0xf: {  	s11 =	sor.u32 s11, s29;
	s24 =	simm.s32 $0x8400;
	s25 =	simm.s32 $0x8C00  }
0x10: {  	s12 =	ssub.s32 s12, s14;
	s5 =	sadd.s32 s6, s5;
	s18 =	sadd.s32 s15, s13  }
0x11: {  	s23 =	sshrl.u32 s21, $0x2;
	s13 =	sshll.u32 s19, $0xE;
	s30 =	sshrl.u32 s28, $0x3  }
0x12: {  	s11 =	sshrl.u32 s11, $0x3;
	s14 =	simm.s32 $0x1900;
	s15 =	simm.s32 $0x4900  }
0x13: {  	s19 =	simm.s32 $0x18000;
	s21 =	simm.s32 $0x100;
	s5 =	sshrl.u32 s5, $0x3  }
0x14: {  	s6 =	sshrl.u32 s18, $0x3;
	s13 =	sadd.s32 s13, s9;
	s8 =	sadd.s32 s8, s30  }
0x15: {  	s9 =	sadd.s32 s31, s9;
	s10 =	sadd.s32 s10, s11;
	s11 =	smax.u32 s12, $0x1  }
0x16: {  	s12 =	simm.s32 $0x1;
	s18 =	simm.s32 $0x1800;
	s3 =	sadd.s32 s3, s5  }
0x17: {  	s4 =	sadd.s32 s4, s6;
	s5 =	sadd.s32 s23, s7;
	s6 =	sadd.s32 s22, s13  }
0x18: {  	s7 =	sadd.s32 s26, s7;
	s13 =	simm.s32 $0x1780;
	s23 =	simm.s32 $0x4000  }
0x19: {  	v0 =	vimm.f32 $0.0e+00;
	v1 =	vimm.f32 $1.000000000e+00;
	s26 =	simm.s32 $0x0;
	s5 =	sadd.s32 s22, s5;
	s22 =	simm.s32 $0x8100  }
.LBB2_1:
0x1a: {  	[tilespmem:s2], [sflag:$0x1] =	stream.linear.gather [hbm4b:s3+s2], $0x1770, $0x38;
	[tilespmem:$0xC480] =	vst v63  }
0x1b: {  	_ =	swait.ge [sflag:s12], $0x1770  }
0x1c: {  	[sflag:s12] =	ssyncset.done $0x0  }
0x1d: {  	[sflag:s12] =	ssyncadd.s32 $0xFFFFE890  }
0x1e: {  	[tilespmem:s13], [sflag:$0x1] =	stream.linear.gather [hbm4b:s4+s2], $0x180, $0x38;
	[tilespmem:$0xC480] =	vst v63  }
0x1f: {  	_ =	swait.ge [sflag:s12], $0x180  }
0x20: {  	[sflag:s12] =	ssyncset.done $0x0  }
0x21: {  	s28 =	simm.s32 $0x40;
	s29 =	simm.s32 $0x0;
	[sflag:s12] =	ssyncadd.s32 $0xFFFFFE80  }
.LBB2_2:
0x22: {  	p0 =	sne.s32 s28, $0xBFC0;
	[tilespmem:s29+$0x1900] =	vst v0;
	s29 =	smov.u32 s28;
	s28 =	sadd.s32 $0x40, s28  }
.Ltmp0:
0x23: {  	(pc) =	sbr.rel @p0 .LBB2_2-.Ltmp0, $2  }
0x24: {  	_ =	sdelay $0x2  }
0x25: {  	s29 =	sshra.s32 s29, $0x2  }
0x26: {  	[tilespmem:s29+$0x1900] =	vst v0;
	s28 =	simm.s32 $0x40;
	s29 =	simm.s32 $0x0  }
.LBB2_4:
0x27: {  	p0 =	sne.s32 s28, $0x1FC0;
	[tilespmem:s29+$0x4900] =	vst v0;
	s29 =	smov.u32 s28;
	s28 =	sadd.s32 $0x40, s28  }
.Ltmp1:
0x28: {  	(pc) =	sbr.rel @p0 .LBB2_4-.Ltmp1, $2  }
0x29: {  	_ =	sdelay $0x2  }
0x2a: {  	s29 =	sshra.s32 s29, $0x2  }
0x2b: {  	[tilespmem:s29+$0x4900] =	vst v0;
	s29 =	simm.s32 $0x0;
	s28 =	simm.s32 $0x40  }
.LBB2_6:
0x2c: {  	p0 =	sne.s32 s28, $0x5D80;
	v2 =	vld [tilespmem:s29+$0x0];
	_ =	sdelay $0x3  }
.Ltmp2:
0x2d: {  	(pc) =	sbr.rel @p0 .LBB2_6-.Ltmp2, $2  }
0x2e: {  	_ =	sdelay $0x2  }
0x2f: {  	s29 =	sshra.s32 s28, $0x2;
	s28 =	sadd.s32 $0x40, s28;
	[tilespmem:v2+s14+$0x0] =	vst.idx.add.f32.msk $0xffff, v1  }
0x30: {  	v2 =	vld [tilespmem:s29+$0x0];
	_ =	sdelay $0x7  }
0x31: {  	[tilespmem:v2+s14+$0x0] =	vst.idx.add.f32.msk $0xffff, v1  }
0x32: {  	v2 =	vld [tilespmem:$0x1780];
	_ =	sdelay $0x7  }
0x33: {  	[tilespmem:v2+s15+$0x0] =	vst.idx.add.f32.msk $0xffff, v1  }
0x34: {  	v2 =	vld [tilespmem:$0x1790];
	_ =	sdelay $0x7  }
0x35: {  	[tilespmem:v2+s15+$0x0] =	vst.idx.add.f32.msk $0xffff, v1  }
0x36: {  	v2 =	vld [tilespmem:$0x17A0];
	_ =	sdelay $0x7  }
0x37: {  	[tilespmem:v2+s15+$0x0] =	vst.idx.add.f32.msk $0xffff, v1  }
0x38: {  	v2 =	vld [tilespmem:$0x17B0];
	_ =	sdelay $0x7  }
0x39: {  	[tilespmem:v2+s15+$0x0] =	vst.idx.add.f32.msk $0xffff, v1  }
0x3a: {  	v2 =	vld [tilespmem:$0x17C0];
	_ =	sdelay $0x7  }
0x3b: {  	[tilespmem:v2+s15+$0x0] =	vst.idx.add.f32.msk $0xffff, v1  }
0x3c: {  	v2 =	vld [tilespmem:$0x17D0];
	_ =	sdelay $0x7  }
0x3d: {  	[tilespmem:v2+s15+$0x0] =	vst.idx.add.f32.msk $0xffff, v1  }
0x3e: {  	v2 =	vld [tilespmem:$0x17E0];
	_ =	sdelay $0x7  }
0x3f: {  	[tilespmem:v2+s15+$0x0] =	vst.idx.add.f32.msk $0xffff, v1  }
0x40: {  	v2 =	vld [tilespmem:$0x17F0];
	_ =	sdelay $0x7  }
0x41: {  	[tilespmem:v2+s15+$0x0] =	vst.idx.add.f32.msk $0xffff, v1  }
0x42: {  	v2 =	vld [tilespmem:$0x1800];
	_ =	sdelay $0x7  }
0x43: {  	[tilespmem:v2+s15+$0x0] =	vst.idx.add.f32.msk $0xffff, v1  }
0x44: {  	v2 =	vld [tilespmem:$0x1810];
	_ =	sdelay $0x7  }
0x45: {  	[tilespmem:v2+s15+$0x0] =	vst.idx.add.f32.msk $0xffff, v1  }
0x46: {  	v2 =	vld [tilespmem:$0x1820];
	_ =	sdelay $0x7  }
0x47: {  	[tilespmem:v2+s15+$0x0] =	vst.idx.add.f32.msk $0xffff, v1  }
0x48: {  	v2 =	vld [tilespmem:$0x1830];
	_ =	sdelay $0x7  }
0x49: {  	[tilespmem:v2+s15+$0x0] =	vst.idx.add.f32.msk $0xffff, v1  }
0x4a: {  	v2 =	vld [tilespmem:$0x1840];
	_ =	sdelay $0x7  }
0x4b: {  	[tilespmem:v2+s15+$0x0] =	vst.idx.add.f32.msk $0xffff, v1  }
0x4c: {  	v2 =	vld [tilespmem:$0x1850];
	_ =	sdelay $0x7  }
0x4d: {  	[tilespmem:v2+s15+$0x0] =	vst.idx.add.f32.msk $0xffff, v1  }
0x4e: {  	v2 =	vld [tilespmem:$0x1860];
	_ =	sdelay $0x7  }
0x4f: {  	[tilespmem:v2+s15+$0x0] =	vst.idx.add.f32.msk $0xffff, v1  }
0x50: {  	v2 =	vld [tilespmem:$0x1870];
	_ =	sdelay $0x7  }
0x51: {  	[tilespmem:v2+s15+$0x0] =	vst.idx.add.f32.msk $0xffff, v1  }
0x52: {  	v2 =	vld [tilespmem:$0x1880];
	_ =	sdelay $0x7  }
0x53: {  	[tilespmem:v2+s15+$0x0] =	vst.idx.add.f32.msk $0xffff, v1  }
0x54: {  	v2 =	vld [tilespmem:$0x1890];
	_ =	sdelay $0x7  }
0x55: {  	[tilespmem:v2+s15+$0x0] =	vst.idx.add.f32.msk $0xffff, v1  }
0x56: {  	v2 =	vld [tilespmem:$0x18A0];
	_ =	sdelay $0x7  }
0x57: {  	[tilespmem:v2+s15+$0x0] =	vst.idx.add.f32.msk $0xffff, v1  }
0x58: {  	v2 =	vld [tilespmem:$0x18B0];
	_ =	sdelay $0x7  }
0x59: {  	[tilespmem:v2+s15+$0x0] =	vst.idx.add.f32.msk $0xffff, v1  }
0x5a: {  	v2 =	vld [tilespmem:$0x18C0];
	_ =	sdelay $0x7  }
0x5b: {  	[tilespmem:v2+s15+$0x0] =	vst.idx.add.f32.msk $0xffff, v1  }
0x5c: {  	v2 =	vld [tilespmem:$0x18D0];
	_ =	sdelay $0x7  }
0x5d: {  	[tilespmem:v2+s15+$0x0] =	vst.idx.add.f32.msk $0xffff, v1  }
0x5e: {  	v2 =	vld [tilespmem:$0x18E0];
	_ =	sdelay $0x7  }
0x5f: {  	[tilespmem:v2+s15+$0x0] =	vst.idx.add.f32.msk $0xffff, v1  }
0x60: {  	v2 =	vld [tilespmem:$0x18F0];
	_ =	sdelay $0x7  }
0x61: {  	[tilespmem:v2+s15+$0x0] =	vst.idx.add.f32.msk $0xffff, v1  }
0x62: {  	[spmem:s5] =	stream.strided.scatter [tilespmem:s14], [sflag:$0x1], $0x3000, s17, s16, $0x38;
	[tilespmem:$0xC480] =	vst v63  }
0x63: {  	_ =	swait.ge [sflag:s12], $0x3000  }
0x64: {  	[sflag:s12] =	ssyncset.done $0x0  }
0x65: {  	[sflag:s12] =	ssyncadd.s32 $0xFFFFD000  }
0x66: {  	[spmem:s6] =	stream.strided.scatter [tilespmem:s15], [sflag:$0x1], $0x800, s17, s16, $0x38;
	[tilespmem:$0xC480] =	vst v63  }
0x67: {  	_ =	swait.ge [sflag:s12], $0x800  }
0x68: {  	[sflag:s12] =	ssyncset.done $0x0  }
0x69: {  	[sflag:s12] =	ssyncadd.s32 $0xFFFFF800  }
0x6a: {  	[bflag:$0x0] =	sbarrier.arrive $0xFFFF  }
0x6b: {  	[tilespmem:s20], [sflag:$0x1] =	stream.strided.gather [spmem:s7], $0x3000, s19, s18, $0x38;
	[tilespmem:$0xC480] =	vst v63  }
0x6c: {  	s28 =	simm.s32 $0x0;
	_ =	swait.ge [sflag:s12], $0x3000  }
0x6d: {  	s29 =	sand.u32 $0x70, s28;
	s28 =	sand.u32 $0x1C00, s28;
	[sflag:s12] =	ssyncset.done $0x0  }
0x6e: {  	s28 =	sor.u32 s29, s28;
	[sflag:s12] =	ssyncadd.s32 $0xFFFFD000  }
0x6f: {  	v2 =	vld [tilespmem:s28+$0x5180]  }
0x70: {  	v3 =	vld [tilespmem:s28+$0x5100];
	_ =	sdelay $0x1  }
0x71: {  	v4 =	vld [tilespmem:s28+$0x5200];
	_ =	sdelay $0x1  }
0x72: {  	v5 =	vld [tilespmem:s28+$0x5280]  }
0x73: {  	v2 =	vadd.f32 v2, v3  }
0x74: {  	v3 =	vld [tilespmem:s28+$0x5300]  }
0x75: {  	v2 =	vadd.f32 v4, v2  }
0x76: {  	v56 =	vld [tilespmem:s28+$0x5380]  }
0x77: {  	v2 =	vadd.f32 v5, v2  }
0x78: {  	v57 =	vld [tilespmem:s28+$0x5400]  }
0x79: {  	v2 =	vadd.f32 v3, v2  }
0x7a: {  	v3 =	vld [tilespmem:s28+$0x5480]  }
0x7b: {  	v2 =	vadd.f32 v56, v2  }
0x7c: {  	v58 =	vld [tilespmem:s28+$0x6900]  }
0x7d: {  	v2 =	vadd.f32 v57, v2  }
0x7e: {  	v59 =	vld [tilespmem:s28+$0x6980]  }
0x7f: {  	v2 =	vadd.f32 v3, v2  }
0x80: {  	v3 =	vld [tilespmem:s28+$0x6A00]  }
0x81: {  	v2 =	vadd.f32 v58, v2  }
0x82: {  	v60 =	vld [tilespmem:s28+$0x6A80]  }
0x83: {  	v2 =	vadd.f32 v59, v2  }
0x84: {  	v61 =	vld [tilespmem:s28+$0x6B00]  }
0x85: {  	v2 =	vadd.f32 v3, v2  }
0x86: {  	v3 =	vld [tilespmem:s28+$0x6B80]  }
0x87: {  	v2 =	vadd.f32 v60, v2  }
0x88: {  	v62 =	vld [tilespmem:s28+$0x6C00]  }
0x89: {  	v2 =	vadd.f32 v61, v2  }
0x8a: {  	v63 =	vld [tilespmem:s28+$0x6C80]  }
0x8b: {  	v2 =	vadd.f32 v3, v2;
	_ =	sdelay $0x1  }
0x8c: {  	v2 =	vadd.f32 v62, v2;
	_ =	sdelay $0x1  }
0x8d: {  	s30 =	simm.s32 $0x80;
	s29 =	simm.s32 $0x10;
	v2 =	vadd.f32 v63, v2  }
0x8e: {  	s31 =	sand.u32 $0x1C00, s30;
	s29 =	sand.u32 $0x70, s29;
	s28 =	simm.s32 $0x8100  }
0x8f: {  	s29 =	sor.u32 s29, s31;
	s31 =	simm.s32 $0x20;
	[tilespmem:s28+$0x0] =	vst v2  }
.LBB2_8:
0x90: {  	p0 =	sne.s32 s31, $0x2F0;
	v2 =	vld [tilespmem:s29+$0x5180]  }
0x91: {  	v3 =	vld [tilespmem:s29+$0x5100];
	_ =	sdelay $0x1  }
0x92: {  	v4 =	vld [tilespmem:s29+$0x5200];
	_ =	sdelay $0x1  }
0x93: {  	v5 =	vld [tilespmem:s29+$0x5280]  }
0x94: {  	v2 =	vadd.f32 v2, v3  }
0x95: {  	v3 =	vld [tilespmem:s29+$0x5300]  }
0x96: {  	v2 =	vadd.f32 v4, v2  }
0x97: {  	v4 =	vld [tilespmem:s29+$0x5380]  }
0x98: {  	v2 =	vadd.f32 v5, v2  }
0x99: {  	v5 =	vld [tilespmem:s29+$0x5400]  }
0x9a: {  	v2 =	vadd.f32 v3, v2  }
0x9b: {  	v3 =	vld [tilespmem:s29+$0x5480]  }
0x9c: {  	v2 =	vadd.f32 v4, v2  }
0x9d: {  	v4 =	vld [tilespmem:s29+$0x6900]  }
0x9e: {  	v2 =	vadd.f32 v5, v2  }
0x9f: {  	v5 =	vld [tilespmem:s29+$0x6980]  }
0xa0: {  	v2 =	vadd.f32 v3, v2  }
0xa1: {  	v3 =	vld [tilespmem:s29+$0x6A00]  }
0xa2: {  	v2 =	vadd.f32 v4, v2  }
0xa3: {  	v4 =	vld [tilespmem:s29+$0x6A80]  }
0xa4: {  	v2 =	vadd.f32 v5, v2  }
0xa5: {  	v5 =	vld [tilespmem:s29+$0x6B00]  }
0xa6: {  	v2 =	vadd.f32 v3, v2  }
0xa7: {  	v3 =	vld [tilespmem:s29+$0x6B80]  }
0xa8: {  	v2 =	vadd.f32 v4, v2  }
0xa9: {  	v4 =	vld [tilespmem:s29+$0x6C00]  }
0xaa: {  	v2 =	vadd.f32 v5, v2  }
0xab: {  	v5 =	vld [tilespmem:s29+$0x6C80]  }
0xac: {  	v2 =	vadd.f32 v3, v2;
	_ =	sdelay $0x1  }
.Ltmp3:
0xad: {  	v2 =	vadd.f32 v4, v2;
	(pc) =	sbr.rel @p0 .LBB2_8-.Ltmp3, $4  }
0xae: {  	_ = 	snop  }
0xaf: {  	s30 =	sadd.s32 $0x80, s30;
	v2 =	vadd.f32 v5, v2  }
0xb0: {  	s28 =	sadd.s32 $0x10, s28;
	s0 =	sand.u32 $0x1C00, s30;
	s29 =	sand.u32 $0x70, s31  }
0xb1: {  	s31 =	sadd.s32 $0x10, s31;
	s29 =	sor.u32 s29, s0;
	[tilespmem:s28+$0x0] =	vst v2  }
0xb2: {  	v2 =	vld [tilespmem:s29+$0x5180]  }
0xb3: {  	v3 =	vld [tilespmem:s29+$0x5100];
	_ =	sdelay $0x1  }
0xb4: {  	v4 =	vld [tilespmem:s29+$0x5200];
	_ =	sdelay $0x1  }
0xb5: {  	v5 =	vld [tilespmem:s29+$0x5280]  }
0xb6: {  	v2 =	vadd.f32 v2, v3  }
0xb7: {  	v3 =	vld [tilespmem:s29+$0x5300]  }
0xb8: {  	v2 =	vadd.f32 v4, v2  }
0xb9: {  	v4 =	vld [tilespmem:s29+$0x5380]  }
0xba: {  	v2 =	vadd.f32 v5, v2  }
0xbb: {  	v5 =	vld [tilespmem:s29+$0x5400]  }
0xbc: {  	v2 =	vadd.f32 v3, v2  }
0xbd: {  	v3 =	vld [tilespmem:s29+$0x5480]  }
0xbe: {  	v2 =	vadd.f32 v4, v2  }
0xbf: {  	v4 =	vld [tilespmem:s29+$0x6900]  }
0xc0: {  	v2 =	vadd.f32 v5, v2  }
0xc1: {  	v5 =	vld [tilespmem:s29+$0x6980]  }
0xc2: {  	v2 =	vadd.f32 v3, v2  }
0xc3: {  	v3 =	vld [tilespmem:s29+$0x6A00]  }
0xc4: {  	v2 =	vadd.f32 v4, v2  }
0xc5: {  	v4 =	vld [tilespmem:s29+$0x6A80]  }
0xc6: {  	v2 =	vadd.f32 v5, v2  }
0xc7: {  	v5 =	vld [tilespmem:s29+$0x6B00]  }
0xc8: {  	v2 =	vadd.f32 v3, v2  }
0xc9: {  	v3 =	vld [tilespmem:s29+$0x6B80]  }
0xca: {  	v2 =	vadd.f32 v4, v2  }
0xcb: {  	v4 =	vld [tilespmem:s29+$0x6C00]  }
0xcc: {  	v2 =	vadd.f32 v5, v2  }
0xcd: {  	v5 =	vld [tilespmem:s29+$0x6C80]  }
0xce: {  	v2 =	vadd.f32 v3, v2;
	_ =	sdelay $0x1  }
0xcf: {  	v2 =	vadd.f32 v4, v2;
	_ =	sdelay $0x1  }
0xd0: {  	v2 =	vadd.f32 v5, v2  }
0xd1: {  	s0 =	sadd.s32 $0x10, s28  }
0xd2: {  	[tilespmem:s0+$0x0] =	vst v2  }
0xd3: {  	[hbm4b:s8+s16] =	stream.strided.scatter [tilespmem:s22], [sflag:$0x1], $0x300, s21, s16, $0x38;
	[tilespmem:$0xC480] =	vst v63  }
0xd4: {  	_ =	swait.ge [sflag:s12], $0x300  }
0xd5: {  	[sflag:s12] =	ssyncset.done $0x0  }
0xd6: {  	[sflag:s12] =	ssyncadd.s32 $0xFFFFFD00  }
0xd7: {  	[tilespmem:s24], [sflag:$0x1] =	stream.strided.gather [spmem:s9], $0x800, s23, s17, $0x38;
	[tilespmem:$0xC480] =	vst v63  }
0xd8: {  	_ =	swait.ge [sflag:s12], $0x800  }
0xd9: {  	[sflag:s12] =	ssyncset.done $0x0  }
0xda: {  	s29 =	simm.s32 $0x0;
	[sflag:s12] =	ssyncadd.s32 $0xFFFFF800  }
0xdb: {  	v2 =	vld [tilespmem:s29+$0x8400]  }
0xdc: {  	v3 =	vld [tilespmem:s29+$0x8480];
	_ =	sdelay $0x1  }
0xdd: {  	v4 =	vld [tilespmem:s29+$0x8500];
	_ =	sdelay $0x1  }
0xde: {  	v5 =	vld [tilespmem:s29+$0x8580]  }
0xdf: {  	v2 =	vadd.f32 v3, v2  }
0xe0: {  	v3 =	vld [tilespmem:s29+$0x8600]  }
0xe1: {  	v2 =	vadd.f32 v4, v2  }
0xe2: {  	v4 =	vld [tilespmem:s29+$0x8680]  }
0xe3: {  	v2 =	vadd.f32 v5, v2  }
0xe4: {  	v5 =	vld [tilespmem:s29+$0x8700]  }
0xe5: {  	v2 =	vadd.f32 v3, v2  }
0xe6: {  	v3 =	vld [tilespmem:s29+$0x8780]  }
0xe7: {  	s28 =	simm.s32 $0x10;
	v6 =	vld [tilespmem:s29+$0x8800];
	v2 =	vadd.f32 v4, v2  }
0xe8: {  	v7 =	vld [tilespmem:s28+$0x8400]  }
0xe9: {  	v4 =	vld [tilespmem:s29+$0x8880];
	v2 =	vadd.f32 v5, v2  }
0xea: {  	v5 =	vld [tilespmem:s28+$0x8480]  }
0xeb: {  	v8 =	vld [tilespmem:s28+$0x8500];
	v2 =	vadd.f32 v3, v2  }
0xec: {  	v3 =	vld [tilespmem:s29+$0x8900]  }
0xed: {  	v9 =	vld [tilespmem:s28+$0x8580];
	v2 =	vadd.f32 v6, v2  }
0xee: {  	v6 =	vld [tilespmem:s29+$0x8980]  }
0xef: {  	v5 =	vadd.f32 v5, v7;
	v7 =	vld [tilespmem:s28+$0x8600];
	v2 =	vadd.f32 v4, v2  }
0xf0: {  	v4 =	vld [tilespmem:s29+$0x8A00]  }
0xf1: {  	v5 =	vadd.f32 v8, v5;
	v8 =	vld [tilespmem:s28+$0x8680];
	v2 =	vadd.f32 v3, v2  }
0xf2: {  	v3 =	vld [tilespmem:s29+$0x8A80]  }
0xf3: {  	v10 =	vld [tilespmem:s28+$0x8700];
	v5 =	vadd.f32 v9, v5;
	v2 =	vadd.f32 v6, v2  }
0xf4: {  	v9 =	vld [tilespmem:s29+$0x8B00]  }
0xf5: {  	v6 =	vadd.f32 v7, v5;
	v5 =	vld [tilespmem:s28+$0x8780];
	v7 =	vadd.f32 v4, v2  }
0xf6: {  	v4 =	vld [tilespmem:s29+$0x8B80]  }
0xf7: {  	v2 =	vld [tilespmem:s28+$0x8880];
	v8 =	vadd.f32 v8, v6;
	v11 =	vadd.f32 v3, v7  }
0xf8: {  	s30 =	simm.s32 $0x20;
	v6 =	vld [tilespmem:s28+$0x8800]  }
0xf9: {  	s31 =	simm.s32 $0xC0;
	v3 =	vld [tilespmem:s30+$0x8400];
	v7 =	vadd.f32 v10, v8;
	v8 =	vadd.f32 v9, v11  }
.LBB2_10:
0xfa: {  	p0 =	sne.s32 s31, $0x1C0;
	v9 =	vld [tilespmem:s30+$0x8480]  }
0xfb: {  	v5 =	vadd.f32 v5, v7;
	v7 =	vld [tilespmem:s28+$0x8900];
	v4 =	vadd.f32 v4, v8  }
0xfc: {  	v8 =	vld [tilespmem:s30+$0x8500]  }
0xfd: {  	v5 =	vadd.f32 v6, v5;
	v6 =	vld [tilespmem:s28+$0x8980];
	[tilespmem:s29+$0x8C00] =	vst v4;
	s29 =	smov.u32 s28;
	s28 =	smov.u32 s30  }
0xfe: {  	v4 =	vld [tilespmem:s28+$0x8580]  }
0xff: {  	v3 =	vadd.f32 v9, v3;
	v2 =	vadd.f32 v2, v5;
	v5 =	vld [tilespmem:s29+$0x8A00]  }
0x100: {  	v9 =	vld [tilespmem:s28+$0x8600]  }
0x101: {  	v3 =	vadd.f32 v8, v3;
	v2 =	vadd.f32 v7, v2;
	v7 =	vld [tilespmem:s29+$0x8A80]  }
0x102: {  	v8 =	vld [tilespmem:s28+$0x8680]  }
0x103: {  	v3 =	vadd.f32 v4, v3;
	v2 =	vadd.f32 v6, v2;
	v10 =	vld [tilespmem:s29+$0x8B00]  }
0x104: {  	v11 =	vld [tilespmem:s28+$0x8700]  }
.Ltmp4:
0x105: {  	v3 =	vadd.f32 v9, v3;
	v6 =	vadd.f32 v5, v2;
	v4 =	vld [tilespmem:s29+$0x8B80];
	(pc) =	sbr.rel @p0 .LBB2_10-.Ltmp4, $4  }
0x106: {  	v5 =	vld [tilespmem:s28+$0x8780]  }
0x107: {  	v8 =	vadd.f32 v8, v3;
	v2 =	vld [tilespmem:s28+$0x8880];
	v9 =	vadd.f32 v7, v6  }
0x108: {  	s30 =	sshra.s32 s31, $0x2;
	v6 =	vld [tilespmem:s28+$0x8800]  }
0x109: {  	s31 =	sadd.s32 $0x40, s31;
	v3 =	vld [tilespmem:s30+$0x8400];
	v7 =	vadd.f32 v11, v8;
	v8 =	vadd.f32 v10, v9  }
0x10a: {  	v9 =	vld [tilespmem:s30+$0x8480]  }
0x10b: {  	v10 =	vld [tilespmem:s28+$0x8900];
	v4 =	vadd.f32 v4, v8  }
0x10c: {  	v49 =	vld [tilespmem:s30+$0x8500]  }
0x10d: {  	v11 =	vld [tilespmem:s28+$0x8980];
	v5 =	vadd.f32 v5, v7;
	[tilespmem:s29+$0x8C00] =	vst v4  }
0x10e: {  	v4 =	vld [tilespmem:s30+$0x8580]  }
0x10f: {  	v5 =	vadd.f32 v6, v5;
	v3 =	vadd.f32 v9, v3  }
0x110: {  	v50 =	vld [tilespmem:s30+$0x8600]  }
0x111: {  	v51 =	vld [tilespmem:s28+$0x8A00];
	v2 =	vadd.f32 v2, v5;
	v3 =	vadd.f32 v49, v3  }
0x112: {  	v52 =	vld [tilespmem:s30+$0x8680]  }
0x113: {  	v53 =	vld [tilespmem:s28+$0x8A80];
	v2 =	vadd.f32 v10, v2;
	v3 =	vadd.f32 v4, v3  }
0x114: {  	v54 =	vld [tilespmem:s30+$0x8700]  }
0x115: {  	v55 =	vld [tilespmem:s28+$0x8B00];
	v2 =	vadd.f32 v11, v2;
	v3 =	vadd.f32 v50, v3  }
0x116: {  	v56 =	vld [tilespmem:s30+$0x8780]  }
0x117: {  	v57 =	vld [tilespmem:s28+$0x8B80];
	v2 =	vadd.f32 v51, v2;
	v3 =	vadd.f32 v52, v3  }
0x118: {  	v58 =	vld [tilespmem:s30+$0x8800]  }
0x119: {  	v2 =	vadd.f32 v53, v2;
	v3 =	vadd.f32 v54, v3  }
0x11a: {  	v59 =	vld [tilespmem:s30+$0x8880]  }
0x11b: {  	v2 =	vadd.f32 v55, v2;
	v3 =	vadd.f32 v56, v3  }
0x11c: {  	v60 =	vld [tilespmem:s30+$0x8900]  }
0x11d: {  	v2 =	vadd.f32 v57, v2;
	v3 =	vadd.f32 v58, v3  }
0x11e: {  	v61 =	vld [tilespmem:s30+$0x8980]  }
0x11f: {  	[tilespmem:s28+$0x8C00] =	vst v2;
	v2 =	vadd.f32 v59, v3  }
0x120: {  	v3 =	vld [tilespmem:s30+$0x8A00]  }
0x121: {  	v2 =	vadd.f32 v60, v2  }
0x122: {  	v62 =	vld [tilespmem:s30+$0x8A80]  }
0x123: {  	v2 =	vadd.f32 v61, v2  }
0x124: {  	v63 =	vld [tilespmem:s30+$0x8B00]  }
0x125: {  	v2 =	vadd.f32 v3, v2  }
0x126: {  	v3 =	vld [tilespmem:s30+$0x8B80]  }
0x127: {  	v2 =	vadd.f32 v62, v2;
	_ =	sdelay $0x1  }
0x128: {  	v2 =	vadd.f32 v63, v2;
	_ =	sdelay $0x1  }
0x129: {  	s26 =	sadd.s32 $0x1, s26;
	v2 =	vadd.f32 v3, v2  }
0x12a: {  	p0 =	sne.s32 s26, s11  }
.Ltmp5:
0x12b: {  	[tilespmem:s30+$0x8C00] =	vst v2;
	(pc) =	sbr.rel @p0 .LBB2_1-.Ltmp5, $4  }
0x12c: {  	[hbm4b:s10+s2] =	stream.linear.scatter [tilespmem:s25], [sflag:$0x1], $0x80, $0x38;
	[tilespmem:$0xC480] =	vst v63  }
0x12d: {  	_ =	swait.ge [sflag:s12], $0x80  }
0x12e: {  	[sflag:s12] =	ssyncset.done $0x0  }
0x12f: {  	[sflag:s12] =	ssyncadd.s32 $0xFFFFFF80  }
0x130: {  	_ =	sfence.sel $0x180000  }
0x131: {  	[bflag:$0x0] =	sbarrier.arrive $0xFFFF  }
0x132: {  	_ =	strace $0x90000047  }
0x133: {  	[bflag:$0x2] =	sbarrier.arrive $0xFFFF  }
0x134: {  	p0 =	sne.s32 s1, $0x0;
	s0 =	rddreg [dreg:$0x6]  }
0x135: {  	s0 =	sadd.s32 @!p0 $0x100000, s0  }
0x136: {  	[sflag:s0] =	ssyncadd.tile.s32 @!p0 $0x1;
	_ =	shalt  }
.Lfunc_end2:
_tile_overlayer_lowered:
.L_overlay_start_2:
0x137: {  	(tag) =	ssettag $0x2  }
0x138: {  	s0 =	rddreg [dreg:$0x0];
	s2 =	stileid.u32  }
0x139: {  	s1 =	rddreg [dreg:$0x1];
	p0 =	sne.s32 s2, $0x0  }
0x13a: {  	s3 =	rddreg [dreg:$0x2];
	[bflag:$0x3] =	sbarrier.arrive $0xFFFF;
	s2 =	simm.s32 @!p0 $0x1C01  }
0x13b: {  	[timem:s3], [sflag:s2] =	dma.local @!p0 [hbm:s0], s1  }
0x13c: {  	s0 =	simm.s32 @!p0 $0x1  }
0x13d: {  	_ =	swait.ge @!p0 [sflag:s0], s1  }
0x13e: {  	s1 =	ssub.s32 @!p0 $0x0, s1;
	[sflag:s0] =	ssyncset.done @!p0 $0x0  }
0x13f: {  	[sflag:s0] =	ssyncadd.s32 @!p0 s1  }
0x140: {  	[bflag:$0x3] =	sbarrier.arrive $0xFFFF  }
0x141: {  	_ =	shalt  }

// kernel: kernel.23.cloned.1.call-start
scs
__scs_entry_jumppad:
0x0: {  	(pc) =	sbr.rel $0x88, $3  }
0x1: {  	(tag) =	ssettag $0x0;
	lr =	simm.s32 $0x1  }
0x2: {  	[smem:$0x3F6B] =	sst lr;
	_ =	strace $0xD0000000  }
0x3: {  	_ = 	snop  }
0x4: {  	_ = 	snop  }
0x5: {  	_ = 	snop  }
0x6: {  	_ = 	snop  }
0x7: {  	_ = 	snop  }
__scs_overlays_trampoline_lowered:
0x8: {  	[smem:$0x3F7A] =	sst s0  }
0x9: {  	[smem:$0x3F7B] =	sst s1  }
0xa: {  	[smem:$0x3F7C] =	sst s2  }
0xb: {  	[smem:$0x3F7D] =	sst s3  }
0xc: {  	[smem:$0x3F7E] =	sst s4  }
0xd: {  	[smem:$0x3F7F] =	sst s5  }
0xe: {  	[smem:$0x3F80] =	sst s6  }
0xf: {  	[smem:$0x3F81] =	sst s7  }
0x10: {  	[smem:$0x3F82] =	sst s8  }
0x11: {  	[smem:$0x3F83] =	sst s9;
	s0 =	simm.s32 @!p0 $0x0  }
0x12: {  	s1 =	sld [smem:$0x3F69];
	s0 =	simm.s32 @p0 $0x1  }
0x13: {  	[smem:$0x3F84] =	sst s0;
	s0 =	simm.s32 @!p1 $0x0  }
0x14: {  	s2 =	sld [smem:$0x3F68];
	s0 =	simm.s32 @p1 $0x1  }
0x15: {  	[smem:$0x3F85] =	sst s0;
	s0 =	simm.s32 @!p2 $0x0  }
0x16: {  	s3 =	sld [smem:$0x3FDB];
	s0 =	simm.s32 @p2 $0x1  }
0x17: {  	s4 =	simm.s32 $0x1BF5;
	[smem:$0x3F87] =	sst s0  }
0x18: {  	s0 =	sld [smem:$0x3F6A];
	_ =	swait.ge [sflag:s4], $0x0  }
0x19: {  	s7 =	sld [smem:$0x3F6B]  }
0x1a: {  	s8 =	sadd.s32 $0xFFFFE003, lr  }
0x1b: {  	s9 =	sadd.s32 $0xFFFFFEF7, lr;
	s5 =	simm.s32 $0xFFFFFFFF;
	p2 =	slt.u32 s8, $0xFFFFF086  }
0x1c: {  	p1 =	slt.u32 s9, $0xF7A;
	s5 =	simm.s32 @!p2 $0x0  }
0x1d: {  	s5 =	simm.s32 @p1 $0x1;
	p0 =	seq.s32 s7, s2  }
0x1e: {  	s7 =	smul.u32 @!p0 $0xF7A, s2;
	p2 =	seq.s32 @!p0 s5, $0x0  }
0x1f: {  	s9 =	smul.u32 $0xF7A, s1;
	s8 =	simm.s32 @!p0 $0x1BF5;
	p2 =	por !p2, p0  }
0x20: {  	[sflag:s8] =	ssyncset.s32 @!p0 $0xFFFFF086;
	s6 =	sadd.s32 @!p0 s3, s7;
	s7 =	simm.s32 @!p0 $0x108  }
0x21: {  	s3 =	sadd.s32 s3, s9;
	s6 =	sadd.s32 @!p0 $0x88, s6;
	s7 =	simm.s32 @p2 $0x1082  }
0x22: {  	[simem:s7], [sflag:s8] =	dma.local @!p0 [hbm:s6], $0xF7A  }
0x23: {  	s9 =	sor.u32 $0xD0000000, s2;
	s6 =	simm.s32 $0x108;
	_ =	swait.ge @!p0 [sflag:s8], $0x0  }
0x24: {  	s3 =	sadd.s32 $0x88, s3;
	s6 =	simm.s32 @!p1 $0x1082;
	[sflag:s4] =	ssyncset.s32 $0xFFFFF086  }
0x25: {  	[simem:s6], [sflag:s4] =	dma.local [hbm:s3], $0xF7A  }
0x26: {  	[smem:$0x3F6B] =	sst s1;
	(tag) =	ssettag s2;
	_ =	strace s9  }
0x27: {  	s1 =	sld [smem:$0x3F7B]  }
0x28: {  	s2 =	sld [smem:$0x3F7C]  }
0x29: {  	s4 =	sld [smem:$0x3F7E]  }
0x2a: {  	p0 =	seq.s32 s5, $0x0;
	s5 =	sld [smem:$0x3F7F]  }
0x2b: {  	s6 =	sld [smem:$0x3F80]  }
0x2c: {  	s7 =	sld [smem:$0x3F81]  }
0x2d: {  	s3 =	simm.s32 $0x108;
	s8 =	sld [smem:$0x3F82]  }
0x2e: {  	s3 =	simm.s32 @!p0 $0x1082;
	s9 =	sld [smem:$0x3F83]  }
0x2f: {  	lr =	sadd.s32 s0, s3;
	s0 =	sld [smem:$0x3F7A]  }
0x30: {  	s3 =	sld [smem:$0x3F7D]  }
0x31: {  	[smem:$0x3F86] =	sst s10  }
0x32: {  	s10 =	sld [smem:$0x3F84];
	_ =	sdelay $0x3  }
0x33: {  	p0 =	seq.s32 s10, $0x1;
	s10 =	sld [smem:$0x3F86];
	_ =	sdelay $0x3  }
0x34: {  	[smem:$0x3F86] =	sst s10  }
0x35: {  	s10 =	sld [smem:$0x3F85];
	_ =	sdelay $0x3  }
0x36: {  	p1 =	seq.s32 s10, $0x1;
	s10 =	sld [smem:$0x3F86];
	_ =	sdelay $0x3  }
0x37: {  	[smem:$0x3F86] =	sst s10  }
0x38: {  	s10 =	sld [smem:$0x3F87]  }
0x39: {  	_ = 	snop;
	(pc) =	sbr.ind lr, $3  }
0x3a: {  	_ = 	snop  }
0x3b: {  	_ = 	snop  }
0x3c: {  	p2 =	seq.s32 s10, $0x1;
	s10 =	sld [smem:$0x3F86]  }
0x3d: {  	_ =	shalt  }
0x3e: {  	_ =	shalt  }
0x3f: {  	_ =	shalt  }
0x40: {  	_ =	shalt  }
0x41: {  	_ =	shalt  }
0x42: {  	_ =	shalt  }
0x43: {  	_ =	shalt  }
0x44: {  	_ =	shalt  }
0x45: {  	_ =	shalt  }
0x46: {  	_ =	shalt  }
0x47: {  	_ =	shalt  }
0x48: {  	_ =	shalt  }
0x49: {  	_ =	shalt  }
0x4a: {  	_ =	shalt  }
0x4b: {  	_ =	shalt  }
0x4c: {  	_ =	shalt  }
0x4d: {  	_ =	shalt  }
0x4e: {  	_ =	shalt  }
0x4f: {  	_ =	shalt  }
0x50: {  	_ =	shalt  }
0x51: {  	_ =	shalt  }
0x52: {  	_ =	shalt  }
0x53: {  	_ =	shalt  }
0x54: {  	_ =	shalt  }
0x55: {  	_ =	shalt  }
0x56: {  	_ =	shalt  }
0x57: {  	_ =	shalt  }
0x58: {  	_ =	shalt  }
0x59: {  	_ =	shalt  }
0x5a: {  	_ =	shalt  }
0x5b: {  	_ =	shalt  }
0x5c: {  	_ =	shalt  }
0x5d: {  	_ =	shalt  }
0x5e: {  	_ =	shalt  }
0x5f: {  	_ =	shalt  }
0x60: {  	_ =	shalt  }
0x61: {  	_ =	shalt  }
0x62: {  	_ =	shalt  }
0x63: {  	_ =	shalt  }
0x64: {  	_ =	shalt  }
0x65: {  	_ =	shalt  }
0x66: {  	_ =	shalt  }
0x67: {  	_ =	shalt  }
0x68: {  	_ =	shalt  }
0x69: {  	_ =	shalt  }
0x6a: {  	_ =	shalt  }
0x6b: {  	_ =	shalt  }
0x6c: {  	_ =	shalt  }
0x6d: {  	_ =	shalt  }
0x6e: {  	_ =	shalt  }
0x6f: {  	_ =	shalt  }
0x70: {  	_ =	shalt  }
0x71: {  	_ =	shalt  }
0x72: {  	_ =	shalt  }
0x73: {  	_ =	shalt  }
0x74: {  	_ =	shalt  }
0x75: {  	_ =	shalt  }
0x76: {  	_ =	shalt  }
0x77: {  	_ =	shalt  }
0x78: {  	_ =	shalt  }
0x79: {  	_ =	shalt  }
0x7a: {  	_ =	shalt  }
0x7b: {  	_ =	shalt  }
0x7c: {  	_ =	shalt  }
0x7d: {  	_ =	shalt  }
0x7e: {  	_ =	shalt  }
0x7f: {  	_ =	shalt  }
0x80: {  	_ =	shalt  }
0x81: {  	_ =	shalt  }
0x82: {  	_ =	shalt  }
0x83: {  	_ =	shalt  }
0x84: {  	_ =	shalt  }
0x85: {  	_ =	shalt  }
0x86: {  	_ =	shalt  }
0x87: {  	_ =	shalt  }
.Lfunc_end0:
.L_simem_size_0:
called_computation.1_lowered:
.L_overlay_start_0:
0x88: {  	s2 =	sld [smem:$0x3FD9]  }
0x89: {  	s3 =	sld [smem:$0x3FFE];
	_ =	sdelay $0x1  }
0x8a: {  	s1 =	srdreg.scid  }
0x8b: {  	s0 =	sand.u32 $0x1, s1  }
0x8c: {  	s16 =	sshll.u32 s0, $0xA;
	s2 =	sadd.s32 s3, s2  }
0x8d: {  	s2 =	sadd.s32 s2, s16  }
0x8e: {  	[smem:$0x3F92] =	sst s2  }
0x8f: {  	_ = 	snop  }
0x90: {  	(tm) =	ssettm $0x1  }
0x91: {  	s17 =	sld [smem:$0x3FFB];
	_ =	sdelay $0x3  }
0x92: {  	_ =	strace s17  }
0x93: {  	s2 =	sld [smem:$0x3FFC];
	_ =	sdelay $0x3  }
0x94: {  	_ =	strace s2  }
0x95: {  	s2 =	sld [smem:$0x3FFD];
	_ =	sdelay $0x3  }
0x96: {  	_ =	strace s2  }
0x97: {  	_ =	strace $0x8FFFFFFF  }
0x98: {  	s18 =	sld [smem:$0x3FDB];
	_ =	sdelay $0x1  }
0x99: {  	s19 =	simm.s32 $_scs_section_size  }
0x9a: {  	s4 =	simm.s32 $_size__tile_overlayer_lowered;
	s5 =	simm.s32 $_tile_overlayer_lowered  }
0x9b: {  	s22 =	simm.s32 $0x1BFF;
	s21 =	sshll.u32 s5, $0x1;
	s2 =	sadd.s32 s19, s18  }
0x9c: {  	s6 =	simm.s32 $0x0;
	s20 =	sshll.u32 s4, $0x1;
	s4 =	sadd.s32 s21, s2  }
0x9d: {  	[timem:s6], [sflag:s22] =	dma.local [hbm:s4], s20  }
0x9e: {  	_ =	swait.ge [sflag:s22], s20  }
0x9f: {  	s3 =	ssub.s32 $0x0, s20;
	[sflag:s22] =	ssyncset.done $0x0  }
0xa0: {  	[sflag:s22] =	ssyncadd.s32 s3;
	_ =	sdelay $0x1  }
0xa1: {  	s23 =	simm.s32 $0x1B8B  }
0xa2: {  	_ =	swait.ge [sflag:s23], $0x1  }
0xa3: {  	[sflag:s23] =	ssyncset.done $0x0  }
0xa4: {  	s25 =	simm.s32 $0x1B8E;
	s24 =	sld [smem:$0x3FFE];
	[sflag:s23] =	ssyncadd.s32 $0xFFFFFFFF  }
0xa5: {  	s26 =	simm.s32 $execute0_lowered;
	[smem:$0x3FD2] =	sst s25  }
0xa6: {  	s4 =	sshll.u32 s26, $0x1;
	_ =	strace $0x80000049;
	[dreg:$0x1] =	wrdreg $0xFFFFFFFF  }
0xa7: {  	s28 =	simm.s32 $_size_execute0_lowered;
	s2 =	sadd.s32 s2, s4;
	[dreg:$0x0] =	wrdreg $0x0  }
0xa8: {  	s4 =	sshll.u32 s28, $0x1;
	[dreg:$0x2] =	wrdreg s2  }
0xa9: {  	[dreg:$0x3] =	wrdreg s4  }
0xaa: {  	[dreg:$0x4] =	wrdreg $0xC0  }
0xab: {  	_ =	task [dreg:s6], $0x5FFFF  }
0xac: {  	[dreg:$0x1] =	wrdreg $0xFFFFFFFF  }
0xad: {  	[dreg:$0x0] =	wrdreg $0x60  }
0xae: {  	[dreg:$0x2] =	wrdreg s24  }
0xaf: {  	[dreg:$0x3] =	wrdreg $0x80000  }
0xb0: {  	[dreg:$0x4] =	wrdreg $0x9  }
0xb1: {  	_ =	task.clear_ibuf [dreg:s6], $0x5FFFF;
	_ =	strace $0x90000049  }
0xb2: {  	s29 =	simm.s32 $0x9;
	_ =	strace $0x8000004B  }
0xb3: {  	_ =	swait.ge [sflag:s29], $0x1  }
0xb4: {  	[sflag:s29] =	ssyncadd.s32 $0xFFFFFFFF  }
0xb5: {  	_ =	strace $0x9000004B  }
0xb6: {  	_ =	sfence  }
0xb7: {  	s30 =	sld [smem:$0x0];
	_ =	sdelay $0x2  }
0xb8: {  	s31 =	sshll.u32 s1, $0xD;
	s1 =	sshrl.u32 s1, $0x2  }
0xb9: {  	s3 =	sand.u32 $0x4000, s31;
	s1 =	sadd.s32 s1, s30  }
0xba: {  	s0 =	sor.u32 s3, s0;
	s1 =	sshll.u32 s1, $0x11  }
0xbb: {  	s0 =	sor.u32 s1, s0  }
0xbc: {  	s0 =	sadd.s32 $0x8F2B, s0  }
0xbd: {  	[sflag:s0] =	ssyncadd.remote.s32 $0x1  }
0xbe: {  	_ =	sfence.sel $0xFFFF  }
0xbf: {  	[dreg:$0x0] =	wrdreg $0xFFFFFFFF;
	(pc) =	sbr.abs _section_cstart, $3  }
0xc0: {  	[dreg:$0x1] =	wrdreg $0xFFFFFFFF  }
0xc1: {  	_ =	task.clear_ibuf [dreg:s6], $0x2FFFF;
	_ =	strace $0x9FFFFFFF  }
0xc2: {  	(tm) =	ssettm $0x7FFFFFFF  }
0xc3: {  	_ =	shalt  }
tec
execute0_lowered:
.L_overlay_start_1:
0x0: {  	(tag) =	ssettag $0x1  }
0x1: {  	s0 =	rddreg [dreg:$0x0]  }
0x2: {  	s1 =	rddreg [dreg:$0x1];
	s2 =	srdreg.scid  }
0x3: {  	s3 =	simm.s32 $0x0;
	s11 =	stileid.u32;
	s14 =	simm.s32 $0x7  }
0x4: {  	s15 =	simm.s32 $0x3C;
	s16 =	simm.s32 $0x2000;
	s17 =	simm.s32 $0x80  }
0x5: {  	s18 =	simm.s32 $0x4000;
	s19 =	simm.s32 $0x5;
	s20 =	simm.s32 $0x6  }
0x6: {  	s21 =	simm.s32 $0x4;
	s2 =	sand.u32 $0x1, s2;
	s7 =	smul.u32 $0x300, s11  }
0x7: {  	[smem:$0x7FF] =	sst s3;
	s4 =	sadd.s32 $0x3A000, s0;
	s9 =	smul.u32 $0x60000, s11  }
0x8: {  	s5 =	sadd.s32 $0x1A000, s0;
	s30 =	sshll.u32 s11, $0x6;
	s6 =	smul.u32 $0x3000, s2  }
0x9: {  	_ =	strace $0x8000004A;
	s8 =	ssub.s32 $0x2, s2;
	s2 =	sshll.u32 s2, $0x13  }
0xa: {  	s10 =	sshrl.u32 s8, $0x1;
	s29 =	sshrl.u32 s9, $0x2;
	s9 =	sshll.u32 s11, $0xF  }
0xb: {  	s7 =	sadd.s32 s7, s6;
	s6 =	sadd.s32 $0xA000, s0;
	s12 =	ssub.s32 s8, s10  }
0xc: {  	s13 =	sadd.s32 s29, s1;
	s7 =	sshll.u32 s7, $0x4;
	s31 =	smax.u32 s12, $0x1  }
0xd: {  	s0 =	sadd.s32 s7, s0;
	s7 =	sadd.s32 s4, s7;
	[dreg:$0x5] =	wrdreg s31  }
0xe: {  	s8 =	sor.u32 $0x1C07, s30;
	[dreg:$0x3] =	wrdreg s7;
	s0 =	sadd.s32 $0x26EC00, s0  }
0xf: {  	s10 =	sor.u32 s9, s2;
	s13 =	sshrl.u32 s13, $0x3;
	[dreg:$0x4] =	wrdreg s0  }
.LBB2_1:
0x10: {  	s0 =	rddreg [dreg:$0x3]  }
0x11: {  	[spmem:s13], [sflag:s8] =	dma.local [hbm:s0], $0x3000  }
0x12: {  	_ =	swait.ge [sflag:s14], $0x3000  }
0x13: {  	[sflag:s14] =	ssyncset.done $0x0  }
0x14: {  	[sflag:s14] =	ssyncadd.s32 $0xFFFFD000  }
0x15: {  	s22 =	simm.s32 $0x0;
	[bflag:$0x0] =	sbarrier.arrive $0xFFFF  }
.LBB2_2:
0x16: {  	s0 =	sshll.u32 s22, $0xC  }
0x17: {  	s2 =	sadd.s32 s10, s0  }
0x18: {  	s2 =	sshrl.u32 s2, $0x3  }
0x19: {  	s23 =	simm.s32 $0x0;
	s2 =	sadd.s32 s5, s2  }
0x1a: {  	[tilespmem:s23], [sflag:$0x7] =	stream.linear.gather [hbm4b:s2+s23], $0xC80, $0x38;
	v63 =	vld [tilespmem:$0x0]  }
0x1b: {  	s0 =	sor.u32 s9, s0;
	_ =	swait.ge [sflag:s14], $0xC80  }
0x1c: {  	s12 =	simm.s32 $0x1000;
	s0 =	sshrl.u32 s0, $0x3;
	[sflag:s14] =	ssyncset.done $0x0  }
0x1d: {  	s26 =	smul.u32 $0xAB, s23;
	s0 =	sadd.s32 s6, s0;
	[sflag:s14] =	ssyncadd.s32 $0xFFFFF380  }
0x1e: {  	[tilespmem:s12], [sflag:$0x7] =	stream.linear.gather [hbm4b:s0+s23], $0xC80, $0x38;
	v63 =	vld [tilespmem:$0x0]  }
0x1f: {  	s0 =	sshrl.u32 s26, $0x9;
	_ =	swait.ge [sflag:s14], $0xC80  }
0x20: {  	p1 =	por $0x0, $0x0;
	s0 =	sand.u32 $0x7F, s0;
	[sflag:s14] =	ssyncset.done $0x0  }
0x21: {  	s25 =	simm.s32 $0x1;
	s0 =	smul.u32 $0x3, s0;
	[sflag:s14] =	ssyncadd.s32 $0xFFFFF380  }
0x22: {  	[tilespmem:s16], [sflag:$0x1] =	stream.indirect.gather [hbm4b:s4+s15], $0x80, s23, s15, $0xb8;
	v63 =	vld [tilespmem:$0x0]  }
0x23: {  	s28 =	simm.s32 $0x2;
	s23 =	simm.s32 $0x2;
	s0 =	ssub.s32 $0x0, s0  }
0x24: {  	s24 =	simm.s32 $0x1080;
	s23 =	smul.u32 @!p1 $0xAB, s23;
	s0 =	sand.u32 $0xFF, s0  }
0x25: {  	[tilespmem:s18], [sflag:$0x2] =	stream.indirect.gather [hbm4b:s4+s15], $0x80, s17, s15, $0xb8;
	v63 =	vld [tilespmem:$0x0]  }
0x26: {  	p0 =	por p1, p1;
	p1 =	por @!p1 $0x1, $0x1;
	s29 =	sadd.s32 $0x1, s0  }
0x27: {  	s31 =	sshll.u32 s0, $0xD;
	s23 =	sshrl.u32 @!p0 s23, $0x9;
	_ =	swait.ge [sflag:s29], $0x1E00  }
0x28: {  	s0 =	sor.u32 $0x4, s0;
	s23 =	sand.u32 @!p0 $0x7F, s23;
	[sflag:s29] =	ssyncset.done $0x0  }
0x29: {  	s30 =	smul.u32 @!p0 $0x3, s23;
	[sflag:s29] =	ssyncadd.s32 $0xFFFFE200;
	s29 =	sadd.s32 $0x2000, s31  }
0x2a: {  	[spmem:s1] =	stream.indirect.scatter.add.f32 [tilespmem:s29], [sflag:s0], $0x80, s12, s15, $0xb8;
	v63 =	vld [tilespmem:$0x0]  }
0x2b: {  	s26 =	simm.s32 $0x100;
	p1 =	por p1, p0;
	s30 =	ssub.s32 @!p0 $0x2, s30  }
0x2c: {  	s23 =	simm.s32 $0x180;
	s31 =	smul.u32 $0xAB, s25;
	s30 =	sand.u32 @!p0 $0xFF, s30  }
0x2d: {  	s29 =	simm.s32 @!p0 $0x3C;
	s0 =	sadd.s32 @!p1 $0x4, s30;
	s2 =	sshll.u32 @!p0 s30, $0xD  }
.LBB2_3:
0x2e: {  	s7 =	sadd.s32 $0x2, s25;
	p3 =	sgt.u32 s25, $0x16  }
0x2f: {  	_ =	swait.ge @!p1 [sflag:s0], $0x1E00;
	s11 =	smov.u32 s28;
	s12 =	smov.u32 s24  }
0x30: {  	s31 =	sshrl.u32 s31, $0x9;
	s2 =	sadd.s32 @!p0 $0x2000, s2;
	[sflag:s0] =	ssyncset.done @!p1 $0x0  }
0x31: {  	s31 =	sand.u32 $0x7F, s31;
	[sflag:s0] =	ssyncadd.s32 @!p1 $0xFFFFE200;
	s0 =	sadd.s32 @!p0 $0x1, s30  }
0x32: {  	[tilespmem:s2], [sflag:s0] =	stream.indirect.gather @!p0 [hbm4b:s4+s29], $0x80, s26, s29, $0xb8;
	v63 =	vld [tilespmem:$0x0]  }
0x33: {  	s28 =	sadd.s32 $0x1, s28;
	p1 =	seq.s32 @!p3 s25, $0x0;
	s0 =	smul.u32 $0x3, s31  }
0x34: {  	p2 =	sne.s32 s28, $0x19;
	s2 =	smul.u32 @!p3 $0xAB, s7;
	s26 =	smov.u32 s23  }
0x35: {  	p0 =	por p3, p3;
	s0 =	ssub.s32 s25, s0;
	s25 =	smov.u32 s11  }
0x36: {  	s24 =	sadd.s32 $0x80, s24;
	s2 =	sshrl.u32 @!p0 s2, $0x9;
	s0 =	sand.u32 $0xFF, s0  }
0x37: {  	s23 =	sadd.s32 $0x80, s23;
	s2 =	sand.u32 @!p0 $0x7F, s2;
	s11 =	sshll.u32 s0, $0xD  }
0x38: {  	p1 =	por p1, p0;
	s30 =	sadd.s32 $0x1, s0;
	s2 =	smul.u32 @!p0 $0x3, s2  }
.Ltmp0:
0x39: {  	s29 =	simm.s32 @!p0 $0x3C;
	_ =	swait.ge [sflag:s30], $0x1E00;
	(pc) =	sbr.rel @p2 .LBB2_3-.Ltmp0, $4  }
0x3a: {  	s31 =	smul.u32 $0xAB, s25;
	s2 =	ssub.s32 @!p0 s7, s2;
	[sflag:s30] =	ssyncset.done $0x0  }
0x3b: {  	s7 =	sor.u32 $0x4, s0;
	[sflag:s30] =	ssyncadd.s32 $0xFFFFE200;
	s30 =	sand.u32 @!p0 $0xFF, s2  }
0x3c: {  	s11 =	sadd.s32 $0x2000, s11;
	s0 =	sadd.s32 @!p1 $0x4, s30;
	s2 =	sshll.u32 @!p0 s30, $0xD  }
0x3d: {  	[spmem:s1] =	stream.indirect.scatter.add.f32 [tilespmem:s11], [sflag:s7], $0x80, s12, s15, $0xb8;
	v63 =	vld [tilespmem:$0x0]  }
0x3e: {  	_ =	swait.ge @!p1 [sflag:s0], $0x1E00  }
0x3f: {  	s7 =	sshrl.u32 s31, $0x9;
	s2 =	sadd.s32 @!p0 $0x2000, s2;
	[sflag:s0] =	ssyncset.done @!p1 $0x0  }
0x40: {  	s7 =	sand.u32 $0x7F, s7;
	[sflag:s0] =	ssyncadd.s32 @!p1 $0xFFFFE200;
	s0 =	sadd.s32 @!p0 $0x1, s30  }
0x41: {  	[tilespmem:s2], [sflag:s0] =	stream.indirect.gather @!p0 [hbm4b:s4+s29], $0x80, s26, s29, $0xb8;
	v63 =	vld [tilespmem:$0x0]  }
0x42: {  	p1 =	sgt.u32 s25, $0x16;
	s30 =	smul.u32 $0x3, s7;
	s0 =	sadd.s32 $0x2, s25  }
0x43: {  	s7 =	smul.u32 @!p1 $0xAB, s0  }
0x44: {  	p0 =	por p1, p1;
	s2 =	ssub.s32 s25, s30  }
0x45: {  	s2 =	sand.u32 $0xFF, s2;
	s7 =	sshrl.u32 @!p0 s7, $0x9  }
0x46: {  	s11 =	sadd.s32 $0x1, s2;
	s7 =	sand.u32 @!p0 $0x7F, s7  }
0x47: {  	p1 =	seq.s32 @!p1 s25, $0x0;
	_ =	swait.ge [sflag:s11], $0x1E00;
	s7 =	smul.u32 @!p0 $0x3, s7  }
0x48: {  	s12 =	sshll.u32 s2, $0xD;
	s2 =	sor.u32 $0x4, s2;
	[sflag:s11] =	ssyncset.done $0x0  }
0x49: {  	s31 =	sadd.s32 $0x2000, s12;
	[sflag:s11] =	ssyncadd.s32 $0xFFFFE200;
	s0 =	ssub.s32 @!p0 s0, s7  }
0x4a: {  	[spmem:s1] =	stream.indirect.scatter.add.f32 [tilespmem:s31], [sflag:s2], $0x80, s24, s15, $0xb8;
	v63 =	vld [tilespmem:$0x0]  }
0x4b: {  	p1 =	por p1, p0;
	s0 =	sand.u32 @!p0 $0xFF, s0  }
0x4c: {  	s11 =	sadd.s32 @!p1 $0x4, s0  }
0x4d: {  	_ =	swait.ge @!p1 [sflag:s11], $0x1E00  }
0x4e: {  	s2 =	simm.s32 @!p0 $0x3C;
	s7 =	sshll.u32 @!p0 s0, $0xD;
	[sflag:s11] =	ssyncset.done @!p1 $0x0  }
0x4f: {  	s0 =	sadd.s32 @!p0 $0x1, s0;
	s7 =	sadd.s32 @!p0 $0x2000, s7;
	[sflag:s11] =	ssyncadd.s32 @!p1 $0xFFFFE200  }
0x50: {  	[tilespmem:s7], [sflag:s0] =	stream.indirect.gather @!p0 [hbm4b:s4+s2], $0x80, s23, s2, $0xb8;
	v63 =	vld [tilespmem:$0x0]  }
0x51: {  	_ =	swait.ge [sflag:s19], $0x1E00  }
0x52: {  	[sflag:s19] =	ssyncset.done $0x0  }
0x53: {  	s22 =	sadd.s32 $0x1, s22;
	[sflag:s19] =	ssyncadd.s32 $0xFFFFE200  }
0x54: {  	p0 =	sne.s32 s22, $0x8;
	_ =	swait.ge [sflag:s20], $0x1E00  }
.Ltmp1:
0x55: {  	[sflag:s20] =	ssyncset.done $0x0;
	(pc) =	sbr.rel @p0 .LBB2_2-.Ltmp1, $4  }
0x56: {  	[sflag:s20] =	ssyncadd.s32 $0xFFFFE200  }
0x57: {  	_ =	swait.ge [sflag:s21], $0x1E00  }
0x58: {  	[sflag:s21] =	ssyncset.done $0x0  }
0x59: {  	[sflag:s21] =	ssyncadd.s32 $0xFFFFE200  }
0x5a: {  	[bflag:$0x0] =	sbarrier.arrive $0xFFFF  }
0x5b: {  	s0 =	rddreg [dreg:$0x4]  }
0x5c: {  	[hbm:s0], [sflag:s8] =	dma.local [spmem:s13], $0x3000  }
0x5d: {  	_ =	swait.ge [sflag:s14], $0x3000  }
0x5e: {  	s3 =	sadd.s32 $0x1, s3;
	s31 =	rddreg [dreg:$0x5]  }
0x5f: {  	p0 =	sne.s32 s3, s31  }
.Ltmp2:
0x60: {  	_ = 	snop;
	(pc) =	sbr.rel @p0 .LBB2_1-.Ltmp2, $3  }
0x61: {  	_ =	sdelay $0x1  }
0x62: {  	[sflag:s14] =	ssyncset.done $0x0  }
0x63: {  	[sflag:s14] =	ssyncadd.s32 $0xFFFFD000  }
0x64: {  	_ =	sfence.sel $0x180000  }
0x65: {  	[bflag:$0x0] =	sbarrier.arrive $0xFFFF  }
0x66: {  	_ =	strace $0x9000004A  }
0x67: {  	s0 =	stileid.u32;
	[bflag:$0x2] =	sbarrier.arrive $0xFFFF  }
0x68: {  	p0 =	sne.s32 s0, $0x0;
	s0 =	rddreg [dreg:$0x2]  }
0x69: {  	s0 =	sadd.s32 @!p0 $0x100000, s0  }
0x6a: {  	[sflag:s0] =	ssyncadd.tile.s32 @!p0 $0x1;
	_ =	shalt  }
.Lfunc_end2:
_tile_overlayer_lowered:
.L_overlay_start_2:
0x6b: {  	(tag) =	ssettag $0x2  }
0x6c: {  	s0 =	rddreg [dreg:$0x0];
	s2 =	stileid.u32  }
0x6d: {  	s1 =	rddreg [dreg:$0x1];
	p0 =	sne.s32 s2, $0x0  }
0x6e: {  	s3 =	rddreg [dreg:$0x2];
	[bflag:$0x3] =	sbarrier.arrive $0xFFFF;
	s2 =	simm.s32 @!p0 $0x1C07  }
0x6f: {  	[timem:s3], [sflag:s2] =	dma.local @!p0 [hbm:s0], s1  }
0x70: {  	s0 =	simm.s32 @!p0 $0x7  }
0x71: {  	_ =	swait.ge @!p0 [sflag:s0], s1  }
0x72: {  	s1 =	ssub.s32 @!p0 $0x0, s1;
	[sflag:s0] =	ssyncset.done @!p0 $0x0  }
0x73: {  	[sflag:s0] =	ssyncadd.s32 @!p0 s1  }
0x74: {  	[bflag:$0x3] =	sbarrier.arrive $0xFFFF  }
0x75: {  	_ =	shalt  }

// kernel: kernel.26.cloned.1.call-start
scs
__scs_entry_jumppad:
0x0: {  	(pc) =	sbr.rel $0x88, $3  }
0x1: {  	(tag) =	ssettag $0x0;
	lr =	simm.s32 $0x1  }
0x2: {  	[smem:$0x3F6B] =	sst lr;
	_ =	strace $0xD0000000  }
0x3: {  	_ = 	snop  }
0x4: {  	_ = 	snop  }
0x5: {  	_ = 	snop  }
0x6: {  	_ = 	snop  }
0x7: {  	_ = 	snop  }
__scs_overlays_trampoline_lowered:
0x8: {  	[smem:$0x3F7A] =	sst s0  }
0x9: {  	[smem:$0x3F7B] =	sst s1  }
0xa: {  	[smem:$0x3F7C] =	sst s2  }
0xb: {  	[smem:$0x3F7D] =	sst s3  }
0xc: {  	[smem:$0x3F7E] =	sst s4  }
0xd: {  	[smem:$0x3F7F] =	sst s5  }
0xe: {  	[smem:$0x3F80] =	sst s6  }
0xf: {  	[smem:$0x3F81] =	sst s7  }
0x10: {  	[smem:$0x3F82] =	sst s8  }
0x11: {  	[smem:$0x3F83] =	sst s9;
	s0 =	simm.s32 @!p0 $0x0  }
0x12: {  	s1 =	sld [smem:$0x3F69];
	s0 =	simm.s32 @p0 $0x1  }
0x13: {  	[smem:$0x3F84] =	sst s0;
	s0 =	simm.s32 @!p1 $0x0  }
0x14: {  	s2 =	sld [smem:$0x3F68];
	s0 =	simm.s32 @p1 $0x1  }
0x15: {  	[smem:$0x3F85] =	sst s0;
	s0 =	simm.s32 @!p2 $0x0  }
0x16: {  	s3 =	sld [smem:$0x3FDB];
	s0 =	simm.s32 @p2 $0x1  }
0x17: {  	s4 =	simm.s32 $0x1BF5;
	[smem:$0x3F87] =	sst s0  }
0x18: {  	s0 =	sld [smem:$0x3F6A];
	_ =	swait.ge [sflag:s4], $0x0  }
0x19: {  	s7 =	sld [smem:$0x3F6B]  }
0x1a: {  	s8 =	sadd.s32 $0xFFFFE003, lr  }
0x1b: {  	s9 =	sadd.s32 $0xFFFFFEF7, lr;
	s5 =	simm.s32 $0xFFFFFFFF;
	p2 =	slt.u32 s8, $0xFFFFF086  }
0x1c: {  	p1 =	slt.u32 s9, $0xF7A;
	s5 =	simm.s32 @!p2 $0x0  }
0x1d: {  	s5 =	simm.s32 @p1 $0x1;
	p0 =	seq.s32 s7, s2  }
0x1e: {  	s7 =	smul.u32 @!p0 $0xF7A, s2;
	p2 =	seq.s32 @!p0 s5, $0x0  }
0x1f: {  	s9 =	smul.u32 $0xF7A, s1;
	s8 =	simm.s32 @!p0 $0x1BF5;
	p2 =	por !p2, p0  }
0x20: {  	[sflag:s8] =	ssyncset.s32 @!p0 $0xFFFFF086;
	s6 =	sadd.s32 @!p0 s3, s7;
	s7 =	simm.s32 @!p0 $0x108  }
0x21: {  	s3 =	sadd.s32 s3, s9;
	s6 =	sadd.s32 @!p0 $0x88, s6;
	s7 =	simm.s32 @p2 $0x1082  }
0x22: {  	[simem:s7], [sflag:s8] =	dma.local @!p0 [hbm:s6], $0xF7A  }
0x23: {  	s9 =	sor.u32 $0xD0000000, s2;
	s6 =	simm.s32 $0x108;
	_ =	swait.ge @!p0 [sflag:s8], $0x0  }
0x24: {  	s3 =	sadd.s32 $0x88, s3;
	s6 =	simm.s32 @!p1 $0x1082;
	[sflag:s4] =	ssyncset.s32 $0xFFFFF086  }
0x25: {  	[simem:s6], [sflag:s4] =	dma.local [hbm:s3], $0xF7A  }
0x26: {  	[smem:$0x3F6B] =	sst s1;
	(tag) =	ssettag s2;
	_ =	strace s9  }
0x27: {  	s1 =	sld [smem:$0x3F7B]  }
0x28: {  	s2 =	sld [smem:$0x3F7C]  }
0x29: {  	s4 =	sld [smem:$0x3F7E]  }
0x2a: {  	p0 =	seq.s32 s5, $0x0;
	s5 =	sld [smem:$0x3F7F]  }
0x2b: {  	s6 =	sld [smem:$0x3F80]  }
0x2c: {  	s7 =	sld [smem:$0x3F81]  }
0x2d: {  	s3 =	simm.s32 $0x108;
	s8 =	sld [smem:$0x3F82]  }
0x2e: {  	s3 =	simm.s32 @!p0 $0x1082;
	s9 =	sld [smem:$0x3F83]  }
0x2f: {  	lr =	sadd.s32 s0, s3;
	s0 =	sld [smem:$0x3F7A]  }
0x30: {  	s3 =	sld [smem:$0x3F7D]  }
0x31: {  	[smem:$0x3F86] =	sst s10  }
0x32: {  	s10 =	sld [smem:$0x3F84];
	_ =	sdelay $0x3  }
0x33: {  	p0 =	seq.s32 s10, $0x1;
	s10 =	sld [smem:$0x3F86];
	_ =	sdelay $0x3  }
0x34: {  	[smem:$0x3F86] =	sst s10  }
0x35: {  	s10 =	sld [smem:$0x3F85];
	_ =	sdelay $0x3  }
0x36: {  	p1 =	seq.s32 s10, $0x1;
	s10 =	sld [smem:$0x3F86];
	_ =	sdelay $0x3  }
0x37: {  	[smem:$0x3F86] =	sst s10  }
0x38: {  	s10 =	sld [smem:$0x3F87]  }
0x39: {  	_ = 	snop;
	(pc) =	sbr.ind lr, $3  }
0x3a: {  	_ = 	snop  }
0x3b: {  	_ = 	snop  }
0x3c: {  	p2 =	seq.s32 s10, $0x1;
	s10 =	sld [smem:$0x3F86]  }
0x3d: {  	_ =	shalt  }
0x3e: {  	_ =	shalt  }
0x3f: {  	_ =	shalt  }
0x40: {  	_ =	shalt  }
0x41: {  	_ =	shalt  }
0x42: {  	_ =	shalt  }
0x43: {  	_ =	shalt  }
0x44: {  	_ =	shalt  }
0x45: {  	_ =	shalt  }
0x46: {  	_ =	shalt  }
0x47: {  	_ =	shalt  }
0x48: {  	_ =	shalt  }
0x49: {  	_ =	shalt  }
0x4a: {  	_ =	shalt  }
0x4b: {  	_ =	shalt  }
0x4c: {  	_ =	shalt  }
0x4d: {  	_ =	shalt  }
0x4e: {  	_ =	shalt  }
0x4f: {  	_ =	shalt  }
0x50: {  	_ =	shalt  }
0x51: {  	_ =	shalt  }
0x52: {  	_ =	shalt  }
0x53: {  	_ =	shalt  }
0x54: {  	_ =	shalt  }
0x55: {  	_ =	shalt  }
0x56: {  	_ =	shalt  }
0x57: {  	_ =	shalt  }
0x58: {  	_ =	shalt  }
0x59: {  	_ =	shalt  }
0x5a: {  	_ =	shalt  }
0x5b: {  	_ =	shalt  }
0x5c: {  	_ =	shalt  }
0x5d: {  	_ =	shalt  }
0x5e: {  	_ =	shalt  }
0x5f: {  	_ =	shalt  }
0x60: {  	_ =	shalt  }
0x61: {  	_ =	shalt  }
0x62: {  	_ =	shalt  }
0x63: {  	_ =	shalt  }
0x64: {  	_ =	shalt  }
0x65: {  	_ =	shalt  }
0x66: {  	_ =	shalt  }
0x67: {  	_ =	shalt  }
0x68: {  	_ =	shalt  }
0x69: {  	_ =	shalt  }
0x6a: {  	_ =	shalt  }
0x6b: {  	_ =	shalt  }
0x6c: {  	_ =	shalt  }
0x6d: {  	_ =	shalt  }
0x6e: {  	_ =	shalt  }
0x6f: {  	_ =	shalt  }
0x70: {  	_ =	shalt  }
0x71: {  	_ =	shalt  }
0x72: {  	_ =	shalt  }
0x73: {  	_ =	shalt  }
0x74: {  	_ =	shalt  }
0x75: {  	_ =	shalt  }
0x76: {  	_ =	shalt  }
0x77: {  	_ =	shalt  }
0x78: {  	_ =	shalt  }
0x79: {  	_ =	shalt  }
0x7a: {  	_ =	shalt  }
0x7b: {  	_ =	shalt  }
0x7c: {  	_ =	shalt  }
0x7d: {  	_ =	shalt  }
0x7e: {  	_ =	shalt  }
0x7f: {  	_ =	shalt  }
0x80: {  	_ =	shalt  }
0x81: {  	_ =	shalt  }
0x82: {  	_ =	shalt  }
0x83: {  	_ =	shalt  }
0x84: {  	_ =	shalt  }
0x85: {  	_ =	shalt  }
0x86: {  	_ =	shalt  }
0x87: {  	_ =	shalt  }
.Lfunc_end0:
.L_simem_size_0:
called_computation.2_lowered:
.L_overlay_start_0:
0x88: {  	s2 =	sld [smem:$0x3FD9]  }
0x89: {  	s3 =	sld [smem:$0x3FFE];
	_ =	sdelay $0x1  }
0x8a: {  	s1 =	srdreg.scid  }
0x8b: {  	s0 =	sand.u32 $0x1, s1  }
0x8c: {  	s16 =	sshll.u32 s0, $0xA;
	s2 =	sadd.s32 s3, s2  }
0x8d: {  	s2 =	sadd.s32 s2, s16  }
0x8e: {  	[smem:$0x3F92] =	sst s2  }
0x8f: {  	_ = 	snop  }
0x90: {  	(tm) =	ssettm $0x1  }
0x91: {  	s17 =	sld [smem:$0x3FFB];
	_ =	sdelay $0x3  }
0x92: {  	_ =	strace s17  }
0x93: {  	s2 =	sld [smem:$0x3FFC];
	_ =	sdelay $0x3  }
0x94: {  	_ =	strace s2  }
0x95: {  	s2 =	sld [smem:$0x3FFD];
	_ =	sdelay $0x3  }
0x96: {  	_ =	strace s2  }
0x97: {  	_ =	strace $0x8FFFFFFF  }
0x98: {  	s18 =	sld [smem:$0x3FDB];
	_ =	sdelay $0x1  }
0x99: {  	s19 =	simm.s32 $_scs_section_size  }
0x9a: {  	s4 =	simm.s32 $_size__tile_overlayer_lowered;
	s5 =	simm.s32 $_tile_overlayer_lowered  }
0x9b: {  	s22 =	simm.s32 $0x1BFF;
	s21 =	sshll.u32 s5, $0x1;
	s2 =	sadd.s32 s19, s18  }
0x9c: {  	s6 =	simm.s32 $0x0;
	s20 =	sshll.u32 s4, $0x1;
	s4 =	sadd.s32 s21, s2  }
0x9d: {  	[timem:s6], [sflag:s22] =	dma.local [hbm:s4], s20  }
0x9e: {  	_ =	swait.ge [sflag:s22], s20  }
0x9f: {  	s3 =	ssub.s32 $0x0, s20;
	[sflag:s22] =	ssyncset.done $0x0  }
0xa0: {  	[sflag:s22] =	ssyncadd.s32 s3;
	_ =	sdelay $0x1  }
0xa1: {  	s23 =	simm.s32 $0x1B8B  }
0xa2: {  	_ =	swait.ge [sflag:s23], $0x1  }
0xa3: {  	[sflag:s23] =	ssyncset.done $0x0  }
0xa4: {  	s25 =	simm.s32 $0x1B8E;
	s24 =	sld [smem:$0x3FFE];
	[sflag:s23] =	ssyncadd.s32 $0xFFFFFFFF  }
0xa5: {  	s26 =	simm.s32 $execute0_lowered;
	[smem:$0x3FD2] =	sst s25  }
0xa6: {  	s4 =	sshll.u32 s26, $0x1;
	_ =	strace $0x8000004C;
	[dreg:$0x1] =	wrdreg $0xFFFFFFFF  }
0xa7: {  	s28 =	simm.s32 $_size_execute0_lowered;
	s2 =	sadd.s32 s2, s4;
	[dreg:$0x0] =	wrdreg $0x0  }
0xa8: {  	s4 =	sshll.u32 s28, $0x1;
	[dreg:$0x2] =	wrdreg s2  }
0xa9: {  	[dreg:$0x3] =	wrdreg s4  }
0xaa: {  	[dreg:$0x4] =	wrdreg $0xC0  }
0xab: {  	_ =	task [dreg:s6], $0x5FFFF  }
0xac: {  	[dreg:$0x1] =	wrdreg $0xFFFFFFFF  }
0xad: {  	[dreg:$0x0] =	wrdreg $0x60  }
0xae: {  	[dreg:$0x2] =	wrdreg s24  }
0xaf: {  	[dreg:$0x3] =	wrdreg $0x80000  }
0xb0: {  	[dreg:$0x4] =	wrdreg $0x9  }
0xb1: {  	_ =	task.clear_ibuf [dreg:s6], $0x5FFFF;
	_ =	strace $0x9000004C  }
0xb2: {  	s29 =	simm.s32 $0x9;
	_ =	strace $0x8000004E  }
0xb3: {  	_ =	swait.ge [sflag:s29], $0x1  }
0xb4: {  	[sflag:s29] =	ssyncadd.s32 $0xFFFFFFFF  }
0xb5: {  	_ =	strace $0x9000004E  }
0xb6: {  	_ =	sfence  }
0xb7: {  	s30 =	sld [smem:$0x0];
	_ =	sdelay $0x2  }
0xb8: {  	s31 =	sshll.u32 s1, $0xD;
	s1 =	sshrl.u32 s1, $0x2  }
0xb9: {  	s3 =	sand.u32 $0x4000, s31;
	s1 =	sadd.s32 s1, s30  }
0xba: {  	s0 =	sor.u32 s3, s0;
	s1 =	sshll.u32 s1, $0x11  }
0xbb: {  	s0 =	sor.u32 s1, s0  }
0xbc: {  	s0 =	sadd.s32 $0x8F2B, s0  }
0xbd: {  	[sflag:s0] =	ssyncadd.remote.s32 $0x1  }
0xbe: {  	_ =	sfence.sel $0xFFFF  }
0xbf: {  	[dreg:$0x0] =	wrdreg $0xFFFFFFFF;
	(pc) =	sbr.abs _section_cstart, $3  }
0xc0: {  	[dreg:$0x1] =	wrdreg $0xFFFFFFFF  }
0xc1: {  	_ =	task.clear_ibuf [dreg:s6], $0x2FFFF;
	_ =	strace $0x9FFFFFFF  }
0xc2: {  	(tm) =	ssettm $0x7FFFFFFF  }
0xc3: {  	_ =	shalt  }
tec
execute0_lowered:
.L_overlay_start_1:
0x0: {  	(tag) =	ssettag $0x1  }
0x1: {  	s0 =	rddreg [dreg:$0x0]  }
0x2: {  	s1 =	rddreg [dreg:$0x1];
	s2 =	srdreg.scid  }
0x3: {  	s3 =	simm.s32 $0x0;
	s11 =	stileid.u32;
	s14 =	simm.s32 $0x7  }
0x4: {  	s15 =	simm.s32 $0x3C;
	s16 =	simm.s32 $0x2000;
	s17 =	simm.s32 $0x80  }
0x5: {  	s18 =	simm.s32 $0x4000;
	s19 =	simm.s32 $0x5;
	s20 =	simm.s32 $0x6  }
0x6: {  	s21 =	simm.s32 $0x4;
	s2 =	sand.u32 $0x1, s2;
	s7 =	smul.u32 $0x300, s11  }
0x7: {  	[smem:$0x7FF] =	sst s3;
	s4 =	sadd.s32 $0x3A000, s0;
	s9 =	smul.u32 $0x60000, s11  }
0x8: {  	s5 =	sadd.s32 $0x1A000, s0;
	s30 =	sshll.u32 s11, $0x6;
	s6 =	smul.u32 $0x3000, s2  }
0x9: {  	_ =	strace $0x8000004D;
	s8 =	ssub.s32 $0x2, s2;
	s2 =	sshll.u32 s2, $0x13  }
0xa: {  	s10 =	sshrl.u32 s8, $0x1;
	s29 =	sshrl.u32 s9, $0x2;
	s9 =	sshll.u32 s11, $0xF  }
0xb: {  	s7 =	sadd.s32 s7, s6;
	s6 =	sadd.s32 $0xA000, s0;
	s12 =	ssub.s32 s8, s10  }
0xc: {  	s13 =	sadd.s32 s29, s1;
	s7 =	sshll.u32 s7, $0x4;
	s31 =	smax.u32 s12, $0x1  }
0xd: {  	s0 =	sadd.s32 s7, s0;
	s7 =	sadd.s32 s4, s7;
	[dreg:$0x5] =	wrdreg s31  }
0xe: {  	s8 =	sor.u32 $0x1C07, s30;
	[dreg:$0x3] =	wrdreg s7;
	s0 =	sadd.s32 $0x26EC00, s0  }
0xf: {  	s10 =	sor.u32 s9, s2;
	s13 =	sshrl.u32 s13, $0x3;
	[dreg:$0x4] =	wrdreg s0  }
.LBB2_1:
0x10: {  	s0 =	rddreg [dreg:$0x3]  }
0x11: {  	[spmem:s13], [sflag:s8] =	dma.local [hbm:s0], $0x3000  }
0x12: {  	_ =	swait.ge [sflag:s14], $0x3000  }
0x13: {  	[sflag:s14] =	ssyncset.done $0x0  }
0x14: {  	[sflag:s14] =	ssyncadd.s32 $0xFFFFD000  }
0x15: {  	s22 =	simm.s32 $0x0;
	[bflag:$0x0] =	sbarrier.arrive $0xFFFF  }
.LBB2_2:
0x16: {  	s0 =	sshll.u32 s22, $0xC  }
0x17: {  	s2 =	sadd.s32 s10, s0  }
0x18: {  	s2 =	sshrl.u32 s2, $0x3  }
0x19: {  	s23 =	simm.s32 $0x0;
	s2 =	sadd.s32 s5, s2  }
0x1a: {  	[tilespmem:s23], [sflag:$0x7] =	stream.linear.gather [hbm4b:s2+s23], $0xC80, $0x38;
	v63 =	vld [tilespmem:$0x0]  }
0x1b: {  	s0 =	sor.u32 s9, s0;
	_ =	swait.ge [sflag:s14], $0xC80  }
0x1c: {  	s12 =	simm.s32 $0x1000;
	s0 =	sshrl.u32 s0, $0x3;
	[sflag:s14] =	ssyncset.done $0x0  }
0x1d: {  	s26 =	smul.u32 $0xAB, s23;
	s0 =	sadd.s32 s6, s0;
	[sflag:s14] =	ssyncadd.s32 $0xFFFFF380  }
0x1e: {  	[tilespmem:s12], [sflag:$0x7] =	stream.linear.gather [hbm4b:s0+s23], $0xC80, $0x38;
	v63 =	vld [tilespmem:$0x0]  }
0x1f: {  	s0 =	sshrl.u32 s26, $0x9;
	_ =	swait.ge [sflag:s14], $0xC80  }
0x20: {  	p1 =	por $0x0, $0x0;
	s0 =	sand.u32 $0x7F, s0;
	[sflag:s14] =	ssyncset.done $0x0  }
0x21: {  	s25 =	simm.s32 $0x1;
	s0 =	smul.u32 $0x3, s0;
	[sflag:s14] =	ssyncadd.s32 $0xFFFFF380  }
0x22: {  	[tilespmem:s16], [sflag:$0x1] =	stream.indirect.gather [hbm4b:s4+s15], $0x80, s23, s15, $0xb8;
	v63 =	vld [tilespmem:$0x0]  }
0x23: {  	s28 =	simm.s32 $0x2;
	s23 =	simm.s32 $0x2;
	s0 =	ssub.s32 $0x0, s0  }
0x24: {  	s24 =	simm.s32 $0x1080;
	s23 =	smul.u32 @!p1 $0xAB, s23;
	s0 =	sand.u32 $0xFF, s0  }
0x25: {  	[tilespmem:s18], [sflag:$0x2] =	stream.indirect.gather [hbm4b:s4+s15], $0x80, s17, s15, $0xb8;
	v63 =	vld [tilespmem:$0x0]  }
0x26: {  	p0 =	por p1, p1;
	p1 =	por @!p1 $0x1, $0x1;
	s29 =	sadd.s32 $0x1, s0  }
0x27: {  	s31 =	sshll.u32 s0, $0xD;
	s23 =	sshrl.u32 @!p0 s23, $0x9;
	_ =	swait.ge [sflag:s29], $0x1E00  }
0x28: {  	s0 =	sor.u32 $0x4, s0;
	s23 =	sand.u32 @!p0 $0x7F, s23;
	[sflag:s29] =	ssyncset.done $0x0  }
0x29: {  	s30 =	smul.u32 @!p0 $0x3, s23;
	[sflag:s29] =	ssyncadd.s32 $0xFFFFE200;
	s29 =	sadd.s32 $0x2000, s31  }
0x2a: {  	[spmem:s1] =	stream.indirect.scatter.add.f32 [tilespmem:s29], [sflag:s0], $0x80, s12, s15, $0xb8;
	v63 =	vld [tilespmem:$0x0]  }
0x2b: {  	s26 =	simm.s32 $0x100;
	p1 =	por p1, p0;
	s30 =	ssub.s32 @!p0 $0x2, s30  }
0x2c: {  	s23 =	simm.s32 $0x180;
	s31 =	smul.u32 $0xAB, s25;
	s30 =	sand.u32 @!p0 $0xFF, s30  }
0x2d: {  	s29 =	simm.s32 @!p0 $0x3C;
	s0 =	sadd.s32 @!p1 $0x4, s30;
	s2 =	sshll.u32 @!p0 s30, $0xD  }
.LBB2_3:
0x2e: {  	s7 =	sadd.s32 $0x2, s25;
	p3 =	sgt.u32 s25, $0x16  }
0x2f: {  	_ =	swait.ge @!p1 [sflag:s0], $0x1E00;
	s11 =	smov.u32 s28;
	s12 =	smov.u32 s24  }
0x30: {  	s31 =	sshrl.u32 s31, $0x9;
	s2 =	sadd.s32 @!p0 $0x2000, s2;
	[sflag:s0] =	ssyncset.done @!p1 $0x0  }
0x31: {  	s31 =	sand.u32 $0x7F, s31;
	[sflag:s0] =	ssyncadd.s32 @!p1 $0xFFFFE200;
	s0 =	sadd.s32 @!p0 $0x1, s30  }
0x32: {  	[tilespmem:s2], [sflag:s0] =	stream.indirect.gather @!p0 [hbm4b:s4+s29], $0x80, s26, s29, $0xb8;
	v63 =	vld [tilespmem:$0x0]  }
0x33: {  	s28 =	sadd.s32 $0x1, s28;
	p1 =	seq.s32 @!p3 s25, $0x0;
	s0 =	smul.u32 $0x3, s31  }
0x34: {  	p2 =	sne.s32 s28, $0x19;
	s2 =	smul.u32 @!p3 $0xAB, s7;
	s26 =	smov.u32 s23  }
0x35: {  	p0 =	por p3, p3;
	s0 =	ssub.s32 s25, s0;
	s25 =	smov.u32 s11  }
0x36: {  	s24 =	sadd.s32 $0x80, s24;
	s2 =	sshrl.u32 @!p0 s2, $0x9;
	s0 =	sand.u32 $0xFF, s0  }
0x37: {  	s23 =	sadd.s32 $0x80, s23;
	s2 =	sand.u32 @!p0 $0x7F, s2;
	s11 =	sshll.u32 s0, $0xD  }
0x38: {  	p1 =	por p1, p0;
	s30 =	sadd.s32 $0x1, s0;
	s2 =	smul.u32 @!p0 $0x3, s2  }
.Ltmp0:
0x39: {  	s29 =	simm.s32 @!p0 $0x3C;
	_ =	swait.ge [sflag:s30], $0x1E00;
	(pc) =	sbr.rel @p2 .LBB2_3-.Ltmp0, $4  }
0x3a: {  	s31 =	smul.u32 $0xAB, s25;
	s2 =	ssub.s32 @!p0 s7, s2;
	[sflag:s30] =	ssyncset.done $0x0  }
0x3b: {  	s7 =	sor.u32 $0x4, s0;
	[sflag:s30] =	ssyncadd.s32 $0xFFFFE200;
	s30 =	sand.u32 @!p0 $0xFF, s2  }
0x3c: {  	s11 =	sadd.s32 $0x2000, s11;
	s0 =	sadd.s32 @!p1 $0x4, s30;
	s2 =	sshll.u32 @!p0 s30, $0xD  }
0x3d: {  	[spmem:s1] =	stream.indirect.scatter.add.f32 [tilespmem:s11], [sflag:s7], $0x80, s12, s15, $0xb8;
	v63 =	vld [tilespmem:$0x0]  }
0x3e: {  	_ =	swait.ge @!p1 [sflag:s0], $0x1E00  }
0x3f: {  	s7 =	sshrl.u32 s31, $0x9;
	s2 =	sadd.s32 @!p0 $0x2000, s2;
	[sflag:s0] =	ssyncset.done @!p1 $0x0  }
0x40: {  	s7 =	sand.u32 $0x7F, s7;
	[sflag:s0] =	ssyncadd.s32 @!p1 $0xFFFFE200;
	s0 =	sadd.s32 @!p0 $0x1, s30  }
0x41: {  	[tilespmem:s2], [sflag:s0] =	stream.indirect.gather @!p0 [hbm4b:s4+s29], $0x80, s26, s29, $0xb8;
	v63 =	vld [tilespmem:$0x0]  }
0x42: {  	p1 =	sgt.u32 s25, $0x16;
	s30 =	smul.u32 $0x3, s7;
	s0 =	sadd.s32 $0x2, s25  }
0x43: {  	s7 =	smul.u32 @!p1 $0xAB, s0  }
0x44: {  	p0 =	por p1, p1;
	s2 =	ssub.s32 s25, s30  }
0x45: {  	s2 =	sand.u32 $0xFF, s2;
	s7 =	sshrl.u32 @!p0 s7, $0x9  }
0x46: {  	s11 =	sadd.s32 $0x1, s2;
	s7 =	sand.u32 @!p0 $0x7F, s7  }
0x47: {  	p1 =	seq.s32 @!p1 s25, $0x0;
	_ =	swait.ge [sflag:s11], $0x1E00;
	s7 =	smul.u32 @!p0 $0x3, s7  }
0x48: {  	s12 =	sshll.u32 s2, $0xD;
	s2 =	sor.u32 $0x4, s2;
	[sflag:s11] =	ssyncset.done $0x0  }
0x49: {  	s31 =	sadd.s32 $0x2000, s12;
	[sflag:s11] =	ssyncadd.s32 $0xFFFFE200;
	s0 =	ssub.s32 @!p0 s0, s7  }
0x4a: {  	[spmem:s1] =	stream.indirect.scatter.add.f32 [tilespmem:s31], [sflag:s2], $0x80, s24, s15, $0xb8;
	v63 =	vld [tilespmem:$0x0]  }
0x4b: {  	p1 =	por p1, p0;
	s0 =	sand.u32 @!p0 $0xFF, s0  }
0x4c: {  	s11 =	sadd.s32 @!p1 $0x4, s0  }
0x4d: {  	_ =	swait.ge @!p1 [sflag:s11], $0x1E00  }
0x4e: {  	s2 =	simm.s32 @!p0 $0x3C;
	s7 =	sshll.u32 @!p0 s0, $0xD;
	[sflag:s11] =	ssyncset.done @!p1 $0x0  }
0x4f: {  	s0 =	sadd.s32 @!p0 $0x1, s0;
	s7 =	sadd.s32 @!p0 $0x2000, s7;
	[sflag:s11] =	ssyncadd.s32 @!p1 $0xFFFFE200  }
0x50: {  	[tilespmem:s7], [sflag:s0] =	stream.indirect.gather @!p0 [hbm4b:s4+s2], $0x80, s23, s2, $0xb8;
	v63 =	vld [tilespmem:$0x0]  }
0x51: {  	_ =	swait.ge [sflag:s19], $0x1E00  }
0x52: {  	[sflag:s19] =	ssyncset.done $0x0  }
0x53: {  	s22 =	sadd.s32 $0x1, s22;
	[sflag:s19] =	ssyncadd.s32 $0xFFFFE200  }
0x54: {  	p0 =	sne.s32 s22, $0x8;
	_ =	swait.ge [sflag:s20], $0x1E00  }
.Ltmp1:
0x55: {  	[sflag:s20] =	ssyncset.done $0x0;
	(pc) =	sbr.rel @p0 .LBB2_2-.Ltmp1, $4  }
0x56: {  	[sflag:s20] =	ssyncadd.s32 $0xFFFFE200  }
0x57: {  	_ =	swait.ge [sflag:s21], $0x1E00  }
0x58: {  	[sflag:s21] =	ssyncset.done $0x0  }
0x59: {  	[sflag:s21] =	ssyncadd.s32 $0xFFFFE200  }
0x5a: {  	[bflag:$0x0] =	sbarrier.arrive $0xFFFF  }
0x5b: {  	s0 =	rddreg [dreg:$0x4]  }
0x5c: {  	[hbm:s0], [sflag:s8] =	dma.local [spmem:s13], $0x3000  }
0x5d: {  	_ =	swait.ge [sflag:s14], $0x3000  }
0x5e: {  	s3 =	sadd.s32 $0x1, s3;
	s31 =	rddreg [dreg:$0x5]  }
0x5f: {  	p0 =	sne.s32 s3, s31  }
.Ltmp2:
0x60: {  	_ = 	snop;
	(pc) =	sbr.rel @p0 .LBB2_1-.Ltmp2, $3  }
0x61: {  	_ =	sdelay $0x1  }
0x62: {  	[sflag:s14] =	ssyncset.done $0x0  }
0x63: {  	[sflag:s14] =	ssyncadd.s32 $0xFFFFD000  }
0x64: {  	_ =	sfence.sel $0x180000  }
0x65: {  	[bflag:$0x0] =	sbarrier.arrive $0xFFFF  }
0x66: {  	_ =	strace $0x9000004D  }
0x67: {  	s0 =	stileid.u32;
	[bflag:$0x2] =	sbarrier.arrive $0xFFFF  }
0x68: {  	p0 =	sne.s32 s0, $0x0;
	s0 =	rddreg [dreg:$0x2]  }
0x69: {  	s0 =	sadd.s32 @!p0 $0x100000, s0  }
0x6a: {  	[sflag:s0] =	ssyncadd.tile.s32 @!p0 $0x1;
	_ =	shalt  }
.Lfunc_end2:
_tile_overlayer_lowered:
.L_overlay_start_2:
0x6b: {  	(tag) =	ssettag $0x2  }
0x6c: {  	s0 =	rddreg [dreg:$0x0];
	s2 =	stileid.u32  }
0x6d: {  	s1 =	rddreg [dreg:$0x1];
	p0 =	sne.s32 s2, $0x0  }
0x6e: {  	s3 =	rddreg [dreg:$0x2];
	[bflag:$0x3] =	sbarrier.arrive $0xFFFF;
	s2 =	simm.s32 @!p0 $0x1C07  }
0x6f: {  	[timem:s3], [sflag:s2] =	dma.local @!p0 [hbm:s0], s1  }
0x70: {  	s0 =	simm.s32 @!p0 $0x7  }
0x71: {  	_ =	swait.ge @!p0 [sflag:s0], s1  }
0x72: {  	s1 =	ssub.s32 @!p0 $0x0, s1;
	[sflag:s0] =	ssyncset.done @!p0 $0x0  }
0x73: {  	[sflag:s0] =	ssyncadd.s32 @!p0 s1  }
0x74: {  	[bflag:$0x3] =	sbarrier.arrive $0xFFFF  }
0x75: {  	_ =	shalt  }

// kernel: kernel.29.cloned.1.call-start
scs
__scs_entry_jumppad:
0x0: {  	(pc) =	sbr.rel $0x88, $3  }
0x1: {  	(tag) =	ssettag $0x0;
	lr =	simm.s32 $0x1  }
0x2: {  	[smem:$0x3F6B] =	sst lr;
	_ =	strace $0xD0000000  }
0x3: {  	_ = 	snop  }
0x4: {  	_ = 	snop  }
0x5: {  	_ = 	snop  }
0x6: {  	_ = 	snop  }
0x7: {  	_ = 	snop  }
__scs_overlays_trampoline_lowered:
0x8: {  	[smem:$0x3F7A] =	sst s0  }
0x9: {  	[smem:$0x3F7B] =	sst s1  }
0xa: {  	[smem:$0x3F7C] =	sst s2  }
0xb: {  	[smem:$0x3F7D] =	sst s3  }
0xc: {  	[smem:$0x3F7E] =	sst s4  }
0xd: {  	[smem:$0x3F7F] =	sst s5  }
0xe: {  	[smem:$0x3F80] =	sst s6  }
0xf: {  	[smem:$0x3F81] =	sst s7  }
0x10: {  	[smem:$0x3F82] =	sst s8  }
0x11: {  	[smem:$0x3F83] =	sst s9;
	s0 =	simm.s32 @!p0 $0x0  }
0x12: {  	s1 =	sld [smem:$0x3F69];
	s0 =	simm.s32 @p0 $0x1  }
0x13: {  	[smem:$0x3F84] =	sst s0;
	s0 =	simm.s32 @!p1 $0x0  }
0x14: {  	s2 =	sld [smem:$0x3F68];
	s0 =	simm.s32 @p1 $0x1  }
0x15: {  	[smem:$0x3F85] =	sst s0;
	s0 =	simm.s32 @!p2 $0x0  }
0x16: {  	s3 =	sld [smem:$0x3FDB];
	s0 =	simm.s32 @p2 $0x1  }
0x17: {  	s4 =	simm.s32 $0x1BF5;
	[smem:$0x3F87] =	sst s0  }
0x18: {  	s0 =	sld [smem:$0x3F6A];
	_ =	swait.ge [sflag:s4], $0x0  }
0x19: {  	s7 =	sld [smem:$0x3F6B]  }
0x1a: {  	s8 =	sadd.s32 $0xFFFFE003, lr  }
0x1b: {  	s9 =	sadd.s32 $0xFFFFFEF7, lr;
	s5 =	simm.s32 $0xFFFFFFFF;
	p2 =	slt.u32 s8, $0xFFFFF086  }
0x1c: {  	p1 =	slt.u32 s9, $0xF7A;
	s5 =	simm.s32 @!p2 $0x0  }
0x1d: {  	s5 =	simm.s32 @p1 $0x1;
	p0 =	seq.s32 s7, s2  }
0x1e: {  	s7 =	smul.u32 @!p0 $0xF7A, s2;
	p2 =	seq.s32 @!p0 s5, $0x0  }
0x1f: {  	s9 =	smul.u32 $0xF7A, s1;
	s8 =	simm.s32 @!p0 $0x1BF5;
	p2 =	por !p2, p0  }
0x20: {  	[sflag:s8] =	ssyncset.s32 @!p0 $0xFFFFF086;
	s6 =	sadd.s32 @!p0 s3, s7;
	s7 =	simm.s32 @!p0 $0x108  }
0x21: {  	s3 =	sadd.s32 s3, s9;
	s6 =	sadd.s32 @!p0 $0x88, s6;
	s7 =	simm.s32 @p2 $0x1082  }
0x22: {  	[simem:s7], [sflag:s8] =	dma.local @!p0 [hbm:s6], $0xF7A  }
0x23: {  	s9 =	sor.u32 $0xD0000000, s2;
	s6 =	simm.s32 $0x108;
	_ =	swait.ge @!p0 [sflag:s8], $0x0  }
0x24: {  	s3 =	sadd.s32 $0x88, s3;
	s6 =	simm.s32 @!p1 $0x1082;
	[sflag:s4] =	ssyncset.s32 $0xFFFFF086  }
0x25: {  	[simem:s6], [sflag:s4] =	dma.local [hbm:s3], $0xF7A  }
0x26: {  	[smem:$0x3F6B] =	sst s1;
	(tag) =	ssettag s2;
	_ =	strace s9  }
0x27: {  	s1 =	sld [smem:$0x3F7B]  }
0x28: {  	s2 =	sld [smem:$0x3F7C]  }
0x29: {  	s4 =	sld [smem:$0x3F7E]  }
0x2a: {  	p0 =	seq.s32 s5, $0x0;
	s5 =	sld [smem:$0x3F7F]  }
0x2b: {  	s6 =	sld [smem:$0x3F80]  }
0x2c: {  	s7 =	sld [smem:$0x3F81]  }
0x2d: {  	s3 =	simm.s32 $0x108;
	s8 =	sld [smem:$0x3F82]  }
0x2e: {  	s3 =	simm.s32 @!p0 $0x1082;
	s9 =	sld [smem:$0x3F83]  }
0x2f: {  	lr =	sadd.s32 s0, s3;
	s0 =	sld [smem:$0x3F7A]  }
0x30: {  	s3 =	sld [smem:$0x3F7D]  }
0x31: {  	[smem:$0x3F86] =	sst s10  }
0x32: {  	s10 =	sld [smem:$0x3F84];
	_ =	sdelay $0x3  }
0x33: {  	p0 =	seq.s32 s10, $0x1;
	s10 =	sld [smem:$0x3F86];
	_ =	sdelay $0x3  }
0x34: {  	[smem:$0x3F86] =	sst s10  }
0x35: {  	s10 =	sld [smem:$0x3F85];
	_ =	sdelay $0x3  }
0x36: {  	p1 =	seq.s32 s10, $0x1;
	s10 =	sld [smem:$0x3F86];
	_ =	sdelay $0x3  }
0x37: {  	[smem:$0x3F86] =	sst s10  }
0x38: {  	s10 =	sld [smem:$0x3F87]  }
0x39: {  	_ = 	snop;
	(pc) =	sbr.ind lr, $3  }
0x3a: {  	_ = 	snop  }
0x3b: {  	_ = 	snop  }
0x3c: {  	p2 =	seq.s32 s10, $0x1;
	s10 =	sld [smem:$0x3F86]  }
0x3d: {  	_ =	shalt  }
0x3e: {  	_ =	shalt  }
0x3f: {  	_ =	shalt  }
0x40: {  	_ =	shalt  }
0x41: {  	_ =	shalt  }
0x42: {  	_ =	shalt  }
0x43: {  	_ =	shalt  }
0x44: {  	_ =	shalt  }
0x45: {  	_ =	shalt  }
0x46: {  	_ =	shalt  }
0x47: {  	_ =	shalt  }
0x48: {  	_ =	shalt  }
0x49: {  	_ =	shalt  }
0x4a: {  	_ =	shalt  }
0x4b: {  	_ =	shalt  }
0x4c: {  	_ =	shalt  }
0x4d: {  	_ =	shalt  }
0x4e: {  	_ =	shalt  }
0x4f: {  	_ =	shalt  }
0x50: {  	_ =	shalt  }
0x51: {  	_ =	shalt  }
0x52: {  	_ =	shalt  }
0x53: {  	_ =	shalt  }
0x54: {  	_ =	shalt  }
0x55: {  	_ =	shalt  }
0x56: {  	_ =	shalt  }
0x57: {  	_ =	shalt  }
0x58: {  	_ =	shalt  }
0x59: {  	_ =	shalt  }
0x5a: {  	_ =	shalt  }
0x5b: {  	_ =	shalt  }
0x5c: {  	_ =	shalt  }
0x5d: {  	_ =	shalt  }
0x5e: {  	_ =	shalt  }
0x5f: {  	_ =	shalt  }
0x60: {  	_ =	shalt  }
0x61: {  	_ =	shalt  }
0x62: {  	_ =	shalt  }
0x63: {  	_ =	shalt  }
0x64: {  	_ =	shalt  }
0x65: {  	_ =	shalt  }
0x66: {  	_ =	shalt  }
0x67: {  	_ =	shalt  }
0x68: {  	_ =	shalt  }
0x69: {  	_ =	shalt  }
0x6a: {  	_ =	shalt  }
0x6b: {  	_ =	shalt  }
0x6c: {  	_ =	shalt  }
0x6d: {  	_ =	shalt  }
0x6e: {  	_ =	shalt  }
0x6f: {  	_ =	shalt  }
0x70: {  	_ =	shalt  }
0x71: {  	_ =	shalt  }
0x72: {  	_ =	shalt  }
0x73: {  	_ =	shalt  }
0x74: {  	_ =	shalt  }
0x75: {  	_ =	shalt  }
0x76: {  	_ =	shalt  }
0x77: {  	_ =	shalt  }
0x78: {  	_ =	shalt  }
0x79: {  	_ =	shalt  }
0x7a: {  	_ =	shalt  }
0x7b: {  	_ =	shalt  }
0x7c: {  	_ =	shalt  }
0x7d: {  	_ =	shalt  }
0x7e: {  	_ =	shalt  }
0x7f: {  	_ =	shalt  }
0x80: {  	_ =	shalt  }
0x81: {  	_ =	shalt  }
0x82: {  	_ =	shalt  }
0x83: {  	_ =	shalt  }
0x84: {  	_ =	shalt  }
0x85: {  	_ =	shalt  }
0x86: {  	_ =	shalt  }
0x87: {  	_ =	shalt  }
.Lfunc_end0:
.L_simem_size_0:
called_computation.3_lowered:
.L_overlay_start_0:
0x88: {  	s2 =	sld [smem:$0x3FD9]  }
0x89: {  	s3 =	sld [smem:$0x3FFE];
	_ =	sdelay $0x1  }
0x8a: {  	s1 =	srdreg.scid  }
0x8b: {  	s0 =	sand.u32 $0x1, s1  }
0x8c: {  	s16 =	sshll.u32 s0, $0xA;
	s2 =	sadd.s32 s3, s2  }
0x8d: {  	s2 =	sadd.s32 s2, s16  }
0x8e: {  	[smem:$0x3F92] =	sst s2  }
0x8f: {  	_ = 	snop  }
0x90: {  	(tm) =	ssettm $0x1  }
0x91: {  	s17 =	sld [smem:$0x3FFB];
	_ =	sdelay $0x3  }
0x92: {  	_ =	strace s17  }
0x93: {  	s2 =	sld [smem:$0x3FFC];
	_ =	sdelay $0x3  }
0x94: {  	_ =	strace s2  }
0x95: {  	s2 =	sld [smem:$0x3FFD];
	_ =	sdelay $0x3  }
0x96: {  	_ =	strace s2  }
0x97: {  	_ =	strace $0x8FFFFFFF  }
0x98: {  	s18 =	sld [smem:$0x3FDB];
	_ =	sdelay $0x1  }
0x99: {  	s19 =	simm.s32 $_scs_section_size  }
0x9a: {  	s4 =	simm.s32 $_size__tile_overlayer_lowered;
	s5 =	simm.s32 $_tile_overlayer_lowered  }
0x9b: {  	s22 =	simm.s32 $0x1BFF;
	s21 =	sshll.u32 s5, $0x1;
	s2 =	sadd.s32 s19, s18  }
0x9c: {  	s6 =	simm.s32 $0x0;
	s20 =	sshll.u32 s4, $0x1;
	s4 =	sadd.s32 s21, s2  }
0x9d: {  	[timem:s6], [sflag:s22] =	dma.local [hbm:s4], s20  }
0x9e: {  	_ =	swait.ge [sflag:s22], s20  }
0x9f: {  	s3 =	ssub.s32 $0x0, s20;
	[sflag:s22] =	ssyncset.done $0x0  }
0xa0: {  	[sflag:s22] =	ssyncadd.s32 s3;
	_ =	sdelay $0x1  }
0xa1: {  	s23 =	simm.s32 $0x1B8B  }
0xa2: {  	_ =	swait.ge [sflag:s23], $0x1  }
0xa3: {  	[sflag:s23] =	ssyncset.done $0x0  }
0xa4: {  	s25 =	simm.s32 $0x1B8E;
	s24 =	sld [smem:$0x3FFE];
	[sflag:s23] =	ssyncadd.s32 $0xFFFFFFFF  }
0xa5: {  	s26 =	simm.s32 $execute0_lowered;
	[smem:$0x3FD2] =	sst s25  }
0xa6: {  	s4 =	sshll.u32 s26, $0x1;
	_ =	strace $0x8000004F;
	[dreg:$0x1] =	wrdreg $0xFFFFFFFF  }
0xa7: {  	s28 =	simm.s32 $_size_execute0_lowered;
	s2 =	sadd.s32 s2, s4;
	[dreg:$0x0] =	wrdreg $0x0  }
0xa8: {  	s4 =	sshll.u32 s28, $0x1;
	[dreg:$0x2] =	wrdreg s2  }
0xa9: {  	[dreg:$0x3] =	wrdreg s4  }
0xaa: {  	[dreg:$0x4] =	wrdreg $0xC0  }
0xab: {  	_ =	task [dreg:s6], $0x5FFFF  }
0xac: {  	[dreg:$0x1] =	wrdreg $0xFFFFFFFF  }
0xad: {  	[dreg:$0x0] =	wrdreg $0x60  }
0xae: {  	[dreg:$0x2] =	wrdreg s24  }
0xaf: {  	[dreg:$0x3] =	wrdreg $0x80000  }
0xb0: {  	[dreg:$0x4] =	wrdreg $0x9  }
0xb1: {  	_ =	task.clear_ibuf [dreg:s6], $0x5FFFF;
	_ =	strace $0x9000004F  }
0xb2: {  	s29 =	simm.s32 $0x9;
	_ =	strace $0x80000051  }
0xb3: {  	_ =	swait.ge [sflag:s29], $0x1  }
0xb4: {  	[sflag:s29] =	ssyncadd.s32 $0xFFFFFFFF  }
0xb5: {  	_ =	strace $0x90000051  }
0xb6: {  	_ =	sfence  }
0xb7: {  	s30 =	sld [smem:$0x0];
	_ =	sdelay $0x2  }
0xb8: {  	s31 =	sshll.u32 s1, $0xD;
	s1 =	sshrl.u32 s1, $0x2  }
0xb9: {  	s3 =	sand.u32 $0x4000, s31;
	s1 =	sadd.s32 s1, s30  }
0xba: {  	s0 =	sor.u32 s3, s0;
	s1 =	sshll.u32 s1, $0x11  }
0xbb: {  	s0 =	sor.u32 s1, s0  }
0xbc: {  	s0 =	sadd.s32 $0x8F2B, s0  }
0xbd: {  	[sflag:s0] =	ssyncadd.remote.s32 $0x1  }
0xbe: {  	_ =	sfence.sel $0xFFFF  }
0xbf: {  	[dreg:$0x0] =	wrdreg $0xFFFFFFFF;
	(pc) =	sbr.abs _section_cstart, $3  }
0xc0: {  	[dreg:$0x1] =	wrdreg $0xFFFFFFFF  }
0xc1: {  	_ =	task.clear_ibuf [dreg:s6], $0x2FFFF;
	_ =	strace $0x9FFFFFFF  }
0xc2: {  	(tm) =	ssettm $0x7FFFFFFF  }
0xc3: {  	_ =	shalt  }
tec
execute0_lowered:
.L_overlay_start_1:
0x0: {  	(tag) =	ssettag $0x1  }
0x1: {  	s0 =	rddreg [dreg:$0x0]  }
0x2: {  	s1 =	rddreg [dreg:$0x1];
	s2 =	srdreg.scid  }
0x3: {  	s3 =	simm.s32 $0x0;
	s11 =	stileid.u32;
	s14 =	simm.s32 $0x7  }
0x4: {  	s15 =	simm.s32 $0x3C;
	s16 =	simm.s32 $0x2000;
	s17 =	simm.s32 $0x80  }
0x5: {  	s18 =	simm.s32 $0x4000;
	s19 =	simm.s32 $0x5;
	s20 =	simm.s32 $0x6  }
0x6: {  	s21 =	simm.s32 $0x4;
	s2 =	sand.u32 $0x1, s2;
	s7 =	smul.u32 $0x300, s11  }
0x7: {  	[smem:$0x7FF] =	sst s3;
	s4 =	sadd.s32 $0x3A000, s0;
	s9 =	smul.u32 $0x60000, s11  }
0x8: {  	s5 =	sadd.s32 $0x1A000, s0;
	s30 =	sshll.u32 s11, $0x6;
	s6 =	smul.u32 $0x3000, s2  }
0x9: {  	_ =	strace $0x80000050;
	s8 =	ssub.s32 $0x2, s2;
	s2 =	sshll.u32 s2, $0x13  }
0xa: {  	s10 =	sshrl.u32 s8, $0x1;
	s29 =	sshrl.u32 s9, $0x2;
	s9 =	sshll.u32 s11, $0xF  }
0xb: {  	s7 =	sadd.s32 s7, s6;
	s6 =	sadd.s32 $0xA000, s0;
	s12 =	ssub.s32 s8, s10  }
0xc: {  	s13 =	sadd.s32 s29, s1;
	s7 =	sshll.u32 s7, $0x4;
	s31 =	smax.u32 s12, $0x1  }
0xd: {  	s0 =	sadd.s32 s7, s0;
	s7 =	sadd.s32 s4, s7;
	[dreg:$0x5] =	wrdreg s31  }
0xe: {  	s8 =	sor.u32 $0x1C07, s30;
	[dreg:$0x3] =	wrdreg s7;
	s0 =	sadd.s32 $0x26EC00, s0  }
0xf: {  	s10 =	sor.u32 s9, s2;
	s13 =	sshrl.u32 s13, $0x3;
	[dreg:$0x4] =	wrdreg s0  }
.LBB2_1:
0x10: {  	s0 =	rddreg [dreg:$0x3]  }
0x11: {  	[spmem:s13], [sflag:s8] =	dma.local [hbm:s0], $0x3000  }
0x12: {  	_ =	swait.ge [sflag:s14], $0x3000  }
0x13: {  	[sflag:s14] =	ssyncset.done $0x0  }
0x14: {  	[sflag:s14] =	ssyncadd.s32 $0xFFFFD000  }
0x15: {  	s22 =	simm.s32 $0x0;
	[bflag:$0x0] =	sbarrier.arrive $0xFFFF  }
.LBB2_2:
0x16: {  	s0 =	sshll.u32 s22, $0xC  }
0x17: {  	s2 =	sadd.s32 s10, s0  }
0x18: {  	s2 =	sshrl.u32 s2, $0x3  }
0x19: {  	s23 =	simm.s32 $0x0;
	s2 =	sadd.s32 s5, s2  }
0x1a: {  	[tilespmem:s23], [sflag:$0x7] =	stream.linear.gather [hbm4b:s2+s23], $0xC80, $0x38;
	v63 =	vld [tilespmem:$0x0]  }
0x1b: {  	s0 =	sor.u32 s9, s0;
	_ =	swait.ge [sflag:s14], $0xC80  }
0x1c: {  	s12 =	simm.s32 $0x1000;
	s0 =	sshrl.u32 s0, $0x3;
	[sflag:s14] =	ssyncset.done $0x0  }
0x1d: {  	s26 =	smul.u32 $0xAB, s23;
	s0 =	sadd.s32 s6, s0;
	[sflag:s14] =	ssyncadd.s32 $0xFFFFF380  }
0x1e: {  	[tilespmem:s12], [sflag:$0x7] =	stream.linear.gather [hbm4b:s0+s23], $0xC80, $0x38;
	v63 =	vld [tilespmem:$0x0]  }
0x1f: {  	s0 =	sshrl.u32 s26, $0x9;
	_ =	swait.ge [sflag:s14], $0xC80  }
0x20: {  	p1 =	por $0x0, $0x0;
	s0 =	sand.u32 $0x7F, s0;
	[sflag:s14] =	ssyncset.done $0x0  }
0x21: {  	s25 =	simm.s32 $0x1;
	s0 =	smul.u32 $0x3, s0;
	[sflag:s14] =	ssyncadd.s32 $0xFFFFF380  }
0x22: {  	[tilespmem:s16], [sflag:$0x1] =	stream.indirect.gather [hbm4b:s4+s15], $0x80, s23, s15, $0xb8;
	v63 =	vld [tilespmem:$0x0]  }
0x23: {  	s28 =	simm.s32 $0x2;
	s23 =	simm.s32 $0x2;
	s0 =	ssub.s32 $0x0, s0  }
0x24: {  	s24 =	simm.s32 $0x1080;
	s23 =	smul.u32 @!p1 $0xAB, s23;
	s0 =	sand.u32 $0xFF, s0  }
0x25: {  	[tilespmem:s18], [sflag:$0x2] =	stream.indirect.gather [hbm4b:s4+s15], $0x80, s17, s15, $0xb8;
	v63 =	vld [tilespmem:$0x0]  }
0x26: {  	p0 =	por p1, p1;
	p1 =	por @!p1 $0x1, $0x1;
	s29 =	sadd.s32 $0x1, s0  }
0x27: {  	s31 =	sshll.u32 s0, $0xD;
	s23 =	sshrl.u32 @!p0 s23, $0x9;
	_ =	swait.ge [sflag:s29], $0x1E00  }
0x28: {  	s0 =	sor.u32 $0x4, s0;
	s23 =	sand.u32 @!p0 $0x7F, s23;
	[sflag:s29] =	ssyncset.done $0x0  }
0x29: {  	s30 =	smul.u32 @!p0 $0x3, s23;
	[sflag:s29] =	ssyncadd.s32 $0xFFFFE200;
	s29 =	sadd.s32 $0x2000, s31  }
0x2a: {  	[spmem:s1] =	stream.indirect.scatter.add.f32 [tilespmem:s29], [sflag:s0], $0x80, s12, s15, $0xb8;
	v63 =	vld [tilespmem:$0x0]  }
0x2b: {  	s26 =	simm.s32 $0x100;
	p1 =	por p1, p0;
	s30 =	ssub.s32 @!p0 $0x2, s30  }
0x2c: {  	s23 =	simm.s32 $0x180;
	s31 =	smul.u32 $0xAB, s25;
	s30 =	sand.u32 @!p0 $0xFF, s30  }
0x2d: {  	s29 =	simm.s32 @!p0 $0x3C;
	s0 =	sadd.s32 @!p1 $0x4, s30;
	s2 =	sshll.u32 @!p0 s30, $0xD  }
.LBB2_3:
0x2e: {  	s7 =	sadd.s32 $0x2, s25;
	p3 =	sgt.u32 s25, $0x16  }
0x2f: {  	_ =	swait.ge @!p1 [sflag:s0], $0x1E00;
	s11 =	smov.u32 s28;
	s12 =	smov.u32 s24  }
0x30: {  	s31 =	sshrl.u32 s31, $0x9;
	s2 =	sadd.s32 @!p0 $0x2000, s2;
	[sflag:s0] =	ssyncset.done @!p1 $0x0  }
0x31: {  	s31 =	sand.u32 $0x7F, s31;
	[sflag:s0] =	ssyncadd.s32 @!p1 $0xFFFFE200;
	s0 =	sadd.s32 @!p0 $0x1, s30  }
0x32: {  	[tilespmem:s2], [sflag:s0] =	stream.indirect.gather @!p0 [hbm4b:s4+s29], $0x80, s26, s29, $0xb8;
	v63 =	vld [tilespmem:$0x0]  }
0x33: {  	s28 =	sadd.s32 $0x1, s28;
	p1 =	seq.s32 @!p3 s25, $0x0;
	s0 =	smul.u32 $0x3, s31  }
0x34: {  	p2 =	sne.s32 s28, $0x19;
	s2 =	smul.u32 @!p3 $0xAB, s7;
	s26 =	smov.u32 s23  }
0x35: {  	p0 =	por p3, p3;
	s0 =	ssub.s32 s25, s0;
	s25 =	smov.u32 s11  }
0x36: {  	s24 =	sadd.s32 $0x80, s24;
	s2 =	sshrl.u32 @!p0 s2, $0x9;
	s0 =	sand.u32 $0xFF, s0  }
0x37: {  	s23 =	sadd.s32 $0x80, s23;
	s2 =	sand.u32 @!p0 $0x7F, s2;
	s11 =	sshll.u32 s0, $0xD  }
0x38: {  	p1 =	por p1, p0;
	s30 =	sadd.s32 $0x1, s0;
	s2 =	smul.u32 @!p0 $0x3, s2  }
.Ltmp0:
0x39: {  	s29 =	simm.s32 @!p0 $0x3C;
	_ =	swait.ge [sflag:s30], $0x1E00;
	(pc) =	sbr.rel @p2 .LBB2_3-.Ltmp0, $4  }
0x3a: {  	s31 =	smul.u32 $0xAB, s25;
	s2 =	ssub.s32 @!p0 s7, s2;
	[sflag:s30] =	ssyncset.done $0x0  }
0x3b: {  	s7 =	sor.u32 $0x4, s0;
	[sflag:s30] =	ssyncadd.s32 $0xFFFFE200;
	s30 =	sand.u32 @!p0 $0xFF, s2  }
0x3c: {  	s11 =	sadd.s32 $0x2000, s11;
	s0 =	sadd.s32 @!p1 $0x4, s30;
	s2 =	sshll.u32 @!p0 s30, $0xD  }
0x3d: {  	[spmem:s1] =	stream.indirect.scatter.add.f32 [tilespmem:s11], [sflag:s7], $0x80, s12, s15, $0xb8;
	v63 =	vld [tilespmem:$0x0]  }
0x3e: {  	_ =	swait.ge @!p1 [sflag:s0], $0x1E00  }
0x3f: {  	s7 =	sshrl.u32 s31, $0x9;
	s2 =	sadd.s32 @!p0 $0x2000, s2;
	[sflag:s0] =	ssyncset.done @!p1 $0x0  }
0x40: {  	s7 =	sand.u32 $0x7F, s7;
	[sflag:s0] =	ssyncadd.s32 @!p1 $0xFFFFE200;
	s0 =	sadd.s32 @!p0 $0x1, s30  }
0x41: {  	[tilespmem:s2], [sflag:s0] =	stream.indirect.gather @!p0 [hbm4b:s4+s29], $0x80, s26, s29, $0xb8;
	v63 =	vld [tilespmem:$0x0]  }
0x42: {  	p1 =	sgt.u32 s25, $0x16;
	s30 =	smul.u32 $0x3, s7;
	s0 =	sadd.s32 $0x2, s25  }
0x43: {  	s7 =	smul.u32 @!p1 $0xAB, s0  }
0x44: {  	p0 =	por p1, p1;
	s2 =	ssub.s32 s25, s30  }
0x45: {  	s2 =	sand.u32 $0xFF, s2;
	s7 =	sshrl.u32 @!p0 s7, $0x9  }
0x46: {  	s11 =	sadd.s32 $0x1, s2;
	s7 =	sand.u32 @!p0 $0x7F, s7  }
0x47: {  	p1 =	seq.s32 @!p1 s25, $0x0;
	_ =	swait.ge [sflag:s11], $0x1E00;
	s7 =	smul.u32 @!p0 $0x3, s7  }
0x48: {  	s12 =	sshll.u32 s2, $0xD;
	s2 =	sor.u32 $0x4, s2;
	[sflag:s11] =	ssyncset.done $0x0  }
0x49: {  	s31 =	sadd.s32 $0x2000, s12;
	[sflag:s11] =	ssyncadd.s32 $0xFFFFE200;
	s0 =	ssub.s32 @!p0 s0, s7  }
0x4a: {  	[spmem:s1] =	stream.indirect.scatter.add.f32 [tilespmem:s31], [sflag:s2], $0x80, s24, s15, $0xb8;
	v63 =	vld [tilespmem:$0x0]  }
0x4b: {  	p1 =	por p1, p0;
	s0 =	sand.u32 @!p0 $0xFF, s0  }
0x4c: {  	s11 =	sadd.s32 @!p1 $0x4, s0  }
0x4d: {  	_ =	swait.ge @!p1 [sflag:s11], $0x1E00  }
0x4e: {  	s2 =	simm.s32 @!p0 $0x3C;
	s7 =	sshll.u32 @!p0 s0, $0xD;
	[sflag:s11] =	ssyncset.done @!p1 $0x0  }
0x4f: {  	s0 =	sadd.s32 @!p0 $0x1, s0;
	s7 =	sadd.s32 @!p0 $0x2000, s7;
	[sflag:s11] =	ssyncadd.s32 @!p1 $0xFFFFE200  }
0x50: {  	[tilespmem:s7], [sflag:s0] =	stream.indirect.gather @!p0 [hbm4b:s4+s2], $0x80, s23, s2, $0xb8;
	v63 =	vld [tilespmem:$0x0]  }
0x51: {  	_ =	swait.ge [sflag:s19], $0x1E00  }
0x52: {  	[sflag:s19] =	ssyncset.done $0x0  }
0x53: {  	s22 =	sadd.s32 $0x1, s22;
	[sflag:s19] =	ssyncadd.s32 $0xFFFFE200  }
0x54: {  	p0 =	sne.s32 s22, $0x8;
	_ =	swait.ge [sflag:s20], $0x1E00  }
.Ltmp1:
0x55: {  	[sflag:s20] =	ssyncset.done $0x0;
	(pc) =	sbr.rel @p0 .LBB2_2-.Ltmp1, $4  }
0x56: {  	[sflag:s20] =	ssyncadd.s32 $0xFFFFE200  }
0x57: {  	_ =	swait.ge [sflag:s21], $0x1E00  }
0x58: {  	[sflag:s21] =	ssyncset.done $0x0  }
0x59: {  	[sflag:s21] =	ssyncadd.s32 $0xFFFFE200  }
0x5a: {  	[bflag:$0x0] =	sbarrier.arrive $0xFFFF  }
0x5b: {  	s0 =	rddreg [dreg:$0x4]  }
0x5c: {  	[hbm:s0], [sflag:s8] =	dma.local [spmem:s13], $0x3000  }
0x5d: {  	_ =	swait.ge [sflag:s14], $0x3000  }
0x5e: {  	s3 =	sadd.s32 $0x1, s3;
	s31 =	rddreg [dreg:$0x5]  }
0x5f: {  	p0 =	sne.s32 s3, s31  }
.Ltmp2:
0x60: {  	_ = 	snop;
	(pc) =	sbr.rel @p0 .LBB2_1-.Ltmp2, $3  }
0x61: {  	_ =	sdelay $0x1  }
0x62: {  	[sflag:s14] =	ssyncset.done $0x0  }
0x63: {  	[sflag:s14] =	ssyncadd.s32 $0xFFFFD000  }
0x64: {  	_ =	sfence.sel $0x180000  }
0x65: {  	[bflag:$0x0] =	sbarrier.arrive $0xFFFF  }
0x66: {  	_ =	strace $0x90000050  }
0x67: {  	s0 =	stileid.u32;
	[bflag:$0x2] =	sbarrier.arrive $0xFFFF  }
0x68: {  	p0 =	sne.s32 s0, $0x0;
	s0 =	rddreg [dreg:$0x2]  }
0x69: {  	s0 =	sadd.s32 @!p0 $0x100000, s0  }
0x6a: {  	[sflag:s0] =	ssyncadd.tile.s32 @!p0 $0x1;
	_ =	shalt  }
.Lfunc_end2:
_tile_overlayer_lowered:
.L_overlay_start_2:
0x6b: {  	(tag) =	ssettag $0x2  }
0x6c: {  	s0 =	rddreg [dreg:$0x0];
	s2 =	stileid.u32  }
0x6d: {  	s1 =	rddreg [dreg:$0x1];
	p0 =	sne.s32 s2, $0x0  }
0x6e: {  	s3 =	rddreg [dreg:$0x2];
	[bflag:$0x3] =	sbarrier.arrive $0xFFFF;
	s2 =	simm.s32 @!p0 $0x1C07  }
0x6f: {  	[timem:s3], [sflag:s2] =	dma.local @!p0 [hbm:s0], s1  }
0x70: {  	s0 =	simm.s32 @!p0 $0x7  }
0x71: {  	_ =	swait.ge @!p0 [sflag:s0], s1  }
0x72: {  	s1 =	ssub.s32 @!p0 $0x0, s1;
	[sflag:s0] =	ssyncset.done @!p0 $0x0  }
0x73: {  	[sflag:s0] =	ssyncadd.s32 @!p0 s1  }
0x74: {  	[bflag:$0x3] =	sbarrier.arrive $0xFFFF  }
0x75: {  	_ =	shalt  }

// kernel: kernel.32.cloned.1.call-start
scs
__scs_entry_jumppad:
0x0: {  	(pc) =	sbr.rel $0x88, $3  }
0x1: {  	(tag) =	ssettag $0x0;
	lr =	simm.s32 $0x1  }
0x2: {  	[smem:$0x3F6B] =	sst lr;
	_ =	strace $0xD0000000  }
0x3: {  	_ = 	snop  }
0x4: {  	_ = 	snop  }
0x5: {  	_ = 	snop  }
0x6: {  	_ = 	snop  }
0x7: {  	_ = 	snop  }
__scs_overlays_trampoline_lowered:
0x8: {  	[smem:$0x3F7A] =	sst s0  }
0x9: {  	[smem:$0x3F7B] =	sst s1  }
0xa: {  	[smem:$0x3F7C] =	sst s2  }
0xb: {  	[smem:$0x3F7D] =	sst s3  }
0xc: {  	[smem:$0x3F7E] =	sst s4  }
0xd: {  	[smem:$0x3F7F] =	sst s5  }
0xe: {  	[smem:$0x3F80] =	sst s6  }
0xf: {  	[smem:$0x3F81] =	sst s7  }
0x10: {  	[smem:$0x3F82] =	sst s8  }
0x11: {  	[smem:$0x3F83] =	sst s9;
	s0 =	simm.s32 @!p0 $0x0  }
0x12: {  	s1 =	sld [smem:$0x3F69];
	s0 =	simm.s32 @p0 $0x1  }
0x13: {  	[smem:$0x3F84] =	sst s0;
	s0 =	simm.s32 @!p1 $0x0  }
0x14: {  	s2 =	sld [smem:$0x3F68];
	s0 =	simm.s32 @p1 $0x1  }
0x15: {  	[smem:$0x3F85] =	sst s0;
	s0 =	simm.s32 @!p2 $0x0  }
0x16: {  	s3 =	sld [smem:$0x3FDB];
	s0 =	simm.s32 @p2 $0x1  }
0x17: {  	s4 =	simm.s32 $0x1BF5;
	[smem:$0x3F87] =	sst s0  }
0x18: {  	s0 =	sld [smem:$0x3F6A];
	_ =	swait.ge [sflag:s4], $0x0  }
0x19: {  	s7 =	sld [smem:$0x3F6B]  }
0x1a: {  	s8 =	sadd.s32 $0xFFFFE003, lr  }
0x1b: {  	s9 =	sadd.s32 $0xFFFFFEF7, lr;
	s5 =	simm.s32 $0xFFFFFFFF;
	p2 =	slt.u32 s8, $0xFFFFF086  }
0x1c: {  	p1 =	slt.u32 s9, $0xF7A;
	s5 =	simm.s32 @!p2 $0x0  }
0x1d: {  	s5 =	simm.s32 @p1 $0x1;
	p0 =	seq.s32 s7, s2  }
0x1e: {  	s7 =	smul.u32 @!p0 $0xF7A, s2;
	p2 =	seq.s32 @!p0 s5, $0x0  }
0x1f: {  	s9 =	smul.u32 $0xF7A, s1;
	s8 =	simm.s32 @!p0 $0x1BF5;
	p2 =	por !p2, p0  }
0x20: {  	[sflag:s8] =	ssyncset.s32 @!p0 $0xFFFFF086;
	s6 =	sadd.s32 @!p0 s3, s7;
	s7 =	simm.s32 @!p0 $0x108  }
0x21: {  	s3 =	sadd.s32 s3, s9;
	s6 =	sadd.s32 @!p0 $0x88, s6;
	s7 =	simm.s32 @p2 $0x1082  }
0x22: {  	[simem:s7], [sflag:s8] =	dma.local @!p0 [hbm:s6], $0xF7A  }
0x23: {  	s9 =	sor.u32 $0xD0000000, s2;
	s6 =	simm.s32 $0x108;
	_ =	swait.ge @!p0 [sflag:s8], $0x0  }
0x24: {  	s3 =	sadd.s32 $0x88, s3;
	s6 =	simm.s32 @!p1 $0x1082;
	[sflag:s4] =	ssyncset.s32 $0xFFFFF086  }
0x25: {  	[simem:s6], [sflag:s4] =	dma.local [hbm:s3], $0xF7A  }
0x26: {  	[smem:$0x3F6B] =	sst s1;
	(tag) =	ssettag s2;
	_ =	strace s9  }
0x27: {  	s1 =	sld [smem:$0x3F7B]  }
0x28: {  	s2 =	sld [smem:$0x3F7C]  }
0x29: {  	s4 =	sld [smem:$0x3F7E]  }
0x2a: {  	p0 =	seq.s32 s5, $0x0;
	s5 =	sld [smem:$0x3F7F]  }
0x2b: {  	s6 =	sld [smem:$0x3F80]  }
0x2c: {  	s7 =	sld [smem:$0x3F81]  }
0x2d: {  	s3 =	simm.s32 $0x108;
	s8 =	sld [smem:$0x3F82]  }
0x2e: {  	s3 =	simm.s32 @!p0 $0x1082;
	s9 =	sld [smem:$0x3F83]  }
0x2f: {  	lr =	sadd.s32 s0, s3;
	s0 =	sld [smem:$0x3F7A]  }
0x30: {  	s3 =	sld [smem:$0x3F7D]  }
0x31: {  	[smem:$0x3F86] =	sst s10  }
0x32: {  	s10 =	sld [smem:$0x3F84];
	_ =	sdelay $0x3  }
0x33: {  	p0 =	seq.s32 s10, $0x1;
	s10 =	sld [smem:$0x3F86];
	_ =	sdelay $0x3  }
0x34: {  	[smem:$0x3F86] =	sst s10  }
0x35: {  	s10 =	sld [smem:$0x3F85];
	_ =	sdelay $0x3  }
0x36: {  	p1 =	seq.s32 s10, $0x1;
	s10 =	sld [smem:$0x3F86];
	_ =	sdelay $0x3  }
0x37: {  	[smem:$0x3F86] =	sst s10  }
0x38: {  	s10 =	sld [smem:$0x3F87]  }
0x39: {  	_ = 	snop;
	(pc) =	sbr.ind lr, $3  }
0x3a: {  	_ = 	snop  }
0x3b: {  	_ = 	snop  }
0x3c: {  	p2 =	seq.s32 s10, $0x1;
	s10 =	sld [smem:$0x3F86]  }
0x3d: {  	_ =	shalt  }
0x3e: {  	_ =	shalt  }
0x3f: {  	_ =	shalt  }
0x40: {  	_ =	shalt  }
0x41: {  	_ =	shalt  }
0x42: {  	_ =	shalt  }
0x43: {  	_ =	shalt  }
0x44: {  	_ =	shalt  }
0x45: {  	_ =	shalt  }
0x46: {  	_ =	shalt  }
0x47: {  	_ =	shalt  }
0x48: {  	_ =	shalt  }
0x49: {  	_ =	shalt  }
0x4a: {  	_ =	shalt  }
0x4b: {  	_ =	shalt  }
0x4c: {  	_ =	shalt  }
0x4d: {  	_ =	shalt  }
0x4e: {  	_ =	shalt  }
0x4f: {  	_ =	shalt  }
0x50: {  	_ =	shalt  }
0x51: {  	_ =	shalt  }
0x52: {  	_ =	shalt  }
0x53: {  	_ =	shalt  }
0x54: {  	_ =	shalt  }
0x55: {  	_ =	shalt  }
0x56: {  	_ =	shalt  }
0x57: {  	_ =	shalt  }
0x58: {  	_ =	shalt  }
0x59: {  	_ =	shalt  }
0x5a: {  	_ =	shalt  }
0x5b: {  	_ =	shalt  }
0x5c: {  	_ =	shalt  }
0x5d: {  	_ =	shalt  }
0x5e: {  	_ =	shalt  }
0x5f: {  	_ =	shalt  }
0x60: {  	_ =	shalt  }
0x61: {  	_ =	shalt  }
0x62: {  	_ =	shalt  }
0x63: {  	_ =	shalt  }
0x64: {  	_ =	shalt  }
0x65: {  	_ =	shalt  }
0x66: {  	_ =	shalt  }
0x67: {  	_ =	shalt  }
0x68: {  	_ =	shalt  }
0x69: {  	_ =	shalt  }
0x6a: {  	_ =	shalt  }
0x6b: {  	_ =	shalt  }
0x6c: {  	_ =	shalt  }
0x6d: {  	_ =	shalt  }
0x6e: {  	_ =	shalt  }
0x6f: {  	_ =	shalt  }
0x70: {  	_ =	shalt  }
0x71: {  	_ =	shalt  }
0x72: {  	_ =	shalt  }
0x73: {  	_ =	shalt  }
0x74: {  	_ =	shalt  }
0x75: {  	_ =	shalt  }
0x76: {  	_ =	shalt  }
0x77: {  	_ =	shalt  }
0x78: {  	_ =	shalt  }
0x79: {  	_ =	shalt  }
0x7a: {  	_ =	shalt  }
0x7b: {  	_ =	shalt  }
0x7c: {  	_ =	shalt  }
0x7d: {  	_ =	shalt  }
0x7e: {  	_ =	shalt  }
0x7f: {  	_ =	shalt  }
0x80: {  	_ =	shalt  }
0x81: {  	_ =	shalt  }
0x82: {  	_ =	shalt  }
0x83: {  	_ =	shalt  }
0x84: {  	_ =	shalt  }
0x85: {  	_ =	shalt  }
0x86: {  	_ =	shalt  }
0x87: {  	_ =	shalt  }
.Lfunc_end0:
.L_simem_size_0:
called_computation.4_lowered:
.L_overlay_start_0:
0x88: {  	s2 =	sld [smem:$0x3FD9]  }
0x89: {  	s3 =	sld [smem:$0x3FFE];
	_ =	sdelay $0x1  }
0x8a: {  	s1 =	srdreg.scid  }
0x8b: {  	s0 =	sand.u32 $0x1, s1  }
0x8c: {  	s14 =	sshll.u32 s0, $0xA;
	s2 =	sadd.s32 s3, s2  }
0x8d: {  	s2 =	sadd.s32 s2, s14  }
0x8e: {  	[smem:$0x3F92] =	sst s2  }
0x8f: {  	_ = 	snop  }
0x90: {  	s2 =	sld [smem:$0x3FD0];
	_ =	sdelay $0x2  }
0x91: {  	s15 =	simm.s32 $0xA;
	s4 =	simm.s32 $0x10  }
0x92: {  	[smem:s4], [sflag:s15] =	dma.local [hbm:s2], $0x1  }
0x93: {  	_ =	swait.eq [sflag:s15], $0x1  }
0x94: {  	s16 =	sld [smem:$0x10];
	[sflag:s15] =	ssyncset.done $0x0  }
0x95: {  	s17 =	sld [smem:$0x11];
	[sflag:s15] =	ssyncadd.s32 $0xFFFFFFFF  }
0x96: {  	s18 =	sld [smem:$0x13];
	(tm) =	ssettm $0x1  }
0x97: {  	s5 =	sld [smem:$0x3FFB];
	_ =	sdelay $0x3  }
0x98: {  	_ =	strace s5  }
0x99: {  	s5 =	sld [smem:$0x3FFC];
	_ =	sdelay $0x3  }
0x9a: {  	_ =	strace s5  }
0x9b: {  	s5 =	sld [smem:$0x3FFD];
	_ =	sdelay $0x3  }
0x9c: {  	_ =	strace s5  }
0x9d: {  	_ =	strace $0x8FFFFFFF  }
0x9e: {  	s19 =	sld [smem:$0x3FDB];
	_ =	sdelay $0x1  }
0x9f: {  	s6 =	simm.s32 $_scs_section_size  }
0xa0: {  	s7 =	simm.s32 $_size__tile_overlayer_lowered;
	s8 =	simm.s32 $_tile_overlayer_lowered  }
0xa1: {  	s22 =	simm.s32 $0x1BFF;
	s21 =	sshll.u32 s8, $0x1;
	s5 =	sadd.s32 s6, s19  }
0xa2: {  	s9 =	simm.s32 $0x0;
	s20 =	sshll.u32 s7, $0x1;
	s7 =	sadd.s32 s21, s5  }
0xa3: {  	[timem:s9], [sflag:s22] =	dma.local [hbm:s7], s20  }
0xa4: {  	_ =	swait.ge [sflag:s22], s20  }
0xa5: {  	s6 =	ssub.s32 $0x0, s20;
	[sflag:s22] =	ssyncset.done $0x0  }
0xa6: {  	[sflag:s22] =	ssyncadd.s32 s6;
	_ =	sdelay $0x1  }
0xa7: {  	s23 =	simm.s32 $0x1B8B  }
0xa8: {  	_ =	swait.ge [sflag:s23], $0x1  }
0xa9: {  	[sflag:s23] =	ssyncset.done $0x0  }
0xaa: {  	s25 =	simm.s32 $0x1B8E;
	s24 =	sld [smem:$0x3FFE];
	[sflag:s23] =	ssyncadd.s32 $0xFFFFFFFF  }
0xab: {  	s26 =	simm.s32 $execute0_lowered;
	[smem:$0x3FD2] =	sst s25  }
0xac: {  	s7 =	sshll.u32 s26, $0x1;
	_ =	strace $0x80000052;
	[dreg:$0x1] =	wrdreg $0xFFFFFFFF  }
0xad: {  	s28 =	simm.s32 $_size_execute0_lowered;
	s5 =	sadd.s32 s5, s7;
	[dreg:$0x0] =	wrdreg $0x0  }
0xae: {  	s7 =	sshll.u32 s28, $0x1;
	[dreg:$0x2] =	wrdreg s5  }
0xaf: {  	[dreg:$0x3] =	wrdreg s7  }
0xb0: {  	[dreg:$0x4] =	wrdreg $0xC0  }
0xb1: {  	_ =	task [dreg:s9], $0x5FFFF  }
0xb2: {  	[dreg:$0x1] =	wrdreg $0xFFFFFFFF  }
0xb3: {  	[dreg:$0x0] =	wrdreg $0x60  }
0xb4: {  	[dreg:$0x2] =	wrdreg s24  }
0xb5: {  	[dreg:$0x3] =	wrdreg s18  }
0xb6: {  	[dreg:$0x4] =	wrdreg s16  }
0xb7: {  	[dreg:$0x5] =	wrdreg s17  }
0xb8: {  	[dreg:$0x6] =	wrdreg $0x68000  }
0xb9: {  	[dreg:$0x7] =	wrdreg $0x9  }
0xba: {  	_ =	task.clear_ibuf [dreg:s9], $0x8FFFF;
	_ =	strace $0x90000052  }
0xbb: {  	s29 =	simm.s32 $0x9;
	_ =	strace $0x80000054  }
0xbc: {  	_ =	swait.ge [sflag:s29], $0x1  }
0xbd: {  	[sflag:s29] =	ssyncadd.s32 $0xFFFFFFFF  }
0xbe: {  	_ =	strace $0x90000054  }
0xbf: {  	_ =	sfence  }
0xc0: {  	s30 =	sld [smem:$0x0];
	_ =	sdelay $0x2  }
0xc1: {  	s31 =	sshll.u32 s1, $0xD;
	s1 =	sshrl.u32 s1, $0x2  }
0xc2: {  	s3 =	sand.u32 $0x4000, s31;
	s1 =	sadd.s32 s1, s30  }
0xc3: {  	s0 =	sor.u32 s3, s0;
	s1 =	sshll.u32 s1, $0x11  }
0xc4: {  	s0 =	sor.u32 s1, s0  }
0xc5: {  	s0 =	sadd.s32 $0x8F2B, s0  }
0xc6: {  	[sflag:s0] =	ssyncadd.remote.s32 $0x1  }
0xc7: {  	_ =	sfence.sel $0xFFFF  }
0xc8: {  	[dreg:$0x0] =	wrdreg $0xFFFFFFFF;
	(pc) =	sbr.abs _section_cstart, $3  }
0xc9: {  	[dreg:$0x1] =	wrdreg $0xFFFFFFFF  }
0xca: {  	_ =	task.clear_ibuf [dreg:s9], $0x2FFFF;
	_ =	strace $0x9FFFFFFF  }
0xcb: {  	(tm) =	ssettm $0x7FFFFFFF  }
tec
execute0_lowered:
.L_overlay_start_1:
0x0: {  	(tag) =	ssettag $0x1  }
0x1: {  	s0 =	rddreg [dreg:$0x0]  }
0x2: {  	s3 =	rddreg [dreg:$0x1]  }
0x3: {  	s5 =	rddreg [dreg:$0x2]  }
0x4: {  	s1 =	rddreg [dreg:$0x3];
	s4 =	srdreg.scid  }
0x5: {  	s2 =	simm.s32 $0x0;
	s10 =	stileid.u32;
	s12 =	simm.s32 $0x60  }
0x6: {  	s13 =	simm.s32 $0x800;
	s25 =	simm.s32 $0x80;
	s14 =	simm.s32 $0x3800  }
0x7: {  	s26 =	simm.s32 $0x100;
	s15 =	simm.s32 $0x1;
	s16 =	simm.s32 $0x3  }
0x8: {  	s17 =	simm.s32 $0x2;
	s18 =	simm.s32 $0x480;
	s28 =	simm.s32 $0x680  }
0x9: {  	s29 =	simm.s32 $0x380;
	s30 =	simm.s32 $0x700;
	[dreg:$0x6] =	wrdreg s1  }
0xa: {  	s31 =	simm.s32 $0x780;
	s1 =	rddreg [dreg:$0x4];
	s6 =	sand.u32 $0x1, s4  }
0xb: {  	[smem:$0x7FF] =	sst s2;
	s4 =	sadd.s32 $0x9A000, s0;
	s20 =	sshll.u32 s10, $0x7  }
0xc: {  	s21 =	sshll.u32 s10, $0xE;
	s9 =	sshll.u32 s10, $0xB;
	s24 =	sshll.u32 s10, $0x6  }
0xd: {  	s7 =	smul.u32 $0x28000, s6;
	_ =	strace $0x80000053;
	s8 =	ssub.s32 $0x2, s6  }
0xe: {  	s6 =	smul.u32 $0x2800, s6;
	s5 =	sadd.s32 s5, s20;
	[dreg:$0x8] =	wrdreg s25  }
0xf: {  	s11 =	sadd.s32 s21, s1;
	s10 =	sor.u32 $0x1C05, s24;
	[dreg:$0x9] =	wrdreg s26  }
0x10: {  	s21 =	simm.s32 $0x500;
	s24 =	simm.s32 $0x280;
	s25 =	simm.s32 $0x600  }
0x11: {  	s26 =	simm.s32 $0x300;
	s19 =	sshrl.u32 s8, $0x1;
	[dreg:$0xa] =	wrdreg s5  }
0x12: {  	s11 =	sshrl.u32 s11, $0x3;
	s0 =	sadd.s32 s7, s0;
	s7 =	ssub.s32 s8, s19  }
0x13: {  	s3 =	sadd.s32 s6, s3;
	s8 =	simm.s32 $0x400;
	s19 =	simm.s32 $0x4  }
0x14: {  	s0 =	sadd.s32 s9, s0;
	s22 =	smax.u32 s7, $0x1;
	s23 =	sadd.s32 s20, s3  }
0x15: {  	s9 =	simm.s32 $0x5;
	s20 =	simm.s32 $0x180;
	[dreg:$0xb] =	wrdreg s22  }
0x16: {  	s0 =	sadd.s32 $0x3A000, s0;
	[dreg:$0x7] =	wrdreg s23;
	s22 =	simm.s32 $0x200  }
0x17: {  	s23 =	simm.s32 $0x580;
	[dreg:$0xc] =	wrdreg s0;
	s0 =	simm.s32 $0x0  }
.LBB2_1:
0x18: {  	s3 =	rddreg [dreg:$0xa]  }
0x19: {  	[tilespmem:s8], [sflag:$0x5] =	stream.linear.gather [hbm4b:s3+s2], $0x400, $0x38;
	[tilespmem:$0xA800] =	vst v63  }
0x1a: {  	_ =	swait.ge [sflag:s9], $0x400  }
0x1b: {  	s7 =	rddreg [dreg:$0x7];
	[sflag:s9] =	ssyncset.done $0x0  }
0x1c: {  	[sflag:s9] =	ssyncadd.s32 $0xFFFFFC00;
	s3 =	sadd.s32 $0x0, s7  }
0x1d: {  	[tilespmem:s2], [sflag:$0x5] =	stream.linear.gather [hbm4b:s3+s2], $0x400, $0x38;
	[tilespmem:$0xA800] =	vst v63  }
0x1e: {  	_ =	swait.ge [sflag:s9], $0x400  }
0x1f: {  	[sflag:s9] =	ssyncset.done $0x0  }
0x20: {  	s5 =	rddreg [dreg:$0x6];
	[sflag:s9] =	ssyncadd.s32 $0xFFFFFC00  }
0x21: {  	[spmem:s11], [sflag:s10] =	dma.local [hbm:s5], $0x800  }
0x22: {  	_ =	swait.ge [sflag:s9], $0x800  }
0x23: {  	[sflag:s9] =	ssyncset.done $0x0  }
0x24: {  	[sflag:s9] =	ssyncadd.s32 $0xFFFFF800  }
0x25: {  	[bflag:$0x0] =	sbarrier.arrive $0xFFFF  }
0x26: {  	[tilespmem:s13], [sflag:$0x1] =	stream.indirect.gather [hbm4b:s4+s12], $0x80, s2, s12, $0xb8;
	[tilespmem:$0xA800] =	vst v63  }
0x27: {  	s6 =	rddreg [dreg:$0x8]  }
0x28: {  	[tilespmem:s14], [sflag:$0x2] =	stream.indirect.gather [hbm4b:s4+s12], $0x80, s6, s12, $0xb8;
	[tilespmem:$0xA800] =	vst v63  }
0x29: {  	_ =	swait.ge [sflag:s15], $0x3000  }
0x2a: {  	[sflag:s15] =	ssyncset.done $0x0  }
0x2b: {  	[sflag:s15] =	ssyncadd.s32 $0xFFFFD000  }
0x2c: {  	[spmem:s1] =	stream.indirect.scatter.add.f32 [tilespmem:s13], [sflag:$0x3], $0x80, s8, s12, $0xb8;
	[tilespmem:$0xA800] =	vst v63  }
0x2d: {  	_ =	swait.ge [sflag:s16], $0x3000  }
0x2e: {  	[sflag:s16] =	ssyncset.done $0x0  }
0x2f: {  	s7 =	rddreg [dreg:$0x9];
	[sflag:s16] =	ssyncadd.s32 $0xFFFFD000  }
0x30: {  	[tilespmem:s13], [sflag:$0x1] =	stream.indirect.gather [hbm4b:s4+s12], $0x80, s7, s12, $0xb8;
	[tilespmem:$0xA800] =	vst v63  }
0x31: {  	_ =	swait.ge [sflag:s17], $0x3000  }
0x32: {  	[sflag:s17] =	ssyncset.done $0x0  }
0x33: {  	[sflag:s17] =	ssyncadd.s32 $0xFFFFD000  }
0x34: {  	[spmem:s1] =	stream.indirect.scatter.add.f32 [tilespmem:s14], [sflag:$0x4], $0x80, s18, s12, $0xb8;
	[tilespmem:$0xA800] =	vst v63  }
0x35: {  	_ =	swait.ge [sflag:s19], $0x3000  }
0x36: {  	[sflag:s19] =	ssyncset.done $0x0  }
0x37: {  	[sflag:s19] =	ssyncadd.s32 $0xFFFFD000  }
0x38: {  	[tilespmem:s14], [sflag:$0x2] =	stream.indirect.gather [hbm4b:s4+s12], $0x80, s20, s12, $0xb8;
	[tilespmem:$0xA800] =	vst v63  }
0x39: {  	_ =	swait.ge [sflag:s15], $0x3000  }
0x3a: {  	[sflag:s15] =	ssyncset.done $0x0  }
0x3b: {  	[sflag:s15] =	ssyncadd.s32 $0xFFFFD000  }
0x3c: {  	[spmem:s1] =	stream.indirect.scatter.add.f32 [tilespmem:s13], [sflag:$0x3], $0x80, s21, s12, $0xb8;
	[tilespmem:$0xA800] =	vst v63  }
0x3d: {  	_ =	swait.ge [sflag:s16], $0x3000  }
0x3e: {  	[sflag:s16] =	ssyncset.done $0x0  }
0x3f: {  	[sflag:s16] =	ssyncadd.s32 $0xFFFFD000  }
0x40: {  	[tilespmem:s13], [sflag:$0x1] =	stream.indirect.gather [hbm4b:s4+s12], $0x80, s22, s12, $0xb8;
	[tilespmem:$0xA800] =	vst v63  }
0x41: {  	_ =	swait.ge [sflag:s17], $0x3000  }
0x42: {  	[sflag:s17] =	ssyncset.done $0x0  }
0x43: {  	[sflag:s17] =	ssyncadd.s32 $0xFFFFD000  }
0x44: {  	[spmem:s1] =	stream.indirect.scatter.add.f32 [tilespmem:s14], [sflag:$0x4], $0x80, s23, s12, $0xb8;
	[tilespmem:$0xA800] =	vst v63  }
0x45: {  	_ =	swait.ge [sflag:s19], $0x3000  }
0x46: {  	[sflag:s19] =	ssyncset.done $0x0  }
0x47: {  	[sflag:s19] =	ssyncadd.s32 $0xFFFFD000  }
0x48: {  	[tilespmem:s14], [sflag:$0x2] =	stream.indirect.gather [hbm4b:s4+s12], $0x80, s24, s12, $0xb8;
	[tilespmem:$0xA800] =	vst v63  }
0x49: {  	_ =	swait.ge [sflag:s15], $0x3000  }
0x4a: {  	[sflag:s15] =	ssyncset.done $0x0  }
0x4b: {  	[sflag:s15] =	ssyncadd.s32 $0xFFFFD000  }
0x4c: {  	[spmem:s1] =	stream.indirect.scatter.add.f32 [tilespmem:s13], [sflag:$0x3], $0x80, s25, s12, $0xb8;
	[tilespmem:$0xA800] =	vst v63  }
0x4d: {  	_ =	swait.ge [sflag:s16], $0x3000  }
0x4e: {  	[sflag:s16] =	ssyncset.done $0x0  }
0x4f: {  	[sflag:s16] =	ssyncadd.s32 $0xFFFFD000  }
0x50: {  	[tilespmem:s13], [sflag:$0x1] =	stream.indirect.gather [hbm4b:s4+s12], $0x80, s26, s12, $0xb8;
	[tilespmem:$0xA800] =	vst v63  }
0x51: {  	_ =	swait.ge [sflag:s17], $0x3000  }
0x52: {  	[sflag:s17] =	ssyncset.done $0x0  }
0x53: {  	[sflag:s17] =	ssyncadd.s32 $0xFFFFD000  }
0x54: {  	[spmem:s1] =	stream.indirect.scatter.add.f32 [tilespmem:s14], [sflag:$0x4], $0x80, s28, s12, $0xb8;
	[tilespmem:$0xA800] =	vst v63  }
0x55: {  	_ =	swait.ge [sflag:s19], $0x3000  }
0x56: {  	[sflag:s19] =	ssyncset.done $0x0  }
0x57: {  	[sflag:s19] =	ssyncadd.s32 $0xFFFFD000  }
0x58: {  	[tilespmem:s14], [sflag:$0x2] =	stream.indirect.gather [hbm4b:s4+s12], $0x80, s29, s12, $0xb8;
	[tilespmem:$0xA800] =	vst v63  }
0x59: {  	_ =	swait.ge [sflag:s15], $0x3000  }
0x5a: {  	[sflag:s15] =	ssyncset.done $0x0  }
0x5b: {  	[sflag:s15] =	ssyncadd.s32 $0xFFFFD000  }
0x5c: {  	[spmem:s1] =	stream.indirect.scatter.add.f32 [tilespmem:s13], [sflag:$0x3], $0x80, s30, s12, $0xb8;
	[tilespmem:$0xA800] =	vst v63  }
0x5d: {  	_ =	swait.ge [sflag:s16], $0x3000  }
0x5e: {  	[sflag:s16] =	ssyncset.done $0x0  }
0x5f: {  	[sflag:s16] =	ssyncadd.s32 $0xFFFFD000  }
0x60: {  	_ =	swait.ge [sflag:s17], $0x3000  }
0x61: {  	[sflag:s17] =	ssyncset.done $0x0  }
0x62: {  	[sflag:s17] =	ssyncadd.s32 $0xFFFFD000  }
0x63: {  	[spmem:s1] =	stream.indirect.scatter.add.f32 [tilespmem:s14], [sflag:$0x4], $0x80, s31, s12, $0xb8;
	[tilespmem:$0xA800] =	vst v63  }
0x64: {  	_ =	swait.ge [sflag:s19], $0x3000  }
0x65: {  	[sflag:s19] =	ssyncset.done $0x0  }
0x66: {  	[sflag:s19] =	ssyncadd.s32 $0xFFFFD000  }
0x67: {  	[bflag:$0x0] =	sbarrier.arrive $0xFFFF  }
0x68: {  	s7 =	rddreg [dreg:$0xc]  }
0x69: {  	[hbm:s7], [sflag:s10] =	dma.local [spmem:s11], $0x800  }
0x6a: {  	_ =	swait.ge [sflag:s9], $0x800  }
0x6b: {  	[sflag:s9] =	ssyncset.done $0x0  }
0x6c: {  	s3 =	simm.s32 $0x800;
	[sflag:s9] =	ssyncadd.s32 $0xFFFFF800  }
.LBB2_2:
0x6d: {  	[bflag:$0x0] =	sbarrier.arrive $0xFFFF  }
0x6e: {  	s6 =	smov.u32 s3;
	s5 =	rddreg [dreg:$0x7]  }
0x6f: {  	s5 =	sadd.s32 s6, s5  }
0x70: {  	[tilespmem:s2], [sflag:$0x5] =	stream.linear.gather [hbm4b:s5+s2], $0x400, $0x38;
	[tilespmem:$0xA800] =	vst v63  }
0x71: {  	_ =	swait.ge [sflag:s9], $0x400  }
0x72: {  	[sflag:s9] =	ssyncset.done $0x0  }
0x73: {  	s6 =	rddreg [dreg:$0x6];
	[sflag:s9] =	ssyncadd.s32 $0xFFFFFC00  }
0x74: {  	[spmem:s11], [sflag:s10] =	dma.local [hbm:s6], $0x800  }
0x75: {  	_ =	swait.ge [sflag:s9], $0x800  }
0x76: {  	[sflag:s9] =	ssyncset.done $0x0  }
0x77: {  	[sflag:s9] =	ssyncadd.s32 $0xFFFFF800  }
0x78: {  	[bflag:$0x0] =	sbarrier.arrive $0xFFFF  }
0x79: {  	[tilespmem:s13], [sflag:$0x1] =	stream.indirect.gather [hbm4b:s4+s12], $0x80, s2, s12, $0xb8;
	[tilespmem:$0xA800] =	vst v63  }
0x7a: {  	s6 =	rddreg [dreg:$0x8]  }
0x7b: {  	[tilespmem:s14], [sflag:$0x2] =	stream.indirect.gather [hbm4b:s4+s12], $0x80, s6, s12, $0xb8;
	[tilespmem:$0xA800] =	vst v63  }
0x7c: {  	_ =	swait.ge [sflag:s15], $0x3000  }
0x7d: {  	[sflag:s15] =	ssyncset.done $0x0  }
0x7e: {  	[sflag:s15] =	ssyncadd.s32 $0xFFFFD000  }
0x7f: {  	[spmem:s1] =	stream.indirect.scatter.add.f32 [tilespmem:s13], [sflag:$0x3], $0x80, s8, s12, $0xb8;
	[tilespmem:$0xA800] =	vst v63  }
0x80: {  	_ =	swait.ge [sflag:s16], $0x3000  }
0x81: {  	[sflag:s16] =	ssyncset.done $0x0  }
0x82: {  	s6 =	rddreg [dreg:$0x9];
	[sflag:s16] =	ssyncadd.s32 $0xFFFFD000  }
0x83: {  	[tilespmem:s13], [sflag:$0x1] =	stream.indirect.gather [hbm4b:s4+s12], $0x80, s6, s12, $0xb8;
	[tilespmem:$0xA800] =	vst v63  }
0x84: {  	_ =	swait.ge [sflag:s17], $0x3000  }
0x85: {  	[sflag:s17] =	ssyncset.done $0x0  }
0x86: {  	[sflag:s17] =	ssyncadd.s32 $0xFFFFD000  }
0x87: {  	[spmem:s1] =	stream.indirect.scatter.add.f32 [tilespmem:s14], [sflag:$0x4], $0x80, s18, s12, $0xb8;
	[tilespmem:$0xA800] =	vst v63  }
0x88: {  	_ =	swait.ge [sflag:s19], $0x3000  }
0x89: {  	[sflag:s19] =	ssyncset.done $0x0  }
0x8a: {  	[sflag:s19] =	ssyncadd.s32 $0xFFFFD000  }
0x8b: {  	[tilespmem:s14], [sflag:$0x2] =	stream.indirect.gather [hbm4b:s4+s12], $0x80, s20, s12, $0xb8;
	[tilespmem:$0xA800] =	vst v63  }
0x8c: {  	_ =	swait.ge [sflag:s15], $0x3000  }
0x8d: {  	[sflag:s15] =	ssyncset.done $0x0  }
0x8e: {  	[sflag:s15] =	ssyncadd.s32 $0xFFFFD000  }
0x8f: {  	[spmem:s1] =	stream.indirect.scatter.add.f32 [tilespmem:s13], [sflag:$0x3], $0x80, s21, s12, $0xb8;
	[tilespmem:$0xA800] =	vst v63  }
0x90: {  	_ =	swait.ge [sflag:s16], $0x3000  }
0x91: {  	[sflag:s16] =	ssyncset.done $0x0  }
0x92: {  	[sflag:s16] =	ssyncadd.s32 $0xFFFFD000  }
0x93: {  	[tilespmem:s13], [sflag:$0x1] =	stream.indirect.gather [hbm4b:s4+s12], $0x80, s22, s12, $0xb8;
	[tilespmem:$0xA800] =	vst v63  }
0x94: {  	_ =	swait.ge [sflag:s17], $0x3000  }
0x95: {  	[sflag:s17] =	ssyncset.done $0x0  }
0x96: {  	[sflag:s17] =	ssyncadd.s32 $0xFFFFD000  }
0x97: {  	[spmem:s1] =	stream.indirect.scatter.add.f32 [tilespmem:s14], [sflag:$0x4], $0x80, s23, s12, $0xb8;
	[tilespmem:$0xA800] =	vst v63  }
0x98: {  	_ =	swait.ge [sflag:s19], $0x3000  }
0x99: {  	[sflag:s19] =	ssyncset.done $0x0  }
0x9a: {  	[sflag:s19] =	ssyncadd.s32 $0xFFFFD000  }
0x9b: {  	[tilespmem:s14], [sflag:$0x2] =	stream.indirect.gather [hbm4b:s4+s12], $0x80, s24, s12, $0xb8;
	[tilespmem:$0xA800] =	vst v63  }
0x9c: {  	_ =	swait.ge [sflag:s15], $0x3000  }
0x9d: {  	[sflag:s15] =	ssyncset.done $0x0  }
0x9e: {  	[sflag:s15] =	ssyncadd.s32 $0xFFFFD000  }
0x9f: {  	[spmem:s1] =	stream.indirect.scatter.add.f32 [tilespmem:s13], [sflag:$0x3], $0x80, s25, s12, $0xb8;
	[tilespmem:$0xA800] =	vst v63  }
0xa0: {  	_ =	swait.ge [sflag:s16], $0x3000  }
0xa1: {  	[sflag:s16] =	ssyncset.done $0x0  }
0xa2: {  	[sflag:s16] =	ssyncadd.s32 $0xFFFFD000  }
0xa3: {  	[tilespmem:s13], [sflag:$0x1] =	stream.indirect.gather [hbm4b:s4+s12], $0x80, s26, s12, $0xb8;
	[tilespmem:$0xA800] =	vst v63  }
0xa4: {  	_ =	swait.ge [sflag:s17], $0x3000  }
0xa5: {  	[sflag:s17] =	ssyncset.done $0x0  }
0xa6: {  	[sflag:s17] =	ssyncadd.s32 $0xFFFFD000  }
0xa7: {  	[spmem:s1] =	stream.indirect.scatter.add.f32 [tilespmem:s14], [sflag:$0x4], $0x80, s28, s12, $0xb8;
	[tilespmem:$0xA800] =	vst v63  }
0xa8: {  	_ =	swait.ge [sflag:s19], $0x3000  }
0xa9: {  	[sflag:s19] =	ssyncset.done $0x0  }
0xaa: {  	[sflag:s19] =	ssyncadd.s32 $0xFFFFD000  }
0xab: {  	[tilespmem:s14], [sflag:$0x2] =	stream.indirect.gather [hbm4b:s4+s12], $0x80, s29, s12, $0xb8;
	[tilespmem:$0xA800] =	vst v63  }
0xac: {  	_ =	swait.ge [sflag:s15], $0x3000  }
0xad: {  	[sflag:s15] =	ssyncset.done $0x0  }
0xae: {  	[sflag:s15] =	ssyncadd.s32 $0xFFFFD000  }
0xaf: {  	[spmem:s1] =	stream.indirect.scatter.add.f32 [tilespmem:s13], [sflag:$0x3], $0x80, s30, s12, $0xb8;
	[tilespmem:$0xA800] =	vst v63  }
0xb0: {  	_ =	swait.ge [sflag:s16], $0x3000  }
0xb1: {  	[sflag:s16] =	ssyncset.done $0x0  }
0xb2: {  	[sflag:s16] =	ssyncadd.s32 $0xFFFFD000  }
0xb3: {  	_ =	swait.ge [sflag:s17], $0x3000  }
0xb4: {  	[sflag:s17] =	ssyncset.done $0x0  }
0xb5: {  	[sflag:s17] =	ssyncadd.s32 $0xFFFFD000  }
0xb6: {  	[spmem:s1] =	stream.indirect.scatter.add.f32 [tilespmem:s14], [sflag:$0x4], $0x80, s31, s12, $0xb8;
	[tilespmem:$0xA800] =	vst v63  }
0xb7: {  	_ =	swait.ge [sflag:s19], $0x3000  }
0xb8: {  	[sflag:s19] =	ssyncset.done $0x0  }
0xb9: {  	p0 =	sne.s32 s3, $0x2000;
	[sflag:s19] =	ssyncadd.s32 $0xFFFFD000  }
.Ltmp0:
0xba: {  	s7 =	sadd.s32 $0x8000, s7;
	[bflag:$0x0] =	sbarrier.arrive $0xFFFF;
	(pc) =	sbr.rel @p0 .LBB2_2-.Ltmp0, $4  }
0xbb: {  	[hbm:s7], [sflag:s10] =	dma.local [spmem:s11], $0x800  }
0xbc: {  	_ =	swait.ge [sflag:s9], $0x800  }
0xbd: {  	[sflag:s9] =	ssyncset.done $0x0  }
0xbe: {  	s3 =	sadd.s32 $0x800, s3;
	[sflag:s9] =	ssyncadd.s32 $0xFFFFF800  }
0xbf: {  	s0 =	sadd.s32 $0x1, s0;
	s3 =	rddreg [dreg:$0xb]  }
0xc0: {  	p0 =	sne.s32 s0, s3  }
.Ltmp1:
0xc1: {  	_ = 	snop;
	(pc) =	sbr.rel @p0 .LBB2_1-.Ltmp1, $2  }
0xc2: {  	_ =	sdelay $0x1  }
0xc3: {  	[bflag:$0x0] =	sbarrier.arrive $0xFFFF;
	_ =	sdelay $0x1  }
0xc4: {  	_ =	sfence.sel $0x180000  }
0xc5: {  	[bflag:$0x0] =	sbarrier.arrive $0xFFFF  }
0xc6: {  	_ =	strace $0x90000053  }
0xc7: {  	s0 =	stileid.u32;
	[bflag:$0x2] =	sbarrier.arrive $0xFFFF  }
0xc8: {  	p0 =	sne.s32 s0, $0x0;
	s0 =	rddreg [dreg:$0x5]  }
0xc9: {  	s0 =	sadd.s32 @!p0 $0x100000, s0  }
0xca: {  	[sflag:s0] =	ssyncadd.tile.s32 @!p0 $0x1;
	_ =	shalt  }
.Lfunc_end2:
_tile_overlayer_lowered:
.L_overlay_start_2:
0xcb: {  	(tag) =	ssettag $0x2  }
0xcc: {  	s0 =	rddreg [dreg:$0x0];
	s2 =	stileid.u32  }
0xcd: {  	s1 =	rddreg [dreg:$0x1];
	p0 =	sne.s32 s2, $0x0  }
0xce: {  	s3 =	rddreg [dreg:$0x2];
	[bflag:$0x3] =	sbarrier.arrive $0xFFFF;
	s2 =	simm.s32 @!p0 $0x1C05  }
0xcf: {  	[timem:s3], [sflag:s2] =	dma.local @!p0 [hbm:s0], s1  }
0xd0: {  	s0 =	simm.s32 @!p0 $0x5  }
0xd1: {  	_ =	swait.ge @!p0 [sflag:s0], s1  }
0xd2: {  	s1 =	ssub.s32 @!p0 $0x0, s1;
	[sflag:s0] =	ssyncset.done @!p0 $0x0  }
0xd3: {  	[sflag:s0] =	ssyncadd.s32 @!p0 s1  }
0xd4: {  	[bflag:$0x3] =	sbarrier.arrive $0xFFFF  }
0xd5: {  	_ =	shalt  }

// kernel: kernel.35.cloned.1.call-start
scs
__scs_entry_jumppad:
0x0: {  	(pc) =	sbr.rel $0x88, $3  }
0x1: {  	(tag) =	ssettag $0x0;
	lr =	simm.s32 $0x1  }
0x2: {  	[smem:$0x3F6B] =	sst lr;
	_ =	strace $0xD0000000  }
0x3: {  	_ = 	snop  }
0x4: {  	_ = 	snop  }
0x5: {  	_ = 	snop  }
0x6: {  	_ = 	snop  }
0x7: {  	_ = 	snop  }
__scs_overlays_trampoline_lowered:
0x8: {  	[smem:$0x3F7A] =	sst s0  }
0x9: {  	[smem:$0x3F7B] =	sst s1  }
0xa: {  	[smem:$0x3F7C] =	sst s2  }
0xb: {  	[smem:$0x3F7D] =	sst s3  }
0xc: {  	[smem:$0x3F7E] =	sst s4  }
0xd: {  	[smem:$0x3F7F] =	sst s5  }
0xe: {  	[smem:$0x3F80] =	sst s6  }
0xf: {  	[smem:$0x3F81] =	sst s7  }
0x10: {  	[smem:$0x3F82] =	sst s8  }
0x11: {  	[smem:$0x3F83] =	sst s9;
	s0 =	simm.s32 @!p0 $0x0  }
0x12: {  	s1 =	sld [smem:$0x3F69];
	s0 =	simm.s32 @p0 $0x1  }
0x13: {  	[smem:$0x3F84] =	sst s0;
	s0 =	simm.s32 @!p1 $0x0  }
0x14: {  	s2 =	sld [smem:$0x3F68];
	s0 =	simm.s32 @p1 $0x1  }
0x15: {  	[smem:$0x3F85] =	sst s0;
	s0 =	simm.s32 @!p2 $0x0  }
0x16: {  	s3 =	sld [smem:$0x3FDB];
	s0 =	simm.s32 @p2 $0x1  }
0x17: {  	s4 =	simm.s32 $0x1BF5;
	[smem:$0x3F87] =	sst s0  }
0x18: {  	s0 =	sld [smem:$0x3F6A];
	_ =	swait.ge [sflag:s4], $0x0  }
0x19: {  	s7 =	sld [smem:$0x3F6B]  }
0x1a: {  	s8 =	sadd.s32 $0xFFFFE003, lr  }
0x1b: {  	s9 =	sadd.s32 $0xFFFFFEF7, lr;
	s5 =	simm.s32 $0xFFFFFFFF;
	p2 =	slt.u32 s8, $0xFFFFF086  }
0x1c: {  	p1 =	slt.u32 s9, $0xF7A;
	s5 =	simm.s32 @!p2 $0x0  }
0x1d: {  	s5 =	simm.s32 @p1 $0x1;
	p0 =	seq.s32 s7, s2  }
0x1e: {  	s7 =	smul.u32 @!p0 $0xF7A, s2;
	p2 =	seq.s32 @!p0 s5, $0x0  }
0x1f: {  	s9 =	smul.u32 $0xF7A, s1;
	s8 =	simm.s32 @!p0 $0x1BF5;
	p2 =	por !p2, p0  }
0x20: {  	[sflag:s8] =	ssyncset.s32 @!p0 $0xFFFFF086;
	s6 =	sadd.s32 @!p0 s3, s7;
	s7 =	simm.s32 @!p0 $0x108  }
0x21: {  	s3 =	sadd.s32 s3, s9;
	s6 =	sadd.s32 @!p0 $0x88, s6;
	s7 =	simm.s32 @p2 $0x1082  }
0x22: {  	[simem:s7], [sflag:s8] =	dma.local @!p0 [hbm:s6], $0xF7A  }
0x23: {  	s9 =	sor.u32 $0xD0000000, s2;
	s6 =	simm.s32 $0x108;
	_ =	swait.ge @!p0 [sflag:s8], $0x0  }
0x24: {  	s3 =	sadd.s32 $0x88, s3;
	s6 =	simm.s32 @!p1 $0x1082;
	[sflag:s4] =	ssyncset.s32 $0xFFFFF086  }
0x25: {  	[simem:s6], [sflag:s4] =	dma.local [hbm:s3], $0xF7A  }
0x26: {  	[smem:$0x3F6B] =	sst s1;
	(tag) =	ssettag s2;
	_ =	strace s9  }
0x27: {  	s1 =	sld [smem:$0x3F7B]  }
0x28: {  	s2 =	sld [smem:$0x3F7C]  }
0x29: {  	s4 =	sld [smem:$0x3F7E]  }
0x2a: {  	p0 =	seq.s32 s5, $0x0;
	s5 =	sld [smem:$0x3F7F]  }
0x2b: {  	s6 =	sld [smem:$0x3F80]  }
0x2c: {  	s7 =	sld [smem:$0x3F81]  }
0x2d: {  	s3 =	simm.s32 $0x108;
	s8 =	sld [smem:$0x3F82]  }
0x2e: {  	s3 =	simm.s32 @!p0 $0x1082;
	s9 =	sld [smem:$0x3F83]  }
0x2f: {  	lr =	sadd.s32 s0, s3;
	s0 =	sld [smem:$0x3F7A]  }
0x30: {  	s3 =	sld [smem:$0x3F7D]  }
0x31: {  	[smem:$0x3F86] =	sst s10  }
0x32: {  	s10 =	sld [smem:$0x3F84];
	_ =	sdelay $0x3  }
0x33: {  	p0 =	seq.s32 s10, $0x1;
	s10 =	sld [smem:$0x3F86];
	_ =	sdelay $0x3  }
0x34: {  	[smem:$0x3F86] =	sst s10  }
0x35: {  	s10 =	sld [smem:$0x3F85];
	_ =	sdelay $0x3  }
0x36: {  	p1 =	seq.s32 s10, $0x1;
	s10 =	sld [smem:$0x3F86];
	_ =	sdelay $0x3  }
0x37: {  	[smem:$0x3F86] =	sst s10  }
0x38: {  	s10 =	sld [smem:$0x3F87]  }
0x39: {  	_ = 	snop;
	(pc) =	sbr.ind lr, $3  }
0x3a: {  	_ = 	snop  }
0x3b: {  	_ = 	snop  }
0x3c: {  	p2 =	seq.s32 s10, $0x1;
	s10 =	sld [smem:$0x3F86]  }
0x3d: {  	_ =	shalt  }
0x3e: {  	_ =	shalt  }
0x3f: {  	_ =	shalt  }
0x40: {  	_ =	shalt  }
0x41: {  	_ =	shalt  }
0x42: {  	_ =	shalt  }
0x43: {  	_ =	shalt  }
0x44: {  	_ =	shalt  }
0x45: {  	_ =	shalt  }
0x46: {  	_ =	shalt  }
0x47: {  	_ =	shalt  }
0x48: {  	_ =	shalt  }
0x49: {  	_ =	shalt  }
0x4a: {  	_ =	shalt  }
0x4b: {  	_ =	shalt  }
0x4c: {  	_ =	shalt  }
0x4d: {  	_ =	shalt  }
0x4e: {  	_ =	shalt  }
0x4f: {  	_ =	shalt  }
0x50: {  	_ =	shalt  }
0x51: {  	_ =	shalt  }
0x52: {  	_ =	shalt  }
0x53: {  	_ =	shalt  }
0x54: {  	_ =	shalt  }
0x55: {  	_ =	shalt  }
0x56: {  	_ =	shalt  }
0x57: {  	_ =	shalt  }
0x58: {  	_ =	shalt  }
0x59: {  	_ =	shalt  }
0x5a: {  	_ =	shalt  }
0x5b: {  	_ =	shalt  }
0x5c: {  	_ =	shalt  }
0x5d: {  	_ =	shalt  }
0x5e: {  	_ =	shalt  }
0x5f: {  	_ =	shalt  }
0x60: {  	_ =	shalt  }
0x61: {  	_ =	shalt  }
0x62: {  	_ =	shalt  }
0x63: {  	_ =	shalt  }
0x64: {  	_ =	shalt  }
0x65: {  	_ =	shalt  }
0x66: {  	_ =	shalt  }
0x67: {  	_ =	shalt  }
0x68: {  	_ =	shalt  }
0x69: {  	_ =	shalt  }
0x6a: {  	_ =	shalt  }
0x6b: {  	_ =	shalt  }
0x6c: {  	_ =	shalt  }
0x6d: {  	_ =	shalt  }
0x6e: {  	_ =	shalt  }
0x6f: {  	_ =	shalt  }
0x70: {  	_ =	shalt  }
0x71: {  	_ =	shalt  }
0x72: {  	_ =	shalt  }
0x73: {  	_ =	shalt  }
0x74: {  	_ =	shalt  }
0x75: {  	_ =	shalt  }
0x76: {  	_ =	shalt  }
0x77: {  	_ =	shalt  }
0x78: {  	_ =	shalt  }
0x79: {  	_ =	shalt  }
0x7a: {  	_ =	shalt  }
0x7b: {  	_ =	shalt  }
0x7c: {  	_ =	shalt  }
0x7d: {  	_ =	shalt  }
0x7e: {  	_ =	shalt  }
0x7f: {  	_ =	shalt  }
0x80: {  	_ =	shalt  }
0x81: {  	_ =	shalt  }
0x82: {  	_ =	shalt  }
0x83: {  	_ =	shalt  }
0x84: {  	_ =	shalt  }
0x85: {  	_ =	shalt  }
0x86: {  	_ =	shalt  }
0x87: {  	_ =	shalt  }
.Lfunc_end0:
.L_simem_size_0:
called_computation.5_lowered:
.L_overlay_start_0:
0x88: {  	s2 =	sld [smem:$0x3FD9]  }
0x89: {  	s3 =	sld [smem:$0x3FFE];
	_ =	sdelay $0x1  }
0x8a: {  	s1 =	srdreg.scid  }
0x8b: {  	s0 =	sand.u32 $0x1, s1  }
0x8c: {  	s16 =	sshll.u32 s0, $0xA;
	s2 =	sadd.s32 s3, s2  }
0x8d: {  	s2 =	sadd.s32 s2, s16  }
0x8e: {  	[smem:$0x3F92] =	sst s2  }
0x8f: {  	_ = 	snop  }
0x90: {  	(tm) =	ssettm $0x1  }
0x91: {  	s17 =	sld [smem:$0x3FFB];
	_ =	sdelay $0x3  }
0x92: {  	_ =	strace s17  }
0x93: {  	s2 =	sld [smem:$0x3FFC];
	_ =	sdelay $0x3  }
0x94: {  	_ =	strace s2  }
0x95: {  	s2 =	sld [smem:$0x3FFD];
	_ =	sdelay $0x3  }
0x96: {  	_ =	strace s2  }
0x97: {  	_ =	strace $0x8FFFFFFF  }
0x98: {  	s18 =	sld [smem:$0x3FDB];
	_ =	sdelay $0x1  }
0x99: {  	s19 =	simm.s32 $_scs_section_size  }
0x9a: {  	s4 =	simm.s32 $_size__tile_overlayer_lowered;
	s5 =	simm.s32 $_tile_overlayer_lowered  }
0x9b: {  	s22 =	simm.s32 $0x1BFF;
	s21 =	sshll.u32 s5, $0x1;
	s2 =	sadd.s32 s19, s18  }
0x9c: {  	s6 =	simm.s32 $0x0;
	s20 =	sshll.u32 s4, $0x1;
	s4 =	sadd.s32 s21, s2  }
0x9d: {  	[timem:s6], [sflag:s22] =	dma.local [hbm:s4], s20  }
0x9e: {  	_ =	swait.ge [sflag:s22], s20  }
0x9f: {  	s3 =	ssub.s32 $0x0, s20;
	[sflag:s22] =	ssyncset.done $0x0  }
0xa0: {  	[sflag:s22] =	ssyncadd.s32 s3;
	_ =	sdelay $0x1  }
0xa1: {  	s23 =	simm.s32 $0x1B8B  }
0xa2: {  	_ =	swait.ge [sflag:s23], $0x1  }
0xa3: {  	[sflag:s23] =	ssyncset.done $0x0  }
0xa4: {  	s25 =	simm.s32 $0x1B8E;
	s24 =	sld [smem:$0x3FFE];
	[sflag:s23] =	ssyncadd.s32 $0xFFFFFFFF  }
0xa5: {  	s26 =	simm.s32 $execute0_lowered;
	[smem:$0x3FD2] =	sst s25  }
0xa6: {  	s4 =	sshll.u32 s26, $0x1;
	_ =	strace $0x80000055;
	[dreg:$0x1] =	wrdreg $0xFFFFFFFF  }
0xa7: {  	s28 =	simm.s32 $_size_execute0_lowered;
	s2 =	sadd.s32 s2, s4;
	[dreg:$0x0] =	wrdreg $0x0  }
0xa8: {  	s4 =	sshll.u32 s28, $0x1;
	[dreg:$0x2] =	wrdreg s2  }
0xa9: {  	[dreg:$0x3] =	wrdreg s4  }
0xaa: {  	[dreg:$0x4] =	wrdreg $0xC0  }
0xab: {  	_ =	task [dreg:s6], $0x5FFFF  }
0xac: {  	[dreg:$0x1] =	wrdreg $0xFFFFFFFF  }
0xad: {  	[dreg:$0x0] =	wrdreg $0x60  }
0xae: {  	[dreg:$0x2] =	wrdreg s24  }
0xaf: {  	[dreg:$0x3] =	wrdreg $0x80000  }
0xb0: {  	[dreg:$0x4] =	wrdreg $0x9  }
0xb1: {  	_ =	task.clear_ibuf [dreg:s6], $0x5FFFF;
	_ =	strace $0x90000055  }
0xb2: {  	s29 =	simm.s32 $0x9;
	_ =	strace $0x80000057  }
0xb3: {  	_ =	swait.ge [sflag:s29], $0x1  }
0xb4: {  	[sflag:s29] =	ssyncadd.s32 $0xFFFFFFFF  }
0xb5: {  	_ =	strace $0x90000057  }
0xb6: {  	_ =	sfence  }
0xb7: {  	s30 =	sld [smem:$0x0];
	_ =	sdelay $0x2  }
0xb8: {  	s31 =	sshll.u32 s1, $0xD;
	s1 =	sshrl.u32 s1, $0x2  }
0xb9: {  	s3 =	sand.u32 $0x4000, s31;
	s1 =	sadd.s32 s1, s30  }
0xba: {  	s0 =	sor.u32 s3, s0;
	s1 =	sshll.u32 s1, $0x11  }
0xbb: {  	s0 =	sor.u32 s1, s0  }
0xbc: {  	s0 =	sadd.s32 $0x8F2B, s0  }
0xbd: {  	[sflag:s0] =	ssyncadd.remote.s32 $0x1  }
0xbe: {  	_ =	sfence.sel $0xFFFF  }
0xbf: {  	[dreg:$0x0] =	wrdreg $0xFFFFFFFF;
	(pc) =	sbr.abs _section_cstart, $3  }
0xc0: {  	[dreg:$0x1] =	wrdreg $0xFFFFFFFF  }
0xc1: {  	_ =	task.clear_ibuf [dreg:s6], $0x2FFFF;
	_ =	strace $0x9FFFFFFF  }
0xc2: {  	(tm) =	ssettm $0x7FFFFFFF  }
0xc3: {  	_ =	shalt  }
tec
execute0_lowered:
.L_overlay_start_1:
0x0: {  	(tag) =	ssettag $0x1  }
0x1: {  	s0 =	rddreg [dreg:$0x0]  }
0x2: {  	s1 =	rddreg [dreg:$0x1];
	s2 =	srdreg.scid  }
0x3: {  	s3 =	simm.s32 $0x0;
	s11 =	stileid.u32;
	s14 =	simm.s32 $0x7  }
0x4: {  	s15 =	simm.s32 $0x3C;
	s16 =	simm.s32 $0x2000;
	s17 =	simm.s32 $0x80  }
0x5: {  	s18 =	simm.s32 $0x4000;
	s19 =	simm.s32 $0x5;
	s20 =	simm.s32 $0x6  }
0x6: {  	s21 =	simm.s32 $0x4;
	s2 =	sand.u32 $0x1, s2;
	s7 =	smul.u32 $0x300, s11  }
0x7: {  	[smem:$0x7FF] =	sst s3;
	s4 =	sadd.s32 $0x3A000, s0;
	s9 =	smul.u32 $0x60000, s11  }
0x8: {  	s5 =	sadd.s32 $0x1A000, s0;
	s30 =	sshll.u32 s11, $0x6;
	s6 =	smul.u32 $0x3000, s2  }
0x9: {  	_ =	strace $0x80000056;
	s8 =	ssub.s32 $0x2, s2;
	s2 =	sshll.u32 s2, $0x13  }
0xa: {  	s10 =	sshrl.u32 s8, $0x1;
	s29 =	sshrl.u32 s9, $0x2;
	s9 =	sshll.u32 s11, $0xF  }
0xb: {  	s7 =	sadd.s32 s7, s6;
	s6 =	sadd.s32 $0xA000, s0;
	s12 =	ssub.s32 s8, s10  }
0xc: {  	s13 =	sadd.s32 s29, s1;
	s7 =	sshll.u32 s7, $0x4;
	s31 =	smax.u32 s12, $0x1  }
0xd: {  	s0 =	sadd.s32 s7, s0;
	s7 =	sadd.s32 s4, s7;
	[dreg:$0x5] =	wrdreg s31  }
0xe: {  	s8 =	sor.u32 $0x1C07, s30;
	[dreg:$0x3] =	wrdreg s7;
	s0 =	sadd.s32 $0x9A000, s0  }
0xf: {  	s10 =	sor.u32 s9, s2;
	s13 =	sshrl.u32 s13, $0x3;
	[dreg:$0x4] =	wrdreg s0  }
.LBB2_1:
0x10: {  	s0 =	rddreg [dreg:$0x3]  }
0x11: {  	[spmem:s13], [sflag:s8] =	dma.local [hbm:s0], $0x3000  }
0x12: {  	_ =	swait.ge [sflag:s14], $0x3000  }
0x13: {  	[sflag:s14] =	ssyncset.done $0x0  }
0x14: {  	[sflag:s14] =	ssyncadd.s32 $0xFFFFD000  }
0x15: {  	s22 =	simm.s32 $0x0;
	[bflag:$0x0] =	sbarrier.arrive $0xFFFF  }
.LBB2_2:
0x16: {  	s0 =	sshll.u32 s22, $0xC  }
0x17: {  	s2 =	sadd.s32 s10, s0  }
0x18: {  	s2 =	sshrl.u32 s2, $0x3  }
0x19: {  	s23 =	simm.s32 $0x0;
	s2 =	sadd.s32 s5, s2  }
0x1a: {  	[tilespmem:s23], [sflag:$0x7] =	stream.linear.gather [hbm4b:s2+s23], $0xC80, $0x38;
	v63 =	vld [tilespmem:$0x0]  }
0x1b: {  	s0 =	sor.u32 s9, s0;
	_ =	swait.ge [sflag:s14], $0xC80  }
0x1c: {  	s12 =	simm.s32 $0x1000;
	s0 =	sshrl.u32 s0, $0x3;
	[sflag:s14] =	ssyncset.done $0x0  }
0x1d: {  	s26 =	smul.u32 $0xAB, s23;
	s0 =	sadd.s32 s6, s0;
	[sflag:s14] =	ssyncadd.s32 $0xFFFFF380  }
0x1e: {  	[tilespmem:s12], [sflag:$0x7] =	stream.linear.gather [hbm4b:s0+s23], $0xC80, $0x38;
	v63 =	vld [tilespmem:$0x0]  }
0x1f: {  	s0 =	sshrl.u32 s26, $0x9;
	_ =	swait.ge [sflag:s14], $0xC80  }
0x20: {  	p1 =	por $0x0, $0x0;
	s0 =	sand.u32 $0x7F, s0;
	[sflag:s14] =	ssyncset.done $0x0  }
0x21: {  	s25 =	simm.s32 $0x1;
	s0 =	smul.u32 $0x3, s0;
	[sflag:s14] =	ssyncadd.s32 $0xFFFFF380  }
0x22: {  	[tilespmem:s16], [sflag:$0x1] =	stream.indirect.gather [hbm4b:s4+s15], $0x80, s23, s15, $0xb8;
	v63 =	vld [tilespmem:$0x0]  }
0x23: {  	s28 =	simm.s32 $0x2;
	s23 =	simm.s32 $0x2;
	s0 =	ssub.s32 $0x0, s0  }
0x24: {  	s24 =	simm.s32 $0x1080;
	s23 =	smul.u32 @!p1 $0xAB, s23;
	s0 =	sand.u32 $0xFF, s0  }
0x25: {  	[tilespmem:s18], [sflag:$0x2] =	stream.indirect.gather [hbm4b:s4+s15], $0x80, s17, s15, $0xb8;
	v63 =	vld [tilespmem:$0x0]  }
0x26: {  	p0 =	por p1, p1;
	p1 =	por @!p1 $0x1, $0x1;
	s29 =	sadd.s32 $0x1, s0  }
0x27: {  	s31 =	sshll.u32 s0, $0xD;
	s23 =	sshrl.u32 @!p0 s23, $0x9;
	_ =	swait.ge [sflag:s29], $0x1E00  }
0x28: {  	s0 =	sor.u32 $0x4, s0;
	s23 =	sand.u32 @!p0 $0x7F, s23;
	[sflag:s29] =	ssyncset.done $0x0  }
0x29: {  	s30 =	smul.u32 @!p0 $0x3, s23;
	[sflag:s29] =	ssyncadd.s32 $0xFFFFE200;
	s29 =	sadd.s32 $0x2000, s31  }
0x2a: {  	[spmem:s1] =	stream.indirect.scatter.add.f32 [tilespmem:s29], [sflag:s0], $0x80, s12, s15, $0xb8;
	v63 =	vld [tilespmem:$0x0]  }
0x2b: {  	s26 =	simm.s32 $0x100;
	p1 =	por p1, p0;
	s30 =	ssub.s32 @!p0 $0x2, s30  }
0x2c: {  	s23 =	simm.s32 $0x180;
	s31 =	smul.u32 $0xAB, s25;
	s30 =	sand.u32 @!p0 $0xFF, s30  }
0x2d: {  	s29 =	simm.s32 @!p0 $0x3C;
	s0 =	sadd.s32 @!p1 $0x4, s30;
	s2 =	sshll.u32 @!p0 s30, $0xD  }
.LBB2_3:
0x2e: {  	s7 =	sadd.s32 $0x2, s25;
	p3 =	sgt.u32 s25, $0x16  }
0x2f: {  	_ =	swait.ge @!p1 [sflag:s0], $0x1E00;
	s11 =	smov.u32 s28;
	s12 =	smov.u32 s24  }
0x30: {  	s31 =	sshrl.u32 s31, $0x9;
	s2 =	sadd.s32 @!p0 $0x2000, s2;
	[sflag:s0] =	ssyncset.done @!p1 $0x0  }
0x31: {  	s31 =	sand.u32 $0x7F, s31;
	[sflag:s0] =	ssyncadd.s32 @!p1 $0xFFFFE200;
	s0 =	sadd.s32 @!p0 $0x1, s30  }
0x32: {  	[tilespmem:s2], [sflag:s0] =	stream.indirect.gather @!p0 [hbm4b:s4+s29], $0x80, s26, s29, $0xb8;
	v63 =	vld [tilespmem:$0x0]  }
0x33: {  	s28 =	sadd.s32 $0x1, s28;
	p1 =	seq.s32 @!p3 s25, $0x0;
	s0 =	smul.u32 $0x3, s31  }
0x34: {  	p2 =	sne.s32 s28, $0x19;
	s2 =	smul.u32 @!p3 $0xAB, s7;
	s26 =	smov.u32 s23  }
0x35: {  	p0 =	por p3, p3;
	s0 =	ssub.s32 s25, s0;
	s25 =	smov.u32 s11  }
0x36: {  	s24 =	sadd.s32 $0x80, s24;
	s2 =	sshrl.u32 @!p0 s2, $0x9;
	s0 =	sand.u32 $0xFF, s0  }
0x37: {  	s23 =	sadd.s32 $0x80, s23;
	s2 =	sand.u32 @!p0 $0x7F, s2;
	s11 =	sshll.u32 s0, $0xD  }
0x38: {  	p1 =	por p1, p0;
	s30 =	sadd.s32 $0x1, s0;
	s2 =	smul.u32 @!p0 $0x3, s2  }
.Ltmp0:
0x39: {  	s29 =	simm.s32 @!p0 $0x3C;
	_ =	swait.ge [sflag:s30], $0x1E00;
	(pc) =	sbr.rel @p2 .LBB2_3-.Ltmp0, $4  }
0x3a: {  	s31 =	smul.u32 $0xAB, s25;
	s2 =	ssub.s32 @!p0 s7, s2;
	[sflag:s30] =	ssyncset.done $0x0  }
0x3b: {  	s7 =	sor.u32 $0x4, s0;
	[sflag:s30] =	ssyncadd.s32 $0xFFFFE200;
	s30 =	sand.u32 @!p0 $0xFF, s2  }
0x3c: {  	s11 =	sadd.s32 $0x2000, s11;
	s0 =	sadd.s32 @!p1 $0x4, s30;
	s2 =	sshll.u32 @!p0 s30, $0xD  }
0x3d: {  	[spmem:s1] =	stream.indirect.scatter.add.f32 [tilespmem:s11], [sflag:s7], $0x80, s12, s15, $0xb8;
	v63 =	vld [tilespmem:$0x0]  }
0x3e: {  	_ =	swait.ge @!p1 [sflag:s0], $0x1E00  }
0x3f: {  	s7 =	sshrl.u32 s31, $0x9;
	s2 =	sadd.s32 @!p0 $0x2000, s2;
	[sflag:s0] =	ssyncset.done @!p1 $0x0  }
0x40: {  	s7 =	sand.u32 $0x7F, s7;
	[sflag:s0] =	ssyncadd.s32 @!p1 $0xFFFFE200;
	s0 =	sadd.s32 @!p0 $0x1, s30  }
0x41: {  	[tilespmem:s2], [sflag:s0] =	stream.indirect.gather @!p0 [hbm4b:s4+s29], $0x80, s26, s29, $0xb8;
	v63 =	vld [tilespmem:$0x0]  }
0x42: {  	p1 =	sgt.u32 s25, $0x16;
	s30 =	smul.u32 $0x3, s7;
	s0 =	sadd.s32 $0x2, s25  }
0x43: {  	s7 =	smul.u32 @!p1 $0xAB, s0  }
0x44: {  	p0 =	por p1, p1;
	s2 =	ssub.s32 s25, s30  }
0x45: {  	s2 =	sand.u32 $0xFF, s2;
	s7 =	sshrl.u32 @!p0 s7, $0x9  }
0x46: {  	s11 =	sadd.s32 $0x1, s2;
	s7 =	sand.u32 @!p0 $0x7F, s7  }
0x47: {  	p1 =	seq.s32 @!p1 s25, $0x0;
	_ =	swait.ge [sflag:s11], $0x1E00;
	s7 =	smul.u32 @!p0 $0x3, s7  }
0x48: {  	s12 =	sshll.u32 s2, $0xD;
	s2 =	sor.u32 $0x4, s2;
	[sflag:s11] =	ssyncset.done $0x0  }
0x49: {  	s31 =	sadd.s32 $0x2000, s12;
	[sflag:s11] =	ssyncadd.s32 $0xFFFFE200;
	s0 =	ssub.s32 @!p0 s0, s7  }
0x4a: {  	[spmem:s1] =	stream.indirect.scatter.add.f32 [tilespmem:s31], [sflag:s2], $0x80, s24, s15, $0xb8;
	v63 =	vld [tilespmem:$0x0]  }
0x4b: {  	p1 =	por p1, p0;
	s0 =	sand.u32 @!p0 $0xFF, s0  }
0x4c: {  	s11 =	sadd.s32 @!p1 $0x4, s0  }
0x4d: {  	_ =	swait.ge @!p1 [sflag:s11], $0x1E00  }
0x4e: {  	s2 =	simm.s32 @!p0 $0x3C;
	s7 =	sshll.u32 @!p0 s0, $0xD;
	[sflag:s11] =	ssyncset.done @!p1 $0x0  }
0x4f: {  	s0 =	sadd.s32 @!p0 $0x1, s0;
	s7 =	sadd.s32 @!p0 $0x2000, s7;
	[sflag:s11] =	ssyncadd.s32 @!p1 $0xFFFFE200  }
0x50: {  	[tilespmem:s7], [sflag:s0] =	stream.indirect.gather @!p0 [hbm4b:s4+s2], $0x80, s23, s2, $0xb8;
	v63 =	vld [tilespmem:$0x0]  }
0x51: {  	_ =	swait.ge [sflag:s19], $0x1E00  }
0x52: {  	[sflag:s19] =	ssyncset.done $0x0  }
0x53: {  	s22 =	sadd.s32 $0x1, s22;
	[sflag:s19] =	ssyncadd.s32 $0xFFFFE200  }
0x54: {  	p0 =	sne.s32 s22, $0x8;
	_ =	swait.ge [sflag:s20], $0x1E00  }
.Ltmp1:
0x55: {  	[sflag:s20] =	ssyncset.done $0x0;
	(pc) =	sbr.rel @p0 .LBB2_2-.Ltmp1, $4  }
0x56: {  	[sflag:s20] =	ssyncadd.s32 $0xFFFFE200  }
0x57: {  	_ =	swait.ge [sflag:s21], $0x1E00  }
0x58: {  	[sflag:s21] =	ssyncset.done $0x0  }
0x59: {  	[sflag:s21] =	ssyncadd.s32 $0xFFFFE200  }
0x5a: {  	[bflag:$0x0] =	sbarrier.arrive $0xFFFF  }
0x5b: {  	s0 =	rddreg [dreg:$0x4]  }
0x5c: {  	[hbm:s0], [sflag:s8] =	dma.local [spmem:s13], $0x3000  }
0x5d: {  	_ =	swait.ge [sflag:s14], $0x3000  }
0x5e: {  	s3 =	sadd.s32 $0x1, s3;
	s31 =	rddreg [dreg:$0x5]  }
0x5f: {  	p0 =	sne.s32 s3, s31  }
.Ltmp2:
0x60: {  	_ = 	snop;
	(pc) =	sbr.rel @p0 .LBB2_1-.Ltmp2, $3  }
0x61: {  	_ =	sdelay $0x1  }
0x62: {  	[sflag:s14] =	ssyncset.done $0x0  }
0x63: {  	[sflag:s14] =	ssyncadd.s32 $0xFFFFD000  }
0x64: {  	_ =	sfence.sel $0x180000  }
0x65: {  	[bflag:$0x0] =	sbarrier.arrive $0xFFFF  }
0x66: {  	_ =	strace $0x90000056  }
0x67: {  	s0 =	stileid.u32;
	[bflag:$0x2] =	sbarrier.arrive $0xFFFF  }
0x68: {  	p0 =	sne.s32 s0, $0x0;
	s0 =	rddreg [dreg:$0x2]  }
0x69: {  	s0 =	sadd.s32 @!p0 $0x100000, s0  }
0x6a: {  	[sflag:s0] =	ssyncadd.tile.s32 @!p0 $0x1;
	_ =	shalt  }
.Lfunc_end2:
_tile_overlayer_lowered:
.L_overlay_start_2:
0x6b: {  	(tag) =	ssettag $0x2  }
0x6c: {  	s0 =	rddreg [dreg:$0x0];
	s2 =	stileid.u32  }
0x6d: {  	s1 =	rddreg [dreg:$0x1];
	p0 =	sne.s32 s2, $0x0  }
0x6e: {  	s3 =	rddreg [dreg:$0x2];
	[bflag:$0x3] =	sbarrier.arrive $0xFFFF;
	s2 =	simm.s32 @!p0 $0x1C07  }
0x6f: {  	[timem:s3], [sflag:s2] =	dma.local @!p0 [hbm:s0], s1  }
0x70: {  	s0 =	simm.s32 @!p0 $0x7  }
0x71: {  	_ =	swait.ge @!p0 [sflag:s0], s1  }
0x72: {  	s1 =	ssub.s32 @!p0 $0x0, s1;
	[sflag:s0] =	ssyncset.done @!p0 $0x0  }
0x73: {  	[sflag:s0] =	ssyncadd.s32 @!p0 s1  }
0x74: {  	[bflag:$0x3] =	sbarrier.arrive $0xFFFF  }
0x75: {  	_ =	shalt  }

// kernel: kernel.38.cloned.1.call-start
scs
__scs_entry_jumppad:
0x0: {  	(pc) =	sbr.rel $0x88, $3  }
0x1: {  	(tag) =	ssettag $0x0;
	lr =	simm.s32 $0x1  }
0x2: {  	[smem:$0x3F6B] =	sst lr;
	_ =	strace $0xD0000000  }
0x3: {  	_ = 	snop  }
0x4: {  	_ = 	snop  }
0x5: {  	_ = 	snop  }
0x6: {  	_ = 	snop  }
0x7: {  	_ = 	snop  }
__scs_overlays_trampoline_lowered:
0x8: {  	[smem:$0x3F7A] =	sst s0  }
0x9: {  	[smem:$0x3F7B] =	sst s1  }
0xa: {  	[smem:$0x3F7C] =	sst s2  }
0xb: {  	[smem:$0x3F7D] =	sst s3  }
0xc: {  	[smem:$0x3F7E] =	sst s4  }
0xd: {  	[smem:$0x3F7F] =	sst s5  }
0xe: {  	[smem:$0x3F80] =	sst s6  }
0xf: {  	[smem:$0x3F81] =	sst s7  }
0x10: {  	[smem:$0x3F82] =	sst s8  }
0x11: {  	[smem:$0x3F83] =	sst s9;
	s0 =	simm.s32 @!p0 $0x0  }
0x12: {  	s1 =	sld [smem:$0x3F69];
	s0 =	simm.s32 @p0 $0x1  }
0x13: {  	[smem:$0x3F84] =	sst s0;
	s0 =	simm.s32 @!p1 $0x0  }
0x14: {  	s2 =	sld [smem:$0x3F68];
	s0 =	simm.s32 @p1 $0x1  }
0x15: {  	[smem:$0x3F85] =	sst s0;
	s0 =	simm.s32 @!p2 $0x0  }
0x16: {  	s3 =	sld [smem:$0x3FDB];
	s0 =	simm.s32 @p2 $0x1  }
0x17: {  	s4 =	simm.s32 $0x1BF5;
	[smem:$0x3F87] =	sst s0  }
0x18: {  	s0 =	sld [smem:$0x3F6A];
	_ =	swait.ge [sflag:s4], $0x0  }
0x19: {  	s7 =	sld [smem:$0x3F6B]  }
0x1a: {  	s8 =	sadd.s32 $0xFFFFE003, lr  }
0x1b: {  	s9 =	sadd.s32 $0xFFFFFEF7, lr;
	s5 =	simm.s32 $0xFFFFFFFF;
	p2 =	slt.u32 s8, $0xFFFFF086  }
0x1c: {  	p1 =	slt.u32 s9, $0xF7A;
	s5 =	simm.s32 @!p2 $0x0  }
0x1d: {  	s5 =	simm.s32 @p1 $0x1;
	p0 =	seq.s32 s7, s2  }
0x1e: {  	s7 =	smul.u32 @!p0 $0xF7A, s2;
	p2 =	seq.s32 @!p0 s5, $0x0  }
0x1f: {  	s9 =	smul.u32 $0xF7A, s1;
	s8 =	simm.s32 @!p0 $0x1BF5;
	p2 =	por !p2, p0  }
0x20: {  	[sflag:s8] =	ssyncset.s32 @!p0 $0xFFFFF086;
	s6 =	sadd.s32 @!p0 s3, s7;
	s7 =	simm.s32 @!p0 $0x108  }
0x21: {  	s3 =	sadd.s32 s3, s9;
	s6 =	sadd.s32 @!p0 $0x88, s6;
	s7 =	simm.s32 @p2 $0x1082  }
0x22: {  	[simem:s7], [sflag:s8] =	dma.local @!p0 [hbm:s6], $0xF7A  }
0x23: {  	s9 =	sor.u32 $0xD0000000, s2;
	s6 =	simm.s32 $0x108;
	_ =	swait.ge @!p0 [sflag:s8], $0x0  }
0x24: {  	s3 =	sadd.s32 $0x88, s3;
	s6 =	simm.s32 @!p1 $0x1082;
	[sflag:s4] =	ssyncset.s32 $0xFFFFF086  }
0x25: {  	[simem:s6], [sflag:s4] =	dma.local [hbm:s3], $0xF7A  }
0x26: {  	[smem:$0x3F6B] =	sst s1;
	(tag) =	ssettag s2;
	_ =	strace s9  }
0x27: {  	s1 =	sld [smem:$0x3F7B]  }
0x28: {  	s2 =	sld [smem:$0x3F7C]  }
0x29: {  	s4 =	sld [smem:$0x3F7E]  }
0x2a: {  	p0 =	seq.s32 s5, $0x0;
	s5 =	sld [smem:$0x3F7F]  }
0x2b: {  	s6 =	sld [smem:$0x3F80]  }
0x2c: {  	s7 =	sld [smem:$0x3F81]  }
0x2d: {  	s3 =	simm.s32 $0x108;
	s8 =	sld [smem:$0x3F82]  }
0x2e: {  	s3 =	simm.s32 @!p0 $0x1082;
	s9 =	sld [smem:$0x3F83]  }
0x2f: {  	lr =	sadd.s32 s0, s3;
	s0 =	sld [smem:$0x3F7A]  }
0x30: {  	s3 =	sld [smem:$0x3F7D]  }
0x31: {  	[smem:$0x3F86] =	sst s10  }
0x32: {  	s10 =	sld [smem:$0x3F84];
	_ =	sdelay $0x3  }
0x33: {  	p0 =	seq.s32 s10, $0x1;
	s10 =	sld [smem:$0x3F86];
	_ =	sdelay $0x3  }
0x34: {  	[smem:$0x3F86] =	sst s10  }
0x35: {  	s10 =	sld [smem:$0x3F85];
	_ =	sdelay $0x3  }
0x36: {  	p1 =	seq.s32 s10, $0x1;
	s10 =	sld [smem:$0x3F86];
	_ =	sdelay $0x3  }
0x37: {  	[smem:$0x3F86] =	sst s10  }
0x38: {  	s10 =	sld [smem:$0x3F87]  }
0x39: {  	_ = 	snop;
	(pc) =	sbr.ind lr, $3  }
0x3a: {  	_ = 	snop  }
0x3b: {  	_ = 	snop  }
0x3c: {  	p2 =	seq.s32 s10, $0x1;
	s10 =	sld [smem:$0x3F86]  }
0x3d: {  	_ =	shalt  }
0x3e: {  	_ =	shalt  }
0x3f: {  	_ =	shalt  }
0x40: {  	_ =	shalt  }
0x41: {  	_ =	shalt  }
0x42: {  	_ =	shalt  }
0x43: {  	_ =	shalt  }
0x44: {  	_ =	shalt  }
0x45: {  	_ =	shalt  }
0x46: {  	_ =	shalt  }
0x47: {  	_ =	shalt  }
0x48: {  	_ =	shalt  }
0x49: {  	_ =	shalt  }
0x4a: {  	_ =	shalt  }
0x4b: {  	_ =	shalt  }
0x4c: {  	_ =	shalt  }
0x4d: {  	_ =	shalt  }
0x4e: {  	_ =	shalt  }
0x4f: {  	_ =	shalt  }
0x50: {  	_ =	shalt  }
0x51: {  	_ =	shalt  }
0x52: {  	_ =	shalt  }
0x53: {  	_ =	shalt  }
0x54: {  	_ =	shalt  }
0x55: {  	_ =	shalt  }
0x56: {  	_ =	shalt  }
0x57: {  	_ =	shalt  }
0x58: {  	_ =	shalt  }
0x59: {  	_ =	shalt  }
0x5a: {  	_ =	shalt  }
0x5b: {  	_ =	shalt  }
0x5c: {  	_ =	shalt  }
0x5d: {  	_ =	shalt  }
0x5e: {  	_ =	shalt  }
0x5f: {  	_ =	shalt  }
0x60: {  	_ =	shalt  }
0x61: {  	_ =	shalt  }
0x62: {  	_ =	shalt  }
0x63: {  	_ =	shalt  }
0x64: {  	_ =	shalt  }
0x65: {  	_ =	shalt  }
0x66: {  	_ =	shalt  }
0x67: {  	_ =	shalt  }
0x68: {  	_ =	shalt  }
0x69: {  	_ =	shalt  }
0x6a: {  	_ =	shalt  }
0x6b: {  	_ =	shalt  }
0x6c: {  	_ =	shalt  }
0x6d: {  	_ =	shalt  }
0x6e: {  	_ =	shalt  }
0x6f: {  	_ =	shalt  }
0x70: {  	_ =	shalt  }
0x71: {  	_ =	shalt  }
0x72: {  	_ =	shalt  }
0x73: {  	_ =	shalt  }
0x74: {  	_ =	shalt  }
0x75: {  	_ =	shalt  }
0x76: {  	_ =	shalt  }
0x77: {  	_ =	shalt  }
0x78: {  	_ =	shalt  }
0x79: {  	_ =	shalt  }
0x7a: {  	_ =	shalt  }
0x7b: {  	_ =	shalt  }
0x7c: {  	_ =	shalt  }
0x7d: {  	_ =	shalt  }
0x7e: {  	_ =	shalt  }
0x7f: {  	_ =	shalt  }
0x80: {  	_ =	shalt  }
0x81: {  	_ =	shalt  }
0x82: {  	_ =	shalt  }
0x83: {  	_ =	shalt  }
0x84: {  	_ =	shalt  }
0x85: {  	_ =	shalt  }
0x86: {  	_ =	shalt  }
0x87: {  	_ =	shalt  }
.Lfunc_end0:
.L_simem_size_0:
called_computation.6_lowered:
.L_overlay_start_0:
0x88: {  	s2 =	sld [smem:$0x3FD9]  }
0x89: {  	s3 =	sld [smem:$0x3FFE];
	_ =	sdelay $0x1  }
0x8a: {  	s1 =	srdreg.scid  }
0x8b: {  	s0 =	sand.u32 $0x1, s1  }
0x8c: {  	s16 =	sshll.u32 s0, $0xA;
	s2 =	sadd.s32 s3, s2  }
0x8d: {  	s2 =	sadd.s32 s2, s16  }
0x8e: {  	[smem:$0x3F92] =	sst s2  }
0x8f: {  	_ = 	snop  }
0x90: {  	(tm) =	ssettm $0x1  }
0x91: {  	s17 =	sld [smem:$0x3FFB];
	_ =	sdelay $0x3  }
0x92: {  	_ =	strace s17  }
0x93: {  	s2 =	sld [smem:$0x3FFC];
	_ =	sdelay $0x3  }
0x94: {  	_ =	strace s2  }
0x95: {  	s2 =	sld [smem:$0x3FFD];
	_ =	sdelay $0x3  }
0x96: {  	_ =	strace s2  }
0x97: {  	_ =	strace $0x8FFFFFFF  }
0x98: {  	s18 =	sld [smem:$0x3FDB];
	_ =	sdelay $0x1  }
0x99: {  	s19 =	simm.s32 $_scs_section_size  }
0x9a: {  	s4 =	simm.s32 $_size__tile_overlayer_lowered;
	s5 =	simm.s32 $_tile_overlayer_lowered  }
0x9b: {  	s22 =	simm.s32 $0x1BFF;
	s21 =	sshll.u32 s5, $0x1;
	s2 =	sadd.s32 s19, s18  }
0x9c: {  	s6 =	simm.s32 $0x0;
	s20 =	sshll.u32 s4, $0x1;
	s4 =	sadd.s32 s21, s2  }
0x9d: {  	[timem:s6], [sflag:s22] =	dma.local [hbm:s4], s20  }
0x9e: {  	_ =	swait.ge [sflag:s22], s20  }
0x9f: {  	s3 =	ssub.s32 $0x0, s20;
	[sflag:s22] =	ssyncset.done $0x0  }
0xa0: {  	[sflag:s22] =	ssyncadd.s32 s3;
	_ =	sdelay $0x1  }
0xa1: {  	s23 =	simm.s32 $0x1B8B  }
0xa2: {  	_ =	swait.ge [sflag:s23], $0x1  }
0xa3: {  	[sflag:s23] =	ssyncset.done $0x0  }
0xa4: {  	s25 =	simm.s32 $0x1B8E;
	s24 =	sld [smem:$0x3FFE];
	[sflag:s23] =	ssyncadd.s32 $0xFFFFFFFF  }
0xa5: {  	s26 =	simm.s32 $execute0_lowered;
	[smem:$0x3FD2] =	sst s25  }
0xa6: {  	s4 =	sshll.u32 s26, $0x1;
	_ =	strace $0x80000058;
	[dreg:$0x1] =	wrdreg $0xFFFFFFFF  }
0xa7: {  	s28 =	simm.s32 $_size_execute0_lowered;
	s2 =	sadd.s32 s2, s4;
	[dreg:$0x0] =	wrdreg $0x0  }
0xa8: {  	s4 =	sshll.u32 s28, $0x1;
	[dreg:$0x2] =	wrdreg s2  }
0xa9: {  	[dreg:$0x3] =	wrdreg s4  }
0xaa: {  	[dreg:$0x4] =	wrdreg $0xC0  }
0xab: {  	_ =	task [dreg:s6], $0x5FFFF  }
0xac: {  	[dreg:$0x1] =	wrdreg $0xFFFFFFFF  }
0xad: {  	[dreg:$0x0] =	wrdreg $0x60  }
0xae: {  	[dreg:$0x2] =	wrdreg s24  }
0xaf: {  	[dreg:$0x3] =	wrdreg $0x80000  }
0xb0: {  	[dreg:$0x4] =	wrdreg $0x9  }
0xb1: {  	_ =	task.clear_ibuf [dreg:s6], $0x5FFFF;
	_ =	strace $0x90000058  }
0xb2: {  	s29 =	simm.s32 $0x9;
	_ =	strace $0x8000005A  }
0xb3: {  	_ =	swait.ge [sflag:s29], $0x1  }
0xb4: {  	[sflag:s29] =	ssyncadd.s32 $0xFFFFFFFF  }
0xb5: {  	_ =	strace $0x9000005A  }
0xb6: {  	_ =	sfence  }
0xb7: {  	s30 =	sld [smem:$0x0];
	_ =	sdelay $0x2  }
0xb8: {  	s31 =	sshll.u32 s1, $0xD;
	s1 =	sshrl.u32 s1, $0x2  }
0xb9: {  	s3 =	sand.u32 $0x4000, s31;
	s1 =	sadd.s32 s1, s30  }
0xba: {  	s0 =	sor.u32 s3, s0;
	s1 =	sshll.u32 s1, $0x11  }
0xbb: {  	s0 =	sor.u32 s1, s0  }
0xbc: {  	s0 =	sadd.s32 $0x8F2B, s0  }
0xbd: {  	[sflag:s0] =	ssyncadd.remote.s32 $0x1  }
0xbe: {  	_ =	sfence.sel $0xFFFF  }
0xbf: {  	[dreg:$0x0] =	wrdreg $0xFFFFFFFF;
	(pc) =	sbr.abs _section_cstart, $3  }
0xc0: {  	[dreg:$0x1] =	wrdreg $0xFFFFFFFF  }
0xc1: {  	_ =	task.clear_ibuf [dreg:s6], $0x2FFFF;
	_ =	strace $0x9FFFFFFF  }
0xc2: {  	(tm) =	ssettm $0x7FFFFFFF  }
0xc3: {  	_ =	shalt  }
tec
execute0_lowered:
.L_overlay_start_1:
0x0: {  	(tag) =	ssettag $0x1  }
0x1: {  	s0 =	rddreg [dreg:$0x0]  }
0x2: {  	s1 =	rddreg [dreg:$0x1];
	s2 =	srdreg.scid  }
0x3: {  	s3 =	simm.s32 $0x0;
	s11 =	stileid.u32;
	s14 =	simm.s32 $0x7  }
0x4: {  	s15 =	simm.s32 $0x3C;
	s16 =	simm.s32 $0x2000;
	s17 =	simm.s32 $0x80  }
0x5: {  	s18 =	simm.s32 $0x4000;
	s19 =	simm.s32 $0x5;
	s20 =	simm.s32 $0x6  }
0x6: {  	s21 =	simm.s32 $0x4;
	s2 =	sand.u32 $0x1, s2;
	s7 =	smul.u32 $0x300, s11  }
0x7: {  	[smem:$0x7FF] =	sst s3;
	s4 =	sadd.s32 $0x3A000, s0;
	s9 =	smul.u32 $0x60000, s11  }
0x8: {  	s5 =	sadd.s32 $0x1A000, s0;
	s30 =	sshll.u32 s11, $0x6;
	s6 =	smul.u32 $0x3000, s2  }
0x9: {  	_ =	strace $0x80000059;
	s8 =	ssub.s32 $0x2, s2;
	s2 =	sshll.u32 s2, $0x13  }
0xa: {  	s10 =	sshrl.u32 s8, $0x1;
	s29 =	sshrl.u32 s9, $0x2;
	s9 =	sshll.u32 s11, $0xF  }
0xb: {  	s7 =	sadd.s32 s7, s6;
	s6 =	sadd.s32 $0xA000, s0;
	s12 =	ssub.s32 s8, s10  }
0xc: {  	s13 =	sadd.s32 s29, s1;
	s7 =	sshll.u32 s7, $0x4;
	s31 =	smax.u32 s12, $0x1  }
0xd: {  	s0 =	sadd.s32 s7, s0;
	s7 =	sadd.s32 s4, s7;
	[dreg:$0x5] =	wrdreg s31  }
0xe: {  	s8 =	sor.u32 $0x1C07, s30;
	[dreg:$0x3] =	wrdreg s7;
	s0 =	sadd.s32 $0x9A000, s0  }
0xf: {  	s10 =	sor.u32 s9, s2;
	s13 =	sshrl.u32 s13, $0x3;
	[dreg:$0x4] =	wrdreg s0  }
.LBB2_1:
0x10: {  	s0 =	rddreg [dreg:$0x3]  }
0x11: {  	[spmem:s13], [sflag:s8] =	dma.local [hbm:s0], $0x3000  }
0x12: {  	_ =	swait.ge [sflag:s14], $0x3000  }
0x13: {  	[sflag:s14] =	ssyncset.done $0x0  }
0x14: {  	[sflag:s14] =	ssyncadd.s32 $0xFFFFD000  }
0x15: {  	s22 =	simm.s32 $0x0;
	[bflag:$0x0] =	sbarrier.arrive $0xFFFF  }
.LBB2_2:
0x16: {  	s0 =	sshll.u32 s22, $0xC  }
0x17: {  	s2 =	sadd.s32 s10, s0  }
0x18: {  	s2 =	sshrl.u32 s2, $0x3  }
0x19: {  	s23 =	simm.s32 $0x0;
	s2 =	sadd.s32 s5, s2  }
0x1a: {  	[tilespmem:s23], [sflag:$0x7] =	stream.linear.gather [hbm4b:s2+s23], $0xC80, $0x38;
	v63 =	vld [tilespmem:$0x0]  }
0x1b: {  	s0 =	sor.u32 s9, s0;
	_ =	swait.ge [sflag:s14], $0xC80  }
0x1c: {  	s12 =	simm.s32 $0x1000;
	s0 =	sshrl.u32 s0, $0x3;
	[sflag:s14] =	ssyncset.done $0x0  }
0x1d: {  	s26 =	smul.u32 $0xAB, s23;
	s0 =	sadd.s32 s6, s0;
	[sflag:s14] =	ssyncadd.s32 $0xFFFFF380  }
0x1e: {  	[tilespmem:s12], [sflag:$0x7] =	stream.linear.gather [hbm4b:s0+s23], $0xC80, $0x38;
	v63 =	vld [tilespmem:$0x0]  }
0x1f: {  	s0 =	sshrl.u32 s26, $0x9;
	_ =	swait.ge [sflag:s14], $0xC80  }
0x20: {  	p1 =	por $0x0, $0x0;
	s0 =	sand.u32 $0x7F, s0;
	[sflag:s14] =	ssyncset.done $0x0  }
0x21: {  	s25 =	simm.s32 $0x1;
	s0 =	smul.u32 $0x3, s0;
	[sflag:s14] =	ssyncadd.s32 $0xFFFFF380  }
0x22: {  	[tilespmem:s16], [sflag:$0x1] =	stream.indirect.gather [hbm4b:s4+s15], $0x80, s23, s15, $0xb8;
	v63 =	vld [tilespmem:$0x0]  }
0x23: {  	s28 =	simm.s32 $0x2;
	s23 =	simm.s32 $0x2;
	s0 =	ssub.s32 $0x0, s0  }
0x24: {  	s24 =	simm.s32 $0x1080;
	s23 =	smul.u32 @!p1 $0xAB, s23;
	s0 =	sand.u32 $0xFF, s0  }
0x25: {  	[tilespmem:s18], [sflag:$0x2] =	stream.indirect.gather [hbm4b:s4+s15], $0x80, s17, s15, $0xb8;
	v63 =	vld [tilespmem:$0x0]  }
0x26: {  	p0 =	por p1, p1;
	p1 =	por @!p1 $0x1, $0x1;
	s29 =	sadd.s32 $0x1, s0  }
0x27: {  	s31 =	sshll.u32 s0, $0xD;
	s23 =	sshrl.u32 @!p0 s23, $0x9;
	_ =	swait.ge [sflag:s29], $0x1E00  }
0x28: {  	s0 =	sor.u32 $0x4, s0;
	s23 =	sand.u32 @!p0 $0x7F, s23;
	[sflag:s29] =	ssyncset.done $0x0  }
0x29: {  	s30 =	smul.u32 @!p0 $0x3, s23;
	[sflag:s29] =	ssyncadd.s32 $0xFFFFE200;
	s29 =	sadd.s32 $0x2000, s31  }
0x2a: {  	[spmem:s1] =	stream.indirect.scatter.add.f32 [tilespmem:s29], [sflag:s0], $0x80, s12, s15, $0xb8;
	v63 =	vld [tilespmem:$0x0]  }
0x2b: {  	s26 =	simm.s32 $0x100;
	p1 =	por p1, p0;
	s30 =	ssub.s32 @!p0 $0x2, s30  }
0x2c: {  	s23 =	simm.s32 $0x180;
	s31 =	smul.u32 $0xAB, s25;
	s30 =	sand.u32 @!p0 $0xFF, s30  }
0x2d: {  	s29 =	simm.s32 @!p0 $0x3C;
	s0 =	sadd.s32 @!p1 $0x4, s30;
	s2 =	sshll.u32 @!p0 s30, $0xD  }
.LBB2_3:
0x2e: {  	s7 =	sadd.s32 $0x2, s25;
	p3 =	sgt.u32 s25, $0x16  }
0x2f: {  	_ =	swait.ge @!p1 [sflag:s0], $0x1E00;
	s11 =	smov.u32 s28;
	s12 =	smov.u32 s24  }
0x30: {  	s31 =	sshrl.u32 s31, $0x9;
	s2 =	sadd.s32 @!p0 $0x2000, s2;
	[sflag:s0] =	ssyncset.done @!p1 $0x0  }
0x31: {  	s31 =	sand.u32 $0x7F, s31;
	[sflag:s0] =	ssyncadd.s32 @!p1 $0xFFFFE200;
	s0 =	sadd.s32 @!p0 $0x1, s30  }
0x32: {  	[tilespmem:s2], [sflag:s0] =	stream.indirect.gather @!p0 [hbm4b:s4+s29], $0x80, s26, s29, $0xb8;
	v63 =	vld [tilespmem:$0x0]  }
0x33: {  	s28 =	sadd.s32 $0x1, s28;
	p1 =	seq.s32 @!p3 s25, $0x0;
	s0 =	smul.u32 $0x3, s31  }
0x34: {  	p2 =	sne.s32 s28, $0x19;
	s2 =	smul.u32 @!p3 $0xAB, s7;
	s26 =	smov.u32 s23  }
0x35: {  	p0 =	por p3, p3;
	s0 =	ssub.s32 s25, s0;
	s25 =	smov.u32 s11  }
0x36: {  	s24 =	sadd.s32 $0x80, s24;
	s2 =	sshrl.u32 @!p0 s2, $0x9;
	s0 =	sand.u32 $0xFF, s0  }
0x37: {  	s23 =	sadd.s32 $0x80, s23;
	s2 =	sand.u32 @!p0 $0x7F, s2;
	s11 =	sshll.u32 s0, $0xD  }
0x38: {  	p1 =	por p1, p0;
	s30 =	sadd.s32 $0x1, s0;
	s2 =	smul.u32 @!p0 $0x3, s2  }
.Ltmp0:
0x39: {  	s29 =	simm.s32 @!p0 $0x3C;
	_ =	swait.ge [sflag:s30], $0x1E00;
	(pc) =	sbr.rel @p2 .LBB2_3-.Ltmp0, $4  }
0x3a: {  	s31 =	smul.u32 $0xAB, s25;
	s2 =	ssub.s32 @!p0 s7, s2;
	[sflag:s30] =	ssyncset.done $0x0  }
0x3b: {  	s7 =	sor.u32 $0x4, s0;
	[sflag:s30] =	ssyncadd.s32 $0xFFFFE200;
	s30 =	sand.u32 @!p0 $0xFF, s2  }
0x3c: {  	s11 =	sadd.s32 $0x2000, s11;
	s0 =	sadd.s32 @!p1 $0x4, s30;
	s2 =	sshll.u32 @!p0 s30, $0xD  }
0x3d: {  	[spmem:s1] =	stream.indirect.scatter.add.f32 [tilespmem:s11], [sflag:s7], $0x80, s12, s15, $0xb8;
	v63 =	vld [tilespmem:$0x0]  }
0x3e: {  	_ =	swait.ge @!p1 [sflag:s0], $0x1E00  }
0x3f: {  	s7 =	sshrl.u32 s31, $0x9;
	s2 =	sadd.s32 @!p0 $0x2000, s2;
	[sflag:s0] =	ssyncset.done @!p1 $0x0  }
0x40: {  	s7 =	sand.u32 $0x7F, s7;
	[sflag:s0] =	ssyncadd.s32 @!p1 $0xFFFFE200;
	s0 =	sadd.s32 @!p0 $0x1, s30  }
0x41: {  	[tilespmem:s2], [sflag:s0] =	stream.indirect.gather @!p0 [hbm4b:s4+s29], $0x80, s26, s29, $0xb8;
	v63 =	vld [tilespmem:$0x0]  }
0x42: {  	p1 =	sgt.u32 s25, $0x16;
	s30 =	smul.u32 $0x3, s7;
	s0 =	sadd.s32 $0x2, s25  }
0x43: {  	s7 =	smul.u32 @!p1 $0xAB, s0  }
0x44: {  	p0 =	por p1, p1;
	s2 =	ssub.s32 s25, s30  }
0x45: {  	s2 =	sand.u32 $0xFF, s2;
	s7 =	sshrl.u32 @!p0 s7, $0x9  }
0x46: {  	s11 =	sadd.s32 $0x1, s2;
	s7 =	sand.u32 @!p0 $0x7F, s7  }
0x47: {  	p1 =	seq.s32 @!p1 s25, $0x0;
	_ =	swait.ge [sflag:s11], $0x1E00;
	s7 =	smul.u32 @!p0 $0x3, s7  }
0x48: {  	s12 =	sshll.u32 s2, $0xD;
	s2 =	sor.u32 $0x4, s2;
	[sflag:s11] =	ssyncset.done $0x0  }
0x49: {  	s31 =	sadd.s32 $0x2000, s12;
	[sflag:s11] =	ssyncadd.s32 $0xFFFFE200;
	s0 =	ssub.s32 @!p0 s0, s7  }
0x4a: {  	[spmem:s1] =	stream.indirect.scatter.add.f32 [tilespmem:s31], [sflag:s2], $0x80, s24, s15, $0xb8;
	v63 =	vld [tilespmem:$0x0]  }
0x4b: {  	p1 =	por p1, p0;
	s0 =	sand.u32 @!p0 $0xFF, s0  }
0x4c: {  	s11 =	sadd.s32 @!p1 $0x4, s0  }
0x4d: {  	_ =	swait.ge @!p1 [sflag:s11], $0x1E00  }
0x4e: {  	s2 =	simm.s32 @!p0 $0x3C;
	s7 =	sshll.u32 @!p0 s0, $0xD;
	[sflag:s11] =	ssyncset.done @!p1 $0x0  }
0x4f: {  	s0 =	sadd.s32 @!p0 $0x1, s0;
	s7 =	sadd.s32 @!p0 $0x2000, s7;
	[sflag:s11] =	ssyncadd.s32 @!p1 $0xFFFFE200  }
0x50: {  	[tilespmem:s7], [sflag:s0] =	stream.indirect.gather @!p0 [hbm4b:s4+s2], $0x80, s23, s2, $0xb8;
	v63 =	vld [tilespmem:$0x0]  }
0x51: {  	_ =	swait.ge [sflag:s19], $0x1E00  }
0x52: {  	[sflag:s19] =	ssyncset.done $0x0  }
0x53: {  	s22 =	sadd.s32 $0x1, s22;
	[sflag:s19] =	ssyncadd.s32 $0xFFFFE200  }
0x54: {  	p0 =	sne.s32 s22, $0x8;
	_ =	swait.ge [sflag:s20], $0x1E00  }
.Ltmp1:
0x55: {  	[sflag:s20] =	ssyncset.done $0x0;
	(pc) =	sbr.rel @p0 .LBB2_2-.Ltmp1, $4  }
0x56: {  	[sflag:s20] =	ssyncadd.s32 $0xFFFFE200  }
0x57: {  	_ =	swait.ge [sflag:s21], $0x1E00  }
0x58: {  	[sflag:s21] =	ssyncset.done $0x0  }
0x59: {  	[sflag:s21] =	ssyncadd.s32 $0xFFFFE200  }
0x5a: {  	[bflag:$0x0] =	sbarrier.arrive $0xFFFF  }
0x5b: {  	s0 =	rddreg [dreg:$0x4]  }
0x5c: {  	[hbm:s0], [sflag:s8] =	dma.local [spmem:s13], $0x3000  }
0x5d: {  	_ =	swait.ge [sflag:s14], $0x3000  }
0x5e: {  	s3 =	sadd.s32 $0x1, s3;
	s31 =	rddreg [dreg:$0x5]  }
0x5f: {  	p0 =	sne.s32 s3, s31  }
.Ltmp2:
0x60: {  	_ = 	snop;
	(pc) =	sbr.rel @p0 .LBB2_1-.Ltmp2, $3  }
0x61: {  	_ =	sdelay $0x1  }
0x62: {  	[sflag:s14] =	ssyncset.done $0x0  }
0x63: {  	[sflag:s14] =	ssyncadd.s32 $0xFFFFD000  }
0x64: {  	_ =	sfence.sel $0x180000  }
0x65: {  	[bflag:$0x0] =	sbarrier.arrive $0xFFFF  }
0x66: {  	_ =	strace $0x90000059  }
0x67: {  	s0 =	stileid.u32;
	[bflag:$0x2] =	sbarrier.arrive $0xFFFF  }
0x68: {  	p0 =	sne.s32 s0, $0x0;
	s0 =	rddreg [dreg:$0x2]  }
0x69: {  	s0 =	sadd.s32 @!p0 $0x100000, s0  }
0x6a: {  	[sflag:s0] =	ssyncadd.tile.s32 @!p0 $0x1;
	_ =	shalt  }
.Lfunc_end2:
_tile_overlayer_lowered:
.L_overlay_start_2:
0x6b: {  	(tag) =	ssettag $0x2  }
0x6c: {  	s0 =	rddreg [dreg:$0x0];
	s2 =	stileid.u32  }
0x6d: {  	s1 =	rddreg [dreg:$0x1];
	p0 =	sne.s32 s2, $0x0  }
0x6e: {  	s3 =	rddreg [dreg:$0x2];
	[bflag:$0x3] =	sbarrier.arrive $0xFFFF;
	s2 =	simm.s32 @!p0 $0x1C07  }
0x6f: {  	[timem:s3], [sflag:s2] =	dma.local @!p0 [hbm:s0], s1  }
0x70: {  	s0 =	simm.s32 @!p0 $0x7  }
0x71: {  	_ =	swait.ge @!p0 [sflag:s0], s1  }
0x72: {  	s1 =	ssub.s32 @!p0 $0x0, s1;
	[sflag:s0] =	ssyncset.done @!p0 $0x0  }
0x73: {  	[sflag:s0] =	ssyncadd.s32 @!p0 s1  }
0x74: {  	[bflag:$0x3] =	sbarrier.arrive $0xFFFF  }
0x75: {  	_ =	shalt  }

// kernel: kernel.41.cloned.1.call-start
scs
__scs_entry_jumppad:
0x0: {  	(pc) =	sbr.rel $0x88, $3  }
0x1: {  	(tag) =	ssettag $0x0;
	lr =	simm.s32 $0x1  }
0x2: {  	[smem:$0x3F6B] =	sst lr;
	_ =	strace $0xD0000000  }
0x3: {  	_ = 	snop  }
0x4: {  	_ = 	snop  }
0x5: {  	_ = 	snop  }
0x6: {  	_ = 	snop  }
0x7: {  	_ = 	snop  }
__scs_overlays_trampoline_lowered:
0x8: {  	[smem:$0x3F7A] =	sst s0  }
0x9: {  	[smem:$0x3F7B] =	sst s1  }
0xa: {  	[smem:$0x3F7C] =	sst s2  }
0xb: {  	[smem:$0x3F7D] =	sst s3  }
0xc: {  	[smem:$0x3F7E] =	sst s4  }
0xd: {  	[smem:$0x3F7F] =	sst s5  }
0xe: {  	[smem:$0x3F80] =	sst s6  }
0xf: {  	[smem:$0x3F81] =	sst s7  }
0x10: {  	[smem:$0x3F82] =	sst s8  }
0x11: {  	[smem:$0x3F83] =	sst s9;
	s0 =	simm.s32 @!p0 $0x0  }
0x12: {  	s1 =	sld [smem:$0x3F69];
	s0 =	simm.s32 @p0 $0x1  }
0x13: {  	[smem:$0x3F84] =	sst s0;
	s0 =	simm.s32 @!p1 $0x0  }
0x14: {  	s2 =	sld [smem:$0x3F68];
	s0 =	simm.s32 @p1 $0x1  }
0x15: {  	[smem:$0x3F85] =	sst s0;
	s0 =	simm.s32 @!p2 $0x0  }
0x16: {  	s3 =	sld [smem:$0x3FDB];
	s0 =	simm.s32 @p2 $0x1  }
0x17: {  	s4 =	simm.s32 $0x1BF5;
	[smem:$0x3F87] =	sst s0  }
0x18: {  	s0 =	sld [smem:$0x3F6A];
	_ =	swait.ge [sflag:s4], $0x0  }
0x19: {  	s7 =	sld [smem:$0x3F6B]  }
0x1a: {  	s8 =	sadd.s32 $0xFFFFE003, lr  }
0x1b: {  	s9 =	sadd.s32 $0xFFFFFEF7, lr;
	s5 =	simm.s32 $0xFFFFFFFF;
	p2 =	slt.u32 s8, $0xFFFFF086  }
0x1c: {  	p1 =	slt.u32 s9, $0xF7A;
	s5 =	simm.s32 @!p2 $0x0  }
0x1d: {  	s5 =	simm.s32 @p1 $0x1;
	p0 =	seq.s32 s7, s2  }
0x1e: {  	s7 =	smul.u32 @!p0 $0xF7A, s2;
	p2 =	seq.s32 @!p0 s5, $0x0  }
0x1f: {  	s9 =	smul.u32 $0xF7A, s1;
	s8 =	simm.s32 @!p0 $0x1BF5;
	p2 =	por !p2, p0  }
0x20: {  	[sflag:s8] =	ssyncset.s32 @!p0 $0xFFFFF086;
	s6 =	sadd.s32 @!p0 s3, s7;
	s7 =	simm.s32 @!p0 $0x108  }
0x21: {  	s3 =	sadd.s32 s3, s9;
	s6 =	sadd.s32 @!p0 $0x88, s6;
	s7 =	simm.s32 @p2 $0x1082  }
0x22: {  	[simem:s7], [sflag:s8] =	dma.local @!p0 [hbm:s6], $0xF7A  }
0x23: {  	s9 =	sor.u32 $0xD0000000, s2;
	s6 =	simm.s32 $0x108;
	_ =	swait.ge @!p0 [sflag:s8], $0x0  }
0x24: {  	s3 =	sadd.s32 $0x88, s3;
	s6 =	simm.s32 @!p1 $0x1082;
	[sflag:s4] =	ssyncset.s32 $0xFFFFF086  }
0x25: {  	[simem:s6], [sflag:s4] =	dma.local [hbm:s3], $0xF7A  }
0x26: {  	[smem:$0x3F6B] =	sst s1;
	(tag) =	ssettag s2;
	_ =	strace s9  }
0x27: {  	s1 =	sld [smem:$0x3F7B]  }
0x28: {  	s2 =	sld [smem:$0x3F7C]  }
0x29: {  	s4 =	sld [smem:$0x3F7E]  }
0x2a: {  	p0 =	seq.s32 s5, $0x0;
	s5 =	sld [smem:$0x3F7F]  }
0x2b: {  	s6 =	sld [smem:$0x3F80]  }
0x2c: {  	s7 =	sld [smem:$0x3F81]  }
0x2d: {  	s3 =	simm.s32 $0x108;
	s8 =	sld [smem:$0x3F82]  }
0x2e: {  	s3 =	simm.s32 @!p0 $0x1082;
	s9 =	sld [smem:$0x3F83]  }
0x2f: {  	lr =	sadd.s32 s0, s3;
	s0 =	sld [smem:$0x3F7A]  }
0x30: {  	s3 =	sld [smem:$0x3F7D]  }
0x31: {  	[smem:$0x3F86] =	sst s10  }
0x32: {  	s10 =	sld [smem:$0x3F84];
	_ =	sdelay $0x3  }
0x33: {  	p0 =	seq.s32 s10, $0x1;
	s10 =	sld [smem:$0x3F86];
	_ =	sdelay $0x3  }
0x34: {  	[smem:$0x3F86] =	sst s10  }
0x35: {  	s10 =	sld [smem:$0x3F85];
	_ =	sdelay $0x3  }
0x36: {  	p1 =	seq.s32 s10, $0x1;
	s10 =	sld [smem:$0x3F86];
	_ =	sdelay $0x3  }
0x37: {  	[smem:$0x3F86] =	sst s10  }
0x38: {  	s10 =	sld [smem:$0x3F87]  }
0x39: {  	_ = 	snop;
	(pc) =	sbr.ind lr, $3  }
0x3a: {  	_ = 	snop  }
0x3b: {  	_ = 	snop  }
0x3c: {  	p2 =	seq.s32 s10, $0x1;
	s10 =	sld [smem:$0x3F86]  }
0x3d: {  	_ =	shalt  }
0x3e: {  	_ =	shalt  }
0x3f: {  	_ =	shalt  }
0x40: {  	_ =	shalt  }
0x41: {  	_ =	shalt  }
0x42: {  	_ =	shalt  }
0x43: {  	_ =	shalt  }
0x44: {  	_ =	shalt  }
0x45: {  	_ =	shalt  }
0x46: {  	_ =	shalt  }
0x47: {  	_ =	shalt  }
0x48: {  	_ =	shalt  }
0x49: {  	_ =	shalt  }
0x4a: {  	_ =	shalt  }
0x4b: {  	_ =	shalt  }
0x4c: {  	_ =	shalt  }
0x4d: {  	_ =	shalt  }
0x4e: {  	_ =	shalt  }
0x4f: {  	_ =	shalt  }
0x50: {  	_ =	shalt  }
0x51: {  	_ =	shalt  }
0x52: {  	_ =	shalt  }
0x53: {  	_ =	shalt  }
0x54: {  	_ =	shalt  }
0x55: {  	_ =	shalt  }
0x56: {  	_ =	shalt  }
0x57: {  	_ =	shalt  }
0x58: {  	_ =	shalt  }
0x59: {  	_ =	shalt  }
0x5a: {  	_ =	shalt  }
0x5b: {  	_ =	shalt  }
0x5c: {  	_ =	shalt  }
0x5d: {  	_ =	shalt  }
0x5e: {  	_ =	shalt  }
0x5f: {  	_ =	shalt  }
0x60: {  	_ =	shalt  }
0x61: {  	_ =	shalt  }
0x62: {  	_ =	shalt  }
0x63: {  	_ =	shalt  }
0x64: {  	_ =	shalt  }
0x65: {  	_ =	shalt  }
0x66: {  	_ =	shalt  }
0x67: {  	_ =	shalt  }
0x68: {  	_ =	shalt  }
0x69: {  	_ =	shalt  }
0x6a: {  	_ =	shalt  }
0x6b: {  	_ =	shalt  }
0x6c: {  	_ =	shalt  }
0x6d: {  	_ =	shalt  }
0x6e: {  	_ =	shalt  }
0x6f: {  	_ =	shalt  }
0x70: {  	_ =	shalt  }
0x71: {  	_ =	shalt  }
0x72: {  	_ =	shalt  }
0x73: {  	_ =	shalt  }
0x74: {  	_ =	shalt  }
0x75: {  	_ =	shalt  }
0x76: {  	_ =	shalt  }
0x77: {  	_ =	shalt  }
0x78: {  	_ =	shalt  }
0x79: {  	_ =	shalt  }
0x7a: {  	_ =	shalt  }
0x7b: {  	_ =	shalt  }
0x7c: {  	_ =	shalt  }
0x7d: {  	_ =	shalt  }
0x7e: {  	_ =	shalt  }
0x7f: {  	_ =	shalt  }
0x80: {  	_ =	shalt  }
0x81: {  	_ =	shalt  }
0x82: {  	_ =	shalt  }
0x83: {  	_ =	shalt  }
0x84: {  	_ =	shalt  }
0x85: {  	_ =	shalt  }
0x86: {  	_ =	shalt  }
0x87: {  	_ =	shalt  }
.Lfunc_end0:
.L_simem_size_0:
called_computation.7_lowered:
.L_overlay_start_0:
0x88: {  	s2 =	sld [smem:$0x3FD9]  }
0x89: {  	s3 =	sld [smem:$0x3FFE];
	_ =	sdelay $0x1  }
0x8a: {  	s1 =	srdreg.scid  }
0x8b: {  	s0 =	sand.u32 $0x1, s1  }
0x8c: {  	s16 =	sshll.u32 s0, $0xA;
	s2 =	sadd.s32 s3, s2  }
0x8d: {  	s2 =	sadd.s32 s2, s16  }
0x8e: {  	[smem:$0x3F92] =	sst s2  }
0x8f: {  	_ = 	snop  }
0x90: {  	(tm) =	ssettm $0x1  }
0x91: {  	s17 =	sld [smem:$0x3FFB];
	_ =	sdelay $0x3  }
0x92: {  	_ =	strace s17  }
0x93: {  	s2 =	sld [smem:$0x3FFC];
	_ =	sdelay $0x3  }
0x94: {  	_ =	strace s2  }
0x95: {  	s2 =	sld [smem:$0x3FFD];
	_ =	sdelay $0x3  }
0x96: {  	_ =	strace s2  }
0x97: {  	_ =	strace $0x8FFFFFFF  }
0x98: {  	s18 =	sld [smem:$0x3FDB];
	_ =	sdelay $0x1  }
0x99: {  	s19 =	simm.s32 $_scs_section_size  }
0x9a: {  	s4 =	simm.s32 $_size__tile_overlayer_lowered;
	s5 =	simm.s32 $_tile_overlayer_lowered  }
0x9b: {  	s22 =	simm.s32 $0x1BFF;
	s21 =	sshll.u32 s5, $0x1;
	s2 =	sadd.s32 s19, s18  }
0x9c: {  	s6 =	simm.s32 $0x0;
	s20 =	sshll.u32 s4, $0x1;
	s4 =	sadd.s32 s21, s2  }
0x9d: {  	[timem:s6], [sflag:s22] =	dma.local [hbm:s4], s20  }
0x9e: {  	_ =	swait.ge [sflag:s22], s20  }
0x9f: {  	s3 =	ssub.s32 $0x0, s20;
	[sflag:s22] =	ssyncset.done $0x0  }
0xa0: {  	[sflag:s22] =	ssyncadd.s32 s3;
	_ =	sdelay $0x1  }
0xa1: {  	s23 =	simm.s32 $0x1B8B  }
0xa2: {  	_ =	swait.ge [sflag:s23], $0x1  }
0xa3: {  	[sflag:s23] =	ssyncset.done $0x0  }
0xa4: {  	s25 =	simm.s32 $0x1B8E;
	s24 =	sld [smem:$0x3FFE];
	[sflag:s23] =	ssyncadd.s32 $0xFFFFFFFF  }
0xa5: {  	s26 =	simm.s32 $execute0_lowered;
	[smem:$0x3FD2] =	sst s25  }
0xa6: {  	s4 =	sshll.u32 s26, $0x1;
	_ =	strace $0x8000005B;
	[dreg:$0x1] =	wrdreg $0xFFFFFFFF  }
0xa7: {  	s28 =	simm.s32 $_size_execute0_lowered;
	s2 =	sadd.s32 s2, s4;
	[dreg:$0x0] =	wrdreg $0x0  }
0xa8: {  	s4 =	sshll.u32 s28, $0x1;
	[dreg:$0x2] =	wrdreg s2  }
0xa9: {  	[dreg:$0x3] =	wrdreg s4  }
0xaa: {  	[dreg:$0x4] =	wrdreg $0xC0  }
0xab: {  	_ =	task [dreg:s6], $0x5FFFF  }
0xac: {  	[dreg:$0x1] =	wrdreg $0xFFFFFFFF  }
0xad: {  	[dreg:$0x0] =	wrdreg $0x60  }
0xae: {  	[dreg:$0x2] =	wrdreg s24  }
0xaf: {  	[dreg:$0x3] =	wrdreg $0x80000  }
0xb0: {  	[dreg:$0x4] =	wrdreg $0x9  }
0xb1: {  	_ =	task.clear_ibuf [dreg:s6], $0x5FFFF;
	_ =	strace $0x9000005B  }
0xb2: {  	s29 =	simm.s32 $0x9;
	_ =	strace $0x8000005D  }
0xb3: {  	_ =	swait.ge [sflag:s29], $0x1  }
0xb4: {  	[sflag:s29] =	ssyncadd.s32 $0xFFFFFFFF  }
0xb5: {  	_ =	strace $0x9000005D  }
0xb6: {  	_ =	sfence  }
0xb7: {  	s30 =	sld [smem:$0x0];
	_ =	sdelay $0x2  }
0xb8: {  	s31 =	sshll.u32 s1, $0xD;
	s1 =	sshrl.u32 s1, $0x2  }
0xb9: {  	s3 =	sand.u32 $0x4000, s31;
	s1 =	sadd.s32 s1, s30  }
0xba: {  	s0 =	sor.u32 s3, s0;
	s1 =	sshll.u32 s1, $0x11  }
0xbb: {  	s0 =	sor.u32 s1, s0  }
0xbc: {  	s0 =	sadd.s32 $0x8F2B, s0  }
0xbd: {  	[sflag:s0] =	ssyncadd.remote.s32 $0x1  }
0xbe: {  	_ =	sfence.sel $0xFFFF  }
0xbf: {  	[dreg:$0x0] =	wrdreg $0xFFFFFFFF;
	(pc) =	sbr.abs _section_cstart, $3  }
0xc0: {  	[dreg:$0x1] =	wrdreg $0xFFFFFFFF  }
0xc1: {  	_ =	task.clear_ibuf [dreg:s6], $0x2FFFF;
	_ =	strace $0x9FFFFFFF  }
0xc2: {  	(tm) =	ssettm $0x7FFFFFFF  }
0xc3: {  	_ =	shalt  }
tec
execute0_lowered:
.L_overlay_start_1:
0x0: {  	(tag) =	ssettag $0x1  }
0x1: {  	s0 =	rddreg [dreg:$0x0]  }
0x2: {  	s1 =	rddreg [dreg:$0x1];
	s2 =	srdreg.scid  }
0x3: {  	s3 =	simm.s32 $0x0;
	s11 =	stileid.u32;
	s14 =	simm.s32 $0x7  }
0x4: {  	s15 =	simm.s32 $0x3C;
	s16 =	simm.s32 $0x2000;
	s17 =	simm.s32 $0x80  }
0x5: {  	s18 =	simm.s32 $0x4000;
	s19 =	simm.s32 $0x5;
	s20 =	simm.s32 $0x6  }
0x6: {  	s21 =	simm.s32 $0x4;
	s2 =	sand.u32 $0x1, s2;
	s7 =	smul.u32 $0x300, s11  }
0x7: {  	[smem:$0x7FF] =	sst s3;
	s4 =	sadd.s32 $0x3A000, s0;
	s9 =	smul.u32 $0x60000, s11  }
0x8: {  	s5 =	sadd.s32 $0x1A000, s0;
	s30 =	sshll.u32 s11, $0x6;
	s6 =	smul.u32 $0x3000, s2  }
0x9: {  	_ =	strace $0x8000005C;
	s8 =	ssub.s32 $0x2, s2;
	s2 =	sshll.u32 s2, $0x13  }
0xa: {  	s10 =	sshrl.u32 s8, $0x1;
	s29 =	sshrl.u32 s9, $0x2;
	s9 =	sshll.u32 s11, $0xF  }
0xb: {  	s7 =	sadd.s32 s7, s6;
	s6 =	sadd.s32 $0xA000, s0;
	s12 =	ssub.s32 s8, s10  }
0xc: {  	s13 =	sadd.s32 s29, s1;
	s7 =	sshll.u32 s7, $0x4;
	s31 =	smax.u32 s12, $0x1  }
0xd: {  	s0 =	sadd.s32 s7, s0;
	s7 =	sadd.s32 s4, s7;
	[dreg:$0x5] =	wrdreg s31  }
0xe: {  	s8 =	sor.u32 $0x1C07, s30;
	[dreg:$0x3] =	wrdreg s7;
	s0 =	sadd.s32 $0x9A000, s0  }
0xf: {  	s10 =	sor.u32 s9, s2;
	s13 =	sshrl.u32 s13, $0x3;
	[dreg:$0x4] =	wrdreg s0  }
.LBB2_1:
0x10: {  	s0 =	rddreg [dreg:$0x3]  }
0x11: {  	[spmem:s13], [sflag:s8] =	dma.local [hbm:s0], $0x3000  }
0x12: {  	_ =	swait.ge [sflag:s14], $0x3000  }
0x13: {  	[sflag:s14] =	ssyncset.done $0x0  }
0x14: {  	[sflag:s14] =	ssyncadd.s32 $0xFFFFD000  }
0x15: {  	s22 =	simm.s32 $0x0;
	[bflag:$0x0] =	sbarrier.arrive $0xFFFF  }
.LBB2_2:
0x16: {  	s0 =	sshll.u32 s22, $0xC  }
0x17: {  	s2 =	sadd.s32 s10, s0  }
0x18: {  	s2 =	sshrl.u32 s2, $0x3  }
0x19: {  	s23 =	simm.s32 $0x0;
	s2 =	sadd.s32 s5, s2  }
0x1a: {  	[tilespmem:s23], [sflag:$0x7] =	stream.linear.gather [hbm4b:s2+s23], $0xC80, $0x38;
	v63 =	vld [tilespmem:$0x0]  }
0x1b: {  	s0 =	sor.u32 s9, s0;
	_ =	swait.ge [sflag:s14], $0xC80  }
0x1c: {  	s12 =	simm.s32 $0x1000;
	s0 =	sshrl.u32 s0, $0x3;
	[sflag:s14] =	ssyncset.done $0x0  }
0x1d: {  	s26 =	smul.u32 $0xAB, s23;
	s0 =	sadd.s32 s6, s0;
	[sflag:s14] =	ssyncadd.s32 $0xFFFFF380  }
0x1e: {  	[tilespmem:s12], [sflag:$0x7] =	stream.linear.gather [hbm4b:s0+s23], $0xC80, $0x38;
	v63 =	vld [tilespmem:$0x0]  }
0x1f: {  	s0 =	sshrl.u32 s26, $0x9;
	_ =	swait.ge [sflag:s14], $0xC80  }
0x20: {  	p1 =	por $0x0, $0x0;
	s0 =	sand.u32 $0x7F, s0;
	[sflag:s14] =	ssyncset.done $0x0  }
0x21: {  	s25 =	simm.s32 $0x1;
	s0 =	smul.u32 $0x3, s0;
	[sflag:s14] =	ssyncadd.s32 $0xFFFFF380  }
0x22: {  	[tilespmem:s16], [sflag:$0x1] =	stream.indirect.gather [hbm4b:s4+s15], $0x80, s23, s15, $0xb8;
	v63 =	vld [tilespmem:$0x0]  }
0x23: {  	s28 =	simm.s32 $0x2;
	s23 =	simm.s32 $0x2;
	s0 =	ssub.s32 $0x0, s0  }
0x24: {  	s24 =	simm.s32 $0x1080;
	s23 =	smul.u32 @!p1 $0xAB, s23;
	s0 =	sand.u32 $0xFF, s0  }
0x25: {  	[tilespmem:s18], [sflag:$0x2] =	stream.indirect.gather [hbm4b:s4+s15], $0x80, s17, s15, $0xb8;
	v63 =	vld [tilespmem:$0x0]  }
0x26: {  	p0 =	por p1, p1;
	p1 =	por @!p1 $0x1, $0x1;
	s29 =	sadd.s32 $0x1, s0  }
0x27: {  	s31 =	sshll.u32 s0, $0xD;
	s23 =	sshrl.u32 @!p0 s23, $0x9;
	_ =	swait.ge [sflag:s29], $0x1E00  }
0x28: {  	s0 =	sor.u32 $0x4, s0;
	s23 =	sand.u32 @!p0 $0x7F, s23;
	[sflag:s29] =	ssyncset.done $0x0  }
0x29: {  	s30 =	smul.u32 @!p0 $0x3, s23;
	[sflag:s29] =	ssyncadd.s32 $0xFFFFE200;
	s29 =	sadd.s32 $0x2000, s31  }
0x2a: {  	[spmem:s1] =	stream.indirect.scatter.add.f32 [tilespmem:s29], [sflag:s0], $0x80, s12, s15, $0xb8;
	v63 =	vld [tilespmem:$0x0]  }
0x2b: {  	s26 =	simm.s32 $0x100;
	p1 =	por p1, p0;
	s30 =	ssub.s32 @!p0 $0x2, s30  }
0x2c: {  	s23 =	simm.s32 $0x180;
	s31 =	smul.u32 $0xAB, s25;
	s30 =	sand.u32 @!p0 $0xFF, s30  }
0x2d: {  	s29 =	simm.s32 @!p0 $0x3C;
	s0 =	sadd.s32 @!p1 $0x4, s30;
	s2 =	sshll.u32 @!p0 s30, $0xD  }
.LBB2_3:
0x2e: {  	s7 =	sadd.s32 $0x2, s25;
	p3 =	sgt.u32 s25, $0x16  }
0x2f: {  	_ =	swait.ge @!p1 [sflag:s0], $0x1E00;
	s11 =	smov.u32 s28;
	s12 =	smov.u32 s24  }
0x30: {  	s31 =	sshrl.u32 s31, $0x9;
	s2 =	sadd.s32 @!p0 $0x2000, s2;
	[sflag:s0] =	ssyncset.done @!p1 $0x0  }
0x31: {  	s31 =	sand.u32 $0x7F, s31;
	[sflag:s0] =	ssyncadd.s32 @!p1 $0xFFFFE200;
	s0 =	sadd.s32 @!p0 $0x1, s30  }
0x32: {  	[tilespmem:s2], [sflag:s0] =	stream.indirect.gather @!p0 [hbm4b:s4+s29], $0x80, s26, s29, $0xb8;
	v63 =	vld [tilespmem:$0x0]  }
0x33: {  	s28 =	sadd.s32 $0x1, s28;
	p1 =	seq.s32 @!p3 s25, $0x0;
	s0 =	smul.u32 $0x3, s31  }
0x34: {  	p2 =	sne.s32 s28, $0x19;
	s2 =	smul.u32 @!p3 $0xAB, s7;
	s26 =	smov.u32 s23  }
0x35: {  	p0 =	por p3, p3;
	s0 =	ssub.s32 s25, s0;
	s25 =	smov.u32 s11  }
0x36: {  	s24 =	sadd.s32 $0x80, s24;
	s2 =	sshrl.u32 @!p0 s2, $0x9;
	s0 =	sand.u32 $0xFF, s0  }
0x37: {  	s23 =	sadd.s32 $0x80, s23;
	s2 =	sand.u32 @!p0 $0x7F, s2;
	s11 =	sshll.u32 s0, $0xD  }
0x38: {  	p1 =	por p1, p0;
	s30 =	sadd.s32 $0x1, s0;
	s2 =	smul.u32 @!p0 $0x3, s2  }
.Ltmp0:
0x39: {  	s29 =	simm.s32 @!p0 $0x3C;
	_ =	swait.ge [sflag:s30], $0x1E00;
	(pc) =	sbr.rel @p2 .LBB2_3-.Ltmp0, $4  }
0x3a: {  	s31 =	smul.u32 $0xAB, s25;
	s2 =	ssub.s32 @!p0 s7, s2;
	[sflag:s30] =	ssyncset.done $0x0  }
0x3b: {  	s7 =	sor.u32 $0x4, s0;
	[sflag:s30] =	ssyncadd.s32 $0xFFFFE200;
	s30 =	sand.u32 @!p0 $0xFF, s2  }
0x3c: {  	s11 =	sadd.s32 $0x2000, s11;
	s0 =	sadd.s32 @!p1 $0x4, s30;
	s2 =	sshll.u32 @!p0 s30, $0xD  }
0x3d: {  	[spmem:s1] =	stream.indirect.scatter.add.f32 [tilespmem:s11], [sflag:s7], $0x80, s12, s15, $0xb8;
	v63 =	vld [tilespmem:$0x0]  }
0x3e: {  	_ =	swait.ge @!p1 [sflag:s0], $0x1E00  }
0x3f: {  	s7 =	sshrl.u32 s31, $0x9;
	s2 =	sadd.s32 @!p0 $0x2000, s2;
	[sflag:s0] =	ssyncset.done @!p1 $0x0  }
0x40: {  	s7 =	sand.u32 $0x7F, s7;
	[sflag:s0] =	ssyncadd.s32 @!p1 $0xFFFFE200;
	s0 =	sadd.s32 @!p0 $0x1, s30  }
0x41: {  	[tilespmem:s2], [sflag:s0] =	stream.indirect.gather @!p0 [hbm4b:s4+s29], $0x80, s26, s29, $0xb8;
	v63 =	vld [tilespmem:$0x0]  }
0x42: {  	p1 =	sgt.u32 s25, $0x16;
	s30 =	smul.u32 $0x3, s7;
	s0 =	sadd.s32 $0x2, s25  }
0x43: {  	s7 =	smul.u32 @!p1 $0xAB, s0  }
0x44: {  	p0 =	por p1, p1;
	s2 =	ssub.s32 s25, s30  }
0x45: {  	s2 =	sand.u32 $0xFF, s2;
	s7 =	sshrl.u32 @!p0 s7, $0x9  }
0x46: {  	s11 =	sadd.s32 $0x1, s2;
	s7 =	sand.u32 @!p0 $0x7F, s7  }
0x47: {  	p1 =	seq.s32 @!p1 s25, $0x0;
	_ =	swait.ge [sflag:s11], $0x1E00;
	s7 =	smul.u32 @!p0 $0x3, s7  }
0x48: {  	s12 =	sshll.u32 s2, $0xD;
	s2 =	sor.u32 $0x4, s2;
	[sflag:s11] =	ssyncset.done $0x0  }
0x49: {  	s31 =	sadd.s32 $0x2000, s12;
	[sflag:s11] =	ssyncadd.s32 $0xFFFFE200;
	s0 =	ssub.s32 @!p0 s0, s7  }
0x4a: {  	[spmem:s1] =	stream.indirect.scatter.add.f32 [tilespmem:s31], [sflag:s2], $0x80, s24, s15, $0xb8;
	v63 =	vld [tilespmem:$0x0]  }
0x4b: {  	p1 =	por p1, p0;
	s0 =	sand.u32 @!p0 $0xFF, s0  }
0x4c: {  	s11 =	sadd.s32 @!p1 $0x4, s0  }
0x4d: {  	_ =	swait.ge @!p1 [sflag:s11], $0x1E00  }
0x4e: {  	s2 =	simm.s32 @!p0 $0x3C;
	s7 =	sshll.u32 @!p0 s0, $0xD;
	[sflag:s11] =	ssyncset.done @!p1 $0x0  }
0x4f: {  	s0 =	sadd.s32 @!p0 $0x1, s0;
	s7 =	sadd.s32 @!p0 $0x2000, s7;
	[sflag:s11] =	ssyncadd.s32 @!p1 $0xFFFFE200  }
0x50: {  	[tilespmem:s7], [sflag:s0] =	stream.indirect.gather @!p0 [hbm4b:s4+s2], $0x80, s23, s2, $0xb8;
	v63 =	vld [tilespmem:$0x0]  }
0x51: {  	_ =	swait.ge [sflag:s19], $0x1E00  }
0x52: {  	[sflag:s19] =	ssyncset.done $0x0  }
0x53: {  	s22 =	sadd.s32 $0x1, s22;
	[sflag:s19] =	ssyncadd.s32 $0xFFFFE200  }
0x54: {  	p0 =	sne.s32 s22, $0x8;
	_ =	swait.ge [sflag:s20], $0x1E00  }
.Ltmp1:
0x55: {  	[sflag:s20] =	ssyncset.done $0x0;
	(pc) =	sbr.rel @p0 .LBB2_2-.Ltmp1, $4  }
0x56: {  	[sflag:s20] =	ssyncadd.s32 $0xFFFFE200  }
0x57: {  	_ =	swait.ge [sflag:s21], $0x1E00  }
0x58: {  	[sflag:s21] =	ssyncset.done $0x0  }
0x59: {  	[sflag:s21] =	ssyncadd.s32 $0xFFFFE200  }
0x5a: {  	[bflag:$0x0] =	sbarrier.arrive $0xFFFF  }
0x5b: {  	s0 =	rddreg [dreg:$0x4]  }
0x5c: {  	[hbm:s0], [sflag:s8] =	dma.local [spmem:s13], $0x3000  }
0x5d: {  	_ =	swait.ge [sflag:s14], $0x3000  }
0x5e: {  	s3 =	sadd.s32 $0x1, s3;
	s31 =	rddreg [dreg:$0x5]  }
0x5f: {  	p0 =	sne.s32 s3, s31  }
.Ltmp2:
0x60: {  	_ = 	snop;
	(pc) =	sbr.rel @p0 .LBB2_1-.Ltmp2, $3  }
0x61: {  	_ =	sdelay $0x1  }
0x62: {  	[sflag:s14] =	ssyncset.done $0x0  }
0x63: {  	[sflag:s14] =	ssyncadd.s32 $0xFFFFD000  }
0x64: {  	_ =	sfence.sel $0x180000  }
0x65: {  	[bflag:$0x0] =	sbarrier.arrive $0xFFFF  }
0x66: {  	_ =	strace $0x9000005C  }
0x67: {  	s0 =	stileid.u32;
	[bflag:$0x2] =	sbarrier.arrive $0xFFFF  }
0x68: {  	p0 =	sne.s32 s0, $0x0;
	s0 =	rddreg [dreg:$0x2]  }
0x69: {  	s0 =	sadd.s32 @!p0 $0x100000, s0  }
0x6a: {  	[sflag:s0] =	ssyncadd.tile.s32 @!p0 $0x1;
	_ =	shalt  }
.Lfunc_end2:
_tile_overlayer_lowered:
.L_overlay_start_2:
0x6b: {  	(tag) =	ssettag $0x2  }
0x6c: {  	s0 =	rddreg [dreg:$0x0];
	s2 =	stileid.u32  }
0x6d: {  	s1 =	rddreg [dreg:$0x1];
	p0 =	sne.s32 s2, $0x0  }
0x6e: {  	s3 =	rddreg [dreg:$0x2];
	[bflag:$0x3] =	sbarrier.arrive $0xFFFF;
	s2 =	simm.s32 @!p0 $0x1C07  }
0x6f: {  	[timem:s3], [sflag:s2] =	dma.local @!p0 [hbm:s0], s1  }
0x70: {  	s0 =	simm.s32 @!p0 $0x7  }
0x71: {  	_ =	swait.ge @!p0 [sflag:s0], s1  }
0x72: {  	s1 =	ssub.s32 @!p0 $0x0, s1;
	[sflag:s0] =	ssyncset.done @!p0 $0x0  }
0x73: {  	[sflag:s0] =	ssyncadd.s32 @!p0 s1  }
0x74: {  	[bflag:$0x3] =	sbarrier.arrive $0xFFFF  }
0x75: {  	_ =	shalt  }

</sc_bundles>
